<compile_context>
chip_gen: v7x
topology: tpu7x:2x2x1
jax: 0.10.2.dev20260603
libtpu: 0.0.44.dev20260713+nightly
codegen_flags: <defaults>
</compile_context>

<pallas_src>
import functools

import jax
import jax.numpy as jnp
from jax import lax
from jax.experimental import pallas as pl
from jax.experimental.pallas import tpu as pltpu
from jax.experimental.pallas import tpu_sc as plsc

N = 32768
D = 512
LANES = 16
NC = 2
NS = 16
NW = NC * NS

RPW = N // NW
CH = 32
NBUF = 4
NCHUNK = RPW // CH
KV = D // LANES
ROWU = 2

_mesh = plsc.VectorSubcoreMesh(core_axis_name="c", subcore_axis_name="s")


@functools.partial(
    pl.kernel,
    out_type=(
        jax.ShapeDtypeStruct((NW, LANES), jnp.float32),
        jax.ShapeDtypeStruct((NW, LANES), jnp.int32),
    ),
    mesh=_mesh,
    compiler_params=pltpu.CompilerParams(needs_layout_passes=False),
    scratch_types=(
        pltpu.VMEM((2, D), jnp.float32),
        pltpu.VMEM((D,), jnp.float32),
        pltpu.VMEM((NBUF, CH, D), jnp.float32),
        pltpu.VMEM((1, LANES), jnp.float32),
        pltpu.VMEM((1, LANES), jnp.int32),
        (pltpu.SemaphoreType.DMA,) * NBUF,
    ),
)
def _scan_kernel(feats_hbm, w_hbm, vals_out, idx_out, w_v, wd_v, buf, rec_v,
                 rec_i, sems):
    ci = lax.axis_index("c")
    si = lax.axis_index("s")
    wid = si * NC + ci
    base = wid * RPW

    pltpu.sync_copy(w_hbm, w_v)
    for k in range(KV):
        wd_v[pl.ds(LANES * k, LANES)] = (
            w_v[0, pl.ds(LANES * k, LANES)]
            - w_v[1, pl.ds(LANES * k, LANES)])

    def start(cbase, slot):
        return pltpu.async_copy(
            feats_hbm.at[pl.ds(cbase, CH), :], buf.at[slot], sems[slot])

    for p in range(NBUF):
        start(base + p * CH, p)

    wv = [wd_v[pl.ds(LANES * k, LANES)] for k in range(KV)]

    carry = (jnp.float32(-jnp.inf), jnp.int32(0),
             jnp.float32(jnp.inf), jnp.int32(0))

    def make_row_body(slot, cbase):
        def row_body(g, cr):
            r0 = g * ROWU
            dvals = []
            for u in range(ROWU):
                r = r0 + u
                acc = [buf[slot, r, pl.ds(LANES * k, LANES)] * wv[k]
                       for k in range(4)]
                for k in range(4, KV):
                    acc[k % 4] = acc[k % 4] + (
                        buf[slot, r, pl.ds(LANES * k, LANES)] * wv[k])
                dvals.append(jnp.sum((acc[0] + acc[1]) + (acc[2] + acc[3])))
            bmaxv, bmaxi, bminv, bmini = cr
            for u in range(ROWU):
                d = dvals[u]
                ridx = (cbase + r0 + u).astype(jnp.int32)
                upmax = d > bmaxv
                bmaxv = jnp.where(upmax, d, bmaxv)
                bmaxi = jnp.where(upmax, ridx, bmaxi)
                upmin = d < bminv
                bminv = jnp.where(upmin, d, bminv)
                bmini = jnp.where(upmin, ridx, bmini)
            return (bmaxv, bmaxi, bminv, bmini)

        return row_body

    def chunk_body(g, cr):
        for b in range(NBUF):
            c = NBUF * g + b
            cbase = base + c * CH
            pltpu.make_async_copy(
                feats_hbm.at[pl.ds(cbase, CH), :], buf.at[b],
                sems[b]).wait()
            cr = lax.fori_loop(0, CH // ROWU, make_row_body(b, cbase), cr)

            @pl.when(c + NBUF < NCHUNK)
            def _():
                start(cbase + NBUF * CH, b)
        return cr

    carry = lax.fori_loop(0, NCHUNK // NBUF, chunk_body, carry)
    bmaxv, bmaxi, bminv, bmini = carry
    lane = lax.iota(jnp.int32, LANES)
    rec_v[0] = jnp.where(lane == 0, bmaxv,
                         jnp.where(lane == 1, bminv,
                                   jnp.zeros((LANES,), jnp.float32)))
    rec_i[0] = jnp.where(lane == 0, bmaxi,
                         jnp.where(lane == 1, bmini,
                                   jnp.zeros((LANES,), jnp.int32)))
    pltpu.sync_copy(rec_v, vals_out.at[pl.ds(wid, 1)])
    pltpu.sync_copy(rec_i, idx_out.at[pl.ds(wid, 1)])


def _merge_body(cand_v, cand_i, feats, out, sem0, sem1):
    bmaxv = cand_v[0, 0]
    bmaxi = cand_i[0, 0]
    bminv = cand_v[0, 1]
    bmini = cand_i[0, 1]
    for w in range(1, NW):
        v0 = cand_v[w, 0]
        i0 = cand_i[w, 0]
        t0 = (v0 > bmaxv) | ((v0 == bmaxv) & (i0 < bmaxi))
        bmaxv = jnp.where(t0, v0, bmaxv)
        bmaxi = jnp.where(t0, i0, bmaxi)
        v1 = cand_v[w, 1]
        i1 = cand_i[w, 1]
        t1 = (v1 < bminv) | ((v1 == bminv) & (i1 < bmini))
        bminv = jnp.where(t1, v1, bminv)
        bmini = jnp.where(t1, i1, bmini)
    cp0 = pltpu.make_async_copy(feats.at[pl.ds(bmaxi, 1), :],
                                out.at[pl.ds(0, 1), :], sem0)
    cp1 = pltpu.make_async_copy(feats.at[pl.ds(bmini, 1), :],
                                out.at[pl.ds(1, 1), :], sem1)
    cp0.start()
    cp1.start()
    cp0.wait()
    cp1.wait()


_merge = pl.pallas_call(
    _merge_body,
    in_specs=[
        pl.BlockSpec(memory_space=pltpu.SMEM),
        pl.BlockSpec(memory_space=pltpu.SMEM),
        pl.BlockSpec(memory_space=pl.ANY),
    ],
    out_specs=pl.BlockSpec(memory_space=pltpu.VMEM),
    out_shape=jax.ShapeDtypeStruct((2, D), jnp.float32),
    scratch_shapes=[pltpu.SemaphoreType.DMA, pltpu.SemaphoreType.DMA],
)


def kernel(feats, W, b):
    del b
    vals, idxs = _scan_kernel(feats, W)
    return _merge(vals, idxs, feats)

# --- scband reference (transcript-rebuilt; emitter-appended) ---
"""Pipeline reference for scband-iqgm-16080357556252 (READ-ONLY COPY).

The authoritative reference and input builder live on the scoring server;
editing this copy changes nothing except your own understanding.
"""

import jax, jax.numpy as jnp
import numpy as np

IN_FEATURES = 512
N_CLASSES = 2
N = 32768


def setup_inputs(seed: int = 0) -> dict:
    key = jax.random.key(seed)
    k_feats, k_w, k_b = jax.random.split(key, 3)
    feats = jax.random.normal(k_feats, (N, IN_FEATURES), dtype=jnp.float32)
    # nn.Linear(in_features, n_classes): W [n_classes, in_features], b [n_classes]
    bound = 1.0 / np.sqrt(IN_FEATURES)
    W = jax.random.uniform(k_w, (N_CLASSES, IN_FEATURES), minval=-bound, maxval=bound, dtype=jnp.float32)
    b = jax.random.uniform(k_b, (N_CLASSES,), minval=-bound, maxval=bound, dtype=jnp.float32)
    return {"feats": feats, "W": W, "b": b}


def reference(feats, W, b):
    # c = F.softmax(self.fc(feats))  (softmax over class dim)
    logits = feats @ W.T + b
    c = jax.nn.softmax(logits, axis=-1)
    # _, m_indices = torch.sort(c, 0, descending=True)
    m_indices = jnp.argsort(-c, axis=0)
    # m_feats = torch.index_select(feats, 0, m_indices[0, :])
    m_feats = jnp.take(feats, m_indices[0, :], axis=0)
    return m_feats

if __name__ == "__main__":
    import jax
    _d = setup_inputs()
    print(jax.jit(kernel)(*tuple(_d.values())))

</pallas_src>

<mosaic_0001>
#map = affine_map<(d0, d1) -> (0, 0)>
module attributes {stable_mosaic.version = 14 : i64} {
  func.func @_scan_kernel(%arg0: i32, %arg1: i32, %arg2: memref<32768x512xf32, #tpu.memory_space<hbm>>, %arg3: memref<2x512xf32, #tpu.memory_space<hbm>>, %arg4: memref<32x16xf32, #tpu.memory_space<hbm>>, %arg5: memref<32x16xi32, #tpu.memory_space<hbm>>, %arg6: memref<2x512xf32, #tpu.memory_space<vmem>>, %arg7: memref<512xf32, #tpu.memory_space<vmem>>, %arg8: memref<4x32x512xf32, #tpu.memory_space<vmem>>, %arg9: memref<1x16xf32, #tpu.memory_space<vmem>>, %arg10: memref<1x16xi32, #tpu.memory_space<vmem>>, %arg11: memref<!tpu.dma_semaphore, #tpu.memory_space<semaphore_mem>>, %arg12: memref<!tpu.dma_semaphore, #tpu.memory_space<semaphore_mem>>, %arg13: memref<!tpu.dma_semaphore, #tpu.memory_space<semaphore_mem>>, %arg14: memref<!tpu.dma_semaphore, #tpu.memory_space<semaphore_mem>>) attributes {dimension_semantics = [#tpu.dimension_semantics<core_parallel>, #tpu.dimension_semantics<subcore_parallel>], iteration_bounds = array<i64: 2, 16>, scalar_prefetch = 0 : i64, scratch_operands = 9 : i64, tpu.core_type = #tpu.core_type<sc_vector_subcore>, window_params = [{transform_indices = #map}, {transform_indices = #map}, {transform_indices = #map}, {transform_indices = #map}]} {
    %mul3A = arith.constant 2 : i32
    %mul3A_0 = arith.muli %arg1, %mul3A : i32
    %add3A = arith.addi %mul3A_0, %arg0 : i32
    %mul3A_1 = arith.constant 1024 : i32
    %mul3A_2 = arith.muli %add3A, %mul3A_1 : i32
    "tpu.region"() ({
      %run_scoped3A = tpu.sem_alloc : memref<!tpu.dma_semaphore, #tpu.memory_space<semaphore_mem>>
      tpu.enqueue_dma source(%arg3 : memref<2x512xf32, #tpu.memory_space<hbm>>) target(%arg6 : memref<2x512xf32, #tpu.memory_space<vmem>>) target_semaphore(%run_scoped3A : memref<!tpu.dma_semaphore, #tpu.memory_space<semaphore_mem>>)
      tpu.wait_dma2 semaphore(%run_scoped3A : memref<!tpu.dma_semaphore, #tpu.memory_space<semaphore_mem>>) src(%arg3 : memref<2x512xf32, #tpu.memory_space<hbm>>) dst(%arg6 : memref<2x512xf32, #tpu.memory_space<vmem>>)
      tpu.yield
    }) : () -> ()
    %get3A = arith.constant 0 : i32
    %get3A_3 = arith.index_cast %get3A : i32 to index
    %get3A_4 = arith.constant 0 : index
    %get3A_5 = tpu.vector_load %arg6[%get3A_3, %get3A_4] {strides = array<i32>} : memref<2x512xf32, #tpu.memory_space<vmem>>, vector<16xf32>,
    %get3A_6 = arith.constant 1 : i32
    %get3A_7 = arith.index_cast %get3A_6 : i32 to index
    %get3A_8 = arith.constant 0 : index
    %get3A_9 = tpu.vector_load %arg6[%get3A_7, %get3A_8] {strides = array<i32>} : memref<2x512xf32, #tpu.memory_space<vmem>>, vector<16xf32>,
    %sub3A = arith.subf %get3A_5, %get3A_9 : vector<16xf32>
    %swap3A = arith.constant 0 : index
    %swap3A_10 = tpu.vector_load %arg7[%swap3A] {strides = array<i32>} : memref<512xf32, #tpu.memory_space<vmem>>, vector<16xf32>,
    tpu.vector_store %arg7[%swap3A], %sub3A {strides = array<i32>} : memref<512xf32, #tpu.memory_space<vmem>>, vector<16xf32>,
    %get3A_11 = arith.constant 0 : i32
    %get3A_12 = arith.index_cast %get3A_11 : i32 to index
    %get3A_13 = arith.constant 16 : index
    %get3A_14 = tpu.vector_load %arg6[%get3A_12, %get3A_13] {strides = array<i32>} : memref<2x512xf32, #tpu.memory_space<vmem>>, vector<16xf32>,
    %get3A_15 = arith.constant 1 : i32
    %get3A_16 = arith.index_cast %get3A_15 : i32 to index
    %get3A_17 = arith.constant 16 : index
    %get3A_18 = tpu.vector_load %arg6[%get3A_16, %get3A_17] {strides = array<i32>} : memref<2x512xf32, #tpu.memory_space<vmem>>, vector<16xf32>,
    %sub3A_19 = arith.subf %get3A_14, %get3A_18 : vector<16xf32>
    %swap3A_20 = arith.constant 16 : index
    %swap3A_21 = tpu.vector_load %arg7[%swap3A_20] {strides = array<i32>} : memref<512xf32, #tpu.memory_space<vmem>>, vector<16xf32>,
    tpu.vector_store %arg7[%swap3A_20], %sub3A_19 {strides = array<i32>} : memref<512xf32, #tpu.memory_space<vmem>>, vector<16xf32>,
    %get3A_22 = arith.constant 0 : i32
    %get3A_23 = arith.index_cast %get3A_22 : i32 to index
    %get3A_24 = arith.constant 32 : index
    %get3A_25 = tpu.vector_load %arg6[%get3A_23, %get3A_24] {strides = array<i32>} : memref<2x512xf32, #tpu.memory_space<vmem>>, vector<16xf32>,
    %get3A_26 = arith.constant 1 : i32
    %get3A_27 = arith.index_cast %get3A_26 : i32 to index
    %get3A_28 = arith.constant 32 : index
    %get3A_29 = tpu.vector_load %arg6[%get3A_27, %get3A_28] {strides = array<i32>} : memref<2x512xf32, #tpu.memory_space<vmem>>, vector<16xf32>,
    %sub3A_30 = arith.subf %get3A_25, %get3A_29 : vector<16xf32>
    %swap3A_31 = arith.constant 32 : index
    %swap3A_32 = tpu.vector_load %arg7[%swap3A_31] {strides = array<i32>} : memref<512xf32, #tpu.memory_space<vmem>>, vector<16xf32>,
    tpu.vector_store %arg7[%swap3A_31], %sub3A_30 {strides = array<i32>} : memref<512xf32, #tpu.memory_space<vmem>>, vector<16xf32>,
    %get3A_33 = arith.constant 0 : i32
    %get3A_34 = arith.index_cast %get3A_33 : i32 to index
    %get3A_35 = arith.constant 48 : index
    %get3A_36 = tpu.vector_load %arg6[%get3A_34, %get3A_35] {strides = array<i32>} : memref<2x512xf32, #tpu.memory_space<vmem>>, vector<16xf32>,
    %get3A_37 = arith.constant 1 : i32
    %get3A_38 = arith.index_cast %get3A_37 : i32 to index
    %get3A_39 = arith.constant 48 : index
    %get3A_40 = tpu.vector_load %arg6[%get3A_38, %get3A_39] {strides = array<i32>} : memref<2x512xf32, #tpu.memory_space<vmem>>, vector<16xf32>,
    %sub3A_41 = arith.subf %get3A_36, %get3A_40 : vector<16xf32>
    %swap3A_42 = arith.constant 48 : index
    %swap3A_43 = tpu.vector_load %arg7[%swap3A_42] {strides = array<i32>} : memref<512xf32, #tpu.memory_space<vmem>>, vector<16xf32>,
    tpu.vector_store %arg7[%swap3A_42], %sub3A_41 {strides = array<i32>} : memref<512xf32, #tpu.memory_space<vmem>>, vector<16xf32>,
    %get3A_44 = arith.constant 0 : i32
    %get3A_45 = arith.index_cast %get3A_44 : i32 to index
    %get3A_46 = arith.constant 64 : index
    %get3A_47 = tpu.vector_load %arg6[%get3A_45, %get3A_46] {strides = array<i32>} : memref<2x512xf32, #tpu.memory_space<vmem>>, vector<16xf32>,
    %get3A_48 = arith.constant 1 : i32
    %get3A_49 = arith.index_cast %get3A_48 : i32 to index
    %get3A_50 = arith.constant 64 : index
    %get3A_51 = tpu.vector_load %arg6[%get3A_49, %get3A_50] {strides = array<i32>} : memref<2x512xf32, #tpu.memory_space<vmem>>, vector<16xf32>,
    %sub3A_52 = arith.subf %get3A_47, %get3A_51 : vector<16xf32>
    %swap3A_53 = arith.constant 64 : index
    %swap3A_54 = tpu.vector_load %arg7[%swap3A_53] {strides = array<i32>} : memref<512xf32, #tpu.memory_space<vmem>>, vector<16xf32>,
    tpu.vector_store %arg7[%swap3A_53], %sub3A_52 {strides = array<i32>} : memref<512xf32, #tpu.memory_space<vmem>>, vector<16xf32>,
    %get3A_55 = arith.constant 0 : i32
    %get3A_56 = arith.index_cast %get3A_55 : i32 to index
    %get3A_57 = arith.constant 80 : index
    %get3A_58 = tpu.vector_load %arg6[%get3A_56, %get3A_57] {strides = array<i32>} : memref<2x512xf32, #tpu.memory_space<vmem>>, vector<16xf32>,
    %get3A_59 = arith.constant 1 : i32
    %get3A_60 = arith.index_cast %get3A_59 : i32 to index
    %get3A_61 = arith.constant 80 : index
    %get3A_62 = tpu.vector_load %arg6[%get3A_60, %get3A_61] {strides = array<i32>} : memref<2x512xf32, #tpu.memory_space<vmem>>, vector<16xf32>,
    %sub3A_63 = arith.subf %get3A_58, %get3A_62 : vector<16xf32>
    %swap3A_64 = arith.constant 80 : index
    %swap3A_65 = tpu.vector_load %arg7[%swap3A_64] {strides = array<i32>} : memref<512xf32, #tpu.memory_space<vmem>>, vector<16xf32>,
    tpu.vector_store %arg7[%swap3A_64], %sub3A_63 {strides = array<i32>} : memref<512xf32, #tpu.memory_space<vmem>>, vector<16xf32>,
    %get3A_66 = arith.constant 0 : i32
    %get3A_67 = arith.index_cast %get3A_66 : i32 to index
    %get3A_68 = arith.constant 96 : index
    %get3A_69 = tpu.vector_load %arg6[%get3A_67, %get3A_68] {strides = array<i32>} : memref<2x512xf32, #tpu.memory_space<vmem>>, vector<16xf32>,
    %get3A_70 = arith.constant 1 : i32
    %get3A_71 = arith.index_cast %get3A_70 : i32 to index
    %get3A_72 = arith.constant 96 : index
    %get3A_73 = tpu.vector_load %arg6[%get3A_71, %get3A_72] {strides = array<i32>} : memref<2x512xf32, #tpu.memory_space<vmem>>, vector<16xf32>,
    %sub3A_74 = arith.subf %get3A_69, %get3A_73 : vector<16xf32>
    %swap3A_75 = arith.constant 96 : index
    %swap3A_76 = tpu.vector_load %arg7[%swap3A_75] {strides = array<i32>} : memref<512xf32, #tpu.memory_space<vmem>>, vector<16xf32>,
    tpu.vector_store %arg7[%swap3A_75], %sub3A_74 {strides = array<i32>} : memref<512xf32, #tpu.memory_space<vmem>>, vector<16xf32>,
    %get3A_77 = arith.constant 0 : i32
    %get3A_78 = arith.index_cast %get3A_77 : i32 to index
    %get3A_79 = arith.constant 112 : index
    %get3A_80 = tpu.vector_load %arg6[%get3A_78, %get3A_79] {strides = array<i32>} : memref<2x512xf32, #tpu.memory_space<vmem>>, vector<16xf32>,
    %get3A_81 = arith.constant 1 : i32
    %get3A_82 = arith.index_cast %get3A_81 : i32 to index
    %get3A_83 = arith.constant 112 : index
    %get3A_84 = tpu.vector_load %arg6[%get3A_82, %get3A_83] {strides = array<i32>} : memref<2x512xf32, #tpu.memory_space<vmem>>, vector<16xf32>,
    %sub3A_85 = arith.subf %get3A_80, %get3A_84 : vector<16xf32>
    %swap3A_86 = arith.constant 112 : index
    %swap3A_87 = tpu.vector_load %arg7[%swap3A_86] {strides = array<i32>} : memref<512xf32, #tpu.memory_space<vmem>>, vector<16xf32>,
    tpu.vector_store %arg7[%swap3A_86], %sub3A_85 {strides = array<i32>} : memref<512xf32, #tpu.memory_space<vmem>>, vector<16xf32>,
    %get3A_88 = arith.constant 0 : i32
    %get3A_89 = arith.index_cast %get3A_88 : i32 to index
    %get3A_90 = arith.constant 128 : index
    %get3A_91 = tpu.vector_load %arg6[%get3A_89, %get3A_90] {strides = array<i32>} : memref<2x512xf32, #tpu.memory_space<vmem>>, vector<16xf32>,
    %get3A_92 = arith.constant 1 : i32
    %get3A_93 = arith.index_cast %get3A_92 : i32 to index
    %get3A_94 = arith.constant 128 : index
    %get3A_95 = tpu.vector_load %arg6[%get3A_93, %get3A_94] {strides = array<i32>} : memref<2x512xf32, #tpu.memory_space<vmem>>, vector<16xf32>,
    %sub3A_96 = arith.subf %get3A_91, %get3A_95 : vector<16xf32>
    %swap3A_97 = arith.constant 128 : index
    %swap3A_98 = tpu.vector_load %arg7[%swap3A_97] {strides = array<i32>} : memref<512xf32, #tpu.memory_space<vmem>>, vector<16xf32>,
    tpu.vector_store %arg7[%swap3A_97], %sub3A_96 {strides = array<i32>} : memref<512xf32, #tpu.memory_space<vmem>>, vector<16xf32>,
    %get3A_99 = arith.constant 0 : i32
    %get3A_100 = arith.index_cast %get3A_99 : i32 to index
    %get3A_101 = arith.constant 144 : index
    %get3A_102 = tpu.vector_load %arg6[%get3A_100, %get3A_101] {strides = array<i32>} : memref<2x512xf32, #tpu.memory_space<vmem>>, vector<16xf32>,
    %get3A_103 = arith.constant 1 : i32
    %get3A_104 = arith.index_cast %get3A_103 : i32 to index
    %get3A_105 = arith.constant 144 : index
    %get3A_106 = tpu.vector_load %arg6[%get3A_104, %get3A_105] {strides = array<i32>} : memref<2x512xf32, #tpu.memory_space<vmem>>, vector<16xf32>,
    %sub3A_107 = arith.subf %get3A_102, %get3A_106 : vector<16xf32>
    %swap3A_108 = arith.constant 144 : index
    %swap3A_109 = tpu.vector_load %arg7[%swap3A_108] {strides = array<i32>} : memref<512xf32, #tpu.memory_space<vmem>>, vector<16xf32>,
    tpu.vector_store %arg7[%swap3A_108], %sub3A_107 {strides = array<i32>} : memref<512xf32, #tpu.memory_space<vmem>>, vector<16xf32>,
    %get3A_110 = arith.constant 0 : i32
    %get3A_111 = arith.index_cast %get3A_110 : i32 to index
    %get3A_112 = arith.constant 160 : index
    %get3A_113 = tpu.vector_load %arg6[%get3A_111, %get3A_112] {strides = array<i32>} : memref<2x512xf32, #tpu.memory_space<vmem>>, vector<16xf32>,
    %get3A_114 = arith.constant 1 : i32
    %get3A_115 = arith.index_cast %get3A_114 : i32 to index
    %get3A_116 = arith.constant 160 : index
    %get3A_117 = tpu.vector_load %arg6[%get3A_115, %get3A_116] {strides = array<i32>} : memref<2x512xf32, #tpu.memory_space<vmem>>, vector<16xf32>,
    %sub3A_118 = arith.subf %get3A_113, %get3A_117 : vector<16xf32>
    %swap3A_119 = arith.constant 160 : index
    %swap3A_120 = tpu.vector_load %arg7[%swap3A_119] {strides = array<i32>} : memref<512xf32, #tpu.memory_space<vmem>>, vector<16xf32>,
    tpu.vector_store %arg7[%swap3A_119], %sub3A_118 {strides = array<i32>} : memref<512xf32, #tpu.memory_space<vmem>>, vector<16xf32>,
    %get3A_121 = arith.constant 0 : i32
    %get3A_122 = arith.index_cast %get3A_121 : i32 to index
    %get3A_123 = arith.constant 176 : index
    %get3A_124 = tpu.vector_load %arg6[%get3A_122, %get3A_123] {strides = array<i32>} : memref<2x512xf32, #tpu.memory_space<vmem>>, vector<16xf32>,
    %get3A_125 = arith.constant 1 : i32
    %get3A_126 = arith.index_cast %get3A_125 : i32 to index
    %get3A_127 = arith.constant 176 : index
    %get3A_128 = tpu.vector_load %arg6[%get3A_126, %get3A_127] {strides = array<i32>} : memref<2x512xf32, #tpu.memory_space<vmem>>, vector<16xf32>,
    %sub3A_129 = arith.subf %get3A_124, %get3A_128 : vector<16xf32>
    %swap3A_130 = arith.constant 176 : index
    %swap3A_131 = tpu.vector_load %arg7[%swap3A_130] {strides = array<i32>} : memref<512xf32, #tpu.memory_space<vmem>>, vector<16xf32>,
    tpu.vector_store %arg7[%swap3A_130], %sub3A_129 {strides = array<i32>} : memref<512xf32, #tpu.memory_space<vmem>>, vector<16xf32>,
    %get3A_132 = arith.constant 0 : i32
    %get3A_133 = arith.index_cast %get3A_132 : i32 to index
    %get3A_134 = arith.constant 192 : index
    %get3A_135 = tpu.vector_load %arg6[%get3A_133, %get3A_134] {strides = array<i32>} : memref<2x512xf32, #tpu.memory_space<vmem>>, vector<16xf32>,
    %get3A_136 = arith.constant 1 : i32
    %get3A_137 = arith.index_cast %get3A_136 : i32 to index
    %get3A_138 = arith.constant 192 : index
    %get3A_139 = tpu.vector_load %arg6[%get3A_137, %get3A_138] {strides = array<i32>} : memref<2x512xf32, #tpu.memory_space<vmem>>, vector<16xf32>,
    %sub3A_140 = arith.subf %get3A_135, %get3A_139 : vector<16xf32>
    %swap3A_141 = arith.constant 192 : index
    %swap3A_142 = tpu.vector_load %arg7[%swap3A_141] {strides = array<i32>} : memref<512xf32, #tpu.memory_space<vmem>>, vector<16xf32>,
    tpu.vector_store %arg7[%swap3A_141], %sub3A_140 {strides = array<i32>} : memref<512xf32, #tpu.memory_space<vmem>>, vector<16xf32>,
    %get3A_143 = arith.constant 0 : i32
    %get3A_144 = arith.index_cast %get3A_143 : i32 to index
    %get3A_145 = arith.constant 208 : index
    %get3A_146 = tpu.vector_load %arg6[%get3A_144, %get3A_145] {strides = array<i32>} : memref<2x512xf32, #tpu.memory_space<vmem>>, vector<16xf32>,
    %get3A_147 = arith.constant 1 : i32
    %get3A_148 = arith.index_cast %get3A_147 : i32 to index
    %get3A_149 = arith.constant 208 : index
    %get3A_150 = tpu.vector_load %arg6[%get3A_148, %get3A_149] {strides = array<i32>} : memref<2x512xf32, #tpu.memory_space<vmem>>, vector<16xf32>,
    %sub3A_151 = arith.subf %get3A_146, %get3A_150 : vector<16xf32>
    %swap3A_152 = arith.constant 208 : index
    %swap3A_153 = tpu.vector_load %arg7[%swap3A_152] {strides = array<i32>} : memref<512xf32, #tpu.memory_space<vmem>>, vector<16xf32>,
    tpu.vector_store %arg7[%swap3A_152], %sub3A_151 {strides = array<i32>} : memref<512xf32, #tpu.memory_space<vmem>>, vector<16xf32>,
    %get3A_154 = arith.constant 0 : i32
    %get3A_155 = arith.index_cast %get3A_154 : i32 to index
    %get3A_156 = arith.constant 224 : index
    %get3A_157 = tpu.vector_load %arg6[%get3A_155, %get3A_156] {strides = array<i32>} : memref<2x512xf32, #tpu.memory_space<vmem>>, vector<16xf32>,
    %get3A_158 = arith.constant 1 : i32
    %get3A_159 = arith.index_cast %get3A_158 : i32 to index
    %get3A_160 = arith.constant 224 : index
    %get3A_161 = tpu.vector_load %arg6[%get3A_159, %get3A_160] {strides = array<i32>} : memref<2x512xf32, #tpu.memory_space<vmem>>, vector<16xf32>,
    %sub3A_162 = arith.subf %get3A_157, %get3A_161 : vector<16xf32>
    %swap3A_163 = arith.constant 224 : index
    %swap3A_164 = tpu.vector_load %arg7[%swap3A_163] {strides = array<i32>} : memref<512xf32, #tpu.memory_space<vmem>>, vector<16xf32>,
    tpu.vector_store %arg7[%swap3A_163], %sub3A_162 {strides = array<i32>} : memref<512xf32, #tpu.memory_space<vmem>>, vector<16xf32>,
    %get3A_165 = arith.constant 0 : i32
    %get3A_166 = arith.index_cast %get3A_165 : i32 to index
    %get3A_167 = arith.constant 240 : index
    %get3A_168 = tpu.vector_load %arg6[%get3A_166, %get3A_167] {strides = array<i32>} : memref<2x512xf32, #tpu.memory_space<vmem>>, vector<16xf32>,
    %get3A_169 = arith.constant 1 : i32
    %get3A_170 = arith.index_cast %get3A_169 : i32 to index
    %get3A_171 = arith.constant 240 : index
    %get3A_172 = tpu.vector_load %arg6[%get3A_170, %get3A_171] {strides = array<i32>} : memref<2x512xf32, #tpu.memory_space<vmem>>, vector<16xf32>,
    %sub3A_173 = arith.subf %get3A_168, %get3A_172 : vector<16xf32>
    %swap3A_174 = arith.constant 240 : index
    %swap3A_175 = tpu.vector_load %arg7[%swap3A_174] {strides = array<i32>} : memref<512xf32, #tpu.memory_space<vmem>>, vector<16xf32>,
    tpu.vector_store %arg7[%swap3A_174], %sub3A_173 {strides = array<i32>} : memref<512xf32, #tpu.memory_space<vmem>>, vector<16xf32>,
    %get3A_176 = arith.constant 0 : i32
    %get3A_177 = arith.index_cast %get3A_176 : i32 to index
    %get3A_178 = arith.constant 256 : index
    %get3A_179 = tpu.vector_load %arg6[%get3A_177, %get3A_178] {strides = array<i32>} : memref<2x512xf32, #tpu.memory_space<vmem>>, vector<16xf32>,
    %get3A_180 = arith.constant 1 : i32
    %get3A_181 = arith.index_cast %get3A_180 : i32 to index
    %get3A_182 = arith.constant 256 : index
    %get3A_183 = tpu.vector_load %arg6[%get3A_181, %get3A_182] {strides = array<i32>} : memref<2x512xf32, #tpu.memory_space<vmem>>, vector<16xf32>,
    %sub3A_184 = arith.subf %get3A_179, %get3A_183 : vector<16xf32>
    %swap3A_185 = arith.constant 256 : index
    %swap3A_186 = tpu.vector_load %arg7[%swap3A_185] {strides = array<i32>} : memref<512xf32, #tpu.memory_space<vmem>>, vector<16xf32>,
    tpu.vector_store %arg7[%swap3A_185], %sub3A_184 {strides = array<i32>} : memref<512xf32, #tpu.memory_space<vmem>>, vector<16xf32>,
    %get3A_187 = arith.constant 0 : i32
    %get3A_188 = arith.index_cast %get3A_187 : i32 to index
    %get3A_189 = arith.constant 272 : index
    %get3A_190 = tpu.vector_load %arg6[%get3A_188, %get3A_189] {strides = array<i32>} : memref<2x512xf32, #tpu.memory_space<vmem>>, vector<16xf32>,
    %get3A_191 = arith.constant 1 : i32
    %get3A_192 = arith.index_cast %get3A_191 : i32 to index
    %get3A_193 = arith.constant 272 : index
    %get3A_194 = tpu.vector_load %arg6[%get3A_192, %get3A_193] {strides = array<i32>} : memref<2x512xf32, #tpu.memory_space<vmem>>, vector<16xf32>,
    %sub3A_195 = arith.subf %get3A_190, %get3A_194 : vector<16xf32>
    %swap3A_196 = arith.constant 272 : index
    %swap3A_197 = tpu.vector_load %arg7[%swap3A_196] {strides = array<i32>} : memref<512xf32, #tpu.memory_space<vmem>>, vector<16xf32>,
    tpu.vector_store %arg7[%swap3A_196], %sub3A_195 {strides = array<i32>} : memref<512xf32, #tpu.memory_space<vmem>>, vector<16xf32>,
    %get3A_198 = arith.constant 0 : i32
    %get3A_199 = arith.index_cast %get3A_198 : i32 to index
    %get3A_200 = arith.constant 288 : index
    %get3A_201 = tpu.vector_load %arg6[%get3A_199, %get3A_200] {strides = array<i32>} : memref<2x512xf32, #tpu.memory_space<vmem>>, vector<16xf32>,
    %get3A_202 = arith.constant 1 : i32
    %get3A_203 = arith.index_cast %get3A_202 : i32 to index
    %get3A_204 = arith.constant 288 : index
    %get3A_205 = tpu.vector_load %arg6[%get3A_203, %get3A_204] {strides = array<i32>} : memref<2x512xf32, #tpu.memory_space<vmem>>, vector<16xf32>,
    %sub3A_206 = arith.subf %get3A_201, %get3A_205 : vector<16xf32>
    %swap3A_207 = arith.constant 288 : index
    %swap3A_208 = tpu.vector_load %arg7[%swap3A_207] {strides = array<i32>} : memref<512xf32, #tpu.memory_space<vmem>>, vector<16xf32>,
    tpu.vector_store %arg7[%swap3A_207], %sub3A_206 {strides = array<i32>} : memref<512xf32, #tpu.memory_space<vmem>>, vector<16xf32>,
    %get3A_209 = arith.constant 0 : i32
    %get3A_210 = arith.index_cast %get3A_209 : i32 to index
    %get3A_211 = arith.constant 304 : index
    %get3A_212 = tpu.vector_load %arg6[%get3A_210, %get3A_211] {strides = array<i32>} : memref<2x512xf32, #tpu.memory_space<vmem>>, vector<16xf32>,
    %get3A_213 = arith.constant 1 : i32
    %get3A_214 = arith.index_cast %get3A_213 : i32 to index
    %get3A_215 = arith.constant 304 : index
    %get3A_216 = tpu.vector_load %arg6[%get3A_214, %get3A_215] {strides = array<i32>} : memref<2x512xf32, #tpu.memory_space<vmem>>, vector<16xf32>,
    %sub3A_217 = arith.subf %get3A_212, %get3A_216 : vector<16xf32>
    %swap3A_218 = arith.constant 304 : index
    %swap3A_219 = tpu.vector_load %arg7[%swap3A_218] {strides = array<i32>} : memref<512xf32, #tpu.memory_space<vmem>>, vector<16xf32>,
    tpu.vector_store %arg7[%swap3A_218], %sub3A_217 {strides = array<i32>} : memref<512xf32, #tpu.memory_space<vmem>>, vector<16xf32>,
    %get3A_220 = arith.constant 0 : i32
    %get3A_221 = arith.index_cast %get3A_220 : i32 to index
    %get3A_222 = arith.constant 320 : index
    %get3A_223 = tpu.vector_load %arg6[%get3A_221, %get3A_222] {strides = array<i32>} : memref<2x512xf32, #tpu.memory_space<vmem>>, vector<16xf32>,
    %get3A_224 = arith.constant 1 : i32
    %get3A_225 = arith.index_cast %get3A_224 : i32 to index
    %get3A_226 = arith.constant 320 : index
    %get3A_227 = tpu.vector_load %arg6[%get3A_225, %get3A_226] {strides = array<i32>} : memref<2x512xf32, #tpu.memory_space<vmem>>, vector<16xf32>,
    %sub3A_228 = arith.subf %get3A_223, %get3A_227 : vector<16xf32>
    %swap3A_229 = arith.constant 320 : index
    %swap3A_230 = tpu.vector_load %arg7[%swap3A_229] {strides = array<i32>} : memref<512xf32, #tpu.memory_space<vmem>>, vector<16xf32>,
    tpu.vector_store %arg7[%swap3A_229], %sub3A_228 {strides = array<i32>} : memref<512xf32, #tpu.memory_space<vmem>>, vector<16xf32>,
    %get3A_231 = arith.constant 0 : i32
    %get3A_232 = arith.index_cast %get3A_231 : i32 to index
    %get3A_233 = arith.constant 336 : index
    %get3A_234 = tpu.vector_load %arg6[%get3A_232, %get3A_233] {strides = array<i32>} : memref<2x512xf32, #tpu.memory_space<vmem>>, vector<16xf32>,
    %get3A_235 = arith.constant 1 : i32
    %get3A_236 = arith.index_cast %get3A_235 : i32 to index
    %get3A_237 = arith.constant 336 : index
    %get3A_238 = tpu.vector_load %arg6[%get3A_236, %get3A_237] {strides = array<i32>} : memref<2x512xf32, #tpu.memory_space<vmem>>, vector<16xf32>,
    %sub3A_239 = arith.subf %get3A_234, %get3A_238 : vector<16xf32>
    %swap3A_240 = arith.constant 336 : index
    %swap3A_241 = tpu.vector_load %arg7[%swap3A_240] {strides = array<i32>} : memref<512xf32, #tpu.memory_space<vmem>>, vector<16xf32>,
    tpu.vector_store %arg7[%swap3A_240], %sub3A_239 {strides = array<i32>} : memref<512xf32, #tpu.memory_space<vmem>>, vector<16xf32>,
    %get3A_242 = arith.constant 0 : i32
    %get3A_243 = arith.index_cast %get3A_242 : i32 to index
    %get3A_244 = arith.constant 352 : index
    %get3A_245 = tpu.vector_load %arg6[%get3A_243, %get3A_244] {strides = array<i32>} : memref<2x512xf32, #tpu.memory_space<vmem>>, vector<16xf32>,
    %get3A_246 = arith.constant 1 : i32
    %get3A_247 = arith.index_cast %get3A_246 : i32 to index
    %get3A_248 = arith.constant 352 : index
    %get3A_249 = tpu.vector_load %arg6[%get3A_247, %get3A_248] {strides = array<i32>} : memref<2x512xf32, #tpu.memory_space<vmem>>, vector<16xf32>,
    %sub3A_250 = arith.subf %get3A_245, %get3A_249 : vector<16xf32>
    %swap3A_251 = arith.constant 352 : index
    %swap3A_252 = tpu.vector_load %arg7[%swap3A_251] {strides = array<i32>} : memref<512xf32, #tpu.memory_space<vmem>>, vector<16xf32>,
    tpu.vector_store %arg7[%swap3A_251], %sub3A_250 {strides = array<i32>} : memref<512xf32, #tpu.memory_space<vmem>>, vector<16xf32>,
    %get3A_253 = arith.constant 0 : i32
    %get3A_254 = arith.index_cast %get3A_253 : i32 to index
    %get3A_255 = arith.constant 368 : index
    %get3A_256 = tpu.vector_load %arg6[%get3A_254, %get3A_255] {strides = array<i32>} : memref<2x512xf32, #tpu.memory_space<vmem>>, vector<16xf32>,
    %get3A_257 = arith.constant 1 : i32
    %get3A_258 = arith.index_cast %get3A_257 : i32 to index
    %get3A_259 = arith.constant 368 : index
    %get3A_260 = tpu.vector_load %arg6[%get3A_258, %get3A_259] {strides = array<i32>} : memref<2x512xf32, #tpu.memory_space<vmem>>, vector<16xf32>,
    %sub3A_261 = arith.subf %get3A_256, %get3A_260 : vector<16xf32>
    %swap3A_262 = arith.constant 368 : index
    %swap3A_263 = tpu.vector_load %arg7[%swap3A_262] {strides = array<i32>} : memref<512xf32, #tpu.memory_space<vmem>>, vector<16xf32>,
    tpu.vector_store %arg7[%swap3A_262], %sub3A_261 {strides = array<i32>} : memref<512xf32, #tpu.memory_space<vmem>>, vector<16xf32>,
    %get3A_264 = arith.constant 0 : i32
    %get3A_265 = arith.index_cast %get3A_264 : i32 to index
    %get3A_266 = arith.constant 384 : index
    %get3A_267 = tpu.vector_load %arg6[%get3A_265, %get3A_266] {strides = array<i32>} : memref<2x512xf32, #tpu.memory_space<vmem>>, vector<16xf32>,
    %get3A_268 = arith.constant 1 : i32
    %get3A_269 = arith.index_cast %get3A_268 : i32 to index
    %get3A_270 = arith.constant 384 : index
    %get3A_271 = tpu.vector_load %arg6[%get3A_269, %get3A_270] {strides = array<i32>} : memref<2x512xf32, #tpu.memory_space<vmem>>, vector<16xf32>,
    %sub3A_272 = arith.subf %get3A_267, %get3A_271 : vector<16xf32>
    %swap3A_273 = arith.constant 384 : index
    %swap3A_274 = tpu.vector_load %arg7[%swap3A_273] {strides = array<i32>} : memref<512xf32, #tpu.memory_space<vmem>>, vector<16xf32>,
    tpu.vector_store %arg7[%swap3A_273], %sub3A_272 {strides = array<i32>} : memref<512xf32, #tpu.memory_space<vmem>>, vector<16xf32>,
    %get3A_275 = arith.constant 0 : i32
    %get3A_276 = arith.index_cast %get3A_275 : i32 to index
    %get3A_277 = arith.constant 400 : index
    %get3A_278 = tpu.vector_load %arg6[%get3A_276, %get3A_277] {strides = array<i32>} : memref<2x512xf32, #tpu.memory_space<vmem>>, vector<16xf32>,
    %get3A_279 = arith.constant 1 : i32
    %get3A_280 = arith.index_cast %get3A_279 : i32 to index
    %get3A_281 = arith.constant 400 : index
    %get3A_282 = tpu.vector_load %arg6[%get3A_280, %get3A_281] {strides = array<i32>} : memref<2x512xf32, #tpu.memory_space<vmem>>, vector<16xf32>,
    %sub3A_283 = arith.subf %get3A_278, %get3A_282 : vector<16xf32>
    %swap3A_284 = arith.constant 400 : index
    %swap3A_285 = tpu.vector_load %arg7[%swap3A_284] {strides = array<i32>} : memref<512xf32, #tpu.memory_space<vmem>>, vector<16xf32>,
    tpu.vector_store %arg7[%swap3A_284], %sub3A_283 {strides = array<i32>} : memref<512xf32, #tpu.memory_space<vmem>>, vector<16xf32>,
    %get3A_286 = arith.constant 0 : i32
    %get3A_287 = arith.index_cast %get3A_286 : i32 to index
    %get3A_288 = arith.constant 416 : index
    %get3A_289 = tpu.vector_load %arg6[%get3A_287, %get3A_288] {strides = array<i32>} : memref<2x512xf32, #tpu.memory_space<vmem>>, vector<16xf32>,
    %get3A_290 = arith.constant 1 : i32
    %get3A_291 = arith.index_cast %get3A_290 : i32 to index
    %get3A_292 = arith.constant 416 : index
    %get3A_293 = tpu.vector_load %arg6[%get3A_291, %get3A_292] {strides = array<i32>} : memref<2x512xf32, #tpu.memory_space<vmem>>, vector<16xf32>,
    %sub3A_294 = arith.subf %get3A_289, %get3A_293 : vector<16xf32>
    %swap3A_295 = arith.constant 416 : index
    %swap3A_296 = tpu.vector_load %arg7[%swap3A_295] {strides = array<i32>} : memref<512xf32, #tpu.memory_space<vmem>>, vector<16xf32>,
    tpu.vector_store %arg7[%swap3A_295], %sub3A_294 {strides = array<i32>} : memref<512xf32, #tpu.memory_space<vmem>>, vector<16xf32>,
    %get3A_297 = arith.constant 0 : i32
    %get3A_298 = arith.index_cast %get3A_297 : i32 to index
    %get3A_299 = arith.constant 432 : index
    %get3A_300 = tpu.vector_load %arg6[%get3A_298, %get3A_299] {strides = array<i32>} : memref<2x512xf32, #tpu.memory_space<vmem>>, vector<16xf32>,
    %get3A_301 = arith.constant 1 : i32
    %get3A_302 = arith.index_cast %get3A_301 : i32 to index
    %get3A_303 = arith.constant 432 : index
    %get3A_304 = tpu.vector_load %arg6[%get3A_302, %get3A_303] {strides = array<i32>} : memref<2x512xf32, #tpu.memory_space<vmem>>, vector<16xf32>,
    %sub3A_305 = arith.subf %get3A_300, %get3A_304 : vector<16xf32>
    %swap3A_306 = arith.constant 432 : index
    %swap3A_307 = tpu.vector_load %arg7[%swap3A_306] {strides = array<i32>} : memref<512xf32, #tpu.memory_space<vmem>>, vector<16xf32>,
    tpu.vector_store %arg7[%swap3A_306], %sub3A_305 {strides = array<i32>} : memref<512xf32, #tpu.memory_space<vmem>>, vector<16xf32>,
    %get3A_308 = arith.constant 0 : i32
    %get3A_309 = arith.index_cast %get3A_308 : i32 to index
    %get3A_310 = arith.constant 448 : index
    %get3A_311 = tpu.vector_load %arg6[%get3A_309, %get3A_310] {strides = array<i32>} : memref<2x512xf32, #tpu.memory_space<vmem>>, vector<16xf32>,
    %get3A_312 = arith.constant 1 : i32
    %get3A_313 = arith.index_cast %get3A_312 : i32 to index
    %get3A_314 = arith.constant 448 : index
    %get3A_315 = tpu.vector_load %arg6[%get3A_313, %get3A_314] {strides = array<i32>} : memref<2x512xf32, #tpu.memory_space<vmem>>, vector<16xf32>,
    %sub3A_316 = arith.subf %get3A_311, %get3A_315 : vector<16xf32>
    %swap3A_317 = arith.constant 448 : index
    %swap3A_318 = tpu.vector_load %arg7[%swap3A_317] {strides = array<i32>} : memref<512xf32, #tpu.memory_space<vmem>>, vector<16xf32>,
    tpu.vector_store %arg7[%swap3A_317], %sub3A_316 {strides = array<i32>} : memref<512xf32, #tpu.memory_space<vmem>>, vector<16xf32>,
    %get3A_319 = arith.constant 0 : i32
    %get3A_320 = arith.index_cast %get3A_319 : i32 to index
    %get3A_321 = arith.constant 464 : index
    %get3A_322 = tpu.vector_load %arg6[%get3A_320, %get3A_321] {strides = array<i32>} : memref<2x512xf32, #tpu.memory_space<vmem>>, vector<16xf32>,
    %get3A_323 = arith.constant 1 : i32
    %get3A_324 = arith.index_cast %get3A_323 : i32 to index
    %get3A_325 = arith.constant 464 : index
    %get3A_326 = tpu.vector_load %arg6[%get3A_324, %get3A_325] {strides = array<i32>} : memref<2x512xf32, #tpu.memory_space<vmem>>, vector<16xf32>,
    %sub3A_327 = arith.subf %get3A_322, %get3A_326 : vector<16xf32>
    %swap3A_328 = arith.constant 464 : index
    %swap3A_329 = tpu.vector_load %arg7[%swap3A_328] {strides = array<i32>} : memref<512xf32, #tpu.memory_space<vmem>>, vector<16xf32>,
    tpu.vector_store %arg7[%swap3A_328], %sub3A_327 {strides = array<i32>} : memref<512xf32, #tpu.memory_space<vmem>>, vector<16xf32>,
    %get3A_330 = arith.constant 0 : i32
    %get3A_331 = arith.index_cast %get3A_330 : i32 to index
    %get3A_332 = arith.constant 480 : index
    %get3A_333 = tpu.vector_load %arg6[%get3A_331, %get3A_332] {strides = array<i32>} : memref<2x512xf32, #tpu.memory_space<vmem>>, vector<16xf32>,
    %get3A_334 = arith.constant 1 : i32
    %get3A_335 = arith.index_cast %get3A_334 : i32 to index
    %get3A_336 = arith.constant 480 : index
    %get3A_337 = tpu.vector_load %arg6[%get3A_335, %get3A_336] {strides = array<i32>} : memref<2x512xf32, #tpu.memory_space<vmem>>, vector<16xf32>,
    %sub3A_338 = arith.subf %get3A_333, %get3A_337 : vector<16xf32>
    %swap3A_339 = arith.constant 480 : index
    %swap3A_340 = tpu.vector_load %arg7[%swap3A_339] {strides = array<i32>} : memref<512xf32, #tpu.memory_space<vmem>>, vector<16xf32>,
    tpu.vector_store %arg7[%swap3A_339], %sub3A_338 {strides = array<i32>} : memref<512xf32, #tpu.memory_space<vmem>>, vector<16xf32>,
    %get3A_341 = arith.constant 0 : i32
    %get3A_342 = arith.index_cast %get3A_341 : i32 to index
    %get3A_343 = arith.constant 496 : index
    %get3A_344 = tpu.vector_load %arg6[%get3A_342, %get3A_343] {strides = array<i32>} : memref<2x512xf32, #tpu.memory_space<vmem>>, vector<16xf32>,
    %get3A_345 = arith.constant 1 : i32
    %get3A_346 = arith.index_cast %get3A_345 : i32 to index
    %get3A_347 = arith.constant 496 : index
    %get3A_348 = tpu.vector_load %arg6[%get3A_346, %get3A_347] {strides = array<i32>} : memref<2x512xf32, #tpu.memory_space<vmem>>, vector<16xf32>,
    %sub3A_349 = arith.subf %get3A_344, %get3A_348 : vector<16xf32>
    %swap3A_350 = arith.constant 496 : index
    %swap3A_351 = tpu.vector_load %arg7[%swap3A_350] {strides = array<i32>} : memref<512xf32, #tpu.memory_space<vmem>>, vector<16xf32>,
    tpu.vector_store %arg7[%swap3A_350], %sub3A_349 {strides = array<i32>} : memref<512xf32, #tpu.memory_space<vmem>>, vector<16xf32>,
    %add3A_352 = arith.constant 0 : i32
    %add3A_353 = arith.addi %mul3A_2, %add3A_352 : i32
    %dma_start3A = arith.constant 0 : i32
    %dma_start3A_354 = arith.constant 0 : i32
    %dma_start3A_355 = arith.constant 0 : i32
    %dma_start3A_356 = tpu.memref_slice %arg8[%dma_start3A, %dma_start3A_354, %dma_start3A_355] : memref<4x32x512xf32, #tpu.memory_space<vmem>> -> memref<1x32x512xf32, #tpu.memory_space<vmem>>
    %dma_start3A_357 = tpu.memref_squeeze %dma_start3A_356 : memref<1x32x512xf32, #tpu.memory_space<vmem>> -> memref<32x512xf32, #tpu.memory_space<vmem>>
    %dma_start3A_358 = arith.constant 0 : i32
    %dma_start3A_359 = tpu.memref_slice %arg2[%add3A_353, %dma_start3A_358] : memref<32768x512xf32, #tpu.memory_space<hbm>> -> memref<32x512xf32, #tpu.memory_space<hbm>>
    %dma_start3A_360 = arith.constant 0 : i32
    %dma_start3A_361 = arith.constant 0 : i32
    %dma_start3A_362 = tpu.memref_slice %arg8[%dma_start3A, %dma_start3A_360, %dma_start3A_361] : memref<4x32x512xf32, #tpu.memory_space<vmem>> -> memref<1x32x512xf32, #tpu.memory_space<vmem>>
    %dma_start3A_363 = tpu.memref_squeeze %dma_start3A_362 : memref<1x32x512xf32, #tpu.memory_space<vmem>> -> memref<32x512xf32, #tpu.memory_space<vmem>>
    %dma_start3A_364 = arith.constant 0 : i32
    %dma_start3A_365 = tpu.memref_slice %arg2[%add3A_353, %dma_start3A_364] : memref<32768x512xf32, #tpu.memory_space<hbm>> -> memref<32x512xf32, #tpu.memory_space<hbm>>
    tpu.enqueue_dma source(%dma_start3A_365 : memref<32x512xf32, #tpu.memory_space<hbm>>) target(%dma_start3A_363 : memref<32x512xf32, #tpu.memory_space<vmem>>) target_semaphore(%arg11 : memref<!tpu.dma_semaphore, #tpu.memory_space<semaphore_mem>>)
    %add3A_366 = arith.constant 32 : i32
    %add3A_367 = arith.addi %mul3A_2, %add3A_366 : i32
    %dma_start3A_368 = arith.constant 1 : i32
    %dma_start3A_369 = arith.constant 0 : i32
    %dma_start3A_370 = arith.constant 0 : i32
    %dma_start3A_371 = tpu.memref_slice %arg8[%dma_start3A_368, %dma_start3A_369, %dma_start3A_370] : memref<4x32x512xf32, #tpu.memory_space<vmem>> -> memref<1x32x512xf32, #tpu.memory_space<vmem>>
    %dma_start3A_372 = tpu.memref_squeeze %dma_start3A_371 : memref<1x32x512xf32, #tpu.memory_space<vmem>> -> memref<32x512xf32, #tpu.memory_space<vmem>>
    %dma_start3A_373 = arith.constant 0 : i32
    %dma_start3A_374 = tpu.memref_slice %arg2[%add3A_367, %dma_start3A_373] : memref<32768x512xf32, #tpu.memory_space<hbm>> -> memref<32x512xf32, #tpu.memory_space<hbm>>
    %dma_start3A_375 = arith.constant 0 : i32
    %dma_start3A_376 = arith.constant 0 : i32
    %dma_start3A_377 = tpu.memref_slice %arg8[%dma_start3A_368, %dma_start3A_375, %dma_start3A_376] : memref<4x32x512xf32, #tpu.memory_space<vmem>> -> memref<1x32x512xf32, #tpu.memory_space<vmem>>
    %dma_start3A_378 = tpu.memref_squeeze %dma_start3A_377 : memref<1x32x512xf32, #tpu.memory_space<vmem>> -> memref<32x512xf32, #tpu.memory_space<vmem>>
    %dma_start3A_379 = arith.constant 0 : i32
    %dma_start3A_380 = tpu.memref_slice %arg2[%add3A_367, %dma_start3A_379] : memref<32768x512xf32, #tpu.memory_space<hbm>> -> memref<32x512xf32, #tpu.memory_space<hbm>>
    tpu.enqueue_dma source(%dma_start3A_380 : memref<32x512xf32, #tpu.memory_space<hbm>>) target(%dma_start3A_378 : memref<32x512xf32, #tpu.memory_space<vmem>>) target_semaphore(%arg12 : memref<!tpu.dma_semaphore, #tpu.memory_space<semaphore_mem>>)
    %add3A_381 = arith.constant 64 : i32
    %add3A_382 = arith.addi %mul3A_2, %add3A_381 : i32
    %dma_start3A_383 = arith.constant 2 : i32
    %dma_start3A_384 = arith.constant 0 : i32
    %dma_start3A_385 = arith.constant 0 : i32
    %dma_start3A_386 = tpu.memref_slice %arg8[%dma_start3A_383, %dma_start3A_384, %dma_start3A_385] : memref<4x32x512xf32, #tpu.memory_space<vmem>> -> memref<1x32x512xf32, #tpu.memory_space<vmem>>
    %dma_start3A_387 = tpu.memref_squeeze %dma_start3A_386 : memref<1x32x512xf32, #tpu.memory_space<vmem>> -> memref<32x512xf32, #tpu.memory_space<vmem>>
    %dma_start3A_388 = arith.constant 0 : i32
    %dma_start3A_389 = tpu.memref_slice %arg2[%add3A_382, %dma_start3A_388] : memref<32768x512xf32, #tpu.memory_space<hbm>> -> memref<32x512xf32, #tpu.memory_space<hbm>>
    %dma_start3A_390 = arith.constant 0 : i32
    %dma_start3A_391 = arith.constant 0 : i32
    %dma_start3A_392 = tpu.memref_slice %arg8[%dma_start3A_383, %dma_start3A_390, %dma_start3A_391] : memref<4x32x512xf32, #tpu.memory_space<vmem>> -> memref<1x32x512xf32, #tpu.memory_space<vmem>>
    %dma_start3A_393 = tpu.memref_squeeze %dma_start3A_392 : memref<1x32x512xf32, #tpu.memory_space<vmem>> -> memref<32x512xf32, #tpu.memory_space<vmem>>
    %dma_start3A_394 = arith.constant 0 : i32
    %dma_start3A_395 = tpu.memref_slice %arg2[%add3A_382, %dma_start3A_394] : memref<32768x512xf32, #tpu.memory_space<hbm>> -> memref<32x512xf32, #tpu.memory_space<hbm>>
    tpu.enqueue_dma source(%dma_start3A_395 : memref<32x512xf32, #tpu.memory_space<hbm>>) target(%dma_start3A_393 : memref<32x512xf32, #tpu.memory_space<vmem>>) target_semaphore(%arg13 : memref<!tpu.dma_semaphore, #tpu.memory_space<semaphore_mem>>)
    %add3A_396 = arith.constant 96 : i32
    %add3A_397 = arith.addi %mul3A_2, %add3A_396 : i32
    %dma_start3A_398 = arith.constant 3 : i32
    %dma_start3A_399 = arith.constant 0 : i32
    %dma_start3A_400 = arith.constant 0 : i32
    %dma_start3A_401 = tpu.memref_slice %arg8[%dma_start3A_398, %dma_start3A_399, %dma_start3A_400] : memref<4x32x512xf32, #tpu.memory_space<vmem>> -> memref<1x32x512xf32, #tpu.memory_space<vmem>>
    %dma_start3A_402 = tpu.memref_squeeze %dma_start3A_401 : memref<1x32x512xf32, #tpu.memory_space<vmem>> -> memref<32x512xf32, #tpu.memory_space<vmem>>
    %dma_start3A_403 = arith.constant 0 : i32
    %dma_start3A_404 = tpu.memref_slice %arg2[%add3A_397, %dma_start3A_403] : memref<32768x512xf32, #tpu.memory_space<hbm>> -> memref<32x512xf32, #tpu.memory_space<hbm>>
    %dma_start3A_405 = arith.constant 0 : i32
    %dma_start3A_406 = arith.constant 0 : i32
    %dma_start3A_407 = tpu.memref_slice %arg8[%dma_start3A_398, %dma_start3A_405, %dma_start3A_406] : memref<4x32x512xf32, #tpu.memory_space<vmem>> -> memref<1x32x512xf32, #tpu.memory_space<vmem>>
    %dma_start3A_408 = tpu.memref_squeeze %dma_start3A_407 : memref<1x32x512xf32, #tpu.memory_space<vmem>> -> memref<32x512xf32, #tpu.memory_space<vmem>>
    %dma_start3A_409 = arith.constant 0 : i32
    %dma_start3A_410 = tpu.memref_slice %arg2[%add3A_397, %dma_start3A_409] : memref<32768x512xf32, #tpu.memory_space<hbm>> -> memref<32x512xf32, #tpu.memory_space<hbm>>
    tpu.enqueue_dma source(%dma_start3A_410 : memref<32x512xf32, #tpu.memory_space<hbm>>) target(%dma_start3A_408 : memref<32x512xf32, #tpu.memory_space<vmem>>) target_semaphore(%arg14 : memref<!tpu.dma_semaphore, #tpu.memory_space<semaphore_mem>>)
    %get3A_411 = arith.constant 0 : index
    %get3A_412 = tpu.vector_load %arg7[%get3A_411] {strides = array<i32>} : memref<512xf32, #tpu.memory_space<vmem>>, vector<16xf32>,
    %get3A_413 = arith.constant 16 : index
    %get3A_414 = tpu.vector_load %arg7[%get3A_413] {strides = array<i32>} : memref<512xf32, #tpu.memory_space<vmem>>, vector<16xf32>,
    %get3A_415 = arith.constant 32 : index
    %get3A_416 = tpu.vector_load %arg7[%get3A_415] {strides = array<i32>} : memref<512xf32, #tpu.memory_space<vmem>>, vector<16xf32>,
    %get3A_417 = arith.constant 48 : index
    %get3A_418 = tpu.vector_load %arg7[%get3A_417] {strides = array<i32>} : memref<512xf32, #tpu.memory_space<vmem>>, vector<16xf32>,
    %get3A_419 = arith.constant 64 : index
    %get3A_420 = tpu.vector_load %arg7[%get3A_419] {strides = array<i32>} : memref<512xf32, #tpu.memory_space<vmem>>, vector<16xf32>,
    %get3A_421 = arith.constant 80 : index
    %get3A_422 = tpu.vector_load %arg7[%get3A_421] {strides = array<i32>} : memref<512xf32, #tpu.memory_space<vmem>>, vector<16xf32>,
    %get3A_423 = arith.constant 96 : index
    %get3A_424 = tpu.vector_load %arg7[%get3A_423] {strides = array<i32>} : memref<512xf32, #tpu.memory_space<vmem>>, vector<16xf32>,
    %get3A_425 = arith.constant 112 : index
    %get3A_426 = tpu.vector_load %arg7[%get3A_425] {strides = array<i32>} : memref<512xf32, #tpu.memory_space<vmem>>, vector<16xf32>,
    %get3A_427 = arith.constant 128 : index
    %get3A_428 = tpu.vector_load %arg7[%get3A_427] {strides = array<i32>} : memref<512xf32, #tpu.memory_space<vmem>>, vector<16xf32>,
    %get3A_429 = arith.constant 144 : index
    %get3A_430 = tpu.vector_load %arg7[%get3A_429] {strides = array<i32>} : memref<512xf32, #tpu.memory_space<vmem>>, vector<16xf32>,
    %get3A_431 = arith.constant 160 : index
    %get3A_432 = tpu.vector_load %arg7[%get3A_431] {strides = array<i32>} : memref<512xf32, #tpu.memory_space<vmem>>, vector<16xf32>,
    %get3A_433 = arith.constant 176 : index
    %get3A_434 = tpu.vector_load %arg7[%get3A_433] {strides = array<i32>} : memref<512xf32, #tpu.memory_space<vmem>>, vector<16xf32>,
    %get3A_435 = arith.constant 192 : index
    %get3A_436 = tpu.vector_load %arg7[%get3A_435] {strides = array<i32>} : memref<512xf32, #tpu.memory_space<vmem>>, vector<16xf32>,
    %get3A_437 = arith.constant 208 : index
    %get3A_438 = tpu.vector_load %arg7[%get3A_437] {strides = array<i32>} : memref<512xf32, #tpu.memory_space<vmem>>, vector<16xf32>,
    %get3A_439 = arith.constant 224 : index
    %get3A_440 = tpu.vector_load %arg7[%get3A_439] {strides = array<i32>} : memref<512xf32, #tpu.memory_space<vmem>>, vector<16xf32>,
    %get3A_441 = arith.constant 240 : index
    %get3A_442 = tpu.vector_load %arg7[%get3A_441] {strides = array<i32>} : memref<512xf32, #tpu.memory_space<vmem>>, vector<16xf32>,
    %get3A_443 = arith.constant 256 : index
    %get3A_444 = tpu.vector_load %arg7[%get3A_443] {strides = array<i32>} : memref<512xf32, #tpu.memory_space<vmem>>, vector<16xf32>,
    %get3A_445 = arith.constant 272 : index
    %get3A_446 = tpu.vector_load %arg7[%get3A_445] {strides = array<i32>} : memref<512xf32, #tpu.memory_space<vmem>>, vector<16xf32>,
    %get3A_447 = arith.constant 288 : index
    %get3A_448 = tpu.vector_load %arg7[%get3A_447] {strides = array<i32>} : memref<512xf32, #tpu.memory_space<vmem>>, vector<16xf32>,
    %get3A_449 = arith.constant 304 : index
    %get3A_450 = tpu.vector_load %arg7[%get3A_449] {strides = array<i32>} : memref<512xf32, #tpu.memory_space<vmem>>, vector<16xf32>,
    %get3A_451 = arith.constant 320 : index
    %get3A_452 = tpu.vector_load %arg7[%get3A_451] {strides = array<i32>} : memref<512xf32, #tpu.memory_space<vmem>>, vector<16xf32>,
    %get3A_453 = arith.constant 336 : index
    %get3A_454 = tpu.vector_load %arg7[%get3A_453] {strides = array<i32>} : memref<512xf32, #tpu.memory_space<vmem>>, vector<16xf32>,
    %get3A_455 = arith.constant 352 : index
    %get3A_456 = tpu.vector_load %arg7[%get3A_455] {strides = array<i32>} : memref<512xf32, #tpu.memory_space<vmem>>, vector<16xf32>,
    %get3A_457 = arith.constant 368 : index
    %get3A_458 = tpu.vector_load %arg7[%get3A_457] {strides = array<i32>} : memref<512xf32, #tpu.memory_space<vmem>>, vector<16xf32>,
    %get3A_459 = arith.constant 384 : index
    %get3A_460 = tpu.vector_load %arg7[%get3A_459] {strides = array<i32>} : memref<512xf32, #tpu.memory_space<vmem>>, vector<16xf32>,
    %get3A_461 = arith.constant 400 : index
    %get3A_462 = tpu.vector_load %arg7[%get3A_461] {strides = array<i32>} : memref<512xf32, #tpu.memory_space<vmem>>, vector<16xf32>,
    %get3A_463 = arith.constant 416 : index
    %get3A_464 = tpu.vector_load %arg7[%get3A_463] {strides = array<i32>} : memref<512xf32, #tpu.memory_space<vmem>>, vector<16xf32>,
    %get3A_465 = arith.constant 432 : index
    %get3A_466 = tpu.vector_load %arg7[%get3A_465] {strides = array<i32>} : memref<512xf32, #tpu.memory_space<vmem>>, vector<16xf32>,
    %get3A_467 = arith.constant 448 : index
    %get3A_468 = tpu.vector_load %arg7[%get3A_467] {strides = array<i32>} : memref<512xf32, #tpu.memory_space<vmem>>, vector<16xf32>,
    %get3A_469 = arith.constant 464 : index
    %get3A_470 = tpu.vector_load %arg7[%get3A_469] {strides = array<i32>} : memref<512xf32, #tpu.memory_space<vmem>>, vector<16xf32>,
    %get3A_471 = arith.constant 480 : index
    %get3A_472 = tpu.vector_load %arg7[%get3A_471] {strides = array<i32>} : memref<512xf32, #tpu.memory_space<vmem>>, vector<16xf32>,
    %get3A_473 = arith.constant 496 : index
    %get3A_474 = tpu.vector_load %arg7[%get3A_473] {strides = array<i32>} : memref<512xf32, #tpu.memory_space<vmem>>, vector<16xf32>,
    %scan3A = arith.constant 0xFF800000 : f32
    %scan3A_475 = arith.constant 0 : i32
    %scan3A_476 = arith.constant 0x7F800000 : f32
    %scan3A_477 = arith.constant 0 : i32
    %scan3A_478 = arith.constant 0 : i32
    %scan3A_479 = arith.constant 8 : i32
    %scan3A_480 = arith.addi %scan3A_478, %scan3A_479 : i32
    %scan3A_481 = arith.constant 1 : i32
    %scan3A_482:4 = scf.for %scan3A_513 = %scan3A_478 to %scan3A_480 step %scan3A_481 iter_args(%scan3A_514 = %scan3A, %scan3A_515 = %scan3A_475, %scan3A_516 = %scan3A_476, %scan3A_517 = %scan3A_477) -> (f32, i32, f32, i32)  : i32 {
      %mul3A_518 = arith.constant 4 : i32
      %mul3A_519 = arith.muli %mul3A_518, %scan3A_513 : i32
      %add3A_520 = arith.constant 0 : i32
      %add3A_521 = arith.addi %mul3A_519, %add3A_520 : i32
      %mul3A_522 = arith.constant 32 : i32
      %mul3A_523 = arith.muli %add3A_521, %mul3A_522 : i32
      %add3A_524 = arith.addi %mul3A_2, %mul3A_523 : i32
      %dma_wait3A = arith.constant 0 : i32
      %dma_wait3A_525 = arith.constant 0 : i32
      %dma_wait3A_526 = arith.constant 0 : i32
      %dma_wait3A_527 = tpu.memref_slice %arg8[%dma_wait3A, %dma_wait3A_525, %dma_wait3A_526] : memref<4x32x512xf32, #tpu.memory_space<vmem>> -> memref<1x32x512xf32, #tpu.memory_space<vmem>>
      %dma_wait3A_528 = tpu.memref_squeeze %dma_wait3A_527 : memref<1x32x512xf32, #tpu.memory_space<vmem>> -> memref<32x512xf32, #tpu.memory_space<vmem>>
      %dma_wait3A_529 = arith.constant 0 : i32
      %dma_wait3A_530 = tpu.memref_slice %arg2[%add3A_524, %dma_wait3A_529] : memref<32768x512xf32, #tpu.memory_space<hbm>> -> memref<32x512xf32, #tpu.memory_space<hbm>>
      %dma_wait3A_531 = arith.constant 0 : i32
      %dma_wait3A_532 = arith.constant 0 : i32
      %dma_wait3A_533 = tpu.memref_slice %arg8[%dma_wait3A, %dma_wait3A_531, %dma_wait3A_532] : memref<4x32x512xf32, #tpu.memory_space<vmem>> -> memref<1x32x512xf32, #tpu.memory_space<vmem>>
      %dma_wait3A_534 = tpu.memref_squeeze %dma_wait3A_533 : memref<1x32x512xf32, #tpu.memory_space<vmem>> -> memref<32x512xf32, #tpu.memory_space<vmem>>
      %dma_wait3A_535 = arith.constant 0 : i32
      %dma_wait3A_536 = tpu.memref_slice %arg2[%add3A_524, %dma_wait3A_535] : memref<32768x512xf32, #tpu.memory_space<hbm>> -> memref<32x512xf32, #tpu.memory_space<hbm>>
      tpu.wait_dma2 semaphore(%arg11 : memref<!tpu.dma_semaphore, #tpu.memory_space<semaphore_mem>>) src(%dma_wait3A_536 : memref<32x512xf32, #tpu.memory_space<hbm>>) dst(%dma_wait3A_534 : memref<32x512xf32, #tpu.memory_space<vmem>>)
      %scan3A_537 = arith.constant 0 : i32
      %scan3A_538 = arith.constant 16 : i32
      %scan3A_539 = arith.addi %scan3A_537, %scan3A_538 : i32
      %scan3A_540 = arith.constant 1 : i32
      %scan3A_541:4 = scf.for %scan3A_646 = %scan3A_537 to %scan3A_539 step %scan3A_540 iter_args(%scan3A_647 = %scan3A_514, %scan3A_648 = %scan3A_515, %scan3A_649 = %scan3A_516, %scan3A_650 = %scan3A_517) -> (f32, i32, f32, i32)  : i32 {
        %mul3A_651 = arith.constant 2 : i32
        %mul3A_652 = arith.muli %scan3A_646, %mul3A_651 : i32
        %add3A_653 = arith.constant 0 : i32
        %add3A_654 = arith.addi %mul3A_652, %add3A_653 : i32
        %get3A_655 = arith.constant 0 : i32
        %get3A_656 = arith.index_cast %get3A_655 : i32 to index
        %get3A_657 = arith.index_cast %add3A_654 : i32 to index
        %get3A_658 = arith.constant 0 : index
        %get3A_659 = tpu.vector_load %arg8[%get3A_656, %get3A_657, %get3A_658] {strides = array<i32>} : memref<4x32x512xf32, #tpu.memory_space<vmem>>, vector<16xf32>,
        %mul3A_660 = arith.mulf %get3A_659, %get3A_412 : vector<16xf32>
        %get3A_661 = arith.constant 0 : i32
        %get3A_662 = arith.index_cast %get3A_661 : i32 to index
        %get3A_663 = arith.index_cast %add3A_654 : i32 to index
        %get3A_664 = arith.constant 16 : index
        %get3A_665 = tpu.vector_load %arg8[%get3A_662, %get3A_663, %get3A_664] {strides = array<i32>} : memref<4x32x512xf32, #tpu.memory_space<vmem>>, vector<16xf32>,
        %mul3A_666 = arith.mulf %get3A_665, %get3A_414 : vector<16xf32>
        %get3A_667 = arith.constant 0 : i32
        %get3A_668 = arith.index_cast %get3A_667 : i32 to index
        %get3A_669 = arith.index_cast %add3A_654 : i32 to index
        %get3A_670 = arith.constant 32 : index
        %get3A_671 = tpu.vector_load %arg8[%get3A_668, %get3A_669, %get3A_670] {strides = array<i32>} : memref<4x32x512xf32, #tpu.memory_space<vmem>>, vector<16xf32>,
        %mul3A_672 = arith.mulf %get3A_671, %get3A_416 : vector<16xf32>
        %get3A_673 = arith.constant 0 : i32
        %get3A_674 = arith.index_cast %get3A_673 : i32 to index
        %get3A_675 = arith.index_cast %add3A_654 : i32 to index
        %get3A_676 = arith.constant 48 : index
        %get3A_677 = tpu.vector_load %arg8[%get3A_674, %get3A_675, %get3A_676] {strides = array<i32>} : memref<4x32x512xf32, #tpu.memory_space<vmem>>, vector<16xf32>,
        %mul3A_678 = arith.mulf %get3A_677, %get3A_418 : vector<16xf32>
        %get3A_679 = arith.constant 0 : i32
        %get3A_680 = arith.index_cast %get3A_679 : i32 to index
        %get3A_681 = arith.index_cast %add3A_654 : i32 to index
        %get3A_682 = arith.constant 64 : index
        %get3A_683 = tpu.vector_load %arg8[%get3A_680, %get3A_681, %get3A_682] {strides = array<i32>} : memref<4x32x512xf32, #tpu.memory_space<vmem>>, vector<16xf32>,
        %mul3A_684 = arith.mulf %get3A_683, %get3A_420 : vector<16xf32>
        %add3A_685 = arith.addf %mul3A_660, %mul3A_684 : vector<16xf32>
        %get3A_686 = arith.constant 0 : i32
        %get3A_687 = arith.index_cast %get3A_686 : i32 to index
        %get3A_688 = arith.index_cast %add3A_654 : i32 to index
        %get3A_689 = arith.constant 80 : index
        %get3A_690 = tpu.vector_load %arg8[%get3A_687, %get3A_688, %get3A_689] {strides = array<i32>} : memref<4x32x512xf32, #tpu.memory_space<vmem>>, vector<16xf32>,
        %mul3A_691 = arith.mulf %get3A_690, %get3A_422 : vector<16xf32>
        %add3A_692 = arith.addf %mul3A_666, %mul3A_691 : vector<16xf32>
        %get3A_693 = arith.constant 0 : i32
        %get3A_694 = arith.index_cast %get3A_693 : i32 to index
        %get3A_695 = arith.index_cast %add3A_654 : i32 to index
        %get3A_696 = arith.constant 96 : index
        %get3A_697 = tpu.vector_load %arg8[%get3A_694, %get3A_695, %get3A_696] {strides = array<i32>} : memref<4x32x512xf32, #tpu.memory_space<vmem>>, vector<16xf32>,
        %mul3A_698 = arith.mulf %get3A_697, %get3A_424 : vector<16xf32>
        %add3A_699 = arith.addf %mul3A_672, %mul3A_698 : vector<16xf32>
        %get3A_700 = arith.constant 0 : i32
        %get3A_701 = arith.index_cast %get3A_700 : i32 to index
        %get3A_702 = arith.index_cast %add3A_654 : i32 to index
        %get3A_703 = arith.constant 112 : index
        %get3A_704 = tpu.vector_load %arg8[%get3A_701, %get3A_702, %get3A_703] {strides = array<i32>} : memref<4x32x512xf32, #tpu.memory_space<vmem>>, vector<16xf32>,
        %mul3A_705 = arith.mulf %get3A_704, %get3A_426 : vector<16xf32>
        %add3A_706 = arith.addf %mul3A_678, %mul3A_705 : vector<16xf32>
        %get3A_707 = arith.constant 0 : i32
        %get3A_708 = arith.index_cast %get3A_707 : i32 to index
        %get3A_709 = arith.index_cast %add3A_654 : i32 to index
        %get3A_710 = arith.constant 128 : index
        %get3A_711 = tpu.vector_load %arg8[%get3A_708, %get3A_709, %get3A_710] {strides = array<i32>} : memref<4x32x512xf32, #tpu.memory_space<vmem>>, vector<16xf32>,
        %mul3A_712 = arith.mulf %get3A_711, %get3A_428 : vector<16xf32>
        %add3A_713 = arith.addf %add3A_685, %mul3A_712 : vector<16xf32>
        %get3A_714 = arith.constant 0 : i32
        %get3A_715 = arith.index_cast %get3A_714 : i32 to index
        %get3A_716 = arith.index_cast %add3A_654 : i32 to index
        %get3A_717 = arith.constant 144 : index
        %get3A_718 = tpu.vector_load %arg8[%get3A_715, %get3A_716, %get3A_717] {strides = array<i32>} : memref<4x32x512xf32, #tpu.memory_space<vmem>>, vector<16xf32>,
        %mul3A_719 = arith.mulf %get3A_718, %get3A_430 : vector<16xf32>
        %add3A_720 = arith.addf %add3A_692, %mul3A_719 : vector<16xf32>
        %get3A_721 = arith.constant 0 : i32
        %get3A_722 = arith.index_cast %get3A_721 : i32 to index
        %get3A_723 = arith.index_cast %add3A_654 : i32 to index
        %get3A_724 = arith.constant 160 : index
        %get3A_725 = tpu.vector_load %arg8[%get3A_722, %get3A_723, %get3A_724] {strides = array<i32>} : memref<4x32x512xf32, #tpu.memory_space<vmem>>, vector<16xf32>,
        %mul3A_726 = arith.mulf %get3A_725, %get3A_432 : vector<16xf32>
        %add3A_727 = arith.addf %add3A_699, %mul3A_726 : vector<16xf32>
        %get3A_728 = arith.constant 0 : i32
        %get3A_729 = arith.index_cast %get3A_728 : i32 to index
        %get3A_730 = arith.index_cast %add3A_654 : i32 to index
        %get3A_731 = arith.constant 176 : index
        %get3A_732 = tpu.vector_load %arg8[%get3A_729, %get3A_730, %get3A_731] {strides = array<i32>} : memref<4x32x512xf32, #tpu.memory_space<vmem>>, vector<16xf32>,
        %mul3A_733 = arith.mulf %get3A_732, %get3A_434 : vector<16xf32>
        %add3A_734 = arith.addf %add3A_706, %mul3A_733 : vector<16xf32>
        %get3A_735 = arith.constant 0 : i32
        %get3A_736 = arith.index_cast %get3A_735 : i32 to index
        %get3A_737 = arith.index_cast %add3A_654 : i32 to index
        %get3A_738 = arith.constant 192 : index
        %get3A_739 = tpu.vector_load %arg8[%get3A_736, %get3A_737, %get3A_738] {strides = array<i32>} : memref<4x32x512xf32, #tpu.memory_space<vmem>>, vector<16xf32>,
        %mul3A_740 = arith.mulf %get3A_739, %get3A_436 : vector<16xf32>
        %add3A_741 = arith.addf %add3A_713, %mul3A_740 : vector<16xf32>
        %get3A_742 = arith.constant 0 : i32
        %get3A_743 = arith.index_cast %get3A_742 : i32 to index
        %get3A_744 = arith.index_cast %add3A_654 : i32 to index
        %get3A_745 = arith.constant 208 : index
        %get3A_746 = tpu.vector_load %arg8[%get3A_743, %get3A_744, %get3A_745] {strides = array<i32>} : memref<4x32x512xf32, #tpu.memory_space<vmem>>, vector<16xf32>,
        %mul3A_747 = arith.mulf %get3A_746, %get3A_438 : vector<16xf32>
        %add3A_748 = arith.addf %add3A_720, %mul3A_747 : vector<16xf32>
        %get3A_749 = arith.constant 0 : i32
        %get3A_750 = arith.index_cast %get3A_749 : i32 to index
        %get3A_751 = arith.index_cast %add3A_654 : i32 to index
        %get3A_752 = arith.constant 224 : index
        %get3A_753 = tpu.vector_load %arg8[%get3A_750, %get3A_751, %get3A_752] {strides = array<i32>} : memref<4x32x512xf32, #tpu.memory_space<vmem>>, vector<16xf32>,
        %mul3A_754 = arith.mulf %get3A_753, %get3A_440 : vector<16xf32>
        %add3A_755 = arith.addf %add3A_727, %mul3A_754 : vector<16xf32>
        %get3A_756 = arith.constant 0 : i32
        %get3A_757 = arith.index_cast %get3A_756 : i32 to index
        %get3A_758 = arith.index_cast %add3A_654 : i32 to index
        %get3A_759 = arith.constant 240 : index
        %get3A_760 = tpu.vector_load %arg8[%get3A_757, %get3A_758, %get3A_759] {strides = array<i32>} : memref<4x32x512xf32, #tpu.memory_space<vmem>>, vector<16xf32>,
        %mul3A_761 = arith.mulf %get3A_760, %get3A_442 : vector<16xf32>
        %add3A_762 = arith.addf %add3A_734, %mul3A_761 : vector<16xf32>
        %get3A_763 = arith.constant 0 : i32
        %get3A_764 = arith.index_cast %get3A_763 : i32 to index
        %get3A_765 = arith.index_cast %add3A_654 : i32 to index
        %get3A_766 = arith.constant 256 : index
        %get3A_767 = tpu.vector_load %arg8[%get3A_764, %get3A_765, %get3A_766] {strides = array<i32>} : memref<4x32x512xf32, #tpu.memory_space<vmem>>, vector<16xf32>,
        %mul3A_768 = arith.mulf %get3A_767, %get3A_444 : vector<16xf32>
        %add3A_769 = arith.addf %add3A_741, %mul3A_768 : vector<16xf32>
        %get3A_770 = arith.constant 0 : i32
        %get3A_771 = arith.index_cast %get3A_770 : i32 to index
        %get3A_772 = arith.index_cast %add3A_654 : i32 to index
        %get3A_773 = arith.constant 272 : index
        %get3A_774 = tpu.vector_load %arg8[%get3A_771, %get3A_772, %get3A_773] {strides = array<i32>} : memref<4x32x512xf32, #tpu.memory_space<vmem>>, vector<16xf32>,
        %mul3A_775 = arith.mulf %get3A_774, %get3A_446 : vector<16xf32>
        %add3A_776 = arith.addf %add3A_748, %mul3A_775 : vector<16xf32>
        %get3A_777 = arith.constant 0 : i32
        %get3A_778 = arith.index_cast %get3A_777 : i32 to index
        %get3A_779 = arith.index_cast %add3A_654 : i32 to index
        %get3A_780 = arith.constant 288 : index
        %get3A_781 = tpu.vector_load %arg8[%get3A_778, %get3A_779, %get3A_780] {strides = array<i32>} : memref<4x32x512xf32, #tpu.memory_space<vmem>>, vector<16xf32>,
        %mul3A_782 = arith.mulf %get3A_781, %get3A_448 : vector<16xf32>
        %add3A_783 = arith.addf %add3A_755, %mul3A_782 : vector<16xf32>
        %get3A_784 = arith.constant 0 : i32
        %get3A_785 = arith.index_cast %get3A_784 : i32 to index
        %get3A_786 = arith.index_cast %add3A_654 : i32 to index
        %get3A_787 = arith.constant 304 : index
        %get3A_788 = tpu.vector_load %arg8[%get3A_785, %get3A_786, %get3A_787] {strides = array<i32>} : memref<4x32x512xf32, #tpu.memory_space<vmem>>, vector<16xf32>,
        %mul3A_789 = arith.mulf %get3A_788, %get3A_450 : vector<16xf32>
        %add3A_790 = arith.addf %add3A_762, %mul3A_789 : vector<16xf32>
        %get3A_791 = arith.constant 0 : i32
        %get3A_792 = arith.index_cast %get3A_791 : i32 to index
        %get3A_793 = arith.index_cast %add3A_654 : i32 to index
        %get3A_794 = arith.constant 320 : index
        %get3A_795 = tpu.vector_load %arg8[%get3A_792, %get3A_793, %get3A_794] {strides = array<i32>} : memref<4x32x512xf32, #tpu.memory_space<vmem>>, vector<16xf32>,
        %mul3A_796 = arith.mulf %get3A_795, %get3A_452 : vector<16xf32>
        %add3A_797 = arith.addf %add3A_769, %mul3A_796 : vector<16xf32>
        %get3A_798 = arith.constant 0 : i32
        %get3A_799 = arith.index_cast %get3A_798 : i32 to index
        %get3A_800 = arith.index_cast %add3A_654 : i32 to index
        %get3A_801 = arith.constant 336 : index
        %get3A_802 = tpu.vector_load %arg8[%get3A_799, %get3A_800, %get3A_801] {strides = array<i32>} : memref<4x32x512xf32, #tpu.memory_space<vmem>>, vector<16xf32>,
        %mul3A_803 = arith.mulf %get3A_802, %get3A_454 : vector<16xf32>
        %add3A_804 = arith.addf %add3A_776, %mul3A_803 : vector<16xf32>
        %get3A_805 = arith.constant 0 : i32
        %get3A_806 = arith.index_cast %get3A_805 : i32 to index
        %get3A_807 = arith.index_cast %add3A_654 : i32 to index
        %get3A_808 = arith.constant 352 : index
        %get3A_809 = tpu.vector_load %arg8[%get3A_806, %get3A_807, %get3A_808] {strides = array<i32>} : memref<4x32x512xf32, #tpu.memory_space<vmem>>, vector<16xf32>,
        %mul3A_810 = arith.mulf %get3A_809, %get3A_456 : vector<16xf32>
        %add3A_811 = arith.addf %add3A_783, %mul3A_810 : vector<16xf32>
        %get3A_812 = arith.constant 0 : i32
        %get3A_813 = arith.index_cast %get3A_812 : i32 to index
        %get3A_814 = arith.index_cast %add3A_654 : i32 to index
        %get3A_815 = arith.constant 368 : index
        %get3A_816 = tpu.vector_load %arg8[%get3A_813, %get3A_814, %get3A_815] {strides = array<i32>} : memref<4x32x512xf32, #tpu.memory_space<vmem>>, vector<16xf32>,
        %mul3A_817 = arith.mulf %get3A_816, %get3A_458 : vector<16xf32>
        %add3A_818 = arith.addf %add3A_790, %mul3A_817 : vector<16xf32>
        %get3A_819 = arith.constant 0 : i32
        %get3A_820 = arith.index_cast %get3A_819 : i32 to index
        %get3A_821 = arith.index_cast %add3A_654 : i32 to index
        %get3A_822 = arith.constant 384 : index
        %get3A_823 = tpu.vector_load %arg8[%get3A_820, %get3A_821, %get3A_822] {strides = array<i32>} : memref<4x32x512xf32, #tpu.memory_space<vmem>>, vector<16xf32>,
        %mul3A_824 = arith.mulf %get3A_823, %get3A_460 : vector<16xf32>
        %add3A_825 = arith.addf %add3A_797, %mul3A_824 : vector<16xf32>
        %get3A_826 = arith.constant 0 : i32
        %get3A_827 = arith.index_cast %get3A_826 : i32 to index
        %get3A_828 = arith.index_cast %add3A_654 : i32 to index
        %get3A_829 = arith.constant 400 : index
        %get3A_830 = tpu.vector_load %arg8[%get3A_827, %get3A_828, %get3A_829] {strides = array<i32>} : memref<4x32x512xf32, #tpu.memory_space<vmem>>, vector<16xf32>,
        %mul3A_831 = arith.mulf %get3A_830, %get3A_462 : vector<16xf32>
        %add3A_832 = arith.addf %add3A_804, %mul3A_831 : vector<16xf32>
        %get3A_833 = arith.constant 0 : i32
        %get3A_834 = arith.index_cast %get3A_833 : i32 to index
        %get3A_835 = arith.index_cast %add3A_654 : i32 to index
        %get3A_836 = arith.constant 416 : index
        %get3A_837 = tpu.vector_load %arg8[%get3A_834, %get3A_835, %get3A_836] {strides = array<i32>} : memref<4x32x512xf32, #tpu.memory_space<vmem>>, vector<16xf32>,
        %mul3A_838 = arith.mulf %get3A_837, %get3A_464 : vector<16xf32>
        %add3A_839 = arith.addf %add3A_811, %mul3A_838 : vector<16xf32>
        %get3A_840 = arith.constant 0 : i32
        %get3A_841 = arith.index_cast %get3A_840 : i32 to index
        %get3A_842 = arith.index_cast %add3A_654 : i32 to index
        %get3A_843 = arith.constant 432 : index
        %get3A_844 = tpu.vector_load %arg8[%get3A_841, %get3A_842, %get3A_843] {strides = array<i32>} : memref<4x32x512xf32, #tpu.memory_space<vmem>>, vector<16xf32>,
        %mul3A_845 = arith.mulf %get3A_844, %get3A_466 : vector<16xf32>
        %add3A_846 = arith.addf %add3A_818, %mul3A_845 : vector<16xf32>
        %get3A_847 = arith.constant 0 : i32
        %get3A_848 = arith.index_cast %get3A_847 : i32 to index
        %get3A_849 = arith.index_cast %add3A_654 : i32 to index
        %get3A_850 = arith.constant 448 : index
        %get3A_851 = tpu.vector_load %arg8[%get3A_848, %get3A_849, %get3A_850] {strides = array<i32>} : memref<4x32x512xf32, #tpu.memory_space<vmem>>, vector<16xf32>,
        %mul3A_852 = arith.mulf %get3A_851, %get3A_468 : vector<16xf32>
        %add3A_853 = arith.addf %add3A_825, %mul3A_852 : vector<16xf32>
        %get3A_854 = arith.constant 0 : i32
        %get3A_855 = arith.index_cast %get3A_854 : i32 to index
        %get3A_856 = arith.index_cast %add3A_654 : i32 to index
        %get3A_857 = arith.constant 464 : index
        %get3A_858 = tpu.vector_load %arg8[%get3A_855, %get3A_856, %get3A_857] {strides = array<i32>} : memref<4x32x512xf32, #tpu.memory_space<vmem>>, vector<16xf32>,
        %mul3A_859 = arith.mulf %get3A_858, %get3A_470 : vector<16xf32>
        %add3A_860 = arith.addf %add3A_832, %mul3A_859 : vector<16xf32>
        %get3A_861 = arith.constant 0 : i32
        %get3A_862 = arith.index_cast %get3A_861 : i32 to index
        %get3A_863 = arith.index_cast %add3A_654 : i32 to index
        %get3A_864 = arith.constant 480 : index
        %get3A_865 = tpu.vector_load %arg8[%get3A_862, %get3A_863, %get3A_864] {strides = array<i32>} : memref<4x32x512xf32, #tpu.memory_space<vmem>>, vector<16xf32>,
        %mul3A_866 = arith.mulf %get3A_865, %get3A_472 : vector<16xf32>
        %add3A_867 = arith.addf %add3A_839, %mul3A_866 : vector<16xf32>
        %get3A_868 = arith.constant 0 : i32
        %get3A_869 = arith.index_cast %get3A_868 : i32 to index
        %get3A_870 = arith.index_cast %add3A_654 : i32 to index
        %get3A_871 = arith.constant 496 : index
        %get3A_872 = tpu.vector_load %arg8[%get3A_869, %get3A_870, %get3A_871] {strides = array<i32>} : memref<4x32x512xf32, #tpu.memory_space<vmem>>, vector<16xf32>,
        %mul3A_873 = arith.mulf %get3A_872, %get3A_474 : vector<16xf32>
        %add3A_874 = arith.addf %add3A_846, %mul3A_873 : vector<16xf32>
        %add3A_875 = arith.addf %add3A_853, %add3A_860 : vector<16xf32>
        %add3A_876 = arith.addf %add3A_867, %add3A_874 : vector<16xf32>
        %add3A_877 = arith.addf %add3A_875, %add3A_876 : vector<16xf32>
        %reduce_sum3A = arith.constant true
        %reduce_sum3A_878 = vector.broadcast %reduce_sum3A : i1 to vector<16xi1>
        %reduce_sum3A_879 = tpu.scan <sum>, %add3A_877 masked %reduce_sum3A_878 : vector<16xf32>, vector<16xi1> -> vector<16xf32>
        %reduce_sum3A_880 = vector.extract %reduce_sum3A_879[15] : f32 from vector<16xf32>
        %add3A_881 = arith.constant 1 : i32
        %add3A_882 = arith.addi %mul3A_652, %add3A_881 : i32
        %get3A_883 = arith.constant 0 : i32
        %get3A_884 = arith.index_cast %get3A_883 : i32 to index
        %get3A_885 = arith.index_cast %add3A_882 : i32 to index
        %get3A_886 = arith.constant 0 : index
        %get3A_887 = tpu.vector_load %arg8[%get3A_884, %get3A_885, %get3A_886] {strides = array<i32>} : memref<4x32x512xf32, #tpu.memory_space<vmem>>, vector<16xf32>,
        %mul3A_888 = arith.mulf %get3A_887, %get3A_412 : vector<16xf32>
        %get3A_889 = arith.constant 0 : i32
        %get3A_890 = arith.index_cast %get3A_889 : i32 to index
        %get3A_891 = arith.index_cast %add3A_882 : i32 to index
        %get3A_892 = arith.constant 16 : index
        %get3A_893 = tpu.vector_load %arg8[%get3A_890, %get3A_891, %get3A_892] {strides = array<i32>} : memref<4x32x512xf32, #tpu.memory_space<vmem>>, vector<16xf32>,
        %mul3A_894 = arith.mulf %get3A_893, %get3A_414 : vector<16xf32>
        %get3A_895 = arith.constant 0 : i32
        %get3A_896 = arith.index_cast %get3A_895 : i32 to index
        %get3A_897 = arith.index_cast %add3A_882 : i32 to index
        %get3A_898 = arith.constant 32 : index
        %get3A_899 = tpu.vector_load %arg8[%get3A_896, %get3A_897, %get3A_898] {strides = array<i32>} : memref<4x32x512xf32, #tpu.memory_space<vmem>>, vector<16xf32>,
        %mul3A_900 = arith.mulf %get3A_899, %get3A_416 : vector<16xf32>
        %get3A_901 = arith.constant 0 : i32
        %get3A_902 = arith.index_cast %get3A_901 : i32 to index
        %get3A_903 = arith.index_cast %add3A_882 : i32 to index
        %get3A_904 = arith.constant 48 : index
        %get3A_905 = tpu.vector_load %arg8[%get3A_902, %get3A_903, %get3A_904] {strides = array<i32>} : memref<4x32x512xf32, #tpu.memory_space<vmem>>, vector<16xf32>,
        %mul3A_906 = arith.mulf %get3A_905, %get3A_418 : vector<16xf32>
        %get3A_907 = arith.constant 0 : i32
        %get3A_908 = arith.index_cast %get3A_907 : i32 to index
        %get3A_909 = arith.index_cast %add3A_882 : i32 to index
        %get3A_910 = arith.constant 64 : index
        %get3A_911 = tpu.vector_load %arg8[%get3A_908, %get3A_909, %get3A_910] {strides = array<i32>} : memref<4x32x512xf32, #tpu.memory_space<vmem>>, vector<16xf32>,
        %mul3A_912 = arith.mulf %get3A_911, %get3A_420 : vector<16xf32>
        %add3A_913 = arith.addf %mul3A_888, %mul3A_912 : vector<16xf32>
        %get3A_914 = arith.constant 0 : i32
        %get3A_915 = arith.index_cast %get3A_914 : i32 to index
        %get3A_916 = arith.index_cast %add3A_882 : i32 to index
        %get3A_917 = arith.constant 80 : index
        %get3A_918 = tpu.vector_load %arg8[%get3A_915, %get3A_916, %get3A_917] {strides = array<i32>} : memref<4x32x512xf32, #tpu.memory_space<vmem>>, vector<16xf32>,
        %mul3A_919 = arith.mulf %get3A_918, %get3A_422 : vector<16xf32>
        %add3A_920 = arith.addf %mul3A_894, %mul3A_919 : vector<16xf32>
        %get3A_921 = arith.constant 0 : i32
        %get3A_922 = arith.index_cast %get3A_921 : i32 to index
        %get3A_923 = arith.index_cast %add3A_882 : i32 to index
        %get3A_924 = arith.constant 96 : index
        %get3A_925 = tpu.vector_load %arg8[%get3A_922, %get3A_923, %get3A_924] {strides = array<i32>} : memref<4x32x512xf32, #tpu.memory_space<vmem>>, vector<16xf32>,
        %mul3A_926 = arith.mulf %get3A_925, %get3A_424 : vector<16xf32>
        %add3A_927 = arith.addf %mul3A_900, %mul3A_926 : vector<16xf32>
        %get3A_928 = arith.constant 0 : i32
        %get3A_929 = arith.index_cast %get3A_928 : i32 to index
        %get3A_930 = arith.index_cast %add3A_882 : i32 to index
        %get3A_931 = arith.constant 112 : index
        %get3A_932 = tpu.vector_load %arg8[%get3A_929, %get3A_930, %get3A_931] {strides = array<i32>} : memref<4x32x512xf32, #tpu.memory_space<vmem>>, vector<16xf32>,
        %mul3A_933 = arith.mulf %get3A_932, %get3A_426 : vector<16xf32>
        %add3A_934 = arith.addf %mul3A_906, %mul3A_933 : vector<16xf32>
        %get3A_935 = arith.constant 0 : i32
        %get3A_936 = arith.index_cast %get3A_935 : i32 to index
        %get3A_937 = arith.index_cast %add3A_882 : i32 to index
        %get3A_938 = arith.constant 128 : index
        %get3A_939 = tpu.vector_load %arg8[%get3A_936, %get3A_937, %get3A_938] {strides = array<i32>} : memref<4x32x512xf32, #tpu.memory_space<vmem>>, vector<16xf32>,
        %mul3A_940 = arith.mulf %get3A_939, %get3A_428 : vector<16xf32>
        %add3A_941 = arith.addf %add3A_913, %mul3A_940 : vector<16xf32>
        %get3A_942 = arith.constant 0 : i32
        %get3A_943 = arith.index_cast %get3A_942 : i32 to index
        %get3A_944 = arith.index_cast %add3A_882 : i32 to index
        %get3A_945 = arith.constant 144 : index
        %get3A_946 = tpu.vector_load %arg8[%get3A_943, %get3A_944, %get3A_945] {strides = array<i32>} : memref<4x32x512xf32, #tpu.memory_space<vmem>>, vector<16xf32>,
        %mul3A_947 = arith.mulf %get3A_946, %get3A_430 : vector<16xf32>
        %add3A_948 = arith.addf %add3A_920, %mul3A_947 : vector<16xf32>
        %get3A_949 = arith.constant 0 : i32
        %get3A_950 = arith.index_cast %get3A_949 : i32 to index
        %get3A_951 = arith.index_cast %add3A_882 : i32 to index
        %get3A_952 = arith.constant 160 : index
        %get3A_953 = tpu.vector_load %arg8[%get3A_950, %get3A_951, %get3A_952] {strides = array<i32>} : memref<4x32x512xf32, #tpu.memory_space<vmem>>, vector<16xf32>,
        %mul3A_954 = arith.mulf %get3A_953, %get3A_432 : vector<16xf32>
        %add3A_955 = arith.addf %add3A_927, %mul3A_954 : vector<16xf32>
        %get3A_956 = arith.constant 0 : i32
        %get3A_957 = arith.index_cast %get3A_956 : i32 to index
        %get3A_958 = arith.index_cast %add3A_882 : i32 to index
        %get3A_959 = arith.constant 176 : index
        %get3A_960 = tpu.vector_load %arg8[%get3A_957, %get3A_958, %get3A_959] {strides = array<i32>} : memref<4x32x512xf32, #tpu.memory_space<vmem>>, vector<16xf32>,
        %mul3A_961 = arith.mulf %get3A_960, %get3A_434 : vector<16xf32>
        %add3A_962 = arith.addf %add3A_934, %mul3A_961 : vector<16xf32>
        %get3A_963 = arith.constant 0 : i32
        %get3A_964 = arith.index_cast %get3A_963 : i32 to index
        %get3A_965 = arith.index_cast %add3A_882 : i32 to index
        %get3A_966 = arith.constant 192 : index
        %get3A_967 = tpu.vector_load %arg8[%get3A_964, %get3A_965, %get3A_966] {strides = array<i32>} : memref<4x32x512xf32, #tpu.memory_space<vmem>>, vector<16xf32>,
        %mul3A_968 = arith.mulf %get3A_967, %get3A_436 : vector<16xf32>
        %add3A_969 = arith.addf %add3A_941, %mul3A_968 : vector<16xf32>
        %get3A_970 = arith.constant 0 : i32
        %get3A_971 = arith.index_cast %get3A_970 : i32 to index
        %get3A_972 = arith.index_cast %add3A_882 : i32 to index
        %get3A_973 = arith.constant 208 : index
        %get3A_974 = tpu.vector_load %arg8[%get3A_971, %get3A_972, %get3A_973] {strides = array<i32>} : memref<4x32x512xf32, #tpu.memory_space<vmem>>, vector<16xf32>,
        %mul3A_975 = arith.mulf %get3A_974, %get3A_438 : vector<16xf32>
        %add3A_976 = arith.addf %add3A_948, %mul3A_975 : vector<16xf32>
        %get3A_977 = arith.constant 0 : i32
        %get3A_978 = arith.index_cast %get3A_977 : i32 to index
        %get3A_979 = arith.index_cast %add3A_882 : i32 to index
        %get3A_980 = arith.constant 224 : index
        %get3A_981 = tpu.vector_load %arg8[%get3A_978, %get3A_979, %get3A_980] {strides = array<i32>} : memref<4x32x512xf32, #tpu.memory_space<vmem>>, vector<16xf32>,
        %mul3A_982 = arith.mulf %get3A_981, %get3A_440 : vector<16xf32>
        %add3A_983 = arith.addf %add3A_955, %mul3A_982 : vector<16xf32>
        %get3A_984 = arith.constant 0 : i32
        %get3A_985 = arith.index_cast %get3A_984 : i32 to index
        %get3A_986 = arith.index_cast %add3A_882 : i32 to index
        %get3A_987 = arith.constant 240 : index
        %get3A_988 = tpu.vector_load %arg8[%get3A_985, %get3A_986, %get3A_987] {strides = array<i32>} : memref<4x32x512xf32, #tpu.memory_space<vmem>>, vector<16xf32>,
        %mul3A_989 = arith.mulf %get3A_988, %get3A_442 : vector<16xf32>
        %add3A_990 = arith.addf %add3A_962, %mul3A_989 : vector<16xf32>
        %get3A_991 = arith.constant 0 : i32
        %get3A_992 = arith.index_cast %get3A_991 : i32 to index
        %get3A_993 = arith.index_cast %add3A_882 : i32 to index
        %get3A_994 = arith.constant 256 : index
        %get3A_995 = tpu.vector_load %arg8[%get3A_992, %get3A_993, %get3A_994] {strides = array<i32>} : memref<4x32x512xf32, #tpu.memory_space<vmem>>, vector<16xf32>,
        %mul3A_996 = arith.mulf %get3A_995, %get3A_444 : vector<16xf32>
        %add3A_997 = arith.addf %add3A_969, %mul3A_996 : vector<16xf32>
        %get3A_998 = arith.constant 0 : i32
        %get3A_999 = arith.index_cast %get3A_998 : i32 to index
        %get3A_1000 = arith.index_cast %add3A_882 : i32 to index
        %get3A_1001 = arith.constant 272 : index
        %get3A_1002 = tpu.vector_load %arg8[%get3A_999, %get3A_1000, %get3A_1001] {strides = array<i32>} : memref<4x32x512xf32, #tpu.memory_space<vmem>>, vector<16xf32>,
        %mul3A_1003 = arith.mulf %get3A_1002, %get3A_446 : vector<16xf32>
        %add3A_1004 = arith.addf %add3A_976, %mul3A_1003 : vector<16xf32>
        %get3A_1005 = arith.constant 0 : i32
        %get3A_1006 = arith.index_cast %get3A_1005 : i32 to index
        %get3A_1007 = arith.index_cast %add3A_882 : i32 to index
        %get3A_1008 = arith.constant 288 : index
        %get3A_1009 = tpu.vector_load %arg8[%get3A_1006, %get3A_1007, %get3A_1008] {strides = array<i32>} : memref<4x32x512xf32, #tpu.memory_space<vmem>>, vector<16xf32>,
        %mul3A_1010 = arith.mulf %get3A_1009, %get3A_448 : vector<16xf32>
        %add3A_1011 = arith.addf %add3A_983, %mul3A_1010 : vector<16xf32>
        %get3A_1012 = arith.constant 0 : i32
        %get3A_1013 = arith.index_cast %get3A_1012 : i32 to index
        %get3A_1014 = arith.index_cast %add3A_882 : i32 to index
        %get3A_1015 = arith.constant 304 : index
        %get3A_1016 = tpu.vector_load %arg8[%get3A_1013, %get3A_1014, %get3A_1015] {strides = array<i32>} : memref<4x32x512xf32, #tpu.memory_space<vmem>>, vector<16xf32>,
        %mul3A_1017 = arith.mulf %get3A_1016, %get3A_450 : vector<16xf32>
        %add3A_1018 = arith.addf %add3A_990, %mul3A_1017 : vector<16xf32>
        %get3A_1019 = arith.constant 0 : i32
        %get3A_1020 = arith.index_cast %get3A_1019 : i32 to index
        %get3A_1021 = arith.index_cast %add3A_882 : i32 to index
        %get3A_1022 = arith.constant 320 : index
        %get3A_1023 = tpu.vector_load %arg8[%get3A_1020, %get3A_1021, %get3A_1022] {strides = array<i32>} : memref<4x32x512xf32, #tpu.memory_space<vmem>>, vector<16xf32>,
        %mul3A_1024 = arith.mulf %get3A_1023, %get3A_452 : vector<16xf32>
        %add3A_1025 = arith.addf %add3A_997, %mul3A_1024 : vector<16xf32>
        %get3A_1026 = arith.constant 0 : i32
        %get3A_1027 = arith.index_cast %get3A_1026 : i32 to index
        %get3A_1028 = arith.index_cast %add3A_882 : i32 to index
        %get3A_1029 = arith.constant 336 : index
        %get3A_1030 = tpu.vector_load %arg8[%get3A_1027, %get3A_1028, %get3A_1029] {strides = array<i32>} : memref<4x32x512xf32, #tpu.memory_space<vmem>>, vector<16xf32>,
        %mul3A_1031 = arith.mulf %get3A_1030, %get3A_454 : vector<16xf32>
        %add3A_1032 = arith.addf %add3A_1004, %mul3A_1031 : vector<16xf32>
        %get3A_1033 = arith.constant 0 : i32
        %get3A_1034 = arith.index_cast %get3A_1033 : i32 to index
        %get3A_1035 = arith.index_cast %add3A_882 : i32 to index
        %get3A_1036 = arith.constant 352 : index
        %get3A_1037 = tpu.vector_load %arg8[%get3A_1034, %get3A_1035, %get3A_1036] {strides = array<i32>} : memref<4x32x512xf32, #tpu.memory_space<vmem>>, vector<16xf32>,
        %mul3A_1038 = arith.mulf %get3A_1037, %get3A_456 : vector<16xf32>
        %add3A_1039 = arith.addf %add3A_1011, %mul3A_1038 : vector<16xf32>
        %get3A_1040 = arith.constant 0 : i32
        %get3A_1041 = arith.index_cast %get3A_1040 : i32 to index
        %get3A_1042 = arith.index_cast %add3A_882 : i32 to index
        %get3A_1043 = arith.constant 368 : index
        %get3A_1044 = tpu.vector_load %arg8[%get3A_1041, %get3A_1042, %get3A_1043] {strides = array<i32>} : memref<4x32x512xf32, #tpu.memory_space<vmem>>, vector<16xf32>,
        %mul3A_1045 = arith.mulf %get3A_1044, %get3A_458 : vector<16xf32>
        %add3A_1046 = arith.addf %add3A_1018, %mul3A_1045 : vector<16xf32>
        %get3A_1047 = arith.constant 0 : i32
        %get3A_1048 = arith.index_cast %get3A_1047 : i32 to index
        %get3A_1049 = arith.index_cast %add3A_882 : i32 to index
        %get3A_1050 = arith.constant 384 : index
        %get3A_1051 = tpu.vector_load %arg8[%get3A_1048, %get3A_1049, %get3A_1050] {strides = array<i32>} : memref<4x32x512xf32, #tpu.memory_space<vmem>>, vector<16xf32>,
        %mul3A_1052 = arith.mulf %get3A_1051, %get3A_460 : vector<16xf32>
        %add3A_1053 = arith.addf %add3A_1025, %mul3A_1052 : vector<16xf32>
        %get3A_1054 = arith.constant 0 : i32
        %get3A_1055 = arith.index_cast %get3A_1054 : i32 to index
        %get3A_1056 = arith.index_cast %add3A_882 : i32 to index
        %get3A_1057 = arith.constant 400 : index
        %get3A_1058 = tpu.vector_load %arg8[%get3A_1055, %get3A_1056, %get3A_1057] {strides = array<i32>} : memref<4x32x512xf32, #tpu.memory_space<vmem>>, vector<16xf32>,
        %mul3A_1059 = arith.mulf %get3A_1058, %get3A_462 : vector<16xf32>
        %add3A_1060 = arith.addf %add3A_1032, %mul3A_1059 : vector<16xf32>
        %get3A_1061 = arith.constant 0 : i32
        %get3A_1062 = arith.index_cast %get3A_1061 : i32 to index
        %get3A_1063 = arith.index_cast %add3A_882 : i32 to index
        %get3A_1064 = arith.constant 416 : index
        %get3A_1065 = tpu.vector_load %arg8[%get3A_1062, %get3A_1063, %get3A_1064] {strides = array<i32>} : memref<4x32x512xf32, #tpu.memory_space<vmem>>, vector<16xf32>,
        %mul3A_1066 = arith.mulf %get3A_1065, %get3A_464 : vector<16xf32>
        %add3A_1067 = arith.addf %add3A_1039, %mul3A_1066 : vector<16xf32>
        %get3A_1068 = arith.constant 0 : i32
        %get3A_1069 = arith.index_cast %get3A_1068 : i32 to index
        %get3A_1070 = arith.index_cast %add3A_882 : i32 to index
        %get3A_1071 = arith.constant 432 : index
        %get3A_1072 = tpu.vector_load %arg8[%get3A_1069, %get3A_1070, %get3A_1071] {strides = array<i32>} : memref<4x32x512xf32, #tpu.memory_space<vmem>>, vector<16xf32>,
        %mul3A_1073 = arith.mulf %get3A_1072, %get3A_466 : vector<16xf32>
        %add3A_1074 = arith.addf %add3A_1046, %mul3A_1073 : vector<16xf32>
        %get3A_1075 = arith.constant 0 : i32
        %get3A_1076 = arith.index_cast %get3A_1075 : i32 to index
        %get3A_1077 = arith.index_cast %add3A_882 : i32 to index
        %get3A_1078 = arith.constant 448 : index
        %get3A_1079 = tpu.vector_load %arg8[%get3A_1076, %get3A_1077, %get3A_1078] {strides = array<i32>} : memref<4x32x512xf32, #tpu.memory_space<vmem>>, vector<16xf32>,
        %mul3A_1080 = arith.mulf %get3A_1079, %get3A_468 : vector<16xf32>
        %add3A_1081 = arith.addf %add3A_1053, %mul3A_1080 : vector<16xf32>
        %get3A_1082 = arith.constant 0 : i32
        %get3A_1083 = arith.index_cast %get3A_1082 : i32 to index
        %get3A_1084 = arith.index_cast %add3A_882 : i32 to index
        %get3A_1085 = arith.constant 464 : index
        %get3A_1086 = tpu.vector_load %arg8[%get3A_1083, %get3A_1084, %get3A_1085] {strides = array<i32>} : memref<4x32x512xf32, #tpu.memory_space<vmem>>, vector<16xf32>,
        %mul3A_1087 = arith.mulf %get3A_1086, %get3A_470 : vector<16xf32>
        %add3A_1088 = arith.addf %add3A_1060, %mul3A_1087 : vector<16xf32>
        %get3A_1089 = arith.constant 0 : i32
        %get3A_1090 = arith.index_cast %get3A_1089 : i32 to index
        %get3A_1091 = arith.index_cast %add3A_882 : i32 to index
        %get3A_1092 = arith.constant 480 : index
        %get3A_1093 = tpu.vector_load %arg8[%get3A_1090, %get3A_1091, %get3A_1092] {strides = array<i32>} : memref<4x32x512xf32, #tpu.memory_space<vmem>>, vector<16xf32>,
        %mul3A_1094 = arith.mulf %get3A_1093, %get3A_472 : vector<16xf32>
        %add3A_1095 = arith.addf %add3A_1067, %mul3A_1094 : vector<16xf32>
        %get3A_1096 = arith.constant 0 : i32
        %get3A_1097 = arith.index_cast %get3A_1096 : i32 to index
        %get3A_1098 = arith.index_cast %add3A_882 : i32 to index
        %get3A_1099 = arith.constant 496 : index
        %get3A_1100 = tpu.vector_load %arg8[%get3A_1097, %get3A_1098, %get3A_1099] {strides = array<i32>} : memref<4x32x512xf32, #tpu.memory_space<vmem>>, vector<16xf32>,
        %mul3A_1101 = arith.mulf %get3A_1100, %get3A_474 : vector<16xf32>
        %add3A_1102 = arith.addf %add3A_1074, %mul3A_1101 : vector<16xf32>
        %add3A_1103 = arith.addf %add3A_1081, %add3A_1088 : vector<16xf32>
        %add3A_1104 = arith.addf %add3A_1095, %add3A_1102 : vector<16xf32>
        %add3A_1105 = arith.addf %add3A_1103, %add3A_1104 : vector<16xf32>
        %reduce_sum3A_1106 = arith.constant true
        %reduce_sum3A_1107 = vector.broadcast %reduce_sum3A_1106 : i1 to vector<16xi1>
        %reduce_sum3A_1108 = tpu.scan <sum>, %add3A_1105 masked %reduce_sum3A_1107 : vector<16xf32>, vector<16xi1> -> vector<16xf32>
        %reduce_sum3A_1109 = vector.extract %reduce_sum3A_1108[15] : f32 from vector<16xf32>
        %add3A_1110 = arith.addi %add3A_524, %mul3A_652 : i32
        %add3A_1111 = arith.constant 0 : i32
        %add3A_1112 = arith.addi %add3A_1110, %add3A_1111 : i32
        %gt3A = arith.cmpf ogt, %reduce_sum3A_880, %scan3A_647 : f32
        %select_n3A_1113 = arith.select %gt3A, %reduce_sum3A_880, %scan3A_647 : f32
        %select_n3A_1114 = arith.select %gt3A, %add3A_1112, %scan3A_648 : i32
        %lt3A_1115 = arith.cmpf olt, %reduce_sum3A_880, %scan3A_649 : f32
        %select_n3A_1116 = arith.select %lt3A_1115, %reduce_sum3A_880, %scan3A_649 : f32
        %select_n3A_1117 = arith.select %lt3A_1115, %add3A_1112, %scan3A_650 : i32
        %add3A_1118 = arith.addi %add3A_524, %mul3A_652 : i32
        %add3A_1119 = arith.constant 1 : i32
        %add3A_1120 = arith.addi %add3A_1118, %add3A_1119 : i32
        %gt3A_1121 = arith.cmpf ogt, %reduce_sum3A_1109, %select_n3A_1113 : f32
        %select_n3A_1122 = arith.select %gt3A_1121, %reduce_sum3A_1109, %select_n3A_1113 : f32
        %select_n3A_1123 = arith.select %gt3A_1121, %add3A_1120, %select_n3A_1114 : i32
        %lt3A_1124 = arith.cmpf olt, %reduce_sum3A_1109, %select_n3A_1116 : f32
        %select_n3A_1125 = arith.select %lt3A_1124, %reduce_sum3A_1109, %select_n3A_1116 : f32
        %select_n3A_1126 = arith.select %lt3A_1124, %add3A_1120, %select_n3A_1117 : i32
        scf.yield %select_n3A_1122, %select_n3A_1123, %select_n3A_1125, %select_n3A_1126 : f32, i32, f32, i32
      }
      %scan3A_542 = arith.constant 16 : i32
      %add3A_543 = arith.constant 4 : i32
      %add3A_544 = arith.addi %add3A_521, %add3A_543 : i32
      %lt3A = arith.constant 32 : i32
      %lt3A_545 = arith.cmpi slt, %add3A_544, %lt3A : i32
      %convert_element_type3A = arith.extui %lt3A_545 : i1 to i32
      %cond3A = arith.constant 0 : i32
      %cond3A_546 = arith.cmpi ne, %convert_element_type3A, %cond3A : i32
      scf.if %cond3A_546 {
        %add3A_646 = arith.constant 128 : i32
        %add3A_647 = arith.addi %add3A_524, %add3A_646 : i32
        %dma_start3A_648 = arith.constant 0 : i32
        %dma_start3A_649 = arith.constant 0 : i32
        %dma_start3A_650 = arith.constant 0 : i32
        %dma_start3A_651 = tpu.memref_slice %arg8[%dma_start3A_648, %dma_start3A_649, %dma_start3A_650] : memref<4x32x512xf32, #tpu.memory_space<vmem>> -> memref<1x32x512xf32, #tpu.memory_space<vmem>>
        %dma_start3A_652 = tpu.memref_squeeze %dma_start3A_651 : memref<1x32x512xf32, #tpu.memory_space<vmem>> -> memref<32x512xf32, #tpu.memory_space<vmem>>
        %dma_start3A_653 = arith.constant 0 : i32
        %dma_start3A_654 = tpu.memref_slice %arg2[%add3A_647, %dma_start3A_653] : memref<32768x512xf32, #tpu.memory_space<hbm>> -> memref<32x512xf32, #tpu.memory_space<hbm>>
        %dma_start3A_655 = arith.constant 0 : i32
        %dma_start3A_656 = arith.constant 0 : i32
        %dma_start3A_657 = tpu.memref_slice %arg8[%dma_start3A_648, %dma_start3A_655, %dma_start3A_656] : memref<4x32x512xf32, #tpu.memory_space<vmem>> -> memref<1x32x512xf32, #tpu.memory_space<vmem>>
        %dma_start3A_658 = tpu.memref_squeeze %dma_start3A_657 : memref<1x32x512xf32, #tpu.memory_space<vmem>> -> memref<32x512xf32, #tpu.memory_space<vmem>>
        %dma_start3A_659 = arith.constant 0 : i32
        %dma_start3A_660 = tpu.memref_slice %arg2[%add3A_647, %dma_start3A_659] : memref<32768x512xf32, #tpu.memory_space<hbm>> -> memref<32x512xf32, #tpu.memory_space<hbm>>
        tpu.enqueue_dma source(%dma_start3A_660 : memref<32x512xf32, #tpu.memory_space<hbm>>) target(%dma_start3A_658 : memref<32x512xf32, #tpu.memory_space<vmem>>) target_semaphore(%arg11 : memref<!tpu.dma_semaphore, #tpu.memory_space<semaphore_mem>>)
      } else {
      }
      %mul3A_547 = arith.constant 4 : i32
      %mul3A_548 = arith.muli %mul3A_547, %scan3A_513 : i32
      %add3A_549 = arith.constant 1 : i32
      %add3A_550 = arith.addi %mul3A_548, %add3A_549 : i32
      %mul3A_551 = arith.constant 32 : i32
      %mul3A_552 = arith.muli %add3A_550, %mul3A_551 : i32
      %add3A_553 = arith.addi %mul3A_2, %mul3A_552 : i32
      %dma_wait3A_554 = arith.constant 1 : i32
      %dma_wait3A_555 = arith.constant 0 : i32
      %dma_wait3A_556 = arith.constant 0 : i32
      %dma_wait3A_557 = tpu.memref_slice %arg8[%dma_wait3A_554, %dma_wait3A_555, %dma_wait3A_556] : memref<4x32x512xf32, #tpu.memory_space<vmem>> -> memref<1x32x512xf32, #tpu.memory_space<vmem>>
      %dma_wait3A_558 = tpu.memref_squeeze %dma_wait3A_557 : memref<1x32x512xf32, #tpu.memory_space<vmem>> -> memref<32x512xf32, #tpu.memory_space<vmem>>
      %dma_wait3A_559 = arith.constant 0 : i32
      %dma_wait3A_560 = tpu.memref_slice %arg2[%add3A_553, %dma_wait3A_559] : memref<32768x512xf32, #tpu.memory_space<hbm>> -> memref<32x512xf32, #tpu.memory_space<hbm>>
      %dma_wait3A_561 = arith.constant 0 : i32
      %dma_wait3A_562 = arith.constant 0 : i32
      %dma_wait3A_563 = tpu.memref_slice %arg8[%dma_wait3A_554, %dma_wait3A_561, %dma_wait3A_562] : memref<4x32x512xf32, #tpu.memory_space<vmem>> -> memref<1x32x512xf32, #tpu.memory_space<vmem>>
      %dma_wait3A_564 = tpu.memref_squeeze %dma_wait3A_563 : memref<1x32x512xf32, #tpu.memory_space<vmem>> -> memref<32x512xf32, #tpu.memory_space<vmem>>
      %dma_wait3A_565 = arith.constant 0 : i32
      %dma_wait3A_566 = tpu.memref_slice %arg2[%add3A_553, %dma_wait3A_565] : memref<32768x512xf32, #tpu.memory_space<hbm>> -> memref<32x512xf32, #tpu.memory_space<hbm>>
      tpu.wait_dma2 semaphore(%arg12 : memref<!tpu.dma_semaphore, #tpu.memory_space<semaphore_mem>>) src(%dma_wait3A_566 : memref<32x512xf32, #tpu.memory_space<hbm>>) dst(%dma_wait3A_564 : memref<32x512xf32, #tpu.memory_space<vmem>>)
      %scan3A_567 = arith.constant 0 : i32
      %scan3A_568 = arith.constant 16 : i32
      %scan3A_569 = arith.addi %scan3A_567, %scan3A_568 : i32
      %scan3A_570 = arith.constant 1 : i32
      %scan3A_571:4 = scf.for %scan3A_646 = %scan3A_567 to %scan3A_569 step %scan3A_570 iter_args(%scan3A_647 = %scan3A_541#0, %scan3A_648 = %scan3A_541#1, %scan3A_649 = %scan3A_541#2, %scan3A_650 = %scan3A_541#3) -> (f32, i32, f32, i32)  : i32 {
        %mul3A_651 = arith.constant 2 : i32
        %mul3A_652 = arith.muli %scan3A_646, %mul3A_651 : i32
        %add3A_653 = arith.constant 0 : i32
        %add3A_654 = arith.addi %mul3A_652, %add3A_653 : i32
        %get3A_655 = arith.constant 1 : i32
        %get3A_656 = arith.index_cast %get3A_655 : i32 to index
        %get3A_657 = arith.index_cast %add3A_654 : i32 to index
        %get3A_658 = arith.constant 0 : index
        %get3A_659 = tpu.vector_load %arg8[%get3A_656, %get3A_657, %get3A_658] {strides = array<i32>} : memref<4x32x512xf32, #tpu.memory_space<vmem>>, vector<16xf32>,
        %mul3A_660 = arith.mulf %get3A_659, %get3A_412 : vector<16xf32>
        %get3A_661 = arith.constant 1 : i32
        %get3A_662 = arith.index_cast %get3A_661 : i32 to index
        %get3A_663 = arith.index_cast %add3A_654 : i32 to index
        %get3A_664 = arith.constant 16 : index
        %get3A_665 = tpu.vector_load %arg8[%get3A_662, %get3A_663, %get3A_664] {strides = array<i32>} : memref<4x32x512xf32, #tpu.memory_space<vmem>>, vector<16xf32>,
        %mul3A_666 = arith.mulf %get3A_665, %get3A_414 : vector<16xf32>
        %get3A_667 = arith.constant 1 : i32
        %get3A_668 = arith.index_cast %get3A_667 : i32 to index
        %get3A_669 = arith.index_cast %add3A_654 : i32 to index
        %get3A_670 = arith.constant 32 : index
        %get3A_671 = tpu.vector_load %arg8[%get3A_668, %get3A_669, %get3A_670] {strides = array<i32>} : memref<4x32x512xf32, #tpu.memory_space<vmem>>, vector<16xf32>,
        %mul3A_672 = arith.mulf %get3A_671, %get3A_416 : vector<16xf32>
        %get3A_673 = arith.constant 1 : i32
        %get3A_674 = arith.index_cast %get3A_673 : i32 to index
        %get3A_675 = arith.index_cast %add3A_654 : i32 to index
        %get3A_676 = arith.constant 48 : index
        %get3A_677 = tpu.vector_load %arg8[%get3A_674, %get3A_675, %get3A_676] {strides = array<i32>} : memref<4x32x512xf32, #tpu.memory_space<vmem>>, vector<16xf32>,
        %mul3A_678 = arith.mulf %get3A_677, %get3A_418 : vector<16xf32>
        %get3A_679 = arith.constant 1 : i32
        %get3A_680 = arith.index_cast %get3A_679 : i32 to index
        %get3A_681 = arith.index_cast %add3A_654 : i32 to index
        %get3A_682 = arith.constant 64 : index
        %get3A_683 = tpu.vector_load %arg8[%get3A_680, %get3A_681, %get3A_682] {strides = array<i32>} : memref<4x32x512xf32, #tpu.memory_space<vmem>>, vector<16xf32>,
        %mul3A_684 = arith.mulf %get3A_683, %get3A_420 : vector<16xf32>
        %add3A_685 = arith.addf %mul3A_660, %mul3A_684 : vector<16xf32>
        %get3A_686 = arith.constant 1 : i32
        %get3A_687 = arith.index_cast %get3A_686 : i32 to index
        %get3A_688 = arith.index_cast %add3A_654 : i32 to index
        %get3A_689 = arith.constant 80 : index
        %get3A_690 = tpu.vector_load %arg8[%get3A_687, %get3A_688, %get3A_689] {strides = array<i32>} : memref<4x32x512xf32, #tpu.memory_space<vmem>>, vector<16xf32>,
        %mul3A_691 = arith.mulf %get3A_690, %get3A_422 : vector<16xf32>
        %add3A_692 = arith.addf %mul3A_666, %mul3A_691 : vector<16xf32>
        %get3A_693 = arith.constant 1 : i32
        %get3A_694 = arith.index_cast %get3A_693 : i32 to index
        %get3A_695 = arith.index_cast %add3A_654 : i32 to index
        %get3A_696 = arith.constant 96 : index
        %get3A_697 = tpu.vector_load %arg8[%get3A_694, %get3A_695, %get3A_696] {strides = array<i32>} : memref<4x32x512xf32, #tpu.memory_space<vmem>>, vector<16xf32>,
        %mul3A_698 = arith.mulf %get3A_697, %get3A_424 : vector<16xf32>
        %add3A_699 = arith.addf %mul3A_672, %mul3A_698 : vector<16xf32>
        %get3A_700 = arith.constant 1 : i32
        %get3A_701 = arith.index_cast %get3A_700 : i32 to index
        %get3A_702 = arith.index_cast %add3A_654 : i32 to index
        %get3A_703 = arith.constant 112 : index
        %get3A_704 = tpu.vector_load %arg8[%get3A_701, %get3A_702, %get3A_703] {strides = array<i32>} : memref<4x32x512xf32, #tpu.memory_space<vmem>>, vector<16xf32>,
        %mul3A_705 = arith.mulf %get3A_704, %get3A_426 : vector<16xf32>
        %add3A_706 = arith.addf %mul3A_678, %mul3A_705 : vector<16xf32>
        %get3A_707 = arith.constant 1 : i32
        %get3A_708 = arith.index_cast %get3A_707 : i32 to index
        %get3A_709 = arith.index_cast %add3A_654 : i32 to index
        %get3A_710 = arith.constant 128 : index
        %get3A_711 = tpu.vector_load %arg8[%get3A_708, %get3A_709, %get3A_710] {strides = array<i32>} : memref<4x32x512xf32, #tpu.memory_space<vmem>>, vector<16xf32>,
        %mul3A_712 = arith.mulf %get3A_711, %get3A_428 : vector<16xf32>
        %add3A_713 = arith.addf %add3A_685, %mul3A_712 : vector<16xf32>
        %get3A_714 = arith.constant 1 : i32
        %get3A_715 = arith.index_cast %get3A_714 : i32 to index
        %get3A_716 = arith.index_cast %add3A_654 : i32 to index
        %get3A_717 = arith.constant 144 : index
        %get3A_718 = tpu.vector_load %arg8[%get3A_715, %get3A_716, %get3A_717] {strides = array<i32>} : memref<4x32x512xf32, #tpu.memory_space<vmem>>, vector<16xf32>,
        %mul3A_719 = arith.mulf %get3A_718, %get3A_430 : vector<16xf32>
        %add3A_720 = arith.addf %add3A_692, %mul3A_719 : vector<16xf32>
        %get3A_721 = arith.constant 1 : i32
        %get3A_722 = arith.index_cast %get3A_721 : i32 to index
        %get3A_723 = arith.index_cast %add3A_654 : i32 to index
        %get3A_724 = arith.constant 160 : index
        %get3A_725 = tpu.vector_load %arg8[%get3A_722, %get3A_723, %get3A_724] {strides = array<i32>} : memref<4x32x512xf32, #tpu.memory_space<vmem>>, vector<16xf32>,
        %mul3A_726 = arith.mulf %get3A_725, %get3A_432 : vector<16xf32>
        %add3A_727 = arith.addf %add3A_699, %mul3A_726 : vector<16xf32>
        %get3A_728 = arith.constant 1 : i32
        %get3A_729 = arith.index_cast %get3A_728 : i32 to index
        %get3A_730 = arith.index_cast %add3A_654 : i32 to index
        %get3A_731 = arith.constant 176 : index
        %get3A_732 = tpu.vector_load %arg8[%get3A_729, %get3A_730, %get3A_731] {strides = array<i32>} : memref<4x32x512xf32, #tpu.memory_space<vmem>>, vector<16xf32>,
        %mul3A_733 = arith.mulf %get3A_732, %get3A_434 : vector<16xf32>
        %add3A_734 = arith.addf %add3A_706, %mul3A_733 : vector<16xf32>
        %get3A_735 = arith.constant 1 : i32
        %get3A_736 = arith.index_cast %get3A_735 : i32 to index
        %get3A_737 = arith.index_cast %add3A_654 : i32 to index
        %get3A_738 = arith.constant 192 : index
        %get3A_739 = tpu.vector_load %arg8[%get3A_736, %get3A_737, %get3A_738] {strides = array<i32>} : memref<4x32x512xf32, #tpu.memory_space<vmem>>, vector<16xf32>,
        %mul3A_740 = arith.mulf %get3A_739, %get3A_436 : vector<16xf32>
        %add3A_741 = arith.addf %add3A_713, %mul3A_740 : vector<16xf32>
        %get3A_742 = arith.constant 1 : i32
        %get3A_743 = arith.index_cast %get3A_742 : i32 to index
        %get3A_744 = arith.index_cast %add3A_654 : i32 to index
        %get3A_745 = arith.constant 208 : index
        %get3A_746 = tpu.vector_load %arg8[%get3A_743, %get3A_744, %get3A_745] {strides = array<i32>} : memref<4x32x512xf32, #tpu.memory_space<vmem>>, vector<16xf32>,
        %mul3A_747 = arith.mulf %get3A_746, %get3A_438 : vector<16xf32>
        %add3A_748 = arith.addf %add3A_720, %mul3A_747 : vector<16xf32>
        %get3A_749 = arith.constant 1 : i32
        %get3A_750 = arith.index_cast %get3A_749 : i32 to index
        %get3A_751 = arith.index_cast %add3A_654 : i32 to index
        %get3A_752 = arith.constant 224 : index
        %get3A_753 = tpu.vector_load %arg8[%get3A_750, %get3A_751, %get3A_752] {strides = array<i32>} : memref<4x32x512xf32, #tpu.memory_space<vmem>>, vector<16xf32>,
        %mul3A_754 = arith.mulf %get3A_753, %get3A_440 : vector<16xf32>
        %add3A_755 = arith.addf %add3A_727, %mul3A_754 : vector<16xf32>
        %get3A_756 = arith.constant 1 : i32
        %get3A_757 = arith.index_cast %get3A_756 : i32 to index
        %get3A_758 = arith.index_cast %add3A_654 : i32 to index
        %get3A_759 = arith.constant 240 : index
        %get3A_760 = tpu.vector_load %arg8[%get3A_757, %get3A_758, %get3A_759] {strides = array<i32>} : memref<4x32x512xf32, #tpu.memory_space<vmem>>, vector<16xf32>,
        %mul3A_761 = arith.mulf %get3A_760, %get3A_442 : vector<16xf32>
        %add3A_762 = arith.addf %add3A_734, %mul3A_761 : vector<16xf32>
        %get3A_763 = arith.constant 1 : i32
        %get3A_764 = arith.index_cast %get3A_763 : i32 to index
        %get3A_765 = arith.index_cast %add3A_654 : i32 to index
        %get3A_766 = arith.constant 256 : index
        %get3A_767 = tpu.vector_load %arg8[%get3A_764, %get3A_765, %get3A_766] {strides = array<i32>} : memref<4x32x512xf32, #tpu.memory_space<vmem>>, vector<16xf32>,
        %mul3A_768 = arith.mulf %get3A_767, %get3A_444 : vector<16xf32>
        %add3A_769 = arith.addf %add3A_741, %mul3A_768 : vector<16xf32>
        %get3A_770 = arith.constant 1 : i32
        %get3A_771 = arith.index_cast %get3A_770 : i32 to index
        %get3A_772 = arith.index_cast %add3A_654 : i32 to index
        %get3A_773 = arith.constant 272 : index
        %get3A_774 = tpu.vector_load %arg8[%get3A_771, %get3A_772, %get3A_773] {strides = array<i32>} : memref<4x32x512xf32, #tpu.memory_space<vmem>>, vector<16xf32>,
        %mul3A_775 = arith.mulf %get3A_774, %get3A_446 : vector<16xf32>
        %add3A_776 = arith.addf %add3A_748, %mul3A_775 : vector<16xf32>
        %get3A_777 = arith.constant 1 : i32
        %get3A_778 = arith.index_cast %get3A_777 : i32 to index
        %get3A_779 = arith.index_cast %add3A_654 : i32 to index
        %get3A_780 = arith.constant 288 : index
        %get3A_781 = tpu.vector_load %arg8[%get3A_778, %get3A_779, %get3A_780] {strides = array<i32>} : memref<4x32x512xf32, #tpu.memory_space<vmem>>, vector<16xf32>,
        %mul3A_782 = arith.mulf %get3A_781, %get3A_448 : vector<16xf32>
        %add3A_783 = arith.addf %add3A_755, %mul3A_782 : vector<16xf32>
        %get3A_784 = arith.constant 1 : i32
        %get3A_785 = arith.index_cast %get3A_784 : i32 to index
        %get3A_786 = arith.index_cast %add3A_654 : i32 to index
        %get3A_787 = arith.constant 304 : index
        %get3A_788 = tpu.vector_load %arg8[%get3A_785, %get3A_786, %get3A_787] {strides = array<i32>} : memref<4x32x512xf32, #tpu.memory_space<vmem>>, vector<16xf32>,
        %mul3A_789 = arith.mulf %get3A_788, %get3A_450 : vector<16xf32>
        %add3A_790 = arith.addf %add3A_762, %mul3A_789 : vector<16xf32>
        %get3A_791 = arith.constant 1 : i32
        %get3A_792 = arith.index_cast %get3A_791 : i32 to index
        %get3A_793 = arith.index_cast %add3A_654 : i32 to index
        %get3A_794 = arith.constant 320 : index
        %get3A_795 = tpu.vector_load %arg8[%get3A_792, %get3A_793, %get3A_794] {strides = array<i32>} : memref<4x32x512xf32, #tpu.memory_space<vmem>>, vector<16xf32>,
        %mul3A_796 = arith.mulf %get3A_795, %get3A_452 : vector<16xf32>
        %add3A_797 = arith.addf %add3A_769, %mul3A_796 : vector<16xf32>
        %get3A_798 = arith.constant 1 : i32
        %get3A_799 = arith.index_cast %get3A_798 : i32 to index
        %get3A_800 = arith.index_cast %add3A_654 : i32 to index
        %get3A_801 = arith.constant 336 : index
        %get3A_802 = tpu.vector_load %arg8[%get3A_799, %get3A_800, %get3A_801] {strides = array<i32>} : memref<4x32x512xf32, #tpu.memory_space<vmem>>, vector<16xf32>,
        %mul3A_803 = arith.mulf %get3A_802, %get3A_454 : vector<16xf32>
        %add3A_804 = arith.addf %add3A_776, %mul3A_803 : vector<16xf32>
        %get3A_805 = arith.constant 1 : i32
        %get3A_806 = arith.index_cast %get3A_805 : i32 to index
        %get3A_807 = arith.index_cast %add3A_654 : i32 to index
        %get3A_808 = arith.constant 352 : index
        %get3A_809 = tpu.vector_load %arg8[%get3A_806, %get3A_807, %get3A_808] {strides = array<i32>} : memref<4x32x512xf32, #tpu.memory_space<vmem>>, vector<16xf32>,
        %mul3A_810 = arith.mulf %get3A_809, %get3A_456 : vector<16xf32>
        %add3A_811 = arith.addf %add3A_783, %mul3A_810 : vector<16xf32>
        %get3A_812 = arith.constant 1 : i32
        %get3A_813 = arith.index_cast %get3A_812 : i32 to index
        %get3A_814 = arith.index_cast %add3A_654 : i32 to index
        %get3A_815 = arith.constant 368 : index
        %get3A_816 = tpu.vector_load %arg8[%get3A_813, %get3A_814, %get3A_815] {strides = array<i32>} : memref<4x32x512xf32, #tpu.memory_space<vmem>>, vector<16xf32>,
        %mul3A_817 = arith.mulf %get3A_816, %get3A_458 : vector<16xf32>
        %add3A_818 = arith.addf %add3A_790, %mul3A_817 : vector<16xf32>
        %get3A_819 = arith.constant 1 : i32
        %get3A_820 = arith.index_cast %get3A_819 : i32 to index
        %get3A_821 = arith.index_cast %add3A_654 : i32 to index
        %get3A_822 = arith.constant 384 : index
        %get3A_823 = tpu.vector_load %arg8[%get3A_820, %get3A_821, %get3A_822] {strides = array<i32>} : memref<4x32x512xf32, #tpu.memory_space<vmem>>, vector<16xf32>,
        %mul3A_824 = arith.mulf %get3A_823, %get3A_460 : vector<16xf32>
        %add3A_825 = arith.addf %add3A_797, %mul3A_824 : vector<16xf32>
        %get3A_826 = arith.constant 1 : i32
        %get3A_827 = arith.index_cast %get3A_826 : i32 to index
        %get3A_828 = arith.index_cast %add3A_654 : i32 to index
        %get3A_829 = arith.constant 400 : index
        %get3A_830 = tpu.vector_load %arg8[%get3A_827, %get3A_828, %get3A_829] {strides = array<i32>} : memref<4x32x512xf32, #tpu.memory_space<vmem>>, vector<16xf32>,
        %mul3A_831 = arith.mulf %get3A_830, %get3A_462 : vector<16xf32>
        %add3A_832 = arith.addf %add3A_804, %mul3A_831 : vector<16xf32>
        %get3A_833 = arith.constant 1 : i32
        %get3A_834 = arith.index_cast %get3A_833 : i32 to index
        %get3A_835 = arith.index_cast %add3A_654 : i32 to index
        %get3A_836 = arith.constant 416 : index
        %get3A_837 = tpu.vector_load %arg8[%get3A_834, %get3A_835, %get3A_836] {strides = array<i32>} : memref<4x32x512xf32, #tpu.memory_space<vmem>>, vector<16xf32>,
        %mul3A_838 = arith.mulf %get3A_837, %get3A_464 : vector<16xf32>
        %add3A_839 = arith.addf %add3A_811, %mul3A_838 : vector<16xf32>
        %get3A_840 = arith.constant 1 : i32
        %get3A_841 = arith.index_cast %get3A_840 : i32 to index
        %get3A_842 = arith.index_cast %add3A_654 : i32 to index
        %get3A_843 = arith.constant 432 : index
        %get3A_844 = tpu.vector_load %arg8[%get3A_841, %get3A_842, %get3A_843] {strides = array<i32>} : memref<4x32x512xf32, #tpu.memory_space<vmem>>, vector<16xf32>,
        %mul3A_845 = arith.mulf %get3A_844, %get3A_466 : vector<16xf32>
        %add3A_846 = arith.addf %add3A_818, %mul3A_845 : vector<16xf32>
        %get3A_847 = arith.constant 1 : i32
        %get3A_848 = arith.index_cast %get3A_847 : i32 to index
        %get3A_849 = arith.index_cast %add3A_654 : i32 to index
        %get3A_850 = arith.constant 448 : index
        %get3A_851 = tpu.vector_load %arg8[%get3A_848, %get3A_849, %get3A_850] {strides = array<i32>} : memref<4x32x512xf32, #tpu.memory_space<vmem>>, vector<16xf32>,
        %mul3A_852 = arith.mulf %get3A_851, %get3A_468 : vector<16xf32>
        %add3A_853 = arith.addf %add3A_825, %mul3A_852 : vector<16xf32>
        %get3A_854 = arith.constant 1 : i32
        %get3A_855 = arith.index_cast %get3A_854 : i32 to index
        %get3A_856 = arith.index_cast %add3A_654 : i32 to index
        %get3A_857 = arith.constant 464 : index
        %get3A_858 = tpu.vector_load %arg8[%get3A_855, %get3A_856, %get3A_857] {strides = array<i32>} : memref<4x32x512xf32, #tpu.memory_space<vmem>>, vector<16xf32>,
        %mul3A_859 = arith.mulf %get3A_858, %get3A_470 : vector<16xf32>
        %add3A_860 = arith.addf %add3A_832, %mul3A_859 : vector<16xf32>
        %get3A_861 = arith.constant 1 : i32
        %get3A_862 = arith.index_cast %get3A_861 : i32 to index
        %get3A_863 = arith.index_cast %add3A_654 : i32 to index
        %get3A_864 = arith.constant 480 : index
        %get3A_865 = tpu.vector_load %arg8[%get3A_862, %get3A_863, %get3A_864] {strides = array<i32>} : memref<4x32x512xf32, #tpu.memory_space<vmem>>, vector<16xf32>,
        %mul3A_866 = arith.mulf %get3A_865, %get3A_472 : vector<16xf32>
        %add3A_867 = arith.addf %add3A_839, %mul3A_866 : vector<16xf32>
        %get3A_868 = arith.constant 1 : i32
        %get3A_869 = arith.index_cast %get3A_868 : i32 to index
        %get3A_870 = arith.index_cast %add3A_654 : i32 to index
        %get3A_871 = arith.constant 496 : index
        %get3A_872 = tpu.vector_load %arg8[%get3A_869, %get3A_870, %get3A_871] {strides = array<i32>} : memref<4x32x512xf32, #tpu.memory_space<vmem>>, vector<16xf32>,
        %mul3A_873 = arith.mulf %get3A_872, %get3A_474 : vector<16xf32>
        %add3A_874 = arith.addf %add3A_846, %mul3A_873 : vector<16xf32>
        %add3A_875 = arith.addf %add3A_853, %add3A_860 : vector<16xf32>
        %add3A_876 = arith.addf %add3A_867, %add3A_874 : vector<16xf32>
        %add3A_877 = arith.addf %add3A_875, %add3A_876 : vector<16xf32>
        %reduce_sum3A = arith.constant true
        %reduce_sum3A_878 = vector.broadcast %reduce_sum3A : i1 to vector<16xi1>
        %reduce_sum3A_879 = tpu.scan <sum>, %add3A_877 masked %reduce_sum3A_878 : vector<16xf32>, vector<16xi1> -> vector<16xf32>
        %reduce_sum3A_880 = vector.extract %reduce_sum3A_879[15] : f32 from vector<16xf32>
        %add3A_881 = arith.constant 1 : i32
        %add3A_882 = arith.addi %mul3A_652, %add3A_881 : i32
        %get3A_883 = arith.constant 1 : i32
        %get3A_884 = arith.index_cast %get3A_883 : i32 to index
        %get3A_885 = arith.index_cast %add3A_882 : i32 to index
        %get3A_886 = arith.constant 0 : index
        %get3A_887 = tpu.vector_load %arg8[%get3A_884, %get3A_885, %get3A_886] {strides = array<i32>} : memref<4x32x512xf32, #tpu.memory_space<vmem>>, vector<16xf32>,
        %mul3A_888 = arith.mulf %get3A_887, %get3A_412 : vector<16xf32>
        %get3A_889 = arith.constant 1 : i32
        %get3A_890 = arith.index_cast %get3A_889 : i32 to index
        %get3A_891 = arith.index_cast %add3A_882 : i32 to index
        %get3A_892 = arith.constant 16 : index
        %get3A_893 = tpu.vector_load %arg8[%get3A_890, %get3A_891, %get3A_892] {strides = array<i32>} : memref<4x32x512xf32, #tpu.memory_space<vmem>>, vector<16xf32>,
        %mul3A_894 = arith.mulf %get3A_893, %get3A_414 : vector<16xf32>
        %get3A_895 = arith.constant 1 : i32
        %get3A_896 = arith.index_cast %get3A_895 : i32 to index
        %get3A_897 = arith.index_cast %add3A_882 : i32 to index
        %get3A_898 = arith.constant 32 : index
        %get3A_899 = tpu.vector_load %arg8[%get3A_896, %get3A_897, %get3A_898] {strides = array<i32>} : memref<4x32x512xf32, #tpu.memory_space<vmem>>, vector<16xf32>,
        %mul3A_900 = arith.mulf %get3A_899, %get3A_416 : vector<16xf32>
        %get3A_901 = arith.constant 1 : i32
        %get3A_902 = arith.index_cast %get3A_901 : i32 to index
        %get3A_903 = arith.index_cast %add3A_882 : i32 to index
        %get3A_904 = arith.constant 48 : index
        %get3A_905 = tpu.vector_load %arg8[%get3A_902, %get3A_903, %get3A_904] {strides = array<i32>} : memref<4x32x512xf32, #tpu.memory_space<vmem>>, vector<16xf32>,
        %mul3A_906 = arith.mulf %get3A_905, %get3A_418 : vector<16xf32>
        %get3A_907 = arith.constant 1 : i32
        %get3A_908 = arith.index_cast %get3A_907 : i32 to index
        %get3A_909 = arith.index_cast %add3A_882 : i32 to index
        %get3A_910 = arith.constant 64 : index
        %get3A_911 = tpu.vector_load %arg8[%get3A_908, %get3A_909, %get3A_910] {strides = array<i32>} : memref<4x32x512xf32, #tpu.memory_space<vmem>>, vector<16xf32>,
        %mul3A_912 = arith.mulf %get3A_911, %get3A_420 : vector<16xf32>
        %add3A_913 = arith.addf %mul3A_888, %mul3A_912 : vector<16xf32>
        %get3A_914 = arith.constant 1 : i32
        %get3A_915 = arith.index_cast %get3A_914 : i32 to index
        %get3A_916 = arith.index_cast %add3A_882 : i32 to index
        %get3A_917 = arith.constant 80 : index
        %get3A_918 = tpu.vector_load %arg8[%get3A_915, %get3A_916, %get3A_917] {strides = array<i32>} : memref<4x32x512xf32, #tpu.memory_space<vmem>>, vector<16xf32>,
        %mul3A_919 = arith.mulf %get3A_918, %get3A_422 : vector<16xf32>
        %add3A_920 = arith.addf %mul3A_894, %mul3A_919 : vector<16xf32>
        %get3A_921 = arith.constant 1 : i32
        %get3A_922 = arith.index_cast %get3A_921 : i32 to index
        %get3A_923 = arith.index_cast %add3A_882 : i32 to index
        %get3A_924 = arith.constant 96 : index
        %get3A_925 = tpu.vector_load %arg8[%get3A_922, %get3A_923, %get3A_924] {strides = array<i32>} : memref<4x32x512xf32, #tpu.memory_space<vmem>>, vector<16xf32>,
        %mul3A_926 = arith.mulf %get3A_925, %get3A_424 : vector<16xf32>
        %add3A_927 = arith.addf %mul3A_900, %mul3A_926 : vector<16xf32>
        %get3A_928 = arith.constant 1 : i32
        %get3A_929 = arith.index_cast %get3A_928 : i32 to index
        %get3A_930 = arith.index_cast %add3A_882 : i32 to index
        %get3A_931 = arith.constant 112 : index
        %get3A_932 = tpu.vector_load %arg8[%get3A_929, %get3A_930, %get3A_931] {strides = array<i32>} : memref<4x32x512xf32, #tpu.memory_space<vmem>>, vector<16xf32>,
        %mul3A_933 = arith.mulf %get3A_932, %get3A_426 : vector<16xf32>
        %add3A_934 = arith.addf %mul3A_906, %mul3A_933 : vector<16xf32>
        %get3A_935 = arith.constant 1 : i32
        %get3A_936 = arith.index_cast %get3A_935 : i32 to index
        %get3A_937 = arith.index_cast %add3A_882 : i32 to index
        %get3A_938 = arith.constant 128 : index
        %get3A_939 = tpu.vector_load %arg8[%get3A_936, %get3A_937, %get3A_938] {strides = array<i32>} : memref<4x32x512xf32, #tpu.memory_space<vmem>>, vector<16xf32>,
        %mul3A_940 = arith.mulf %get3A_939, %get3A_428 : vector<16xf32>
        %add3A_941 = arith.addf %add3A_913, %mul3A_940 : vector<16xf32>
        %get3A_942 = arith.constant 1 : i32
        %get3A_943 = arith.index_cast %get3A_942 : i32 to index
        %get3A_944 = arith.index_cast %add3A_882 : i32 to index
        %get3A_945 = arith.constant 144 : index
        %get3A_946 = tpu.vector_load %arg8[%get3A_943, %get3A_944, %get3A_945] {strides = array<i32>} : memref<4x32x512xf32, #tpu.memory_space<vmem>>, vector<16xf32>,
        %mul3A_947 = arith.mulf %get3A_946, %get3A_430 : vector<16xf32>
        %add3A_948 = arith.addf %add3A_920, %mul3A_947 : vector<16xf32>
        %get3A_949 = arith.constant 1 : i32
        %get3A_950 = arith.index_cast %get3A_949 : i32 to index
        %get3A_951 = arith.index_cast %add3A_882 : i32 to index
        %get3A_952 = arith.constant 160 : index
        %get3A_953 = tpu.vector_load %arg8[%get3A_950, %get3A_951, %get3A_952] {strides = array<i32>} : memref<4x32x512xf32, #tpu.memory_space<vmem>>, vector<16xf32>,
        %mul3A_954 = arith.mulf %get3A_953, %get3A_432 : vector<16xf32>
        %add3A_955 = arith.addf %add3A_927, %mul3A_954 : vector<16xf32>
        %get3A_956 = arith.constant 1 : i32
        %get3A_957 = arith.index_cast %get3A_956 : i32 to index
        %get3A_958 = arith.index_cast %add3A_882 : i32 to index
        %get3A_959 = arith.constant 176 : index
        %get3A_960 = tpu.vector_load %arg8[%get3A_957, %get3A_958, %get3A_959] {strides = array<i32>} : memref<4x32x512xf32, #tpu.memory_space<vmem>>, vector<16xf32>,
        %mul3A_961 = arith.mulf %get3A_960, %get3A_434 : vector<16xf32>
        %add3A_962 = arith.addf %add3A_934, %mul3A_961 : vector<16xf32>
        %get3A_963 = arith.constant 1 : i32
        %get3A_964 = arith.index_cast %get3A_963 : i32 to index
        %get3A_965 = arith.index_cast %add3A_882 : i32 to index
        %get3A_966 = arith.constant 192 : index
        %get3A_967 = tpu.vector_load %arg8[%get3A_964, %get3A_965, %get3A_966] {strides = array<i32>} : memref<4x32x512xf32, #tpu.memory_space<vmem>>, vector<16xf32>,
        %mul3A_968 = arith.mulf %get3A_967, %get3A_436 : vector<16xf32>
        %add3A_969 = arith.addf %add3A_941, %mul3A_968 : vector<16xf32>
        %get3A_970 = arith.constant 1 : i32
        %get3A_971 = arith.index_cast %get3A_970 : i32 to index
        %get3A_972 = arith.index_cast %add3A_882 : i32 to index
        %get3A_973 = arith.constant 208 : index
        %get3A_974 = tpu.vector_load %arg8[%get3A_971, %get3A_972, %get3A_973] {strides = array<i32>} : memref<4x32x512xf32, #tpu.memory_space<vmem>>, vector<16xf32>,
        %mul3A_975 = arith.mulf %get3A_974, %get3A_438 : vector<16xf32>
        %add3A_976 = arith.addf %add3A_948, %mul3A_975 : vector<16xf32>
        %get3A_977 = arith.constant 1 : i32
        %get3A_978 = arith.index_cast %get3A_977 : i32 to index
        %get3A_979 = arith.index_cast %add3A_882 : i32 to index
        %get3A_980 = arith.constant 224 : index
        %get3A_981 = tpu.vector_load %arg8[%get3A_978, %get3A_979, %get3A_980] {strides = array<i32>} : memref<4x32x512xf32, #tpu.memory_space<vmem>>, vector<16xf32>,
        %mul3A_982 = arith.mulf %get3A_981, %get3A_440 : vector<16xf32>
        %add3A_983 = arith.addf %add3A_955, %mul3A_982 : vector<16xf32>
        %get3A_984 = arith.constant 1 : i32
        %get3A_985 = arith.index_cast %get3A_984 : i32 to index
        %get3A_986 = arith.index_cast %add3A_882 : i32 to index
        %get3A_987 = arith.constant 240 : index
        %get3A_988 = tpu.vector_load %arg8[%get3A_985, %get3A_986, %get3A_987] {strides = array<i32>} : memref<4x32x512xf32, #tpu.memory_space<vmem>>, vector<16xf32>,
        %mul3A_989 = arith.mulf %get3A_988, %get3A_442 : vector<16xf32>
        %add3A_990 = arith.addf %add3A_962, %mul3A_989 : vector<16xf32>
        %get3A_991 = arith.constant 1 : i32
        %get3A_992 = arith.index_cast %get3A_991 : i32 to index
        %get3A_993 = arith.index_cast %add3A_882 : i32 to index
        %get3A_994 = arith.constant 256 : index
        %get3A_995 = tpu.vector_load %arg8[%get3A_992, %get3A_993, %get3A_994] {strides = array<i32>} : memref<4x32x512xf32, #tpu.memory_space<vmem>>, vector<16xf32>,
        %mul3A_996 = arith.mulf %get3A_995, %get3A_444 : vector<16xf32>
        %add3A_997 = arith.addf %add3A_969, %mul3A_996 : vector<16xf32>
        %get3A_998 = arith.constant 1 : i32
        %get3A_999 = arith.index_cast %get3A_998 : i32 to index
        %get3A_1000 = arith.index_cast %add3A_882 : i32 to index
        %get3A_1001 = arith.constant 272 : index
        %get3A_1002 = tpu.vector_load %arg8[%get3A_999, %get3A_1000, %get3A_1001] {strides = array<i32>} : memref<4x32x512xf32, #tpu.memory_space<vmem>>, vector<16xf32>,
        %mul3A_1003 = arith.mulf %get3A_1002, %get3A_446 : vector<16xf32>
        %add3A_1004 = arith.addf %add3A_976, %mul3A_1003 : vector<16xf32>
        %get3A_1005 = arith.constant 1 : i32
        %get3A_1006 = arith.index_cast %get3A_1005 : i32 to index
        %get3A_1007 = arith.index_cast %add3A_882 : i32 to index
        %get3A_1008 = arith.constant 288 : index
        %get3A_1009 = tpu.vector_load %arg8[%get3A_1006, %get3A_1007, %get3A_1008] {strides = array<i32>} : memref<4x32x512xf32, #tpu.memory_space<vmem>>, vector<16xf32>,
        %mul3A_1010 = arith.mulf %get3A_1009, %get3A_448 : vector<16xf32>
        %add3A_1011 = arith.addf %add3A_983, %mul3A_1010 : vector<16xf32>
        %get3A_1012 = arith.constant 1 : i32
        %get3A_1013 = arith.index_cast %get3A_1012 : i32 to index
        %get3A_1014 = arith.index_cast %add3A_882 : i32 to index
        %get3A_1015 = arith.constant 304 : index
        %get3A_1016 = tpu.vector_load %arg8[%get3A_1013, %get3A_1014, %get3A_1015] {strides = array<i32>} : memref<4x32x512xf32, #tpu.memory_space<vmem>>, vector<16xf32>,
        %mul3A_1017 = arith.mulf %get3A_1016, %get3A_450 : vector<16xf32>
        %add3A_1018 = arith.addf %add3A_990, %mul3A_1017 : vector<16xf32>
        %get3A_1019 = arith.constant 1 : i32
        %get3A_1020 = arith.index_cast %get3A_1019 : i32 to index
        %get3A_1021 = arith.index_cast %add3A_882 : i32 to index
        %get3A_1022 = arith.constant 320 : index
        %get3A_1023 = tpu.vector_load %arg8[%get3A_1020, %get3A_1021, %get3A_1022] {strides = array<i32>} : memref<4x32x512xf32, #tpu.memory_space<vmem>>, vector<16xf32>,
        %mul3A_1024 = arith.mulf %get3A_1023, %get3A_452 : vector<16xf32>
        %add3A_1025 = arith.addf %add3A_997, %mul3A_1024 : vector<16xf32>
        %get3A_1026 = arith.constant 1 : i32
        %get3A_1027 = arith.index_cast %get3A_1026 : i32 to index
        %get3A_1028 = arith.index_cast %add3A_882 : i32 to index
        %get3A_1029 = arith.constant 336 : index
        %get3A_1030 = tpu.vector_load %arg8[%get3A_1027, %get3A_1028, %get3A_1029] {strides = array<i32>} : memref<4x32x512xf32, #tpu.memory_space<vmem>>, vector<16xf32>,
        %mul3A_1031 = arith.mulf %get3A_1030, %get3A_454 : vector<16xf32>
        %add3A_1032 = arith.addf %add3A_1004, %mul3A_1031 : vector<16xf32>
        %get3A_1033 = arith.constant 1 : i32
        %get3A_1034 = arith.index_cast %get3A_1033 : i32 to index
        %get3A_1035 = arith.index_cast %add3A_882 : i32 to index
        %get3A_1036 = arith.constant 352 : index
        %get3A_1037 = tpu.vector_load %arg8[%get3A_1034, %get3A_1035, %get3A_1036] {strides = array<i32>} : memref<4x32x512xf32, #tpu.memory_space<vmem>>, vector<16xf32>,
        %mul3A_1038 = arith.mulf %get3A_1037, %get3A_456 : vector<16xf32>
        %add3A_1039 = arith.addf %add3A_1011, %mul3A_1038 : vector<16xf32>
        %get3A_1040 = arith.constant 1 : i32
        %get3A_1041 = arith.index_cast %get3A_1040 : i32 to index
        %get3A_1042 = arith.index_cast %add3A_882 : i32 to index
        %get3A_1043 = arith.constant 368 : index
        %get3A_1044 = tpu.vector_load %arg8[%get3A_1041, %get3A_1042, %get3A_1043] {strides = array<i32>} : memref<4x32x512xf32, #tpu.memory_space<vmem>>, vector<16xf32>,
        %mul3A_1045 = arith.mulf %get3A_1044, %get3A_458 : vector<16xf32>
        %add3A_1046 = arith.addf %add3A_1018, %mul3A_1045 : vector<16xf32>
        %get3A_1047 = arith.constant 1 : i32
        %get3A_1048 = arith.index_cast %get3A_1047 : i32 to index
        %get3A_1049 = arith.index_cast %add3A_882 : i32 to index
        %get3A_1050 = arith.constant 384 : index
        %get3A_1051 = tpu.vector_load %arg8[%get3A_1048, %get3A_1049, %get3A_1050] {strides = array<i32>} : memref<4x32x512xf32, #tpu.memory_space<vmem>>, vector<16xf32>,
        %mul3A_1052 = arith.mulf %get3A_1051, %get3A_460 : vector<16xf32>
        %add3A_1053 = arith.addf %add3A_1025, %mul3A_1052 : vector<16xf32>
        %get3A_1054 = arith.constant 1 : i32
        %get3A_1055 = arith.index_cast %get3A_1054 : i32 to index
        %get3A_1056 = arith.index_cast %add3A_882 : i32 to index
        %get3A_1057 = arith.constant 400 : index
        %get3A_1058 = tpu.vector_load %arg8[%get3A_1055, %get3A_1056, %get3A_1057] {strides = array<i32>} : memref<4x32x512xf32, #tpu.memory_space<vmem>>, vector<16xf32>,
        %mul3A_1059 = arith.mulf %get3A_1058, %get3A_462 : vector<16xf32>
        %add3A_1060 = arith.addf %add3A_1032, %mul3A_1059 : vector<16xf32>
        %get3A_1061 = arith.constant 1 : i32
        %get3A_1062 = arith.index_cast %get3A_1061 : i32 to index
        %get3A_1063 = arith.index_cast %add3A_882 : i32 to index
        %get3A_1064 = arith.constant 416 : index
        %get3A_1065 = tpu.vector_load %arg8[%get3A_1062, %get3A_1063, %get3A_1064] {strides = array<i32>} : memref<4x32x512xf32, #tpu.memory_space<vmem>>, vector<16xf32>,
        %mul3A_1066 = arith.mulf %get3A_1065, %get3A_464 : vector<16xf32>
        %add3A_1067 = arith.addf %add3A_1039, %mul3A_1066 : vector<16xf32>
        %get3A_1068 = arith.constant 1 : i32
        %get3A_1069 = arith.index_cast %get3A_1068 : i32 to index
        %get3A_1070 = arith.index_cast %add3A_882 : i32 to index
        %get3A_1071 = arith.constant 432 : index
        %get3A_1072 = tpu.vector_load %arg8[%get3A_1069, %get3A_1070, %get3A_1071] {strides = array<i32>} : memref<4x32x512xf32, #tpu.memory_space<vmem>>, vector<16xf32>,
        %mul3A_1073 = arith.mulf %get3A_1072, %get3A_466 : vector<16xf32>
        %add3A_1074 = arith.addf %add3A_1046, %mul3A_1073 : vector<16xf32>
        %get3A_1075 = arith.constant 1 : i32
        %get3A_1076 = arith.index_cast %get3A_1075 : i32 to index
        %get3A_1077 = arith.index_cast %add3A_882 : i32 to index
        %get3A_1078 = arith.constant 448 : index
        %get3A_1079 = tpu.vector_load %arg8[%get3A_1076, %get3A_1077, %get3A_1078] {strides = array<i32>} : memref<4x32x512xf32, #tpu.memory_space<vmem>>, vector<16xf32>,
        %mul3A_1080 = arith.mulf %get3A_1079, %get3A_468 : vector<16xf32>
        %add3A_1081 = arith.addf %add3A_1053, %mul3A_1080 : vector<16xf32>
        %get3A_1082 = arith.constant 1 : i32
        %get3A_1083 = arith.index_cast %get3A_1082 : i32 to index
        %get3A_1084 = arith.index_cast %add3A_882 : i32 to index
        %get3A_1085 = arith.constant 464 : index
        %get3A_1086 = tpu.vector_load %arg8[%get3A_1083, %get3A_1084, %get3A_1085] {strides = array<i32>} : memref<4x32x512xf32, #tpu.memory_space<vmem>>, vector<16xf32>,
        %mul3A_1087 = arith.mulf %get3A_1086, %get3A_470 : vector<16xf32>
        %add3A_1088 = arith.addf %add3A_1060, %mul3A_1087 : vector<16xf32>
        %get3A_1089 = arith.constant 1 : i32
        %get3A_1090 = arith.index_cast %get3A_1089 : i32 to index
        %get3A_1091 = arith.index_cast %add3A_882 : i32 to index
        %get3A_1092 = arith.constant 480 : index
        %get3A_1093 = tpu.vector_load %arg8[%get3A_1090, %get3A_1091, %get3A_1092] {strides = array<i32>} : memref<4x32x512xf32, #tpu.memory_space<vmem>>, vector<16xf32>,
        %mul3A_1094 = arith.mulf %get3A_1093, %get3A_472 : vector<16xf32>
        %add3A_1095 = arith.addf %add3A_1067, %mul3A_1094 : vector<16xf32>
        %get3A_1096 = arith.constant 1 : i32
        %get3A_1097 = arith.index_cast %get3A_1096 : i32 to index
        %get3A_1098 = arith.index_cast %add3A_882 : i32 to index
        %get3A_1099 = arith.constant 496 : index
        %get3A_1100 = tpu.vector_load %arg8[%get3A_1097, %get3A_1098, %get3A_1099] {strides = array<i32>} : memref<4x32x512xf32, #tpu.memory_space<vmem>>, vector<16xf32>,
        %mul3A_1101 = arith.mulf %get3A_1100, %get3A_474 : vector<16xf32>
        %add3A_1102 = arith.addf %add3A_1074, %mul3A_1101 : vector<16xf32>
        %add3A_1103 = arith.addf %add3A_1081, %add3A_1088 : vector<16xf32>
        %add3A_1104 = arith.addf %add3A_1095, %add3A_1102 : vector<16xf32>
        %add3A_1105 = arith.addf %add3A_1103, %add3A_1104 : vector<16xf32>
        %reduce_sum3A_1106 = arith.constant true
        %reduce_sum3A_1107 = vector.broadcast %reduce_sum3A_1106 : i1 to vector<16xi1>
        %reduce_sum3A_1108 = tpu.scan <sum>, %add3A_1105 masked %reduce_sum3A_1107 : vector<16xf32>, vector<16xi1> -> vector<16xf32>
        %reduce_sum3A_1109 = vector.extract %reduce_sum3A_1108[15] : f32 from vector<16xf32>
        %add3A_1110 = arith.addi %add3A_553, %mul3A_652 : i32
        %add3A_1111 = arith.constant 0 : i32
        %add3A_1112 = arith.addi %add3A_1110, %add3A_1111 : i32
        %gt3A = arith.cmpf ogt, %reduce_sum3A_880, %scan3A_647 : f32
        %select_n3A_1113 = arith.select %gt3A, %reduce_sum3A_880, %scan3A_647 : f32
        %select_n3A_1114 = arith.select %gt3A, %add3A_1112, %scan3A_648 : i32
        %lt3A_1115 = arith.cmpf olt, %reduce_sum3A_880, %scan3A_649 : f32
        %select_n3A_1116 = arith.select %lt3A_1115, %reduce_sum3A_880, %scan3A_649 : f32
        %select_n3A_1117 = arith.select %lt3A_1115, %add3A_1112, %scan3A_650 : i32
        %add3A_1118 = arith.addi %add3A_553, %mul3A_652 : i32
        %add3A_1119 = arith.constant 1 : i32
        %add3A_1120 = arith.addi %add3A_1118, %add3A_1119 : i32
        %gt3A_1121 = arith.cmpf ogt, %reduce_sum3A_1109, %select_n3A_1113 : f32
        %select_n3A_1122 = arith.select %gt3A_1121, %reduce_sum3A_1109, %select_n3A_1113 : f32
        %select_n3A_1123 = arith.select %gt3A_1121, %add3A_1120, %select_n3A_1114 : i32
        %lt3A_1124 = arith.cmpf olt, %reduce_sum3A_1109, %select_n3A_1116 : f32
        %select_n3A_1125 = arith.select %lt3A_1124, %reduce_sum3A_1109, %select_n3A_1116 : f32
        %select_n3A_1126 = arith.select %lt3A_1124, %add3A_1120, %select_n3A_1117 : i32
        scf.yield %select_n3A_1122, %select_n3A_1123, %select_n3A_1125, %select_n3A_1126 : f32, i32, f32, i32
      }
      %scan3A_572 = arith.constant 16 : i32
      %add3A_573 = arith.constant 4 : i32
      %add3A_574 = arith.addi %add3A_550, %add3A_573 : i32
      %lt3A_575 = arith.constant 32 : i32
      %lt3A_576 = arith.cmpi slt, %add3A_574, %lt3A_575 : i32
      %convert_element_type3A_577 = arith.extui %lt3A_576 : i1 to i32
      %cond3A_578 = arith.constant 0 : i32
      %cond3A_579 = arith.cmpi ne, %convert_element_type3A_577, %cond3A_578 : i32
      scf.if %cond3A_579 {
        %add3A_646 = arith.constant 128 : i32
        %add3A_647 = arith.addi %add3A_553, %add3A_646 : i32
        %dma_start3A_648 = arith.constant 1 : i32
        %dma_start3A_649 = arith.constant 0 : i32
        %dma_start3A_650 = arith.constant 0 : i32
        %dma_start3A_651 = tpu.memref_slice %arg8[%dma_start3A_648, %dma_start3A_649, %dma_start3A_650] : memref<4x32x512xf32, #tpu.memory_space<vmem>> -> memref<1x32x512xf32, #tpu.memory_space<vmem>>
        %dma_start3A_652 = tpu.memref_squeeze %dma_start3A_651 : memref<1x32x512xf32, #tpu.memory_space<vmem>> -> memref<32x512xf32, #tpu.memory_space<vmem>>
        %dma_start3A_653 = arith.constant 0 : i32
        %dma_start3A_654 = tpu.memref_slice %arg2[%add3A_647, %dma_start3A_653] : memref<32768x512xf32, #tpu.memory_space<hbm>> -> memref<32x512xf32, #tpu.memory_space<hbm>>
        %dma_start3A_655 = arith.constant 0 : i32
        %dma_start3A_656 = arith.constant 0 : i32
        %dma_start3A_657 = tpu.memref_slice %arg8[%dma_start3A_648, %dma_start3A_655, %dma_start3A_656] : memref<4x32x512xf32, #tpu.memory_space<vmem>> -> memref<1x32x512xf32, #tpu.memory_space<vmem>>
        %dma_start3A_658 = tpu.memref_squeeze %dma_start3A_657 : memref<1x32x512xf32, #tpu.memory_space<vmem>> -> memref<32x512xf32, #tpu.memory_space<vmem>>
        %dma_start3A_659 = arith.constant 0 : i32
        %dma_start3A_660 = tpu.memref_slice %arg2[%add3A_647, %dma_start3A_659] : memref<32768x512xf32, #tpu.memory_space<hbm>> -> memref<32x512xf32, #tpu.memory_space<hbm>>
        tpu.enqueue_dma source(%dma_start3A_660 : memref<32x512xf32, #tpu.memory_space<hbm>>) target(%dma_start3A_658 : memref<32x512xf32, #tpu.memory_space<vmem>>) target_semaphore(%arg12 : memref<!tpu.dma_semaphore, #tpu.memory_space<semaphore_mem>>)
      } else {
      }
      %mul3A_580 = arith.constant 4 : i32
      %mul3A_581 = arith.muli %mul3A_580, %scan3A_513 : i32
      %add3A_582 = arith.constant 2 : i32
      %add3A_583 = arith.addi %mul3A_581, %add3A_582 : i32
      %mul3A_584 = arith.constant 32 : i32
      %mul3A_585 = arith.muli %add3A_583, %mul3A_584 : i32
      %add3A_586 = arith.addi %mul3A_2, %mul3A_585 : i32
      %dma_wait3A_587 = arith.constant 2 : i32
      %dma_wait3A_588 = arith.constant 0 : i32
      %dma_wait3A_589 = arith.constant 0 : i32
      %dma_wait3A_590 = tpu.memref_slice %arg8[%dma_wait3A_587, %dma_wait3A_588, %dma_wait3A_589] : memref<4x32x512xf32, #tpu.memory_space<vmem>> -> memref<1x32x512xf32, #tpu.memory_space<vmem>>
      %dma_wait3A_591 = tpu.memref_squeeze %dma_wait3A_590 : memref<1x32x512xf32, #tpu.memory_space<vmem>> -> memref<32x512xf32, #tpu.memory_space<vmem>>
      %dma_wait3A_592 = arith.constant 0 : i32
      %dma_wait3A_593 = tpu.memref_slice %arg2[%add3A_586, %dma_wait3A_592] : memref<32768x512xf32, #tpu.memory_space<hbm>> -> memref<32x512xf32, #tpu.memory_space<hbm>>
      %dma_wait3A_594 = arith.constant 0 : i32
      %dma_wait3A_595 = arith.constant 0 : i32
      %dma_wait3A_596 = tpu.memref_slice %arg8[%dma_wait3A_587, %dma_wait3A_594, %dma_wait3A_595] : memref<4x32x512xf32, #tpu.memory_space<vmem>> -> memref<1x32x512xf32, #tpu.memory_space<vmem>>
      %dma_wait3A_597 = tpu.memref_squeeze %dma_wait3A_596 : memref<1x32x512xf32, #tpu.memory_space<vmem>> -> memref<32x512xf32, #tpu.memory_space<vmem>>
      %dma_wait3A_598 = arith.constant 0 : i32
      %dma_wait3A_599 = tpu.memref_slice %arg2[%add3A_586, %dma_wait3A_598] : memref<32768x512xf32, #tpu.memory_space<hbm>> -> memref<32x512xf32, #tpu.memory_space<hbm>>
      tpu.wait_dma2 semaphore(%arg13 : memref<!tpu.dma_semaphore, #tpu.memory_space<semaphore_mem>>) src(%dma_wait3A_599 : memref<32x512xf32, #tpu.memory_space<hbm>>) dst(%dma_wait3A_597 : memref<32x512xf32, #tpu.memory_space<vmem>>)
      %scan3A_600 = arith.constant 0 : i32
      %scan3A_601 = arith.constant 16 : i32
      %scan3A_602 = arith.addi %scan3A_600, %scan3A_601 : i32
      %scan3A_603 = arith.constant 1 : i32
      %scan3A_604:4 = scf.for %scan3A_646 = %scan3A_600 to %scan3A_602 step %scan3A_603 iter_args(%scan3A_647 = %scan3A_571#0, %scan3A_648 = %scan3A_571#1, %scan3A_649 = %scan3A_571#2, %scan3A_650 = %scan3A_571#3) -> (f32, i32, f32, i32)  : i32 {
        %mul3A_651 = arith.constant 2 : i32
        %mul3A_652 = arith.muli %scan3A_646, %mul3A_651 : i32
        %add3A_653 = arith.constant 0 : i32
        %add3A_654 = arith.addi %mul3A_652, %add3A_653 : i32
        %get3A_655 = arith.constant 2 : i32
        %get3A_656 = arith.index_cast %get3A_655 : i32 to index
        %get3A_657 = arith.index_cast %add3A_654 : i32 to index
        %get3A_658 = arith.constant 0 : index
        %get3A_659 = tpu.vector_load %arg8[%get3A_656, %get3A_657, %get3A_658] {strides = array<i32>} : memref<4x32x512xf32, #tpu.memory_space<vmem>>, vector<16xf32>,
        %mul3A_660 = arith.mulf %get3A_659, %get3A_412 : vector<16xf32>
        %get3A_661 = arith.constant 2 : i32
        %get3A_662 = arith.index_cast %get3A_661 : i32 to index
        %get3A_663 = arith.index_cast %add3A_654 : i32 to index
        %get3A_664 = arith.constant 16 : index
        %get3A_665 = tpu.vector_load %arg8[%get3A_662, %get3A_663, %get3A_664] {strides = array<i32>} : memref<4x32x512xf32, #tpu.memory_space<vmem>>, vector<16xf32>,
        %mul3A_666 = arith.mulf %get3A_665, %get3A_414 : vector<16xf32>
        %get3A_667 = arith.constant 2 : i32
        %get3A_668 = arith.index_cast %get3A_667 : i32 to index
        %get3A_669 = arith.index_cast %add3A_654 : i32 to index
        %get3A_670 = arith.constant 32 : index
        %get3A_671 = tpu.vector_load %arg8[%get3A_668, %get3A_669, %get3A_670] {strides = array<i32>} : memref<4x32x512xf32, #tpu.memory_space<vmem>>, vector<16xf32>,
        %mul3A_672 = arith.mulf %get3A_671, %get3A_416 : vector<16xf32>
        %get3A_673 = arith.constant 2 : i32
        %get3A_674 = arith.index_cast %get3A_673 : i32 to index
        %get3A_675 = arith.index_cast %add3A_654 : i32 to index
        %get3A_676 = arith.constant 48 : index
        %get3A_677 = tpu.vector_load %arg8[%get3A_674, %get3A_675, %get3A_676] {strides = array<i32>} : memref<4x32x512xf32, #tpu.memory_space<vmem>>, vector<16xf32>,
        %mul3A_678 = arith.mulf %get3A_677, %get3A_418 : vector<16xf32>
        %get3A_679 = arith.constant 2 : i32
        %get3A_680 = arith.index_cast %get3A_679 : i32 to index
        %get3A_681 = arith.index_cast %add3A_654 : i32 to index
        %get3A_682 = arith.constant 64 : index
        %get3A_683 = tpu.vector_load %arg8[%get3A_680, %get3A_681, %get3A_682] {strides = array<i32>} : memref<4x32x512xf32, #tpu.memory_space<vmem>>, vector<16xf32>,
        %mul3A_684 = arith.mulf %get3A_683, %get3A_420 : vector<16xf32>
        %add3A_685 = arith.addf %mul3A_660, %mul3A_684 : vector<16xf32>
        %get3A_686 = arith.constant 2 : i32
        %get3A_687 = arith.index_cast %get3A_686 : i32 to index
        %get3A_688 = arith.index_cast %add3A_654 : i32 to index
        %get3A_689 = arith.constant 80 : index
        %get3A_690 = tpu.vector_load %arg8[%get3A_687, %get3A_688, %get3A_689] {strides = array<i32>} : memref<4x32x512xf32, #tpu.memory_space<vmem>>, vector<16xf32>,
        %mul3A_691 = arith.mulf %get3A_690, %get3A_422 : vector<16xf32>
        %add3A_692 = arith.addf %mul3A_666, %mul3A_691 : vector<16xf32>
        %get3A_693 = arith.constant 2 : i32
        %get3A_694 = arith.index_cast %get3A_693 : i32 to index
        %get3A_695 = arith.index_cast %add3A_654 : i32 to index
        %get3A_696 = arith.constant 96 : index
        %get3A_697 = tpu.vector_load %arg8[%get3A_694, %get3A_695, %get3A_696] {strides = array<i32>} : memref<4x32x512xf32, #tpu.memory_space<vmem>>, vector<16xf32>,
        %mul3A_698 = arith.mulf %get3A_697, %get3A_424 : vector<16xf32>
        %add3A_699 = arith.addf %mul3A_672, %mul3A_698 : vector<16xf32>
        %get3A_700 = arith.constant 2 : i32
        %get3A_701 = arith.index_cast %get3A_700 : i32 to index
        %get3A_702 = arith.index_cast %add3A_654 : i32 to index
        %get3A_703 = arith.constant 112 : index
        %get3A_704 = tpu.vector_load %arg8[%get3A_701, %get3A_702, %get3A_703] {strides = array<i32>} : memref<4x32x512xf32, #tpu.memory_space<vmem>>, vector<16xf32>,
        %mul3A_705 = arith.mulf %get3A_704, %get3A_426 : vector<16xf32>
        %add3A_706 = arith.addf %mul3A_678, %mul3A_705 : vector<16xf32>
        %get3A_707 = arith.constant 2 : i32
        %get3A_708 = arith.index_cast %get3A_707 : i32 to index
        %get3A_709 = arith.index_cast %add3A_654 : i32 to index
        %get3A_710 = arith.constant 128 : index
        %get3A_711 = tpu.vector_load %arg8[%get3A_708, %get3A_709, %get3A_710] {strides = array<i32>} : memref<4x32x512xf32, #tpu.memory_space<vmem>>, vector<16xf32>,
        %mul3A_712 = arith.mulf %get3A_711, %get3A_428 : vector<16xf32>
        %add3A_713 = arith.addf %add3A_685, %mul3A_712 : vector<16xf32>
        %get3A_714 = arith.constant 2 : i32
        %get3A_715 = arith.index_cast %get3A_714 : i32 to index
        %get3A_716 = arith.index_cast %add3A_654 : i32 to index
        %get3A_717 = arith.constant 144 : index
        %get3A_718 = tpu.vector_load %arg8[%get3A_715, %get3A_716, %get3A_717] {strides = array<i32>} : memref<4x32x512xf32, #tpu.memory_space<vmem>>, vector<16xf32>,
        %mul3A_719 = arith.mulf %get3A_718, %get3A_430 : vector<16xf32>
        %add3A_720 = arith.addf %add3A_692, %mul3A_719 : vector<16xf32>
        %get3A_721 = arith.constant 2 : i32
        %get3A_722 = arith.index_cast %get3A_721 : i32 to index
        %get3A_723 = arith.index_cast %add3A_654 : i32 to index
        %get3A_724 = arith.constant 160 : index
        %get3A_725 = tpu.vector_load %arg8[%get3A_722, %get3A_723, %get3A_724] {strides = array<i32>} : memref<4x32x512xf32, #tpu.memory_space<vmem>>, vector<16xf32>,
        %mul3A_726 = arith.mulf %get3A_725, %get3A_432 : vector<16xf32>
        %add3A_727 = arith.addf %add3A_699, %mul3A_726 : vector<16xf32>
        %get3A_728 = arith.constant 2 : i32
        %get3A_729 = arith.index_cast %get3A_728 : i32 to index
        %get3A_730 = arith.index_cast %add3A_654 : i32 to index
        %get3A_731 = arith.constant 176 : index
        %get3A_732 = tpu.vector_load %arg8[%get3A_729, %get3A_730, %get3A_731] {strides = array<i32>} : memref<4x32x512xf32, #tpu.memory_space<vmem>>, vector<16xf32>,
        %mul3A_733 = arith.mulf %get3A_732, %get3A_434 : vector<16xf32>
        %add3A_734 = arith.addf %add3A_706, %mul3A_733 : vector<16xf32>
        %get3A_735 = arith.constant 2 : i32
        %get3A_736 = arith.index_cast %get3A_735 : i32 to index
        %get3A_737 = arith.index_cast %add3A_654 : i32 to index
        %get3A_738 = arith.constant 192 : index
        %get3A_739 = tpu.vector_load %arg8[%get3A_736, %get3A_737, %get3A_738] {strides = array<i32>} : memref<4x32x512xf32, #tpu.memory_space<vmem>>, vector<16xf32>,
        %mul3A_740 = arith.mulf %get3A_739, %get3A_436 : vector<16xf32>
        %add3A_741 = arith.addf %add3A_713, %mul3A_740 : vector<16xf32>
        %get3A_742 = arith.constant 2 : i32
        %get3A_743 = arith.index_cast %get3A_742 : i32 to index
        %get3A_744 = arith.index_cast %add3A_654 : i32 to index
        %get3A_745 = arith.constant 208 : index
        %get3A_746 = tpu.vector_load %arg8[%get3A_743, %get3A_744, %get3A_745] {strides = array<i32>} : memref<4x32x512xf32, #tpu.memory_space<vmem>>, vector<16xf32>,
        %mul3A_747 = arith.mulf %get3A_746, %get3A_438 : vector<16xf32>
        %add3A_748 = arith.addf %add3A_720, %mul3A_747 : vector<16xf32>
        %get3A_749 = arith.constant 2 : i32
        %get3A_750 = arith.index_cast %get3A_749 : i32 to index
        %get3A_751 = arith.index_cast %add3A_654 : i32 to index
        %get3A_752 = arith.constant 224 : index
        %get3A_753 = tpu.vector_load %arg8[%get3A_750, %get3A_751, %get3A_752] {strides = array<i32>} : memref<4x32x512xf32, #tpu.memory_space<vmem>>, vector<16xf32>,
        %mul3A_754 = arith.mulf %get3A_753, %get3A_440 : vector<16xf32>
        %add3A_755 = arith.addf %add3A_727, %mul3A_754 : vector<16xf32>
        %get3A_756 = arith.constant 2 : i32
        %get3A_757 = arith.index_cast %get3A_756 : i32 to index
        %get3A_758 = arith.index_cast %add3A_654 : i32 to index
        %get3A_759 = arith.constant 240 : index
        %get3A_760 = tpu.vector_load %arg8[%get3A_757, %get3A_758, %get3A_759] {strides = array<i32>} : memref<4x32x512xf32, #tpu.memory_space<vmem>>, vector<16xf32>,
        %mul3A_761 = arith.mulf %get3A_760, %get3A_442 : vector<16xf32>
        %add3A_762 = arith.addf %add3A_734, %mul3A_761 : vector<16xf32>
        %get3A_763 = arith.constant 2 : i32
        %get3A_764 = arith.index_cast %get3A_763 : i32 to index
        %get3A_765 = arith.index_cast %add3A_654 : i32 to index
        %get3A_766 = arith.constant 256 : index
        %get3A_767 = tpu.vector_load %arg8[%get3A_764, %get3A_765, %get3A_766] {strides = array<i32>} : memref<4x32x512xf32, #tpu.memory_space<vmem>>, vector<16xf32>,
        %mul3A_768 = arith.mulf %get3A_767, %get3A_444 : vector<16xf32>
        %add3A_769 = arith.addf %add3A_741, %mul3A_768 : vector<16xf32>
        %get3A_770 = arith.constant 2 : i32
        %get3A_771 = arith.index_cast %get3A_770 : i32 to index
        %get3A_772 = arith.index_cast %add3A_654 : i32 to index
        %get3A_773 = arith.constant 272 : index
        %get3A_774 = tpu.vector_load %arg8[%get3A_771, %get3A_772, %get3A_773] {strides = array<i32>} : memref<4x32x512xf32, #tpu.memory_space<vmem>>, vector<16xf32>,
        %mul3A_775 = arith.mulf %get3A_774, %get3A_446 : vector<16xf32>
        %add3A_776 = arith.addf %add3A_748, %mul3A_775 : vector<16xf32>
        %get3A_777 = arith.constant 2 : i32
        %get3A_778 = arith.index_cast %get3A_777 : i32 to index
        %get3A_779 = arith.index_cast %add3A_654 : i32 to index
        %get3A_780 = arith.constant 288 : index
        %get3A_781 = tpu.vector_load %arg8[%get3A_778, %get3A_779, %get3A_780] {strides = array<i32>} : memref<4x32x512xf32, #tpu.memory_space<vmem>>, vector<16xf32>,
        %mul3A_782 = arith.mulf %get3A_781, %get3A_448 : vector<16xf32>
        %add3A_783 = arith.addf %add3A_755, %mul3A_782 : vector<16xf32>
        %get3A_784 = arith.constant 2 : i32
        %get3A_785 = arith.index_cast %get3A_784 : i32 to index
        %get3A_786 = arith.index_cast %add3A_654 : i32 to index
        %get3A_787 = arith.constant 304 : index
        %get3A_788 = tpu.vector_load %arg8[%get3A_785, %get3A_786, %get3A_787] {strides = array<i32>} : memref<4x32x512xf32, #tpu.memory_space<vmem>>, vector<16xf32>,
        %mul3A_789 = arith.mulf %get3A_788, %get3A_450 : vector<16xf32>
        %add3A_790 = arith.addf %add3A_762, %mul3A_789 : vector<16xf32>
        %get3A_791 = arith.constant 2 : i32
        %get3A_792 = arith.index_cast %get3A_791 : i32 to index
        %get3A_793 = arith.index_cast %add3A_654 : i32 to index
        %get3A_794 = arith.constant 320 : index
        %get3A_795 = tpu.vector_load %arg8[%get3A_792, %get3A_793, %get3A_794] {strides = array<i32>} : memref<4x32x512xf32, #tpu.memory_space<vmem>>, vector<16xf32>,
        %mul3A_796 = arith.mulf %get3A_795, %get3A_452 : vector<16xf32>
        %add3A_797 = arith.addf %add3A_769, %mul3A_796 : vector<16xf32>
        %get3A_798 = arith.constant 2 : i32
        %get3A_799 = arith.index_cast %get3A_798 : i32 to index
        %get3A_800 = arith.index_cast %add3A_654 : i32 to index
        %get3A_801 = arith.constant 336 : index
        %get3A_802 = tpu.vector_load %arg8[%get3A_799, %get3A_800, %get3A_801] {strides = array<i32>} : memref<4x32x512xf32, #tpu.memory_space<vmem>>, vector<16xf32>,
        %mul3A_803 = arith.mulf %get3A_802, %get3A_454 : vector<16xf32>
        %add3A_804 = arith.addf %add3A_776, %mul3A_803 : vector<16xf32>
        %get3A_805 = arith.constant 2 : i32
        %get3A_806 = arith.index_cast %get3A_805 : i32 to index
        %get3A_807 = arith.index_cast %add3A_654 : i32 to index
        %get3A_808 = arith.constant 352 : index
        %get3A_809 = tpu.vector_load %arg8[%get3A_806, %get3A_807, %get3A_808] {strides = array<i32>} : memref<4x32x512xf32, #tpu.memory_space<vmem>>, vector<16xf32>,
        %mul3A_810 = arith.mulf %get3A_809, %get3A_456 : vector<16xf32>
        %add3A_811 = arith.addf %add3A_783, %mul3A_810 : vector<16xf32>
        %get3A_812 = arith.constant 2 : i32
        %get3A_813 = arith.index_cast %get3A_812 : i32 to index
        %get3A_814 = arith.index_cast %add3A_654 : i32 to index
        %get3A_815 = arith.constant 368 : index
        %get3A_816 = tpu.vector_load %arg8[%get3A_813, %get3A_814, %get3A_815] {strides = array<i32>} : memref<4x32x512xf32, #tpu.memory_space<vmem>>, vector<16xf32>,
        %mul3A_817 = arith.mulf %get3A_816, %get3A_458 : vector<16xf32>
        %add3A_818 = arith.addf %add3A_790, %mul3A_817 : vector<16xf32>
        %get3A_819 = arith.constant 2 : i32
        %get3A_820 = arith.index_cast %get3A_819 : i32 to index
        %get3A_821 = arith.index_cast %add3A_654 : i32 to index
        %get3A_822 = arith.constant 384 : index
        %get3A_823 = tpu.vector_load %arg8[%get3A_820, %get3A_821, %get3A_822] {strides = array<i32>} : memref<4x32x512xf32, #tpu.memory_space<vmem>>, vector<16xf32>,
        %mul3A_824 = arith.mulf %get3A_823, %get3A_460 : vector<16xf32>
        %add3A_825 = arith.addf %add3A_797, %mul3A_824 : vector<16xf32>
        %get3A_826 = arith.constant 2 : i32
        %get3A_827 = arith.index_cast %get3A_826 : i32 to index
        %get3A_828 = arith.index_cast %add3A_654 : i32 to index
        %get3A_829 = arith.constant 400 : index
        %get3A_830 = tpu.vector_load %arg8[%get3A_827, %get3A_828, %get3A_829] {strides = array<i32>} : memref<4x32x512xf32, #tpu.memory_space<vmem>>, vector<16xf32>,
        %mul3A_831 = arith.mulf %get3A_830, %get3A_462 : vector<16xf32>
        %add3A_832 = arith.addf %add3A_804, %mul3A_831 : vector<16xf32>
        %get3A_833 = arith.constant 2 : i32
        %get3A_834 = arith.index_cast %get3A_833 : i32 to index
        %get3A_835 = arith.index_cast %add3A_654 : i32 to index
        %get3A_836 = arith.constant 416 : index
        %get3A_837 = tpu.vector_load %arg8[%get3A_834, %get3A_835, %get3A_836] {strides = array<i32>} : memref<4x32x512xf32, #tpu.memory_space<vmem>>, vector<16xf32>,
        %mul3A_838 = arith.mulf %get3A_837, %get3A_464 : vector<16xf32>
        %add3A_839 = arith.addf %add3A_811, %mul3A_838 : vector<16xf32>
        %get3A_840 = arith.constant 2 : i32
        %get3A_841 = arith.index_cast %get3A_840 : i32 to index
        %get3A_842 = arith.index_cast %add3A_654 : i32 to index
        %get3A_843 = arith.constant 432 : index
        %get3A_844 = tpu.vector_load %arg8[%get3A_841, %get3A_842, %get3A_843] {strides = array<i32>} : memref<4x32x512xf32, #tpu.memory_space<vmem>>, vector<16xf32>,
        %mul3A_845 = arith.mulf %get3A_844, %get3A_466 : vector<16xf32>
        %add3A_846 = arith.addf %add3A_818, %mul3A_845 : vector<16xf32>
        %get3A_847 = arith.constant 2 : i32
        %get3A_848 = arith.index_cast %get3A_847 : i32 to index
        %get3A_849 = arith.index_cast %add3A_654 : i32 to index
        %get3A_850 = arith.constant 448 : index
        %get3A_851 = tpu.vector_load %arg8[%get3A_848, %get3A_849, %get3A_850] {strides = array<i32>} : memref<4x32x512xf32, #tpu.memory_space<vmem>>, vector<16xf32>,
        %mul3A_852 = arith.mulf %get3A_851, %get3A_468 : vector<16xf32>
        %add3A_853 = arith.addf %add3A_825, %mul3A_852 : vector<16xf32>
        %get3A_854 = arith.constant 2 : i32
        %get3A_855 = arith.index_cast %get3A_854 : i32 to index
        %get3A_856 = arith.index_cast %add3A_654 : i32 to index
        %get3A_857 = arith.constant 464 : index
        %get3A_858 = tpu.vector_load %arg8[%get3A_855, %get3A_856, %get3A_857] {strides = array<i32>} : memref<4x32x512xf32, #tpu.memory_space<vmem>>, vector<16xf32>,
        %mul3A_859 = arith.mulf %get3A_858, %get3A_470 : vector<16xf32>
        %add3A_860 = arith.addf %add3A_832, %mul3A_859 : vector<16xf32>
        %get3A_861 = arith.constant 2 : i32
        %get3A_862 = arith.index_cast %get3A_861 : i32 to index
        %get3A_863 = arith.index_cast %add3A_654 : i32 to index
        %get3A_864 = arith.constant 480 : index
        %get3A_865 = tpu.vector_load %arg8[%get3A_862, %get3A_863, %get3A_864] {strides = array<i32>} : memref<4x32x512xf32, #tpu.memory_space<vmem>>, vector<16xf32>,
        %mul3A_866 = arith.mulf %get3A_865, %get3A_472 : vector<16xf32>
        %add3A_867 = arith.addf %add3A_839, %mul3A_866 : vector<16xf32>
        %get3A_868 = arith.constant 2 : i32
        %get3A_869 = arith.index_cast %get3A_868 : i32 to index
        %get3A_870 = arith.index_cast %add3A_654 : i32 to index
        %get3A_871 = arith.constant 496 : index
        %get3A_872 = tpu.vector_load %arg8[%get3A_869, %get3A_870, %get3A_871] {strides = array<i32>} : memref<4x32x512xf32, #tpu.memory_space<vmem>>, vector<16xf32>,
        %mul3A_873 = arith.mulf %get3A_872, %get3A_474 : vector<16xf32>
        %add3A_874 = arith.addf %add3A_846, %mul3A_873 : vector<16xf32>
        %add3A_875 = arith.addf %add3A_853, %add3A_860 : vector<16xf32>
        %add3A_876 = arith.addf %add3A_867, %add3A_874 : vector<16xf32>
        %add3A_877 = arith.addf %add3A_875, %add3A_876 : vector<16xf32>
        %reduce_sum3A = arith.constant true
        %reduce_sum3A_878 = vector.broadcast %reduce_sum3A : i1 to vector<16xi1>
        %reduce_sum3A_879 = tpu.scan <sum>, %add3A_877 masked %reduce_sum3A_878 : vector<16xf32>, vector<16xi1> -> vector<16xf32>
        %reduce_sum3A_880 = vector.extract %reduce_sum3A_879[15] : f32 from vector<16xf32>
        %add3A_881 = arith.constant 1 : i32
        %add3A_882 = arith.addi %mul3A_652, %add3A_881 : i32
        %get3A_883 = arith.constant 2 : i32
        %get3A_884 = arith.index_cast %get3A_883 : i32 to index
        %get3A_885 = arith.index_cast %add3A_882 : i32 to index
        %get3A_886 = arith.constant 0 : index
        %get3A_887 = tpu.vector_load %arg8[%get3A_884, %get3A_885, %get3A_886] {strides = array<i32>} : memref<4x32x512xf32, #tpu.memory_space<vmem>>, vector<16xf32>,
        %mul3A_888 = arith.mulf %get3A_887, %get3A_412 : vector<16xf32>
        %get3A_889 = arith.constant 2 : i32
        %get3A_890 = arith.index_cast %get3A_889 : i32 to index
        %get3A_891 = arith.index_cast %add3A_882 : i32 to index
        %get3A_892 = arith.constant 16 : index
        %get3A_893 = tpu.vector_load %arg8[%get3A_890, %get3A_891, %get3A_892] {strides = array<i32>} : memref<4x32x512xf32, #tpu.memory_space<vmem>>, vector<16xf32>,
        %mul3A_894 = arith.mulf %get3A_893, %get3A_414 : vector<16xf32>
        %get3A_895 = arith.constant 2 : i32
        %get3A_896 = arith.index_cast %get3A_895 : i32 to index
        %get3A_897 = arith.index_cast %add3A_882 : i32 to index
        %get3A_898 = arith.constant 32 : index
        %get3A_899 = tpu.vector_load %arg8[%get3A_896, %get3A_897, %get3A_898] {strides = array<i32>} : memref<4x32x512xf32, #tpu.memory_space<vmem>>, vector<16xf32>,
        %mul3A_900 = arith.mulf %get3A_899, %get3A_416 : vector<16xf32>
        %get3A_901 = arith.constant 2 : i32
        %get3A_902 = arith.index_cast %get3A_901 : i32 to index
        %get3A_903 = arith.index_cast %add3A_882 : i32 to index
        %get3A_904 = arith.constant 48 : index
        %get3A_905 = tpu.vector_load %arg8[%get3A_902, %get3A_903, %get3A_904] {strides = array<i32>} : memref<4x32x512xf32, #tpu.memory_space<vmem>>, vector<16xf32>,
        %mul3A_906 = arith.mulf %get3A_905, %get3A_418 : vector<16xf32>
        %get3A_907 = arith.constant 2 : i32
        %get3A_908 = arith.index_cast %get3A_907 : i32 to index
        %get3A_909 = arith.index_cast %add3A_882 : i32 to index
        %get3A_910 = arith.constant 64 : index
        %get3A_911 = tpu.vector_load %arg8[%get3A_908, %get3A_909, %get3A_910] {strides = array<i32>} : memref<4x32x512xf32, #tpu.memory_space<vmem>>, vector<16xf32>,
        %mul3A_912 = arith.mulf %get3A_911, %get3A_420 : vector<16xf32>
        %add3A_913 = arith.addf %mul3A_888, %mul3A_912 : vector<16xf32>
        %get3A_914 = arith.constant 2 : i32
        %get3A_915 = arith.index_cast %get3A_914 : i32 to index
        %get3A_916 = arith.index_cast %add3A_882 : i32 to index
        %get3A_917 = arith.constant 80 : index
        %get3A_918 = tpu.vector_load %arg8[%get3A_915, %get3A_916, %get3A_917] {strides = array<i32>} : memref<4x32x512xf32, #tpu.memory_space<vmem>>, vector<16xf32>,
        %mul3A_919 = arith.mulf %get3A_918, %get3A_422 : vector<16xf32>
        %add3A_920 = arith.addf %mul3A_894, %mul3A_919 : vector<16xf32>
        %get3A_921 = arith.constant 2 : i32
        %get3A_922 = arith.index_cast %get3A_921 : i32 to index
        %get3A_923 = arith.index_cast %add3A_882 : i32 to index
        %get3A_924 = arith.constant 96 : index
        %get3A_925 = tpu.vector_load %arg8[%get3A_922, %get3A_923, %get3A_924] {strides = array<i32>} : memref<4x32x512xf32, #tpu.memory_space<vmem>>, vector<16xf32>,
        %mul3A_926 = arith.mulf %get3A_925, %get3A_424 : vector<16xf32>
        %add3A_927 = arith.addf %mul3A_900, %mul3A_926 : vector<16xf32>
        %get3A_928 = arith.constant 2 : i32
        %get3A_929 = arith.index_cast %get3A_928 : i32 to index
        %get3A_930 = arith.index_cast %add3A_882 : i32 to index
        %get3A_931 = arith.constant 112 : index
        %get3A_932 = tpu.vector_load %arg8[%get3A_929, %get3A_930, %get3A_931] {strides = array<i32>} : memref<4x32x512xf32, #tpu.memory_space<vmem>>, vector<16xf32>,
        %mul3A_933 = arith.mulf %get3A_932, %get3A_426 : vector<16xf32>
        %add3A_934 = arith.addf %mul3A_906, %mul3A_933 : vector<16xf32>
        %get3A_935 = arith.constant 2 : i32
        %get3A_936 = arith.index_cast %get3A_935 : i32 to index
        %get3A_937 = arith.index_cast %add3A_882 : i32 to index
        %get3A_938 = arith.constant 128 : index
        %get3A_939 = tpu.vector_load %arg8[%get3A_936, %get3A_937, %get3A_938] {strides = array<i32>} : memref<4x32x512xf32, #tpu.memory_space<vmem>>, vector<16xf32>,
        %mul3A_940 = arith.mulf %get3A_939, %get3A_428 : vector<16xf32>
        %add3A_941 = arith.addf %add3A_913, %mul3A_940 : vector<16xf32>
        %get3A_942 = arith.constant 2 : i32
        %get3A_943 = arith.index_cast %get3A_942 : i32 to index
        %get3A_944 = arith.index_cast %add3A_882 : i32 to index
        %get3A_945 = arith.constant 144 : index
        %get3A_946 = tpu.vector_load %arg8[%get3A_943, %get3A_944, %get3A_945] {strides = array<i32>} : memref<4x32x512xf32, #tpu.memory_space<vmem>>, vector<16xf32>,
        %mul3A_947 = arith.mulf %get3A_946, %get3A_430 : vector<16xf32>
        %add3A_948 = arith.addf %add3A_920, %mul3A_947 : vector<16xf32>
        %get3A_949 = arith.constant 2 : i32
        %get3A_950 = arith.index_cast %get3A_949 : i32 to index
        %get3A_951 = arith.index_cast %add3A_882 : i32 to index
        %get3A_952 = arith.constant 160 : index
        %get3A_953 = tpu.vector_load %arg8[%get3A_950, %get3A_951, %get3A_952] {strides = array<i32>} : memref<4x32x512xf32, #tpu.memory_space<vmem>>, vector<16xf32>,
        %mul3A_954 = arith.mulf %get3A_953, %get3A_432 : vector<16xf32>
        %add3A_955 = arith.addf %add3A_927, %mul3A_954 : vector<16xf32>
        %get3A_956 = arith.constant 2 : i32
        %get3A_957 = arith.index_cast %get3A_956 : i32 to index
        %get3A_958 = arith.index_cast %add3A_882 : i32 to index
        %get3A_959 = arith.constant 176 : index
        %get3A_960 = tpu.vector_load %arg8[%get3A_957, %get3A_958, %get3A_959] {strides = array<i32>} : memref<4x32x512xf32, #tpu.memory_space<vmem>>, vector<16xf32>,
        %mul3A_961 = arith.mulf %get3A_960, %get3A_434 : vector<16xf32>
        %add3A_962 = arith.addf %add3A_934, %mul3A_961 : vector<16xf32>
        %get3A_963 = arith.constant 2 : i32
        %get3A_964 = arith.index_cast %get3A_963 : i32 to index
        %get3A_965 = arith.index_cast %add3A_882 : i32 to index
        %get3A_966 = arith.constant 192 : index
        %get3A_967 = tpu.vector_load %arg8[%get3A_964, %get3A_965, %get3A_966] {strides = array<i32>} : memref<4x32x512xf32, #tpu.memory_space<vmem>>, vector<16xf32>,
        %mul3A_968 = arith.mulf %get3A_967, %get3A_436 : vector<16xf32>
        %add3A_969 = arith.addf %add3A_941, %mul3A_968 : vector<16xf32>
        %get3A_970 = arith.constant 2 : i32
        %get3A_971 = arith.index_cast %get3A_970 : i32 to index
        %get3A_972 = arith.index_cast %add3A_882 : i32 to index
        %get3A_973 = arith.constant 208 : index
        %get3A_974 = tpu.vector_load %arg8[%get3A_971, %get3A_972, %get3A_973] {strides = array<i32>} : memref<4x32x512xf32, #tpu.memory_space<vmem>>, vector<16xf32>,
        %mul3A_975 = arith.mulf %get3A_974, %get3A_438 : vector<16xf32>
        %add3A_976 = arith.addf %add3A_948, %mul3A_975 : vector<16xf32>
        %get3A_977 = arith.constant 2 : i32
        %get3A_978 = arith.index_cast %get3A_977 : i32 to index
        %get3A_979 = arith.index_cast %add3A_882 : i32 to index
        %get3A_980 = arith.constant 224 : index
        %get3A_981 = tpu.vector_load %arg8[%get3A_978, %get3A_979, %get3A_980] {strides = array<i32>} : memref<4x32x512xf32, #tpu.memory_space<vmem>>, vector<16xf32>,
        %mul3A_982 = arith.mulf %get3A_981, %get3A_440 : vector<16xf32>
        %add3A_983 = arith.addf %add3A_955, %mul3A_982 : vector<16xf32>
        %get3A_984 = arith.constant 2 : i32
        %get3A_985 = arith.index_cast %get3A_984 : i32 to index
        %get3A_986 = arith.index_cast %add3A_882 : i32 to index
        %get3A_987 = arith.constant 240 : index
        %get3A_988 = tpu.vector_load %arg8[%get3A_985, %get3A_986, %get3A_987] {strides = array<i32>} : memref<4x32x512xf32, #tpu.memory_space<vmem>>, vector<16xf32>,
        %mul3A_989 = arith.mulf %get3A_988, %get3A_442 : vector<16xf32>
        %add3A_990 = arith.addf %add3A_962, %mul3A_989 : vector<16xf32>
        %get3A_991 = arith.constant 2 : i32
        %get3A_992 = arith.index_cast %get3A_991 : i32 to index
        %get3A_993 = arith.index_cast %add3A_882 : i32 to index
        %get3A_994 = arith.constant 256 : index
        %get3A_995 = tpu.vector_load %arg8[%get3A_992, %get3A_993, %get3A_994] {strides = array<i32>} : memref<4x32x512xf32, #tpu.memory_space<vmem>>, vector<16xf32>,
        %mul3A_996 = arith.mulf %get3A_995, %get3A_444 : vector<16xf32>
        %add3A_997 = arith.addf %add3A_969, %mul3A_996 : vector<16xf32>
        %get3A_998 = arith.constant 2 : i32
        %get3A_999 = arith.index_cast %get3A_998 : i32 to index
        %get3A_1000 = arith.index_cast %add3A_882 : i32 to index
        %get3A_1001 = arith.constant 272 : index
        %get3A_1002 = tpu.vector_load %arg8[%get3A_999, %get3A_1000, %get3A_1001] {strides = array<i32>} : memref<4x32x512xf32, #tpu.memory_space<vmem>>, vector<16xf32>,
        %mul3A_1003 = arith.mulf %get3A_1002, %get3A_446 : vector<16xf32>
        %add3A_1004 = arith.addf %add3A_976, %mul3A_1003 : vector<16xf32>
        %get3A_1005 = arith.constant 2 : i32
        %get3A_1006 = arith.index_cast %get3A_1005 : i32 to index
        %get3A_1007 = arith.index_cast %add3A_882 : i32 to index
        %get3A_1008 = arith.constant 288 : index
        %get3A_1009 = tpu.vector_load %arg8[%get3A_1006, %get3A_1007, %get3A_1008] {strides = array<i32>} : memref<4x32x512xf32, #tpu.memory_space<vmem>>, vector<16xf32>,
        %mul3A_1010 = arith.mulf %get3A_1009, %get3A_448 : vector<16xf32>
        %add3A_1011 = arith.addf %add3A_983, %mul3A_1010 : vector<16xf32>
        %get3A_1012 = arith.constant 2 : i32
        %get3A_1013 = arith.index_cast %get3A_1012 : i32 to index
        %get3A_1014 = arith.index_cast %add3A_882 : i32 to index
        %get3A_1015 = arith.constant 304 : index
        %get3A_1016 = tpu.vector_load %arg8[%get3A_1013, %get3A_1014, %get3A_1015] {strides = array<i32>} : memref<4x32x512xf32, #tpu.memory_space<vmem>>, vector<16xf32>,
        %mul3A_1017 = arith.mulf %get3A_1016, %get3A_450 : vector<16xf32>
        %add3A_1018 = arith.addf %add3A_990, %mul3A_1017 : vector<16xf32>
        %get3A_1019 = arith.constant 2 : i32
        %get3A_1020 = arith.index_cast %get3A_1019 : i32 to index
        %get3A_1021 = arith.index_cast %add3A_882 : i32 to index
        %get3A_1022 = arith.constant 320 : index
        %get3A_1023 = tpu.vector_load %arg8[%get3A_1020, %get3A_1021, %get3A_1022] {strides = array<i32>} : memref<4x32x512xf32, #tpu.memory_space<vmem>>, vector<16xf32>,
        %mul3A_1024 = arith.mulf %get3A_1023, %get3A_452 : vector<16xf32>
        %add3A_1025 = arith.addf %add3A_997, %mul3A_1024 : vector<16xf32>
        %get3A_1026 = arith.constant 2 : i32
        %get3A_1027 = arith.index_cast %get3A_1026 : i32 to index
        %get3A_1028 = arith.index_cast %add3A_882 : i32 to index
        %get3A_1029 = arith.constant 336 : index
        %get3A_1030 = tpu.vector_load %arg8[%get3A_1027, %get3A_1028, %get3A_1029] {strides = array<i32>} : memref<4x32x512xf32, #tpu.memory_space<vmem>>, vector<16xf32>,
        %mul3A_1031 = arith.mulf %get3A_1030, %get3A_454 : vector<16xf32>
        %add3A_1032 = arith.addf %add3A_1004, %mul3A_1031 : vector<16xf32>
        %get3A_1033 = arith.constant 2 : i32
        %get3A_1034 = arith.index_cast %get3A_1033 : i32 to index
        %get3A_1035 = arith.index_cast %add3A_882 : i32 to index
        %get3A_1036 = arith.constant 352 : index
        %get3A_1037 = tpu.vector_load %arg8[%get3A_1034, %get3A_1035, %get3A_1036] {strides = array<i32>} : memref<4x32x512xf32, #tpu.memory_space<vmem>>, vector<16xf32>,
        %mul3A_1038 = arith.mulf %get3A_1037, %get3A_456 : vector<16xf32>
        %add3A_1039 = arith.addf %add3A_1011, %mul3A_1038 : vector<16xf32>
        %get3A_1040 = arith.constant 2 : i32
        %get3A_1041 = arith.index_cast %get3A_1040 : i32 to index
        %get3A_1042 = arith.index_cast %add3A_882 : i32 to index
        %get3A_1043 = arith.constant 368 : index
        %get3A_1044 = tpu.vector_load %arg8[%get3A_1041, %get3A_1042, %get3A_1043] {strides = array<i32>} : memref<4x32x512xf32, #tpu.memory_space<vmem>>, vector<16xf32>,
        %mul3A_1045 = arith.mulf %get3A_1044, %get3A_458 : vector<16xf32>
        %add3A_1046 = arith.addf %add3A_1018, %mul3A_1045 : vector<16xf32>
        %get3A_1047 = arith.constant 2 : i32
        %get3A_1048 = arith.index_cast %get3A_1047 : i32 to index
        %get3A_1049 = arith.index_cast %add3A_882 : i32 to index
        %get3A_1050 = arith.constant 384 : index
        %get3A_1051 = tpu.vector_load %arg8[%get3A_1048, %get3A_1049, %get3A_1050] {strides = array<i32>} : memref<4x32x512xf32, #tpu.memory_space<vmem>>, vector<16xf32>,
        %mul3A_1052 = arith.mulf %get3A_1051, %get3A_460 : vector<16xf32>
        %add3A_1053 = arith.addf %add3A_1025, %mul3A_1052 : vector<16xf32>
        %get3A_1054 = arith.constant 2 : i32
        %get3A_1055 = arith.index_cast %get3A_1054 : i32 to index
        %get3A_1056 = arith.index_cast %add3A_882 : i32 to index
        %get3A_1057 = arith.constant 400 : index
        %get3A_1058 = tpu.vector_load %arg8[%get3A_1055, %get3A_1056, %get3A_1057] {strides = array<i32>} : memref<4x32x512xf32, #tpu.memory_space<vmem>>, vector<16xf32>,
        %mul3A_1059 = arith.mulf %get3A_1058, %get3A_462 : vector<16xf32>
        %add3A_1060 = arith.addf %add3A_1032, %mul3A_1059 : vector<16xf32>
        %get3A_1061 = arith.constant 2 : i32
        %get3A_1062 = arith.index_cast %get3A_1061 : i32 to index
        %get3A_1063 = arith.index_cast %add3A_882 : i32 to index
        %get3A_1064 = arith.constant 416 : index
        %get3A_1065 = tpu.vector_load %arg8[%get3A_1062, %get3A_1063, %get3A_1064] {strides = array<i32>} : memref<4x32x512xf32, #tpu.memory_space<vmem>>, vector<16xf32>,
        %mul3A_1066 = arith.mulf %get3A_1065, %get3A_464 : vector<16xf32>
        %add3A_1067 = arith.addf %add3A_1039, %mul3A_1066 : vector<16xf32>
        %get3A_1068 = arith.constant 2 : i32
        %get3A_1069 = arith.index_cast %get3A_1068 : i32 to index
        %get3A_1070 = arith.index_cast %add3A_882 : i32 to index
        %get3A_1071 = arith.constant 432 : index
        %get3A_1072 = tpu.vector_load %arg8[%get3A_1069, %get3A_1070, %get3A_1071] {strides = array<i32>} : memref<4x32x512xf32, #tpu.memory_space<vmem>>, vector<16xf32>,
        %mul3A_1073 = arith.mulf %get3A_1072, %get3A_466 : vector<16xf32>
        %add3A_1074 = arith.addf %add3A_1046, %mul3A_1073 : vector<16xf32>
        %get3A_1075 = arith.constant 2 : i32
        %get3A_1076 = arith.index_cast %get3A_1075 : i32 to index
        %get3A_1077 = arith.index_cast %add3A_882 : i32 to index
        %get3A_1078 = arith.constant 448 : index
        %get3A_1079 = tpu.vector_load %arg8[%get3A_1076, %get3A_1077, %get3A_1078] {strides = array<i32>} : memref<4x32x512xf32, #tpu.memory_space<vmem>>, vector<16xf32>,
        %mul3A_1080 = arith.mulf %get3A_1079, %get3A_468 : vector<16xf32>
        %add3A_1081 = arith.addf %add3A_1053, %mul3A_1080 : vector<16xf32>
        %get3A_1082 = arith.constant 2 : i32
        %get3A_1083 = arith.index_cast %get3A_1082 : i32 to index
        %get3A_1084 = arith.index_cast %add3A_882 : i32 to index
        %get3A_1085 = arith.constant 464 : index
        %get3A_1086 = tpu.vector_load %arg8[%get3A_1083, %get3A_1084, %get3A_1085] {strides = array<i32>} : memref<4x32x512xf32, #tpu.memory_space<vmem>>, vector<16xf32>,
        %mul3A_1087 = arith.mulf %get3A_1086, %get3A_470 : vector<16xf32>
        %add3A_1088 = arith.addf %add3A_1060, %mul3A_1087 : vector<16xf32>
        %get3A_1089 = arith.constant 2 : i32
        %get3A_1090 = arith.index_cast %get3A_1089 : i32 to index
        %get3A_1091 = arith.index_cast %add3A_882 : i32 to index
        %get3A_1092 = arith.constant 480 : index
        %get3A_1093 = tpu.vector_load %arg8[%get3A_1090, %get3A_1091, %get3A_1092] {strides = array<i32>} : memref<4x32x512xf32, #tpu.memory_space<vmem>>, vector<16xf32>,
        %mul3A_1094 = arith.mulf %get3A_1093, %get3A_472 : vector<16xf32>
        %add3A_1095 = arith.addf %add3A_1067, %mul3A_1094 : vector<16xf32>
        %get3A_1096 = arith.constant 2 : i32
        %get3A_1097 = arith.index_cast %get3A_1096 : i32 to index
        %get3A_1098 = arith.index_cast %add3A_882 : i32 to index
        %get3A_1099 = arith.constant 496 : index
        %get3A_1100 = tpu.vector_load %arg8[%get3A_1097, %get3A_1098, %get3A_1099] {strides = array<i32>} : memref<4x32x512xf32, #tpu.memory_space<vmem>>, vector<16xf32>,
        %mul3A_1101 = arith.mulf %get3A_1100, %get3A_474 : vector<16xf32>
        %add3A_1102 = arith.addf %add3A_1074, %mul3A_1101 : vector<16xf32>
        %add3A_1103 = arith.addf %add3A_1081, %add3A_1088 : vector<16xf32>
        %add3A_1104 = arith.addf %add3A_1095, %add3A_1102 : vector<16xf32>
        %add3A_1105 = arith.addf %add3A_1103, %add3A_1104 : vector<16xf32>
        %reduce_sum3A_1106 = arith.constant true
        %reduce_sum3A_1107 = vector.broadcast %reduce_sum3A_1106 : i1 to vector<16xi1>
        %reduce_sum3A_1108 = tpu.scan <sum>, %add3A_1105 masked %reduce_sum3A_1107 : vector<16xf32>, vector<16xi1> -> vector<16xf32>
        %reduce_sum3A_1109 = vector.extract %reduce_sum3A_1108[15] : f32 from vector<16xf32>
        %add3A_1110 = arith.addi %add3A_586, %mul3A_652 : i32
        %add3A_1111 = arith.constant 0 : i32
        %add3A_1112 = arith.addi %add3A_1110, %add3A_1111 : i32
        %gt3A = arith.cmpf ogt, %reduce_sum3A_880, %scan3A_647 : f32
        %select_n3A_1113 = arith.select %gt3A, %reduce_sum3A_880, %scan3A_647 : f32
        %select_n3A_1114 = arith.select %gt3A, %add3A_1112, %scan3A_648 : i32
        %lt3A_1115 = arith.cmpf olt, %reduce_sum3A_880, %scan3A_649 : f32
        %select_n3A_1116 = arith.select %lt3A_1115, %reduce_sum3A_880, %scan3A_649 : f32
        %select_n3A_1117 = arith.select %lt3A_1115, %add3A_1112, %scan3A_650 : i32
        %add3A_1118 = arith.addi %add3A_586, %mul3A_652 : i32
        %add3A_1119 = arith.constant 1 : i32
        %add3A_1120 = arith.addi %add3A_1118, %add3A_1119 : i32
        %gt3A_1121 = arith.cmpf ogt, %reduce_sum3A_1109, %select_n3A_1113 : f32
        %select_n3A_1122 = arith.select %gt3A_1121, %reduce_sum3A_1109, %select_n3A_1113 : f32
        %select_n3A_1123 = arith.select %gt3A_1121, %add3A_1120, %select_n3A_1114 : i32
        %lt3A_1124 = arith.cmpf olt, %reduce_sum3A_1109, %select_n3A_1116 : f32
        %select_n3A_1125 = arith.select %lt3A_1124, %reduce_sum3A_1109, %select_n3A_1116 : f32
        %select_n3A_1126 = arith.select %lt3A_1124, %add3A_1120, %select_n3A_1117 : i32
        scf.yield %select_n3A_1122, %select_n3A_1123, %select_n3A_1125, %select_n3A_1126 : f32, i32, f32, i32
      }
      %scan3A_605 = arith.constant 16 : i32
      %add3A_606 = arith.constant 4 : i32
      %add3A_607 = arith.addi %add3A_583, %add3A_606 : i32
      %lt3A_608 = arith.constant 32 : i32
      %lt3A_609 = arith.cmpi slt, %add3A_607, %lt3A_608 : i32
      %convert_element_type3A_610 = arith.extui %lt3A_609 : i1 to i32
      %cond3A_611 = arith.constant 0 : i32
      %cond3A_612 = arith.cmpi ne, %convert_element_type3A_610, %cond3A_611 : i32
      scf.if %cond3A_612 {
        %add3A_646 = arith.constant 128 : i32
        %add3A_647 = arith.addi %add3A_586, %add3A_646 : i32
        %dma_start3A_648 = arith.constant 2 : i32
        %dma_start3A_649 = arith.constant 0 : i32
        %dma_start3A_650 = arith.constant 0 : i32
        %dma_start3A_651 = tpu.memref_slice %arg8[%dma_start3A_648, %dma_start3A_649, %dma_start3A_650] : memref<4x32x512xf32, #tpu.memory_space<vmem>> -> memref<1x32x512xf32, #tpu.memory_space<vmem>>
        %dma_start3A_652 = tpu.memref_squeeze %dma_start3A_651 : memref<1x32x512xf32, #tpu.memory_space<vmem>> -> memref<32x512xf32, #tpu.memory_space<vmem>>
        %dma_start3A_653 = arith.constant 0 : i32
        %dma_start3A_654 = tpu.memref_slice %arg2[%add3A_647, %dma_start3A_653] : memref<32768x512xf32, #tpu.memory_space<hbm>> -> memref<32x512xf32, #tpu.memory_space<hbm>>
        %dma_start3A_655 = arith.constant 0 : i32
        %dma_start3A_656 = arith.constant 0 : i32
        %dma_start3A_657 = tpu.memref_slice %arg8[%dma_start3A_648, %dma_start3A_655, %dma_start3A_656] : memref<4x32x512xf32, #tpu.memory_space<vmem>> -> memref<1x32x512xf32, #tpu.memory_space<vmem>>
        %dma_start3A_658 = tpu.memref_squeeze %dma_start3A_657 : memref<1x32x512xf32, #tpu.memory_space<vmem>> -> memref<32x512xf32, #tpu.memory_space<vmem>>
        %dma_start3A_659 = arith.constant 0 : i32
        %dma_start3A_660 = tpu.memref_slice %arg2[%add3A_647, %dma_start3A_659] : memref<32768x512xf32, #tpu.memory_space<hbm>> -> memref<32x512xf32, #tpu.memory_space<hbm>>
        tpu.enqueue_dma source(%dma_start3A_660 : memref<32x512xf32, #tpu.memory_space<hbm>>) target(%dma_start3A_658 : memref<32x512xf32, #tpu.memory_space<vmem>>) target_semaphore(%arg13 : memref<!tpu.dma_semaphore, #tpu.memory_space<semaphore_mem>>)
      } else {
      }
      %mul3A_613 = arith.constant 4 : i32
      %mul3A_614 = arith.muli %mul3A_613, %scan3A_513 : i32
      %add3A_615 = arith.constant 3 : i32
      %add3A_616 = arith.addi %mul3A_614, %add3A_615 : i32
      %mul3A_617 = arith.constant 32 : i32
      %mul3A_618 = arith.muli %add3A_616, %mul3A_617 : i32
      %add3A_619 = arith.addi %mul3A_2, %mul3A_618 : i32
      %dma_wait3A_620 = arith.constant 3 : i32
      %dma_wait3A_621 = arith.constant 0 : i32
      %dma_wait3A_622 = arith.constant 0 : i32
      %dma_wait3A_623 = tpu.memref_slice %arg8[%dma_wait3A_620, %dma_wait3A_621, %dma_wait3A_622] : memref<4x32x512xf32, #tpu.memory_space<vmem>> -> memref<1x32x512xf32, #tpu.memory_space<vmem>>
      %dma_wait3A_624 = tpu.memref_squeeze %dma_wait3A_623 : memref<1x32x512xf32, #tpu.memory_space<vmem>> -> memref<32x512xf32, #tpu.memory_space<vmem>>
      %dma_wait3A_625 = arith.constant 0 : i32
      %dma_wait3A_626 = tpu.memref_slice %arg2[%add3A_619, %dma_wait3A_625] : memref<32768x512xf32, #tpu.memory_space<hbm>> -> memref<32x512xf32, #tpu.memory_space<hbm>>
      %dma_wait3A_627 = arith.constant 0 : i32
      %dma_wait3A_628 = arith.constant 0 : i32
      %dma_wait3A_629 = tpu.memref_slice %arg8[%dma_wait3A_620, %dma_wait3A_627, %dma_wait3A_628] : memref<4x32x512xf32, #tpu.memory_space<vmem>> -> memref<1x32x512xf32, #tpu.memory_space<vmem>>
      %dma_wait3A_630 = tpu.memref_squeeze %dma_wait3A_629 : memref<1x32x512xf32, #tpu.memory_space<vmem>> -> memref<32x512xf32, #tpu.memory_space<vmem>>
      %dma_wait3A_631 = arith.constant 0 : i32
      %dma_wait3A_632 = tpu.memref_slice %arg2[%add3A_619, %dma_wait3A_631] : memref<32768x512xf32, #tpu.memory_space<hbm>> -> memref<32x512xf32, #tpu.memory_space<hbm>>
      tpu.wait_dma2 semaphore(%arg14 : memref<!tpu.dma_semaphore, #tpu.memory_space<semaphore_mem>>) src(%dma_wait3A_632 : memref<32x512xf32, #tpu.memory_space<hbm>>) dst(%dma_wait3A_630 : memref<32x512xf32, #tpu.memory_space<vmem>>)
      %scan3A_633 = arith.constant 0 : i32
      %scan3A_634 = arith.constant 16 : i32
      %scan3A_635 = arith.addi %scan3A_633, %scan3A_634 : i32
      %scan3A_636 = arith.constant 1 : i32
      %scan3A_637:4 = scf.for %scan3A_646 = %scan3A_633 to %scan3A_635 step %scan3A_636 iter_args(%scan3A_647 = %scan3A_604#0, %scan3A_648 = %scan3A_604#1, %scan3A_649 = %scan3A_604#2, %scan3A_650 = %scan3A_604#3) -> (f32, i32, f32, i32)  : i32 {
        %mul3A_651 = arith.constant 2 : i32
        %mul3A_652 = arith.muli %scan3A_646, %mul3A_651 : i32
        %add3A_653 = arith.constant 0 : i32
        %add3A_654 = arith.addi %mul3A_652, %add3A_653 : i32
        %get3A_655 = arith.constant 3 : i32
        %get3A_656 = arith.index_cast %get3A_655 : i32 to index
        %get3A_657 = arith.index_cast %add3A_654 : i32 to index
        %get3A_658 = arith.constant 0 : index
        %get3A_659 = tpu.vector_load %arg8[%get3A_656, %get3A_657, %get3A_658] {strides = array<i32>} : memref<4x32x512xf32, #tpu.memory_space<vmem>>, vector<16xf32>,
        %mul3A_660 = arith.mulf %get3A_659, %get3A_412 : vector<16xf32>
        %get3A_661 = arith.constant 3 : i32
        %get3A_662 = arith.index_cast %get3A_661 : i32 to index
        %get3A_663 = arith.index_cast %add3A_654 : i32 to index
        %get3A_664 = arith.constant 16 : index
        %get3A_665 = tpu.vector_load %arg8[%get3A_662, %get3A_663, %get3A_664] {strides = array<i32>} : memref<4x32x512xf32, #tpu.memory_space<vmem>>, vector<16xf32>,
        %mul3A_666 = arith.mulf %get3A_665, %get3A_414 : vector<16xf32>
        %get3A_667 = arith.constant 3 : i32
        %get3A_668 = arith.index_cast %get3A_667 : i32 to index
        %get3A_669 = arith.index_cast %add3A_654 : i32 to index
        %get3A_670 = arith.constant 32 : index
        %get3A_671 = tpu.vector_load %arg8[%get3A_668, %get3A_669, %get3A_670] {strides = array<i32>} : memref<4x32x512xf32, #tpu.memory_space<vmem>>, vector<16xf32>,
        %mul3A_672 = arith.mulf %get3A_671, %get3A_416 : vector<16xf32>
        %get3A_673 = arith.constant 3 : i32
        %get3A_674 = arith.index_cast %get3A_673 : i32 to index
        %get3A_675 = arith.index_cast %add3A_654 : i32 to index
        %get3A_676 = arith.constant 48 : index
        %get3A_677 = tpu.vector_load %arg8[%get3A_674, %get3A_675, %get3A_676] {strides = array<i32>} : memref<4x32x512xf32, #tpu.memory_space<vmem>>, vector<16xf32>,
        %mul3A_678 = arith.mulf %get3A_677, %get3A_418 : vector<16xf32>
        %get3A_679 = arith.constant 3 : i32
        %get3A_680 = arith.index_cast %get3A_679 : i32 to index
        %get3A_681 = arith.index_cast %add3A_654 : i32 to index
        %get3A_682 = arith.constant 64 : index
        %get3A_683 = tpu.vector_load %arg8[%get3A_680, %get3A_681, %get3A_682] {strides = array<i32>} : memref<4x32x512xf32, #tpu.memory_space<vmem>>, vector<16xf32>,
        %mul3A_684 = arith.mulf %get3A_683, %get3A_420 : vector<16xf32>
        %add3A_685 = arith.addf %mul3A_660, %mul3A_684 : vector<16xf32>
        %get3A_686 = arith.constant 3 : i32
        %get3A_687 = arith.index_cast %get3A_686 : i32 to index
        %get3A_688 = arith.index_cast %add3A_654 : i32 to index
        %get3A_689 = arith.constant 80 : index
        %get3A_690 = tpu.vector_load %arg8[%get3A_687, %get3A_688, %get3A_689] {strides = array<i32>} : memref<4x32x512xf32, #tpu.memory_space<vmem>>, vector<16xf32>,
        %mul3A_691 = arith.mulf %get3A_690, %get3A_422 : vector<16xf32>
        %add3A_692 = arith.addf %mul3A_666, %mul3A_691 : vector<16xf32>
        %get3A_693 = arith.constant 3 : i32
        %get3A_694 = arith.index_cast %get3A_693 : i32 to index
        %get3A_695 = arith.index_cast %add3A_654 : i32 to index
        %get3A_696 = arith.constant 96 : index
        %get3A_697 = tpu.vector_load %arg8[%get3A_694, %get3A_695, %get3A_696] {strides = array<i32>} : memref<4x32x512xf32, #tpu.memory_space<vmem>>, vector<16xf32>,
        %mul3A_698 = arith.mulf %get3A_697, %get3A_424 : vector<16xf32>
        %add3A_699 = arith.addf %mul3A_672, %mul3A_698 : vector<16xf32>
        %get3A_700 = arith.constant 3 : i32
        %get3A_701 = arith.index_cast %get3A_700 : i32 to index
        %get3A_702 = arith.index_cast %add3A_654 : i32 to index
        %get3A_703 = arith.constant 112 : index
        %get3A_704 = tpu.vector_load %arg8[%get3A_701, %get3A_702, %get3A_703] {strides = array<i32>} : memref<4x32x512xf32, #tpu.memory_space<vmem>>, vector<16xf32>,
        %mul3A_705 = arith.mulf %get3A_704, %get3A_426 : vector<16xf32>
        %add3A_706 = arith.addf %mul3A_678, %mul3A_705 : vector<16xf32>
        %get3A_707 = arith.constant 3 : i32
        %get3A_708 = arith.index_cast %get3A_707 : i32 to index
        %get3A_709 = arith.index_cast %add3A_654 : i32 to index
        %get3A_710 = arith.constant 128 : index
        %get3A_711 = tpu.vector_load %arg8[%get3A_708, %get3A_709, %get3A_710] {strides = array<i32>} : memref<4x32x512xf32, #tpu.memory_space<vmem>>, vector<16xf32>,
        %mul3A_712 = arith.mulf %get3A_711, %get3A_428 : vector<16xf32>
        %add3A_713 = arith.addf %add3A_685, %mul3A_712 : vector<16xf32>
        %get3A_714 = arith.constant 3 : i32
        %get3A_715 = arith.index_cast %get3A_714 : i32 to index
        %get3A_716 = arith.index_cast %add3A_654 : i32 to index
        %get3A_717 = arith.constant 144 : index
        %get3A_718 = tpu.vector_load %arg8[%get3A_715, %get3A_716, %get3A_717] {strides = array<i32>} : memref<4x32x512xf32, #tpu.memory_space<vmem>>, vector<16xf32>,
        %mul3A_719 = arith.mulf %get3A_718, %get3A_430 : vector<16xf32>
        %add3A_720 = arith.addf %add3A_692, %mul3A_719 : vector<16xf32>
        %get3A_721 = arith.constant 3 : i32
        %get3A_722 = arith.index_cast %get3A_721 : i32 to index
        %get3A_723 = arith.index_cast %add3A_654 : i32 to index
        %get3A_724 = arith.constant 160 : index
        %get3A_725 = tpu.vector_load %arg8[%get3A_722, %get3A_723, %get3A_724] {strides = array<i32>} : memref<4x32x512xf32, #tpu.memory_space<vmem>>, vector<16xf32>,
        %mul3A_726 = arith.mulf %get3A_725, %get3A_432 : vector<16xf32>
        %add3A_727 = arith.addf %add3A_699, %mul3A_726 : vector<16xf32>
        %get3A_728 = arith.constant 3 : i32
        %get3A_729 = arith.index_cast %get3A_728 : i32 to index
        %get3A_730 = arith.index_cast %add3A_654 : i32 to index
        %get3A_731 = arith.constant 176 : index
        %get3A_732 = tpu.vector_load %arg8[%get3A_729, %get3A_730, %get3A_731] {strides = array<i32>} : memref<4x32x512xf32, #tpu.memory_space<vmem>>, vector<16xf32>,
        %mul3A_733 = arith.mulf %get3A_732, %get3A_434 : vector<16xf32>
        %add3A_734 = arith.addf %add3A_706, %mul3A_733 : vector<16xf32>
        %get3A_735 = arith.constant 3 : i32
        %get3A_736 = arith.index_cast %get3A_735 : i32 to index
        %get3A_737 = arith.index_cast %add3A_654 : i32 to index
        %get3A_738 = arith.constant 192 : index
        %get3A_739 = tpu.vector_load %arg8[%get3A_736, %get3A_737, %get3A_738] {strides = array<i32>} : memref<4x32x512xf32, #tpu.memory_space<vmem>>, vector<16xf32>,
        %mul3A_740 = arith.mulf %get3A_739, %get3A_436 : vector<16xf32>
        %add3A_741 = arith.addf %add3A_713, %mul3A_740 : vector<16xf32>
        %get3A_742 = arith.constant 3 : i32
        %get3A_743 = arith.index_cast %get3A_742 : i32 to index
        %get3A_744 = arith.index_cast %add3A_654 : i32 to index
        %get3A_745 = arith.constant 208 : index
        %get3A_746 = tpu.vector_load %arg8[%get3A_743, %get3A_744, %get3A_745] {strides = array<i32>} : memref<4x32x512xf32, #tpu.memory_space<vmem>>, vector<16xf32>,
        %mul3A_747 = arith.mulf %get3A_746, %get3A_438 : vector<16xf32>
        %add3A_748 = arith.addf %add3A_720, %mul3A_747 : vector<16xf32>
        %get3A_749 = arith.constant 3 : i32
        %get3A_750 = arith.index_cast %get3A_749 : i32 to index
        %get3A_751 = arith.index_cast %add3A_654 : i32 to index
        %get3A_752 = arith.constant 224 : index
        %get3A_753 = tpu.vector_load %arg8[%get3A_750, %get3A_751, %get3A_752] {strides = array<i32>} : memref<4x32x512xf32, #tpu.memory_space<vmem>>, vector<16xf32>,
        %mul3A_754 = arith.mulf %get3A_753, %get3A_440 : vector<16xf32>
        %add3A_755 = arith.addf %add3A_727, %mul3A_754 : vector<16xf32>
        %get3A_756 = arith.constant 3 : i32
        %get3A_757 = arith.index_cast %get3A_756 : i32 to index
        %get3A_758 = arith.index_cast %add3A_654 : i32 to index
        %get3A_759 = arith.constant 240 : index
        %get3A_760 = tpu.vector_load %arg8[%get3A_757, %get3A_758, %get3A_759] {strides = array<i32>} : memref<4x32x512xf32, #tpu.memory_space<vmem>>, vector<16xf32>,
        %mul3A_761 = arith.mulf %get3A_760, %get3A_442 : vector<16xf32>
        %add3A_762 = arith.addf %add3A_734, %mul3A_761 : vector<16xf32>
        %get3A_763 = arith.constant 3 : i32
        %get3A_764 = arith.index_cast %get3A_763 : i32 to index
        %get3A_765 = arith.index_cast %add3A_654 : i32 to index
        %get3A_766 = arith.constant 256 : index
        %get3A_767 = tpu.vector_load %arg8[%get3A_764, %get3A_765, %get3A_766] {strides = array<i32>} : memref<4x32x512xf32, #tpu.memory_space<vmem>>, vector<16xf32>,
        %mul3A_768 = arith.mulf %get3A_767, %get3A_444 : vector<16xf32>
        %add3A_769 = arith.addf %add3A_741, %mul3A_768 : vector<16xf32>
        %get3A_770 = arith.constant 3 : i32
        %get3A_771 = arith.index_cast %get3A_770 : i32 to index
        %get3A_772 = arith.index_cast %add3A_654 : i32 to index
        %get3A_773 = arith.constant 272 : index
        %get3A_774 = tpu.vector_load %arg8[%get3A_771, %get3A_772, %get3A_773] {strides = array<i32>} : memref<4x32x512xf32, #tpu.memory_space<vmem>>, vector<16xf32>,
        %mul3A_775 = arith.mulf %get3A_774, %get3A_446 : vector<16xf32>
        %add3A_776 = arith.addf %add3A_748, %mul3A_775 : vector<16xf32>
        %get3A_777 = arith.constant 3 : i32
        %get3A_778 = arith.index_cast %get3A_777 : i32 to index
        %get3A_779 = arith.index_cast %add3A_654 : i32 to index
        %get3A_780 = arith.constant 288 : index
        %get3A_781 = tpu.vector_load %arg8[%get3A_778, %get3A_779, %get3A_780] {strides = array<i32>} : memref<4x32x512xf32, #tpu.memory_space<vmem>>, vector<16xf32>,
        %mul3A_782 = arith.mulf %get3A_781, %get3A_448 : vector<16xf32>
        %add3A_783 = arith.addf %add3A_755, %mul3A_782 : vector<16xf32>
        %get3A_784 = arith.constant 3 : i32
        %get3A_785 = arith.index_cast %get3A_784 : i32 to index
        %get3A_786 = arith.index_cast %add3A_654 : i32 to index
        %get3A_787 = arith.constant 304 : index
        %get3A_788 = tpu.vector_load %arg8[%get3A_785, %get3A_786, %get3A_787] {strides = array<i32>} : memref<4x32x512xf32, #tpu.memory_space<vmem>>, vector<16xf32>,
        %mul3A_789 = arith.mulf %get3A_788, %get3A_450 : vector<16xf32>
        %add3A_790 = arith.addf %add3A_762, %mul3A_789 : vector<16xf32>
        %get3A_791 = arith.constant 3 : i32
        %get3A_792 = arith.index_cast %get3A_791 : i32 to index
        %get3A_793 = arith.index_cast %add3A_654 : i32 to index
        %get3A_794 = arith.constant 320 : index
        %get3A_795 = tpu.vector_load %arg8[%get3A_792, %get3A_793, %get3A_794] {strides = array<i32>} : memref<4x32x512xf32, #tpu.memory_space<vmem>>, vector<16xf32>,
        %mul3A_796 = arith.mulf %get3A_795, %get3A_452 : vector<16xf32>
        %add3A_797 = arith.addf %add3A_769, %mul3A_796 : vector<16xf32>
        %get3A_798 = arith.constant 3 : i32
        %get3A_799 = arith.index_cast %get3A_798 : i32 to index
        %get3A_800 = arith.index_cast %add3A_654 : i32 to index
        %get3A_801 = arith.constant 336 : index
        %get3A_802 = tpu.vector_load %arg8[%get3A_799, %get3A_800, %get3A_801] {strides = array<i32>} : memref<4x32x512xf32, #tpu.memory_space<vmem>>, vector<16xf32>,
        %mul3A_803 = arith.mulf %get3A_802, %get3A_454 : vector<16xf32>
        %add3A_804 = arith.addf %add3A_776, %mul3A_803 : vector<16xf32>
        %get3A_805 = arith.constant 3 : i32
        %get3A_806 = arith.index_cast %get3A_805 : i32 to index
        %get3A_807 = arith.index_cast %add3A_654 : i32 to index
        %get3A_808 = arith.constant 352 : index
        %get3A_809 = tpu.vector_load %arg8[%get3A_806, %get3A_807, %get3A_808] {strides = array<i32>} : memref<4x32x512xf32, #tpu.memory_space<vmem>>, vector<16xf32>,
        %mul3A_810 = arith.mulf %get3A_809, %get3A_456 : vector<16xf32>
        %add3A_811 = arith.addf %add3A_783, %mul3A_810 : vector<16xf32>
        %get3A_812 = arith.constant 3 : i32
        %get3A_813 = arith.index_cast %get3A_812 : i32 to index
        %get3A_814 = arith.index_cast %add3A_654 : i32 to index
        %get3A_815 = arith.constant 368 : index
        %get3A_816 = tpu.vector_load %arg8[%get3A_813, %get3A_814, %get3A_815] {strides = array<i32>} : memref<4x32x512xf32, #tpu.memory_space<vmem>>, vector<16xf32>,
        %mul3A_817 = arith.mulf %get3A_816, %get3A_458 : vector<16xf32>
        %add3A_818 = arith.addf %add3A_790, %mul3A_817 : vector<16xf32>
        %get3A_819 = arith.constant 3 : i32
        %get3A_820 = arith.index_cast %get3A_819 : i32 to index
        %get3A_821 = arith.index_cast %add3A_654 : i32 to index
        %get3A_822 = arith.constant 384 : index
        %get3A_823 = tpu.vector_load %arg8[%get3A_820, %get3A_821, %get3A_822] {strides = array<i32>} : memref<4x32x512xf32, #tpu.memory_space<vmem>>, vector<16xf32>,
        %mul3A_824 = arith.mulf %get3A_823, %get3A_460 : vector<16xf32>
        %add3A_825 = arith.addf %add3A_797, %mul3A_824 : vector<16xf32>
        %get3A_826 = arith.constant 3 : i32
        %get3A_827 = arith.index_cast %get3A_826 : i32 to index
        %get3A_828 = arith.index_cast %add3A_654 : i32 to index
        %get3A_829 = arith.constant 400 : index
        %get3A_830 = tpu.vector_load %arg8[%get3A_827, %get3A_828, %get3A_829] {strides = array<i32>} : memref<4x32x512xf32, #tpu.memory_space<vmem>>, vector<16xf32>,
        %mul3A_831 = arith.mulf %get3A_830, %get3A_462 : vector<16xf32>
        %add3A_832 = arith.addf %add3A_804, %mul3A_831 : vector<16xf32>
        %get3A_833 = arith.constant 3 : i32
        %get3A_834 = arith.index_cast %get3A_833 : i32 to index
        %get3A_835 = arith.index_cast %add3A_654 : i32 to index
        %get3A_836 = arith.constant 416 : index
        %get3A_837 = tpu.vector_load %arg8[%get3A_834, %get3A_835, %get3A_836] {strides = array<i32>} : memref<4x32x512xf32, #tpu.memory_space<vmem>>, vector<16xf32>,
        %mul3A_838 = arith.mulf %get3A_837, %get3A_464 : vector<16xf32>
        %add3A_839 = arith.addf %add3A_811, %mul3A_838 : vector<16xf32>
        %get3A_840 = arith.constant 3 : i32
        %get3A_841 = arith.index_cast %get3A_840 : i32 to index
        %get3A_842 = arith.index_cast %add3A_654 : i32 to index
        %get3A_843 = arith.constant 432 : index
        %get3A_844 = tpu.vector_load %arg8[%get3A_841, %get3A_842, %get3A_843] {strides = array<i32>} : memref<4x32x512xf32, #tpu.memory_space<vmem>>, vector<16xf32>,
        %mul3A_845 = arith.mulf %get3A_844, %get3A_466 : vector<16xf32>
        %add3A_846 = arith.addf %add3A_818, %mul3A_845 : vector<16xf32>
        %get3A_847 = arith.constant 3 : i32
        %get3A_848 = arith.index_cast %get3A_847 : i32 to index
        %get3A_849 = arith.index_cast %add3A_654 : i32 to index
        %get3A_850 = arith.constant 448 : index
        %get3A_851 = tpu.vector_load %arg8[%get3A_848, %get3A_849, %get3A_850] {strides = array<i32>} : memref<4x32x512xf32, #tpu.memory_space<vmem>>, vector<16xf32>,
        %mul3A_852 = arith.mulf %get3A_851, %get3A_468 : vector<16xf32>
        %add3A_853 = arith.addf %add3A_825, %mul3A_852 : vector<16xf32>
        %get3A_854 = arith.constant 3 : i32
        %get3A_855 = arith.index_cast %get3A_854 : i32 to index
        %get3A_856 = arith.index_cast %add3A_654 : i32 to index
        %get3A_857 = arith.constant 464 : index
        %get3A_858 = tpu.vector_load %arg8[%get3A_855, %get3A_856, %get3A_857] {strides = array<i32>} : memref<4x32x512xf32, #tpu.memory_space<vmem>>, vector<16xf32>,
        %mul3A_859 = arith.mulf %get3A_858, %get3A_470 : vector<16xf32>
        %add3A_860 = arith.addf %add3A_832, %mul3A_859 : vector<16xf32>
        %get3A_861 = arith.constant 3 : i32
        %get3A_862 = arith.index_cast %get3A_861 : i32 to index
        %get3A_863 = arith.index_cast %add3A_654 : i32 to index
        %get3A_864 = arith.constant 480 : index
        %get3A_865 = tpu.vector_load %arg8[%get3A_862, %get3A_863, %get3A_864] {strides = array<i32>} : memref<4x32x512xf32, #tpu.memory_space<vmem>>, vector<16xf32>,
        %mul3A_866 = arith.mulf %get3A_865, %get3A_472 : vector<16xf32>
        %add3A_867 = arith.addf %add3A_839, %mul3A_866 : vector<16xf32>
        %get3A_868 = arith.constant 3 : i32
        %get3A_869 = arith.index_cast %get3A_868 : i32 to index
        %get3A_870 = arith.index_cast %add3A_654 : i32 to index
        %get3A_871 = arith.constant 496 : index
        %get3A_872 = tpu.vector_load %arg8[%get3A_869, %get3A_870, %get3A_871] {strides = array<i32>} : memref<4x32x512xf32, #tpu.memory_space<vmem>>, vector<16xf32>,
        %mul3A_873 = arith.mulf %get3A_872, %get3A_474 : vector<16xf32>
        %add3A_874 = arith.addf %add3A_846, %mul3A_873 : vector<16xf32>
        %add3A_875 = arith.addf %add3A_853, %add3A_860 : vector<16xf32>
        %add3A_876 = arith.addf %add3A_867, %add3A_874 : vector<16xf32>
        %add3A_877 = arith.addf %add3A_875, %add3A_876 : vector<16xf32>
        %reduce_sum3A = arith.constant true
        %reduce_sum3A_878 = vector.broadcast %reduce_sum3A : i1 to vector<16xi1>
        %reduce_sum3A_879 = tpu.scan <sum>, %add3A_877 masked %reduce_sum3A_878 : vector<16xf32>, vector<16xi1> -> vector<16xf32>
        %reduce_sum3A_880 = vector.extract %reduce_sum3A_879[15] : f32 from vector<16xf32>
        %add3A_881 = arith.constant 1 : i32
        %add3A_882 = arith.addi %mul3A_652, %add3A_881 : i32
        %get3A_883 = arith.constant 3 : i32
        %get3A_884 = arith.index_cast %get3A_883 : i32 to index
        %get3A_885 = arith.index_cast %add3A_882 : i32 to index
        %get3A_886 = arith.constant 0 : index
        %get3A_887 = tpu.vector_load %arg8[%get3A_884, %get3A_885, %get3A_886] {strides = array<i32>} : memref<4x32x512xf32, #tpu.memory_space<vmem>>, vector<16xf32>,
        %mul3A_888 = arith.mulf %get3A_887, %get3A_412 : vector<16xf32>
        %get3A_889 = arith.constant 3 : i32
        %get3A_890 = arith.index_cast %get3A_889 : i32 to index
        %get3A_891 = arith.index_cast %add3A_882 : i32 to index
        %get3A_892 = arith.constant 16 : index
        %get3A_893 = tpu.vector_load %arg8[%get3A_890, %get3A_891, %get3A_892] {strides = array<i32>} : memref<4x32x512xf32, #tpu.memory_space<vmem>>, vector<16xf32>,
        %mul3A_894 = arith.mulf %get3A_893, %get3A_414 : vector<16xf32>
        %get3A_895 = arith.constant 3 : i32
        %get3A_896 = arith.index_cast %get3A_895 : i32 to index
        %get3A_897 = arith.index_cast %add3A_882 : i32 to index
        %get3A_898 = arith.constant 32 : index
        %get3A_899 = tpu.vector_load %arg8[%get3A_896, %get3A_897, %get3A_898] {strides = array<i32>} : memref<4x32x512xf32, #tpu.memory_space<vmem>>, vector<16xf32>,
        %mul3A_900 = arith.mulf %get3A_899, %get3A_416 : vector<16xf32>
        %get3A_901 = arith.constant 3 : i32
        %get3A_902 = arith.index_cast %get3A_901 : i32 to index
        %get3A_903 = arith.index_cast %add3A_882 : i32 to index
        %get3A_904 = arith.constant 48 : index
        %get3A_905 = tpu.vector_load %arg8[%get3A_902, %get3A_903, %get3A_904] {strides = array<i32>} : memref<4x32x512xf32, #tpu.memory_space<vmem>>, vector<16xf32>,
        %mul3A_906 = arith.mulf %get3A_905, %get3A_418 : vector<16xf32>
        %get3A_907 = arith.constant 3 : i32
        %get3A_908 = arith.index_cast %get3A_907 : i32 to index
        %get3A_909 = arith.index_cast %add3A_882 : i32 to index
        %get3A_910 = arith.constant 64 : index
        %get3A_911 = tpu.vector_load %arg8[%get3A_908, %get3A_909, %get3A_910] {strides = array<i32>} : memref<4x32x512xf32, #tpu.memory_space<vmem>>, vector<16xf32>,
        %mul3A_912 = arith.mulf %get3A_911, %get3A_420 : vector<16xf32>
        %add3A_913 = arith.addf %mul3A_888, %mul3A_912 : vector<16xf32>
        %get3A_914 = arith.constant 3 : i32
        %get3A_915 = arith.index_cast %get3A_914 : i32 to index
        %get3A_916 = arith.index_cast %add3A_882 : i32 to index
        %get3A_917 = arith.constant 80 : index
        %get3A_918 = tpu.vector_load %arg8[%get3A_915, %get3A_916, %get3A_917] {strides = array<i32>} : memref<4x32x512xf32, #tpu.memory_space<vmem>>, vector<16xf32>,
        %mul3A_919 = arith.mulf %get3A_918, %get3A_422 : vector<16xf32>
        %add3A_920 = arith.addf %mul3A_894, %mul3A_919 : vector<16xf32>
        %get3A_921 = arith.constant 3 : i32
        %get3A_922 = arith.index_cast %get3A_921 : i32 to index
        %get3A_923 = arith.index_cast %add3A_882 : i32 to index
        %get3A_924 = arith.constant 96 : index
        %get3A_925 = tpu.vector_load %arg8[%get3A_922, %get3A_923, %get3A_924] {strides = array<i32>} : memref<4x32x512xf32, #tpu.memory_space<vmem>>, vector<16xf32>,
        %mul3A_926 = arith.mulf %get3A_925, %get3A_424 : vector<16xf32>
        %add3A_927 = arith.addf %mul3A_900, %mul3A_926 : vector<16xf32>
        %get3A_928 = arith.constant 3 : i32
        %get3A_929 = arith.index_cast %get3A_928 : i32 to index
        %get3A_930 = arith.index_cast %add3A_882 : i32 to index
        %get3A_931 = arith.constant 112 : index
        %get3A_932 = tpu.vector_load %arg8[%get3A_929, %get3A_930, %get3A_931] {strides = array<i32>} : memref<4x32x512xf32, #tpu.memory_space<vmem>>, vector<16xf32>,
        %mul3A_933 = arith.mulf %get3A_932, %get3A_426 : vector<16xf32>
        %add3A_934 = arith.addf %mul3A_906, %mul3A_933 : vector<16xf32>
        %get3A_935 = arith.constant 3 : i32
        %get3A_936 = arith.index_cast %get3A_935 : i32 to index
        %get3A_937 = arith.index_cast %add3A_882 : i32 to index
        %get3A_938 = arith.constant 128 : index
        %get3A_939 = tpu.vector_load %arg8[%get3A_936, %get3A_937, %get3A_938] {strides = array<i32>} : memref<4x32x512xf32, #tpu.memory_space<vmem>>, vector<16xf32>,
        %mul3A_940 = arith.mulf %get3A_939, %get3A_428 : vector<16xf32>
        %add3A_941 = arith.addf %add3A_913, %mul3A_940 : vector<16xf32>
        %get3A_942 = arith.constant 3 : i32
        %get3A_943 = arith.index_cast %get3A_942 : i32 to index
        %get3A_944 = arith.index_cast %add3A_882 : i32 to index
        %get3A_945 = arith.constant 144 : index
        %get3A_946 = tpu.vector_load %arg8[%get3A_943, %get3A_944, %get3A_945] {strides = array<i32>} : memref<4x32x512xf32, #tpu.memory_space<vmem>>, vector<16xf32>,
        %mul3A_947 = arith.mulf %get3A_946, %get3A_430 : vector<16xf32>
        %add3A_948 = arith.addf %add3A_920, %mul3A_947 : vector<16xf32>
        %get3A_949 = arith.constant 3 : i32
        %get3A_950 = arith.index_cast %get3A_949 : i32 to index
        %get3A_951 = arith.index_cast %add3A_882 : i32 to index
        %get3A_952 = arith.constant 160 : index
        %get3A_953 = tpu.vector_load %arg8[%get3A_950, %get3A_951, %get3A_952] {strides = array<i32>} : memref<4x32x512xf32, #tpu.memory_space<vmem>>, vector<16xf32>,
        %mul3A_954 = arith.mulf %get3A_953, %get3A_432 : vector<16xf32>
        %add3A_955 = arith.addf %add3A_927, %mul3A_954 : vector<16xf32>
        %get3A_956 = arith.constant 3 : i32
        %get3A_957 = arith.index_cast %get3A_956 : i32 to index
        %get3A_958 = arith.index_cast %add3A_882 : i32 to index
        %get3A_959 = arith.constant 176 : index
        %get3A_960 = tpu.vector_load %arg8[%get3A_957, %get3A_958, %get3A_959] {strides = array<i32>} : memref<4x32x512xf32, #tpu.memory_space<vmem>>, vector<16xf32>,
        %mul3A_961 = arith.mulf %get3A_960, %get3A_434 : vector<16xf32>
        %add3A_962 = arith.addf %add3A_934, %mul3A_961 : vector<16xf32>
        %get3A_963 = arith.constant 3 : i32
        %get3A_964 = arith.index_cast %get3A_963 : i32 to index
        %get3A_965 = arith.index_cast %add3A_882 : i32 to index
        %get3A_966 = arith.constant 192 : index
        %get3A_967 = tpu.vector_load %arg8[%get3A_964, %get3A_965, %get3A_966] {strides = array<i32>} : memref<4x32x512xf32, #tpu.memory_space<vmem>>, vector<16xf32>,
        %mul3A_968 = arith.mulf %get3A_967, %get3A_436 : vector<16xf32>
        %add3A_969 = arith.addf %add3A_941, %mul3A_968 : vector<16xf32>
        %get3A_970 = arith.constant 3 : i32
        %get3A_971 = arith.index_cast %get3A_970 : i32 to index
        %get3A_972 = arith.index_cast %add3A_882 : i32 to index
        %get3A_973 = arith.constant 208 : index
        %get3A_974 = tpu.vector_load %arg8[%get3A_971, %get3A_972, %get3A_973] {strides = array<i32>} : memref<4x32x512xf32, #tpu.memory_space<vmem>>, vector<16xf32>,
        %mul3A_975 = arith.mulf %get3A_974, %get3A_438 : vector<16xf32>
        %add3A_976 = arith.addf %add3A_948, %mul3A_975 : vector<16xf32>
        %get3A_977 = arith.constant 3 : i32
        %get3A_978 = arith.index_cast %get3A_977 : i32 to index
        %get3A_979 = arith.index_cast %add3A_882 : i32 to index
        %get3A_980 = arith.constant 224 : index
        %get3A_981 = tpu.vector_load %arg8[%get3A_978, %get3A_979, %get3A_980] {strides = array<i32>} : memref<4x32x512xf32, #tpu.memory_space<vmem>>, vector<16xf32>,
        %mul3A_982 = arith.mulf %get3A_981, %get3A_440 : vector<16xf32>
        %add3A_983 = arith.addf %add3A_955, %mul3A_982 : vector<16xf32>
        %get3A_984 = arith.constant 3 : i32
        %get3A_985 = arith.index_cast %get3A_984 : i32 to index
        %get3A_986 = arith.index_cast %add3A_882 : i32 to index
        %get3A_987 = arith.constant 240 : index
        %get3A_988 = tpu.vector_load %arg8[%get3A_985, %get3A_986, %get3A_987] {strides = array<i32>} : memref<4x32x512xf32, #tpu.memory_space<vmem>>, vector<16xf32>,
        %mul3A_989 = arith.mulf %get3A_988, %get3A_442 : vector<16xf32>
        %add3A_990 = arith.addf %add3A_962, %mul3A_989 : vector<16xf32>
        %get3A_991 = arith.constant 3 : i32
        %get3A_992 = arith.index_cast %get3A_991 : i32 to index
        %get3A_993 = arith.index_cast %add3A_882 : i32 to index
        %get3A_994 = arith.constant 256 : index
        %get3A_995 = tpu.vector_load %arg8[%get3A_992, %get3A_993, %get3A_994] {strides = array<i32>} : memref<4x32x512xf32, #tpu.memory_space<vmem>>, vector<16xf32>,
        %mul3A_996 = arith.mulf %get3A_995, %get3A_444 : vector<16xf32>
        %add3A_997 = arith.addf %add3A_969, %mul3A_996 : vector<16xf32>
        %get3A_998 = arith.constant 3 : i32
        %get3A_999 = arith.index_cast %get3A_998 : i32 to index
        %get3A_1000 = arith.index_cast %add3A_882 : i32 to index
        %get3A_1001 = arith.constant 272 : index
        %get3A_1002 = tpu.vector_load %arg8[%get3A_999, %get3A_1000, %get3A_1001] {strides = array<i32>} : memref<4x32x512xf32, #tpu.memory_space<vmem>>, vector<16xf32>,
        %mul3A_1003 = arith.mulf %get3A_1002, %get3A_446 : vector<16xf32>
        %add3A_1004 = arith.addf %add3A_976, %mul3A_1003 : vector<16xf32>
        %get3A_1005 = arith.constant 3 : i32
        %get3A_1006 = arith.index_cast %get3A_1005 : i32 to index
        %get3A_1007 = arith.index_cast %add3A_882 : i32 to index
        %get3A_1008 = arith.constant 288 : index
        %get3A_1009 = tpu.vector_load %arg8[%get3A_1006, %get3A_1007, %get3A_1008] {strides = array<i32>} : memref<4x32x512xf32, #tpu.memory_space<vmem>>, vector<16xf32>,
        %mul3A_1010 = arith.mulf %get3A_1009, %get3A_448 : vector<16xf32>
        %add3A_1011 = arith.addf %add3A_983, %mul3A_1010 : vector<16xf32>
        %get3A_1012 = arith.constant 3 : i32
        %get3A_1013 = arith.index_cast %get3A_1012 : i32 to index
        %get3A_1014 = arith.index_cast %add3A_882 : i32 to index
        %get3A_1015 = arith.constant 304 : index
        %get3A_1016 = tpu.vector_load %arg8[%get3A_1013, %get3A_1014, %get3A_1015] {strides = array<i32>} : memref<4x32x512xf32, #tpu.memory_space<vmem>>, vector<16xf32>,
        %mul3A_1017 = arith.mulf %get3A_1016, %get3A_450 : vector<16xf32>
        %add3A_1018 = arith.addf %add3A_990, %mul3A_1017 : vector<16xf32>
        %get3A_1019 = arith.constant 3 : i32
        %get3A_1020 = arith.index_cast %get3A_1019 : i32 to index
        %get3A_1021 = arith.index_cast %add3A_882 : i32 to index
        %get3A_1022 = arith.constant 320 : index
        %get3A_1023 = tpu.vector_load %arg8[%get3A_1020, %get3A_1021, %get3A_1022] {strides = array<i32>} : memref<4x32x512xf32, #tpu.memory_space<vmem>>, vector<16xf32>,
        %mul3A_1024 = arith.mulf %get3A_1023, %get3A_452 : vector<16xf32>
        %add3A_1025 = arith.addf %add3A_997, %mul3A_1024 : vector<16xf32>
        %get3A_1026 = arith.constant 3 : i32
        %get3A_1027 = arith.index_cast %get3A_1026 : i32 to index
        %get3A_1028 = arith.index_cast %add3A_882 : i32 to index
        %get3A_1029 = arith.constant 336 : index
        %get3A_1030 = tpu.vector_load %arg8[%get3A_1027, %get3A_1028, %get3A_1029] {strides = array<i32>} : memref<4x32x512xf32, #tpu.memory_space<vmem>>, vector<16xf32>,
        %mul3A_1031 = arith.mulf %get3A_1030, %get3A_454 : vector<16xf32>
        %add3A_1032 = arith.addf %add3A_1004, %mul3A_1031 : vector<16xf32>
        %get3A_1033 = arith.constant 3 : i32
        %get3A_1034 = arith.index_cast %get3A_1033 : i32 to index
        %get3A_1035 = arith.index_cast %add3A_882 : i32 to index
        %get3A_1036 = arith.constant 352 : index
        %get3A_1037 = tpu.vector_load %arg8[%get3A_1034, %get3A_1035, %get3A_1036] {strides = array<i32>} : memref<4x32x512xf32, #tpu.memory_space<vmem>>, vector<16xf32>,
        %mul3A_1038 = arith.mulf %get3A_1037, %get3A_456 : vector<16xf32>
        %add3A_1039 = arith.addf %add3A_1011, %mul3A_1038 : vector<16xf32>
        %get3A_1040 = arith.constant 3 : i32
        %get3A_1041 = arith.index_cast %get3A_1040 : i32 to index
        %get3A_1042 = arith.index_cast %add3A_882 : i32 to index
        %get3A_1043 = arith.constant 368 : index
        %get3A_1044 = tpu.vector_load %arg8[%get3A_1041, %get3A_1042, %get3A_1043] {strides = array<i32>} : memref<4x32x512xf32, #tpu.memory_space<vmem>>, vector<16xf32>,
        %mul3A_1045 = arith.mulf %get3A_1044, %get3A_458 : vector<16xf32>
        %add3A_1046 = arith.addf %add3A_1018, %mul3A_1045 : vector<16xf32>
        %get3A_1047 = arith.constant 3 : i32
        %get3A_1048 = arith.index_cast %get3A_1047 : i32 to index
        %get3A_1049 = arith.index_cast %add3A_882 : i32 to index
        %get3A_1050 = arith.constant 384 : index
        %get3A_1051 = tpu.vector_load %arg8[%get3A_1048, %get3A_1049, %get3A_1050] {strides = array<i32>} : memref<4x32x512xf32, #tpu.memory_space<vmem>>, vector<16xf32>,
        %mul3A_1052 = arith.mulf %get3A_1051, %get3A_460 : vector<16xf32>
        %add3A_1053 = arith.addf %add3A_1025, %mul3A_1052 : vector<16xf32>
        %get3A_1054 = arith.constant 3 : i32
        %get3A_1055 = arith.index_cast %get3A_1054 : i32 to index
        %get3A_1056 = arith.index_cast %add3A_882 : i32 to index
        %get3A_1057 = arith.constant 400 : index
        %get3A_1058 = tpu.vector_load %arg8[%get3A_1055, %get3A_1056, %get3A_1057] {strides = array<i32>} : memref<4x32x512xf32, #tpu.memory_space<vmem>>, vector<16xf32>,
        %mul3A_1059 = arith.mulf %get3A_1058, %get3A_462 : vector<16xf32>
        %add3A_1060 = arith.addf %add3A_1032, %mul3A_1059 : vector<16xf32>
        %get3A_1061 = arith.constant 3 : i32
        %get3A_1062 = arith.index_cast %get3A_1061 : i32 to index
        %get3A_1063 = arith.index_cast %add3A_882 : i32 to index
        %get3A_1064 = arith.constant 416 : index
        %get3A_1065 = tpu.vector_load %arg8[%get3A_1062, %get3A_1063, %get3A_1064] {strides = array<i32>} : memref<4x32x512xf32, #tpu.memory_space<vmem>>, vector<16xf32>,
        %mul3A_1066 = arith.mulf %get3A_1065, %get3A_464 : vector<16xf32>
        %add3A_1067 = arith.addf %add3A_1039, %mul3A_1066 : vector<16xf32>
        %get3A_1068 = arith.constant 3 : i32
        %get3A_1069 = arith.index_cast %get3A_1068 : i32 to index
        %get3A_1070 = arith.index_cast %add3A_882 : i32 to index
        %get3A_1071 = arith.constant 432 : index
        %get3A_1072 = tpu.vector_load %arg8[%get3A_1069, %get3A_1070, %get3A_1071] {strides = array<i32>} : memref<4x32x512xf32, #tpu.memory_space<vmem>>, vector<16xf32>,
        %mul3A_1073 = arith.mulf %get3A_1072, %get3A_466 : vector<16xf32>
        %add3A_1074 = arith.addf %add3A_1046, %mul3A_1073 : vector<16xf32>
        %get3A_1075 = arith.constant 3 : i32
        %get3A_1076 = arith.index_cast %get3A_1075 : i32 to index
        %get3A_1077 = arith.index_cast %add3A_882 : i32 to index
        %get3A_1078 = arith.constant 448 : index
        %get3A_1079 = tpu.vector_load %arg8[%get3A_1076, %get3A_1077, %get3A_1078] {strides = array<i32>} : memref<4x32x512xf32, #tpu.memory_space<vmem>>, vector<16xf32>,
        %mul3A_1080 = arith.mulf %get3A_1079, %get3A_468 : vector<16xf32>
        %add3A_1081 = arith.addf %add3A_1053, %mul3A_1080 : vector<16xf32>
        %get3A_1082 = arith.constant 3 : i32
        %get3A_1083 = arith.index_cast %get3A_1082 : i32 to index
        %get3A_1084 = arith.index_cast %add3A_882 : i32 to index
        %get3A_1085 = arith.constant 464 : index
        %get3A_1086 = tpu.vector_load %arg8[%get3A_1083, %get3A_1084, %get3A_1085] {strides = array<i32>} : memref<4x32x512xf32, #tpu.memory_space<vmem>>, vector<16xf32>,
        %mul3A_1087 = arith.mulf %get3A_1086, %get3A_470 : vector<16xf32>
        %add3A_1088 = arith.addf %add3A_1060, %mul3A_1087 : vector<16xf32>
        %get3A_1089 = arith.constant 3 : i32
        %get3A_1090 = arith.index_cast %get3A_1089 : i32 to index
        %get3A_1091 = arith.index_cast %add3A_882 : i32 to index
        %get3A_1092 = arith.constant 480 : index
        %get3A_1093 = tpu.vector_load %arg8[%get3A_1090, %get3A_1091, %get3A_1092] {strides = array<i32>} : memref<4x32x512xf32, #tpu.memory_space<vmem>>, vector<16xf32>,
        %mul3A_1094 = arith.mulf %get3A_1093, %get3A_472 : vector<16xf32>
        %add3A_1095 = arith.addf %add3A_1067, %mul3A_1094 : vector<16xf32>
        %get3A_1096 = arith.constant 3 : i32
        %get3A_1097 = arith.index_cast %get3A_1096 : i32 to index
        %get3A_1098 = arith.index_cast %add3A_882 : i32 to index
        %get3A_1099 = arith.constant 496 : index
        %get3A_1100 = tpu.vector_load %arg8[%get3A_1097, %get3A_1098, %get3A_1099] {strides = array<i32>} : memref<4x32x512xf32, #tpu.memory_space<vmem>>, vector<16xf32>,
        %mul3A_1101 = arith.mulf %get3A_1100, %get3A_474 : vector<16xf32>
        %add3A_1102 = arith.addf %add3A_1074, %mul3A_1101 : vector<16xf32>
        %add3A_1103 = arith.addf %add3A_1081, %add3A_1088 : vector<16xf32>
        %add3A_1104 = arith.addf %add3A_1095, %add3A_1102 : vector<16xf32>
        %add3A_1105 = arith.addf %add3A_1103, %add3A_1104 : vector<16xf32>
        %reduce_sum3A_1106 = arith.constant true
        %reduce_sum3A_1107 = vector.broadcast %reduce_sum3A_1106 : i1 to vector<16xi1>
        %reduce_sum3A_1108 = tpu.scan <sum>, %add3A_1105 masked %reduce_sum3A_1107 : vector<16xf32>, vector<16xi1> -> vector<16xf32>
        %reduce_sum3A_1109 = vector.extract %reduce_sum3A_1108[15] : f32 from vector<16xf32>
        %add3A_1110 = arith.addi %add3A_619, %mul3A_652 : i32
        %add3A_1111 = arith.constant 0 : i32
        %add3A_1112 = arith.addi %add3A_1110, %add3A_1111 : i32
        %gt3A = arith.cmpf ogt, %reduce_sum3A_880, %scan3A_647 : f32
        %select_n3A_1113 = arith.select %gt3A, %reduce_sum3A_880, %scan3A_647 : f32
        %select_n3A_1114 = arith.select %gt3A, %add3A_1112, %scan3A_648 : i32
        %lt3A_1115 = arith.cmpf olt, %reduce_sum3A_880, %scan3A_649 : f32
        %select_n3A_1116 = arith.select %lt3A_1115, %reduce_sum3A_880, %scan3A_649 : f32
        %select_n3A_1117 = arith.select %lt3A_1115, %add3A_1112, %scan3A_650 : i32
        %add3A_1118 = arith.addi %add3A_619, %mul3A_652 : i32
        %add3A_1119 = arith.constant 1 : i32
        %add3A_1120 = arith.addi %add3A_1118, %add3A_1119 : i32
        %gt3A_1121 = arith.cmpf ogt, %reduce_sum3A_1109, %select_n3A_1113 : f32
        %select_n3A_1122 = arith.select %gt3A_1121, %reduce_sum3A_1109, %select_n3A_1113 : f32
        %select_n3A_1123 = arith.select %gt3A_1121, %add3A_1120, %select_n3A_1114 : i32
        %lt3A_1124 = arith.cmpf olt, %reduce_sum3A_1109, %select_n3A_1116 : f32
        %select_n3A_1125 = arith.select %lt3A_1124, %reduce_sum3A_1109, %select_n3A_1116 : f32
        %select_n3A_1126 = arith.select %lt3A_1124, %add3A_1120, %select_n3A_1117 : i32
        scf.yield %select_n3A_1122, %select_n3A_1123, %select_n3A_1125, %select_n3A_1126 : f32, i32, f32, i32
      }
      %scan3A_638 = arith.constant 16 : i32
      %add3A_639 = arith.constant 4 : i32
      %add3A_640 = arith.addi %add3A_616, %add3A_639 : i32
      %lt3A_641 = arith.constant 32 : i32
      %lt3A_642 = arith.cmpi slt, %add3A_640, %lt3A_641 : i32
      %convert_element_type3A_643 = arith.extui %lt3A_642 : i1 to i32
      %cond3A_644 = arith.constant 0 : i32
      %cond3A_645 = arith.cmpi ne, %convert_element_type3A_643, %cond3A_644 : i32
      scf.if %cond3A_645 {
        %add3A_646 = arith.constant 128 : i32
        %add3A_647 = arith.addi %add3A_619, %add3A_646 : i32
        %dma_start3A_648 = arith.constant 3 : i32
        %dma_start3A_649 = arith.constant 0 : i32
        %dma_start3A_650 = arith.constant 0 : i32
        %dma_start3A_651 = tpu.memref_slice %arg8[%dma_start3A_648, %dma_start3A_649, %dma_start3A_650] : memref<4x32x512xf32, #tpu.memory_space<vmem>> -> memref<1x32x512xf32, #tpu.memory_space<vmem>>
        %dma_start3A_652 = tpu.memref_squeeze %dma_start3A_651 : memref<1x32x512xf32, #tpu.memory_space<vmem>> -> memref<32x512xf32, #tpu.memory_space<vmem>>
        %dma_start3A_653 = arith.constant 0 : i32
        %dma_start3A_654 = tpu.memref_slice %arg2[%add3A_647, %dma_start3A_653] : memref<32768x512xf32, #tpu.memory_space<hbm>> -> memref<32x512xf32, #tpu.memory_space<hbm>>
        %dma_start3A_655 = arith.constant 0 : i32
        %dma_start3A_656 = arith.constant 0 : i32
        %dma_start3A_657 = tpu.memref_slice %arg8[%dma_start3A_648, %dma_start3A_655, %dma_start3A_656] : memref<4x32x512xf32, #tpu.memory_space<vmem>> -> memref<1x32x512xf32, #tpu.memory_space<vmem>>
        %dma_start3A_658 = tpu.memref_squeeze %dma_start3A_657 : memref<1x32x512xf32, #tpu.memory_space<vmem>> -> memref<32x512xf32, #tpu.memory_space<vmem>>
        %dma_start3A_659 = arith.constant 0 : i32
        %dma_start3A_660 = tpu.memref_slice %arg2[%add3A_647, %dma_start3A_659] : memref<32768x512xf32, #tpu.memory_space<hbm>> -> memref<32x512xf32, #tpu.memory_space<hbm>>
        tpu.enqueue_dma source(%dma_start3A_660 : memref<32x512xf32, #tpu.memory_space<hbm>>) target(%dma_start3A_658 : memref<32x512xf32, #tpu.memory_space<vmem>>) target_semaphore(%arg14 : memref<!tpu.dma_semaphore, #tpu.memory_space<semaphore_mem>>)
      } else {
      }
      scf.yield %scan3A_637#0, %scan3A_637#1, %scan3A_637#2, %scan3A_637#3 : f32, i32, f32, i32
    }
    %scan3A_483 = arith.constant 8 : i32
    %iota3A = tpu.iota {dimensions = array<i32: 0>} : vector<16xi32>
    %eq3A = arith.constant 0 : i32
    %eq3A_484 = vector.broadcast %eq3A : i32 to vector<16xi32>
    %eq3A_485 = arith.cmpi eq, %iota3A, %eq3A_484 : vector<16xi32>
    %eq3A_486 = arith.constant 1 : i32
    %eq3A_487 = vector.broadcast %eq3A_486 : i32 to vector<16xi32>
    %eq3A_488 = arith.cmpi eq, %iota3A, %eq3A_487 : vector<16xi32>
    %broadcast_in_dim3A = arith.constant 0.000000e+00 : f32
    %broadcast_in_dim3A_489 = vector.broadcast %broadcast_in_dim3A : f32 to vector<16xf32>
    %broadcast_in_dim3A_490 = vector.broadcast %scan3A_482#2 : f32 to vector<16xf32>
    %select_n3A = arith.select %eq3A_488, %broadcast_in_dim3A_490, %broadcast_in_dim3A_489 : vector<16xi1>, vector<16xf32>
    %broadcast_in_dim3A_491 = vector.broadcast %scan3A_482#0 : f32 to vector<16xf32>
    %select_n3A_492 = arith.select %eq3A_485, %broadcast_in_dim3A_491, %select_n3A : vector<16xi1>, vector<16xf32>
    %swap3A_493 = arith.constant 0 : i32
    %swap3A_494 = arith.index_cast %swap3A_493 : i32 to index
    %swap3A_495 = arith.constant 0 : index
    %swap3A_496 = tpu.vector_load %arg9[%swap3A_494, %swap3A_495] {strides = array<i32>} : memref<1x16xf32, #tpu.memory_space<vmem>>, vector<16xf32>,
    tpu.vector_store %arg9[%swap3A_494, %swap3A_495], %select_n3A_492 {strides = array<i32>} : memref<1x16xf32, #tpu.memory_space<vmem>>, vector<16xf32>,
    %eq3A_497 = arith.constant 0 : i32
    %eq3A_498 = vector.broadcast %eq3A_497 : i32 to vector<16xi32>
    %eq3A_499 = arith.cmpi eq, %iota3A, %eq3A_498 : vector<16xi32>
    %eq3A_500 = arith.constant 1 : i32
    %eq3A_501 = vector.broadcast %eq3A_500 : i32 to vector<16xi32>
    %eq3A_502 = arith.cmpi eq, %iota3A, %eq3A_501 : vector<16xi32>
    %broadcast_in_dim3A_503 = arith.constant 0 : i32
    %broadcast_in_dim3A_504 = vector.broadcast %broadcast_in_dim3A_503 : i32 to vector<16xi32>
    %broadcast_in_dim3A_505 = vector.broadcast %scan3A_482#3 : i32 to vector<16xi32>
    %select_n3A_506 = arith.select %eq3A_502, %broadcast_in_dim3A_505, %broadcast_in_dim3A_504 : vector<16xi1>, vector<16xi32>
    %broadcast_in_dim3A_507 = vector.broadcast %scan3A_482#1 : i32 to vector<16xi32>
    %select_n3A_508 = arith.select %eq3A_499, %broadcast_in_dim3A_507, %select_n3A_506 : vector<16xi1>, vector<16xi32>
    %swap3A_509 = arith.constant 0 : i32
    %swap3A_510 = arith.index_cast %swap3A_509 : i32 to index
    %swap3A_511 = arith.constant 0 : index
    %swap3A_512 = tpu.vector_load %arg10[%swap3A_510, %swap3A_511] {strides = array<i32>} : memref<1x16xi32, #tpu.memory_space<vmem>>, vector<16xi32>,
    tpu.vector_store %arg10[%swap3A_510, %swap3A_511], %select_n3A_508 {strides = array<i32>} : memref<1x16xi32, #tpu.memory_space<vmem>>, vector<16xi32>,
    "tpu.region"() ({
      %run_scoped3A = tpu.sem_alloc : memref<!tpu.dma_semaphore, #tpu.memory_space<semaphore_mem>>
      %dma_start3A_513 = arith.constant 0 : i32
      %dma_start3A_514 = tpu.memref_slice %arg4[%add3A, %dma_start3A_513] : memref<32x16xf32, #tpu.memory_space<hbm>> -> memref<1x16xf32, #tpu.memory_space<hbm>>
      %dma_start3A_515 = arith.constant 0 : i32
      %dma_start3A_516 = tpu.memref_slice %arg4[%add3A, %dma_start3A_515] : memref<32x16xf32, #tpu.memory_space<hbm>> -> memref<1x16xf32, #tpu.memory_space<hbm>>
      tpu.enqueue_dma source(%arg9 : memref<1x16xf32, #tpu.memory_space<vmem>>) target(%dma_start3A_516 : memref<1x16xf32, #tpu.memory_space<hbm>>) target_semaphore(%run_scoped3A : memref<!tpu.dma_semaphore, #tpu.memory_space<semaphore_mem>>)
      %dma_wait3A = arith.constant 0 : i32
      %dma_wait3A_517 = tpu.memref_slice %arg4[%add3A, %dma_wait3A] : memref<32x16xf32, #tpu.memory_space<hbm>> -> memref<1x16xf32, #tpu.memory_space<hbm>>
      %dma_wait3A_518 = arith.constant 0 : i32
      %dma_wait3A_519 = tpu.memref_slice %arg4[%add3A, %dma_wait3A_518] : memref<32x16xf32, #tpu.memory_space<hbm>> -> memref<1x16xf32, #tpu.memory_space<hbm>>
      tpu.wait_dma2 semaphore(%run_scoped3A : memref<!tpu.dma_semaphore, #tpu.memory_space<semaphore_mem>>) src(%arg9 : memref<1x16xf32, #tpu.memory_space<vmem>>) dst(%dma_wait3A_519 : memref<1x16xf32, #tpu.memory_space<hbm>>)
      tpu.yield
    }) : () -> ()
    "tpu.region"() ({
      %run_scoped3A = tpu.sem_alloc : memref<!tpu.dma_semaphore, #tpu.memory_space<semaphore_mem>>
      %dma_start3A_513 = arith.constant 0 : i32
      %dma_start3A_514 = tpu.memref_slice %arg5[%add3A, %dma_start3A_513] : memref<32x16xi32, #tpu.memory_space<hbm>> -> memref<1x16xi32, #tpu.memory_space<hbm>>
      %dma_start3A_515 = arith.constant 0 : i32
      %dma_start3A_516 = tpu.memref_slice %arg5[%add3A, %dma_start3A_515] : memref<32x16xi32, #tpu.memory_space<hbm>> -> memref<1x16xi32, #tpu.memory_space<hbm>>
      tpu.enqueue_dma source(%arg10 : memref<1x16xi32, #tpu.memory_space<vmem>>) target(%dma_start3A_516 : memref<1x16xi32, #tpu.memory_space<hbm>>) target_semaphore(%run_scoped3A : memref<!tpu.dma_semaphore, #tpu.memory_space<semaphore_mem>>)
      %dma_wait3A = arith.constant 0 : i32
      %dma_wait3A_517 = tpu.memref_slice %arg5[%add3A, %dma_wait3A] : memref<32x16xi32, #tpu.memory_space<hbm>> -> memref<1x16xi32, #tpu.memory_space<hbm>>
      %dma_wait3A_518 = arith.constant 0 : i32
      %dma_wait3A_519 = tpu.memref_slice %arg5[%add3A, %dma_wait3A_518] : memref<32x16xi32, #tpu.memory_space<hbm>> -> memref<1x16xi32, #tpu.memory_space<hbm>>
      tpu.wait_dma2 semaphore(%run_scoped3A : memref<!tpu.dma_semaphore, #tpu.memory_space<semaphore_mem>>) src(%arg10 : memref<1x16xi32, #tpu.memory_space<vmem>>) dst(%dma_wait3A_519 : memref<1x16xi32, #tpu.memory_space<hbm>>)
      tpu.yield
    }) : () -> ()
    return
  }
}

module attributes {stable_mosaic.version = 14 : i64} {
  func.func @_merge_body(%arg0: memref<32x16xf32, #tpu.memory_space<smem>>, %arg1: memref<32x16xi32, #tpu.memory_space<smem>>, %arg2: memref<32768x512xf32, #tpu.memory_space<any>>, %arg3: memref<2x512xf32, #tpu.memory_space<vmem>>, %arg4: memref<!tpu.dma_semaphore, #tpu.memory_space<semaphore_mem>>, %arg5: memref<!tpu.dma_semaphore, #tpu.memory_space<semaphore_mem>>) attributes {dimension_semantics = [], scalar_prefetch = 0 : i64, scratch_operands = 2 : i64, tpu.core_type = #tpu.core_type<tc>} {
    %get3A = arith.constant 0 : index
    %get3A_0 = arith.constant 0 : index
    %get3A_1 = memref.load %arg0[%get3A, %get3A_0] : memref<32x16xf32, #tpu.memory_space<smem>>
    %get3A_2 = arith.constant 0 : index
    %get3A_3 = arith.constant 0 : index
    %get3A_4 = memref.load %arg1[%get3A_2, %get3A_3] : memref<32x16xi32, #tpu.memory_space<smem>>
    %get3A_5 = arith.constant 0 : index
    %get3A_6 = arith.constant 1 : index
    %get3A_7 = memref.load %arg0[%get3A_5, %get3A_6] : memref<32x16xf32, #tpu.memory_space<smem>>
    %get3A_8 = arith.constant 0 : index
    %get3A_9 = arith.constant 1 : index
    %get3A_10 = memref.load %arg1[%get3A_8, %get3A_9] : memref<32x16xi32, #tpu.memory_space<smem>>
    %get3A_11 = arith.constant 1 : index
    %get3A_12 = arith.constant 0 : index
    %get3A_13 = memref.load %arg0[%get3A_11, %get3A_12] : memref<32x16xf32, #tpu.memory_space<smem>>
    %get3A_14 = arith.constant 1 : index
    %get3A_15 = arith.constant 0 : index
    %get3A_16 = memref.load %arg1[%get3A_14, %get3A_15] : memref<32x16xi32, #tpu.memory_space<smem>>
    %gt3A = arith.cmpf ogt, %get3A_13, %get3A_1 : f32
    %eq3A = arith.cmpf oeq, %get3A_13, %get3A_1 : f32
    %lt3A = arith.cmpi slt, %get3A_16, %get3A_4 : i32
    %and3A = arith.andi %eq3A, %lt3A : i1
    %or3A = arith.ori %gt3A, %and3A : i1
    %select_n3A = arith.select %or3A, %get3A_13, %get3A_1 : f32
    %select_n3A_17 = arith.select %or3A, %get3A_16, %get3A_4 : i32
    %get3A_18 = arith.constant 1 : index
    %get3A_19 = arith.constant 1 : index
    %get3A_20 = memref.load %arg0[%get3A_18, %get3A_19] : memref<32x16xf32, #tpu.memory_space<smem>>
    %get3A_21 = arith.constant 1 : index
    %get3A_22 = arith.constant 1 : index
    %get3A_23 = memref.load %arg1[%get3A_21, %get3A_22] : memref<32x16xi32, #tpu.memory_space<smem>>
    %lt3A_24 = arith.cmpf olt, %get3A_20, %get3A_7 : f32
    %eq3A_25 = arith.cmpf oeq, %get3A_20, %get3A_7 : f32
    %lt3A_26 = arith.cmpi slt, %get3A_23, %get3A_10 : i32
    %and3A_27 = arith.andi %eq3A_25, %lt3A_26 : i1
    %or3A_28 = arith.ori %lt3A_24, %and3A_27 : i1
    %select_n3A_29 = arith.select %or3A_28, %get3A_20, %get3A_7 : f32
    %select_n3A_30 = arith.select %or3A_28, %get3A_23, %get3A_10 : i32
    %get3A_31 = arith.constant 2 : index
    %get3A_32 = arith.constant 0 : index
    %get3A_33 = memref.load %arg0[%get3A_31, %get3A_32] : memref<32x16xf32, #tpu.memory_space<smem>>
    %get3A_34 = arith.constant 2 : index
    %get3A_35 = arith.constant 0 : index
    %get3A_36 = memref.load %arg1[%get3A_34, %get3A_35] : memref<32x16xi32, #tpu.memory_space<smem>>
    %gt3A_37 = arith.cmpf ogt, %get3A_33, %select_n3A : f32
    %eq3A_38 = arith.cmpf oeq, %get3A_33, %select_n3A : f32
    %lt3A_39 = arith.cmpi slt, %get3A_36, %select_n3A_17 : i32
    %and3A_40 = arith.andi %eq3A_38, %lt3A_39 : i1
    %or3A_41 = arith.ori %gt3A_37, %and3A_40 : i1
    %select_n3A_42 = arith.select %or3A_41, %get3A_33, %select_n3A : f32
    %select_n3A_43 = arith.select %or3A_41, %get3A_36, %select_n3A_17 : i32
    %get3A_44 = arith.constant 2 : index
    %get3A_45 = arith.constant 1 : index
    %get3A_46 = memref.load %arg0[%get3A_44, %get3A_45] : memref<32x16xf32, #tpu.memory_space<smem>>
    %get3A_47 = arith.constant 2 : index
    %get3A_48 = arith.constant 1 : index
    %get3A_49 = memref.load %arg1[%get3A_47, %get3A_48] : memref<32x16xi32, #tpu.memory_space<smem>>
    %lt3A_50 = arith.cmpf olt, %get3A_46, %select_n3A_29 : f32
    %eq3A_51 = arith.cmpf oeq, %get3A_46, %select_n3A_29 : f32
    %lt3A_52 = arith.cmpi slt, %get3A_49, %select_n3A_30 : i32
    %and3A_53 = arith.andi %eq3A_51, %lt3A_52 : i1
    %or3A_54 = arith.ori %lt3A_50, %and3A_53 : i1
    %select_n3A_55 = arith.select %or3A_54, %get3A_46, %select_n3A_29 : f32
    %select_n3A_56 = arith.select %or3A_54, %get3A_49, %select_n3A_30 : i32
    %get3A_57 = arith.constant 3 : index
    %get3A_58 = arith.constant 0 : index
    %get3A_59 = memref.load %arg0[%get3A_57, %get3A_58] : memref<32x16xf32, #tpu.memory_space<smem>>
    %get3A_60 = arith.constant 3 : index
    %get3A_61 = arith.constant 0 : index
    %get3A_62 = memref.load %arg1[%get3A_60, %get3A_61] : memref<32x16xi32, #tpu.memory_space<smem>>
    %gt3A_63 = arith.cmpf ogt, %get3A_59, %select_n3A_42 : f32
    %eq3A_64 = arith.cmpf oeq, %get3A_59, %select_n3A_42 : f32
    %lt3A_65 = arith.cmpi slt, %get3A_62, %select_n3A_43 : i32
    %and3A_66 = arith.andi %eq3A_64, %lt3A_65 : i1
    %or3A_67 = arith.ori %gt3A_63, %and3A_66 : i1
    %select_n3A_68 = arith.select %or3A_67, %get3A_59, %select_n3A_42 : f32
    %select_n3A_69 = arith.select %or3A_67, %get3A_62, %select_n3A_43 : i32
    %get3A_70 = arith.constant 3 : index
    %get3A_71 = arith.constant 1 : index
    %get3A_72 = memref.load %arg0[%get3A_70, %get3A_71] : memref<32x16xf32, #tpu.memory_space<smem>>
    %get3A_73 = arith.constant 3 : index
    %get3A_74 = arith.constant 1 : index
    %get3A_75 = memref.load %arg1[%get3A_73, %get3A_74] : memref<32x16xi32, #tpu.memory_space<smem>>
    %lt3A_76 = arith.cmpf olt, %get3A_72, %select_n3A_55 : f32
    %eq3A_77 = arith.cmpf oeq, %get3A_72, %select_n3A_55 : f32
    %lt3A_78 = arith.cmpi slt, %get3A_75, %select_n3A_56 : i32
    %and3A_79 = arith.andi %eq3A_77, %lt3A_78 : i1
    %or3A_80 = arith.ori %lt3A_76, %and3A_79 : i1
    %select_n3A_81 = arith.select %or3A_80, %get3A_72, %select_n3A_55 : f32
    %select_n3A_82 = arith.select %or3A_80, %get3A_75, %select_n3A_56 : i32
    %get3A_83 = arith.constant 4 : index
    %get3A_84 = arith.constant 0 : index
    %get3A_85 = memref.load %arg0[%get3A_83, %get3A_84] : memref<32x16xf32, #tpu.memory_space<smem>>
    %get3A_86 = arith.constant 4 : index
    %get3A_87 = arith.constant 0 : index
    %get3A_88 = memref.load %arg1[%get3A_86, %get3A_87] : memref<32x16xi32, #tpu.memory_space<smem>>
    %gt3A_89 = arith.cmpf ogt, %get3A_85, %select_n3A_68 : f32
    %eq3A_90 = arith.cmpf oeq, %get3A_85, %select_n3A_68 : f32
    %lt3A_91 = arith.cmpi slt, %get3A_88, %select_n3A_69 : i32
    %and3A_92 = arith.andi %eq3A_90, %lt3A_91 : i1
    %or3A_93 = arith.ori %gt3A_89, %and3A_92 : i1
    %select_n3A_94 = arith.select %or3A_93, %get3A_85, %select_n3A_68 : f32
    %select_n3A_95 = arith.select %or3A_93, %get3A_88, %select_n3A_69 : i32
    %get3A_96 = arith.constant 4 : index
    %get3A_97 = arith.constant 1 : index
    %get3A_98 = memref.load %arg0[%get3A_96, %get3A_97] : memref<32x16xf32, #tpu.memory_space<smem>>
    %get3A_99 = arith.constant 4 : index
    %get3A_100 = arith.constant 1 : index
    %get3A_101 = memref.load %arg1[%get3A_99, %get3A_100] : memref<32x16xi32, #tpu.memory_space<smem>>
    %lt3A_102 = arith.cmpf olt, %get3A_98, %select_n3A_81 : f32
    %eq3A_103 = arith.cmpf oeq, %get3A_98, %select_n3A_81 : f32
    %lt3A_104 = arith.cmpi slt, %get3A_101, %select_n3A_82 : i32
    %and3A_105 = arith.andi %eq3A_103, %lt3A_104 : i1
    %or3A_106 = arith.ori %lt3A_102, %and3A_105 : i1
    %select_n3A_107 = arith.select %or3A_106, %get3A_98, %select_n3A_81 : f32
    %select_n3A_108 = arith.select %or3A_106, %get3A_101, %select_n3A_82 : i32
    %get3A_109 = arith.constant 5 : index
    %get3A_110 = arith.constant 0 : index
    %get3A_111 = memref.load %arg0[%get3A_109, %get3A_110] : memref<32x16xf32, #tpu.memory_space<smem>>
    %get3A_112 = arith.constant 5 : index
    %get3A_113 = arith.constant 0 : index
    %get3A_114 = memref.load %arg1[%get3A_112, %get3A_113] : memref<32x16xi32, #tpu.memory_space<smem>>
    %gt3A_115 = arith.cmpf ogt, %get3A_111, %select_n3A_94 : f32
    %eq3A_116 = arith.cmpf oeq, %get3A_111, %select_n3A_94 : f32
    %lt3A_117 = arith.cmpi slt, %get3A_114, %select_n3A_95 : i32
    %and3A_118 = arith.andi %eq3A_116, %lt3A_117 : i1
    %or3A_119 = arith.ori %gt3A_115, %and3A_118 : i1
    %select_n3A_120 = arith.select %or3A_119, %get3A_111, %select_n3A_94 : f32
    %select_n3A_121 = arith.select %or3A_119, %get3A_114, %select_n3A_95 : i32
    %get3A_122 = arith.constant 5 : index
    %get3A_123 = arith.constant 1 : index
    %get3A_124 = memref.load %arg0[%get3A_122, %get3A_123] : memref<32x16xf32, #tpu.memory_space<smem>>
    %get3A_125 = arith.constant 5 : index
    %get3A_126 = arith.constant 1 : index
    %get3A_127 = memref.load %arg1[%get3A_125, %get3A_126] : memref<32x16xi32, #tpu.memory_space<smem>>
    %lt3A_128 = arith.cmpf olt, %get3A_124, %select_n3A_107 : f32
    %eq3A_129 = arith.cmpf oeq, %get3A_124, %select_n3A_107 : f32
    %lt3A_130 = arith.cmpi slt, %get3A_127, %select_n3A_108 : i32
    %and3A_131 = arith.andi %eq3A_129, %lt3A_130 : i1
    %or3A_132 = arith.ori %lt3A_128, %and3A_131 : i1
    %select_n3A_133 = arith.select %or3A_132, %get3A_124, %select_n3A_107 : f32
    %select_n3A_134 = arith.select %or3A_132, %get3A_127, %select_n3A_108 : i32
    %get3A_135 = arith.constant 6 : index
    %get3A_136 = arith.constant 0 : index
    %get3A_137 = memref.load %arg0[%get3A_135, %get3A_136] : memref<32x16xf32, #tpu.memory_space<smem>>
    %get3A_138 = arith.constant 6 : index
    %get3A_139 = arith.constant 0 : index
    %get3A_140 = memref.load %arg1[%get3A_138, %get3A_139] : memref<32x16xi32, #tpu.memory_space<smem>>
    %gt3A_141 = arith.cmpf ogt, %get3A_137, %select_n3A_120 : f32
    %eq3A_142 = arith.cmpf oeq, %get3A_137, %select_n3A_120 : f32
    %lt3A_143 = arith.cmpi slt, %get3A_140, %select_n3A_121 : i32
    %and3A_144 = arith.andi %eq3A_142, %lt3A_143 : i1
    %or3A_145 = arith.ori %gt3A_141, %and3A_144 : i1
    %select_n3A_146 = arith.select %or3A_145, %get3A_137, %select_n3A_120 : f32
    %select_n3A_147 = arith.select %or3A_145, %get3A_140, %select_n3A_121 : i32
    %get3A_148 = arith.constant 6 : index
    %get3A_149 = arith.constant 1 : index
    %get3A_150 = memref.load %arg0[%get3A_148, %get3A_149] : memref<32x16xf32, #tpu.memory_space<smem>>
    %get3A_151 = arith.constant 6 : index
    %get3A_152 = arith.constant 1 : index
    %get3A_153 = memref.load %arg1[%get3A_151, %get3A_152] : memref<32x16xi32, #tpu.memory_space<smem>>
    %lt3A_154 = arith.cmpf olt, %get3A_150, %select_n3A_133 : f32
    %eq3A_155 = arith.cmpf oeq, %get3A_150, %select_n3A_133 : f32
    %lt3A_156 = arith.cmpi slt, %get3A_153, %select_n3A_134 : i32
    %and3A_157 = arith.andi %eq3A_155, %lt3A_156 : i1
    %or3A_158 = arith.ori %lt3A_154, %and3A_157 : i1
    %select_n3A_159 = arith.select %or3A_158, %get3A_150, %select_n3A_133 : f32
    %select_n3A_160 = arith.select %or3A_158, %get3A_153, %select_n3A_134 : i32
    %get3A_161 = arith.constant 7 : index
    %get3A_162 = arith.constant 0 : index
    %get3A_163 = memref.load %arg0[%get3A_161, %get3A_162] : memref<32x16xf32, #tpu.memory_space<smem>>
    %get3A_164 = arith.constant 7 : index
    %get3A_165 = arith.constant 0 : index
    %get3A_166 = memref.load %arg1[%get3A_164, %get3A_165] : memref<32x16xi32, #tpu.memory_space<smem>>
    %gt3A_167 = arith.cmpf ogt, %get3A_163, %select_n3A_146 : f32
    %eq3A_168 = arith.cmpf oeq, %get3A_163, %select_n3A_146 : f32
    %lt3A_169 = arith.cmpi slt, %get3A_166, %select_n3A_147 : i32
    %and3A_170 = arith.andi %eq3A_168, %lt3A_169 : i1
    %or3A_171 = arith.ori %gt3A_167, %and3A_170 : i1
    %select_n3A_172 = arith.select %or3A_171, %get3A_163, %select_n3A_146 : f32
    %select_n3A_173 = arith.select %or3A_171, %get3A_166, %select_n3A_147 : i32
    %get3A_174 = arith.constant 7 : index
    %get3A_175 = arith.constant 1 : index
    %get3A_176 = memref.load %arg0[%get3A_174, %get3A_175] : memref<32x16xf32, #tpu.memory_space<smem>>
    %get3A_177 = arith.constant 7 : index
    %get3A_178 = arith.constant 1 : index
    %get3A_179 = memref.load %arg1[%get3A_177, %get3A_178] : memref<32x16xi32, #tpu.memory_space<smem>>
    %lt3A_180 = arith.cmpf olt, %get3A_176, %select_n3A_159 : f32
    %eq3A_181 = arith.cmpf oeq, %get3A_176, %select_n3A_159 : f32
    %lt3A_182 = arith.cmpi slt, %get3A_179, %select_n3A_160 : i32
    %and3A_183 = arith.andi %eq3A_181, %lt3A_182 : i1
    %or3A_184 = arith.ori %lt3A_180, %and3A_183 : i1
    %select_n3A_185 = arith.select %or3A_184, %get3A_176, %select_n3A_159 : f32
    %select_n3A_186 = arith.select %or3A_184, %get3A_179, %select_n3A_160 : i32
    %get3A_187 = arith.constant 8 : index
    %get3A_188 = arith.constant 0 : index
    %get3A_189 = memref.load %arg0[%get3A_187, %get3A_188] : memref<32x16xf32, #tpu.memory_space<smem>>
    %get3A_190 = arith.constant 8 : index
    %get3A_191 = arith.constant 0 : index
    %get3A_192 = memref.load %arg1[%get3A_190, %get3A_191] : memref<32x16xi32, #tpu.memory_space<smem>>
    %gt3A_193 = arith.cmpf ogt, %get3A_189, %select_n3A_172 : f32
    %eq3A_194 = arith.cmpf oeq, %get3A_189, %select_n3A_172 : f32
    %lt3A_195 = arith.cmpi slt, %get3A_192, %select_n3A_173 : i32
    %and3A_196 = arith.andi %eq3A_194, %lt3A_195 : i1
    %or3A_197 = arith.ori %gt3A_193, %and3A_196 : i1
    %select_n3A_198 = arith.select %or3A_197, %get3A_189, %select_n3A_172 : f32
    %select_n3A_199 = arith.select %or3A_197, %get3A_192, %select_n3A_173 : i32
    %get3A_200 = arith.constant 8 : index
    %get3A_201 = arith.constant 1 : index
    %get3A_202 = memref.load %arg0[%get3A_200, %get3A_201] : memref<32x16xf32, #tpu.memory_space<smem>>
    %get3A_203 = arith.constant 8 : index
    %get3A_204 = arith.constant 1 : index
    %get3A_205 = memref.load %arg1[%get3A_203, %get3A_204] : memref<32x16xi32, #tpu.memory_space<smem>>
    %lt3A_206 = arith.cmpf olt, %get3A_202, %select_n3A_185 : f32
    %eq3A_207 = arith.cmpf oeq, %get3A_202, %select_n3A_185 : f32
    %lt3A_208 = arith.cmpi slt, %get3A_205, %select_n3A_186 : i32
    %and3A_209 = arith.andi %eq3A_207, %lt3A_208 : i1
    %or3A_210 = arith.ori %lt3A_206, %and3A_209 : i1
    %select_n3A_211 = arith.select %or3A_210, %get3A_202, %select_n3A_185 : f32
    %select_n3A_212 = arith.select %or3A_210, %get3A_205, %select_n3A_186 : i32
    %get3A_213 = arith.constant 9 : index
    %get3A_214 = arith.constant 0 : index
    %get3A_215 = memref.load %arg0[%get3A_213, %get3A_214] : memref<32x16xf32, #tpu.memory_space<smem>>
    %get3A_216 = arith.constant 9 : index
    %get3A_217 = arith.constant 0 : index
    %get3A_218 = memref.load %arg1[%get3A_216, %get3A_217] : memref<32x16xi32, #tpu.memory_space<smem>>
    %gt3A_219 = arith.cmpf ogt, %get3A_215, %select_n3A_198 : f32
    %eq3A_220 = arith.cmpf oeq, %get3A_215, %select_n3A_198 : f32
    %lt3A_221 = arith.cmpi slt, %get3A_218, %select_n3A_199 : i32
    %and3A_222 = arith.andi %eq3A_220, %lt3A_221 : i1
    %or3A_223 = arith.ori %gt3A_219, %and3A_222 : i1
    %select_n3A_224 = arith.select %or3A_223, %get3A_215, %select_n3A_198 : f32
    %select_n3A_225 = arith.select %or3A_223, %get3A_218, %select_n3A_199 : i32
    %get3A_226 = arith.constant 9 : index
    %get3A_227 = arith.constant 1 : index
    %get3A_228 = memref.load %arg0[%get3A_226, %get3A_227] : memref<32x16xf32, #tpu.memory_space<smem>>
    %get3A_229 = arith.constant 9 : index
    %get3A_230 = arith.constant 1 : index
    %get3A_231 = memref.load %arg1[%get3A_229, %get3A_230] : memref<32x16xi32, #tpu.memory_space<smem>>
    %lt3A_232 = arith.cmpf olt, %get3A_228, %select_n3A_211 : f32
    %eq3A_233 = arith.cmpf oeq, %get3A_228, %select_n3A_211 : f32
    %lt3A_234 = arith.cmpi slt, %get3A_231, %select_n3A_212 : i32
    %and3A_235 = arith.andi %eq3A_233, %lt3A_234 : i1
    %or3A_236 = arith.ori %lt3A_232, %and3A_235 : i1
    %select_n3A_237 = arith.select %or3A_236, %get3A_228, %select_n3A_211 : f32
    %select_n3A_238 = arith.select %or3A_236, %get3A_231, %select_n3A_212 : i32
    %get3A_239 = arith.constant 10 : index
    %get3A_240 = arith.constant 0 : index
    %get3A_241 = memref.load %arg0[%get3A_239, %get3A_240] : memref<32x16xf32, #tpu.memory_space<smem>>
    %get3A_242 = arith.constant 10 : index
    %get3A_243 = arith.constant 0 : index
    %get3A_244 = memref.load %arg1[%get3A_242, %get3A_243] : memref<32x16xi32, #tpu.memory_space<smem>>
    %gt3A_245 = arith.cmpf ogt, %get3A_241, %select_n3A_224 : f32
    %eq3A_246 = arith.cmpf oeq, %get3A_241, %select_n3A_224 : f32
    %lt3A_247 = arith.cmpi slt, %get3A_244, %select_n3A_225 : i32
    %and3A_248 = arith.andi %eq3A_246, %lt3A_247 : i1
    %or3A_249 = arith.ori %gt3A_245, %and3A_248 : i1
    %select_n3A_250 = arith.select %or3A_249, %get3A_241, %select_n3A_224 : f32
    %select_n3A_251 = arith.select %or3A_249, %get3A_244, %select_n3A_225 : i32
    %get3A_252 = arith.constant 10 : index
    %get3A_253 = arith.constant 1 : index
    %get3A_254 = memref.load %arg0[%get3A_252, %get3A_253] : memref<32x16xf32, #tpu.memory_space<smem>>
    %get3A_255 = arith.constant 10 : index
    %get3A_256 = arith.constant 1 : index
    %get3A_257 = memref.load %arg1[%get3A_255, %get3A_256] : memref<32x16xi32, #tpu.memory_space<smem>>
    %lt3A_258 = arith.cmpf olt, %get3A_254, %select_n3A_237 : f32
    %eq3A_259 = arith.cmpf oeq, %get3A_254, %select_n3A_237 : f32
    %lt3A_260 = arith.cmpi slt, %get3A_257, %select_n3A_238 : i32
    %and3A_261 = arith.andi %eq3A_259, %lt3A_260 : i1
    %or3A_262 = arith.ori %lt3A_258, %and3A_261 : i1
    %select_n3A_263 = arith.select %or3A_262, %get3A_254, %select_n3A_237 : f32
    %select_n3A_264 = arith.select %or3A_262, %get3A_257, %select_n3A_238 : i32
    %get3A_265 = arith.constant 11 : index
    %get3A_266 = arith.constant 0 : index
    %get3A_267 = memref.load %arg0[%get3A_265, %get3A_266] : memref<32x16xf32, #tpu.memory_space<smem>>
    %get3A_268 = arith.constant 11 : index
    %get3A_269 = arith.constant 0 : index
    %get3A_270 = memref.load %arg1[%get3A_268, %get3A_269] : memref<32x16xi32, #tpu.memory_space<smem>>
    %gt3A_271 = arith.cmpf ogt, %get3A_267, %select_n3A_250 : f32
    %eq3A_272 = arith.cmpf oeq, %get3A_267, %select_n3A_250 : f32
    %lt3A_273 = arith.cmpi slt, %get3A_270, %select_n3A_251 : i32
    %and3A_274 = arith.andi %eq3A_272, %lt3A_273 : i1
    %or3A_275 = arith.ori %gt3A_271, %and3A_274 : i1
    %select_n3A_276 = arith.select %or3A_275, %get3A_267, %select_n3A_250 : f32
    %select_n3A_277 = arith.select %or3A_275, %get3A_270, %select_n3A_251 : i32
    %get3A_278 = arith.constant 11 : index
    %get3A_279 = arith.constant 1 : index
    %get3A_280 = memref.load %arg0[%get3A_278, %get3A_279] : memref<32x16xf32, #tpu.memory_space<smem>>
    %get3A_281 = arith.constant 11 : index
    %get3A_282 = arith.constant 1 : index
    %get3A_283 = memref.load %arg1[%get3A_281, %get3A_282] : memref<32x16xi32, #tpu.memory_space<smem>>
    %lt3A_284 = arith.cmpf olt, %get3A_280, %select_n3A_263 : f32
    %eq3A_285 = arith.cmpf oeq, %get3A_280, %select_n3A_263 : f32
    %lt3A_286 = arith.cmpi slt, %get3A_283, %select_n3A_264 : i32
    %and3A_287 = arith.andi %eq3A_285, %lt3A_286 : i1
    %or3A_288 = arith.ori %lt3A_284, %and3A_287 : i1
    %select_n3A_289 = arith.select %or3A_288, %get3A_280, %select_n3A_263 : f32
    %select_n3A_290 = arith.select %or3A_288, %get3A_283, %select_n3A_264 : i32
    %get3A_291 = arith.constant 12 : index
    %get3A_292 = arith.constant 0 : index
    %get3A_293 = memref.load %arg0[%get3A_291, %get3A_292] : memref<32x16xf32, #tpu.memory_space<smem>>
    %get3A_294 = arith.constant 12 : index
    %get3A_295 = arith.constant 0 : index
    %get3A_296 = memref.load %arg1[%get3A_294, %get3A_295] : memref<32x16xi32, #tpu.memory_space<smem>>
    %gt3A_297 = arith.cmpf ogt, %get3A_293, %select_n3A_276 : f32
    %eq3A_298 = arith.cmpf oeq, %get3A_293, %select_n3A_276 : f32
    %lt3A_299 = arith.cmpi slt, %get3A_296, %select_n3A_277 : i32
    %and3A_300 = arith.andi %eq3A_298, %lt3A_299 : i1
    %or3A_301 = arith.ori %gt3A_297, %and3A_300 : i1
    %select_n3A_302 = arith.select %or3A_301, %get3A_293, %select_n3A_276 : f32
    %select_n3A_303 = arith.select %or3A_301, %get3A_296, %select_n3A_277 : i32
    %get3A_304 = arith.constant 12 : index
    %get3A_305 = arith.constant 1 : index
    %get3A_306 = memref.load %arg0[%get3A_304, %get3A_305] : memref<32x16xf32, #tpu.memory_space<smem>>
    %get3A_307 = arith.constant 12 : index
    %get3A_308 = arith.constant 1 : index
    %get3A_309 = memref.load %arg1[%get3A_307, %get3A_308] : memref<32x16xi32, #tpu.memory_space<smem>>
    %lt3A_310 = arith.cmpf olt, %get3A_306, %select_n3A_289 : f32
    %eq3A_311 = arith.cmpf oeq, %get3A_306, %select_n3A_289 : f32
    %lt3A_312 = arith.cmpi slt, %get3A_309, %select_n3A_290 : i32
    %and3A_313 = arith.andi %eq3A_311, %lt3A_312 : i1
    %or3A_314 = arith.ori %lt3A_310, %and3A_313 : i1
    %select_n3A_315 = arith.select %or3A_314, %get3A_306, %select_n3A_289 : f32
    %select_n3A_316 = arith.select %or3A_314, %get3A_309, %select_n3A_290 : i32
    %get3A_317 = arith.constant 13 : index
    %get3A_318 = arith.constant 0 : index
    %get3A_319 = memref.load %arg0[%get3A_317, %get3A_318] : memref<32x16xf32, #tpu.memory_space<smem>>
    %get3A_320 = arith.constant 13 : index
    %get3A_321 = arith.constant 0 : index
    %get3A_322 = memref.load %arg1[%get3A_320, %get3A_321] : memref<32x16xi32, #tpu.memory_space<smem>>
    %gt3A_323 = arith.cmpf ogt, %get3A_319, %select_n3A_302 : f32
    %eq3A_324 = arith.cmpf oeq, %get3A_319, %select_n3A_302 : f32
    %lt3A_325 = arith.cmpi slt, %get3A_322, %select_n3A_303 : i32
    %and3A_326 = arith.andi %eq3A_324, %lt3A_325 : i1
    %or3A_327 = arith.ori %gt3A_323, %and3A_326 : i1
    %select_n3A_328 = arith.select %or3A_327, %get3A_319, %select_n3A_302 : f32
    %select_n3A_329 = arith.select %or3A_327, %get3A_322, %select_n3A_303 : i32
    %get3A_330 = arith.constant 13 : index
    %get3A_331 = arith.constant 1 : index
    %get3A_332 = memref.load %arg0[%get3A_330, %get3A_331] : memref<32x16xf32, #tpu.memory_space<smem>>
    %get3A_333 = arith.constant 13 : index
    %get3A_334 = arith.constant 1 : index
    %get3A_335 = memref.load %arg1[%get3A_333, %get3A_334] : memref<32x16xi32, #tpu.memory_space<smem>>
    %lt3A_336 = arith.cmpf olt, %get3A_332, %select_n3A_315 : f32
    %eq3A_337 = arith.cmpf oeq, %get3A_332, %select_n3A_315 : f32
    %lt3A_338 = arith.cmpi slt, %get3A_335, %select_n3A_316 : i32
    %and3A_339 = arith.andi %eq3A_337, %lt3A_338 : i1
    %or3A_340 = arith.ori %lt3A_336, %and3A_339 : i1
    %select_n3A_341 = arith.select %or3A_340, %get3A_332, %select_n3A_315 : f32
    %select_n3A_342 = arith.select %or3A_340, %get3A_335, %select_n3A_316 : i32
    %get3A_343 = arith.constant 14 : index
    %get3A_344 = arith.constant 0 : index
    %get3A_345 = memref.load %arg0[%get3A_343, %get3A_344] : memref<32x16xf32, #tpu.memory_space<smem>>
    %get3A_346 = arith.constant 14 : index
    %get3A_347 = arith.constant 0 : index
    %get3A_348 = memref.load %arg1[%get3A_346, %get3A_347] : memref<32x16xi32, #tpu.memory_space<smem>>
    %gt3A_349 = arith.cmpf ogt, %get3A_345, %select_n3A_328 : f32
    %eq3A_350 = arith.cmpf oeq, %get3A_345, %select_n3A_328 : f32
    %lt3A_351 = arith.cmpi slt, %get3A_348, %select_n3A_329 : i32
    %and3A_352 = arith.andi %eq3A_350, %lt3A_351 : i1
    %or3A_353 = arith.ori %gt3A_349, %and3A_352 : i1
    %select_n3A_354 = arith.select %or3A_353, %get3A_345, %select_n3A_328 : f32
    %select_n3A_355 = arith.select %or3A_353, %get3A_348, %select_n3A_329 : i32
    %get3A_356 = arith.constant 14 : index
    %get3A_357 = arith.constant 1 : index
    %get3A_358 = memref.load %arg0[%get3A_356, %get3A_357] : memref<32x16xf32, #tpu.memory_space<smem>>
    %get3A_359 = arith.constant 14 : index
    %get3A_360 = arith.constant 1 : index
    %get3A_361 = memref.load %arg1[%get3A_359, %get3A_360] : memref<32x16xi32, #tpu.memory_space<smem>>
    %lt3A_362 = arith.cmpf olt, %get3A_358, %select_n3A_341 : f32
    %eq3A_363 = arith.cmpf oeq, %get3A_358, %select_n3A_341 : f32
    %lt3A_364 = arith.cmpi slt, %get3A_361, %select_n3A_342 : i32
    %and3A_365 = arith.andi %eq3A_363, %lt3A_364 : i1
    %or3A_366 = arith.ori %lt3A_362, %and3A_365 : i1
    %select_n3A_367 = arith.select %or3A_366, %get3A_358, %select_n3A_341 : f32
    %select_n3A_368 = arith.select %or3A_366, %get3A_361, %select_n3A_342 : i32
    %get3A_369 = arith.constant 15 : index
    %get3A_370 = arith.constant 0 : index
    %get3A_371 = memref.load %arg0[%get3A_369, %get3A_370] : memref<32x16xf32, #tpu.memory_space<smem>>
    %get3A_372 = arith.constant 15 : index
    %get3A_373 = arith.constant 0 : index
    %get3A_374 = memref.load %arg1[%get3A_372, %get3A_373] : memref<32x16xi32, #tpu.memory_space<smem>>
    %gt3A_375 = arith.cmpf ogt, %get3A_371, %select_n3A_354 : f32
    %eq3A_376 = arith.cmpf oeq, %get3A_371, %select_n3A_354 : f32
    %lt3A_377 = arith.cmpi slt, %get3A_374, %select_n3A_355 : i32
    %and3A_378 = arith.andi %eq3A_376, %lt3A_377 : i1
    %or3A_379 = arith.ori %gt3A_375, %and3A_378 : i1
    %select_n3A_380 = arith.select %or3A_379, %get3A_371, %select_n3A_354 : f32
    %select_n3A_381 = arith.select %or3A_379, %get3A_374, %select_n3A_355 : i32
    %get3A_382 = arith.constant 15 : index
    %get3A_383 = arith.constant 1 : index
    %get3A_384 = memref.load %arg0[%get3A_382, %get3A_383] : memref<32x16xf32, #tpu.memory_space<smem>>
    %get3A_385 = arith.constant 15 : index
    %get3A_386 = arith.constant 1 : index
    %get3A_387 = memref.load %arg1[%get3A_385, %get3A_386] : memref<32x16xi32, #tpu.memory_space<smem>>
    %lt3A_388 = arith.cmpf olt, %get3A_384, %select_n3A_367 : f32
    %eq3A_389 = arith.cmpf oeq, %get3A_384, %select_n3A_367 : f32
    %lt3A_390 = arith.cmpi slt, %get3A_387, %select_n3A_368 : i32
    %and3A_391 = arith.andi %eq3A_389, %lt3A_390 : i1
    %or3A_392 = arith.ori %lt3A_388, %and3A_391 : i1
    %select_n3A_393 = arith.select %or3A_392, %get3A_384, %select_n3A_367 : f32
    %select_n3A_394 = arith.select %or3A_392, %get3A_387, %select_n3A_368 : i32
    %get3A_395 = arith.constant 16 : index
    %get3A_396 = arith.constant 0 : index
    %get3A_397 = memref.load %arg0[%get3A_395, %get3A_396] : memref<32x16xf32, #tpu.memory_space<smem>>
    %get3A_398 = arith.constant 16 : index
    %get3A_399 = arith.constant 0 : index
    %get3A_400 = memref.load %arg1[%get3A_398, %get3A_399] : memref<32x16xi32, #tpu.memory_space<smem>>
    %gt3A_401 = arith.cmpf ogt, %get3A_397, %select_n3A_380 : f32
    %eq3A_402 = arith.cmpf oeq, %get3A_397, %select_n3A_380 : f32
    %lt3A_403 = arith.cmpi slt, %get3A_400, %select_n3A_381 : i32
    %and3A_404 = arith.andi %eq3A_402, %lt3A_403 : i1
    %or3A_405 = arith.ori %gt3A_401, %and3A_404 : i1
    %select_n3A_406 = arith.select %or3A_405, %get3A_397, %select_n3A_380 : f32
    %select_n3A_407 = arith.select %or3A_405, %get3A_400, %select_n3A_381 : i32
    %get3A_408 = arith.constant 16 : index
    %get3A_409 = arith.constant 1 : index
    %get3A_410 = memref.load %arg0[%get3A_408, %get3A_409] : memref<32x16xf32, #tpu.memory_space<smem>>
    %get3A_411 = arith.constant 16 : index
    %get3A_412 = arith.constant 1 : index
    %get3A_413 = memref.load %arg1[%get3A_411, %get3A_412] : memref<32x16xi32, #tpu.memory_space<smem>>
    %lt3A_414 = arith.cmpf olt, %get3A_410, %select_n3A_393 : f32
    %eq3A_415 = arith.cmpf oeq, %get3A_410, %select_n3A_393 : f32
    %lt3A_416 = arith.cmpi slt, %get3A_413, %select_n3A_394 : i32
    %and3A_417 = arith.andi %eq3A_415, %lt3A_416 : i1
    %or3A_418 = arith.ori %lt3A_414, %and3A_417 : i1
    %select_n3A_419 = arith.select %or3A_418, %get3A_410, %select_n3A_393 : f32
    %select_n3A_420 = arith.select %or3A_418, %get3A_413, %select_n3A_394 : i32
    %get3A_421 = arith.constant 17 : index
    %get3A_422 = arith.constant 0 : index
    %get3A_423 = memref.load %arg0[%get3A_421, %get3A_422] : memref<32x16xf32, #tpu.memory_space<smem>>
    %get3A_424 = arith.constant 17 : index
    %get3A_425 = arith.constant 0 : index
    %get3A_426 = memref.load %arg1[%get3A_424, %get3A_425] : memref<32x16xi32, #tpu.memory_space<smem>>
    %gt3A_427 = arith.cmpf ogt, %get3A_423, %select_n3A_406 : f32
    %eq3A_428 = arith.cmpf oeq, %get3A_423, %select_n3A_406 : f32
    %lt3A_429 = arith.cmpi slt, %get3A_426, %select_n3A_407 : i32
    %and3A_430 = arith.andi %eq3A_428, %lt3A_429 : i1
    %or3A_431 = arith.ori %gt3A_427, %and3A_430 : i1
    %select_n3A_432 = arith.select %or3A_431, %get3A_423, %select_n3A_406 : f32
    %select_n3A_433 = arith.select %or3A_431, %get3A_426, %select_n3A_407 : i32
    %get3A_434 = arith.constant 17 : index
    %get3A_435 = arith.constant 1 : index
    %get3A_436 = memref.load %arg0[%get3A_434, %get3A_435] : memref<32x16xf32, #tpu.memory_space<smem>>
    %get3A_437 = arith.constant 17 : index
    %get3A_438 = arith.constant 1 : index
    %get3A_439 = memref.load %arg1[%get3A_437, %get3A_438] : memref<32x16xi32, #tpu.memory_space<smem>>
    %lt3A_440 = arith.cmpf olt, %get3A_436, %select_n3A_419 : f32
    %eq3A_441 = arith.cmpf oeq, %get3A_436, %select_n3A_419 : f32
    %lt3A_442 = arith.cmpi slt, %get3A_439, %select_n3A_420 : i32
    %and3A_443 = arith.andi %eq3A_441, %lt3A_442 : i1
    %or3A_444 = arith.ori %lt3A_440, %and3A_443 : i1
    %select_n3A_445 = arith.select %or3A_444, %get3A_436, %select_n3A_419 : f32
    %select_n3A_446 = arith.select %or3A_444, %get3A_439, %select_n3A_420 : i32
    %get3A_447 = arith.constant 18 : index
    %get3A_448 = arith.constant 0 : index
    %get3A_449 = memref.load %arg0[%get3A_447, %get3A_448] : memref<32x16xf32, #tpu.memory_space<smem>>
    %get3A_450 = arith.constant 18 : index
    %get3A_451 = arith.constant 0 : index
    %get3A_452 = memref.load %arg1[%get3A_450, %get3A_451] : memref<32x16xi32, #tpu.memory_space<smem>>
    %gt3A_453 = arith.cmpf ogt, %get3A_449, %select_n3A_432 : f32
    %eq3A_454 = arith.cmpf oeq, %get3A_449, %select_n3A_432 : f32
    %lt3A_455 = arith.cmpi slt, %get3A_452, %select_n3A_433 : i32
    %and3A_456 = arith.andi %eq3A_454, %lt3A_455 : i1
    %or3A_457 = arith.ori %gt3A_453, %and3A_456 : i1
    %select_n3A_458 = arith.select %or3A_457, %get3A_449, %select_n3A_432 : f32
    %select_n3A_459 = arith.select %or3A_457, %get3A_452, %select_n3A_433 : i32
    %get3A_460 = arith.constant 18 : index
    %get3A_461 = arith.constant 1 : index
    %get3A_462 = memref.load %arg0[%get3A_460, %get3A_461] : memref<32x16xf32, #tpu.memory_space<smem>>
    %get3A_463 = arith.constant 18 : index
    %get3A_464 = arith.constant 1 : index
    %get3A_465 = memref.load %arg1[%get3A_463, %get3A_464] : memref<32x16xi32, #tpu.memory_space<smem>>
    %lt3A_466 = arith.cmpf olt, %get3A_462, %select_n3A_445 : f32
    %eq3A_467 = arith.cmpf oeq, %get3A_462, %select_n3A_445 : f32
    %lt3A_468 = arith.cmpi slt, %get3A_465, %select_n3A_446 : i32
    %and3A_469 = arith.andi %eq3A_467, %lt3A_468 : i1
    %or3A_470 = arith.ori %lt3A_466, %and3A_469 : i1
    %select_n3A_471 = arith.select %or3A_470, %get3A_462, %select_n3A_445 : f32
    %select_n3A_472 = arith.select %or3A_470, %get3A_465, %select_n3A_446 : i32
    %get3A_473 = arith.constant 19 : index
    %get3A_474 = arith.constant 0 : index
    %get3A_475 = memref.load %arg0[%get3A_473, %get3A_474] : memref<32x16xf32, #tpu.memory_space<smem>>
    %get3A_476 = arith.constant 19 : index
    %get3A_477 = arith.constant 0 : index
    %get3A_478 = memref.load %arg1[%get3A_476, %get3A_477] : memref<32x16xi32, #tpu.memory_space<smem>>
    %gt3A_479 = arith.cmpf ogt, %get3A_475, %select_n3A_458 : f32
    %eq3A_480 = arith.cmpf oeq, %get3A_475, %select_n3A_458 : f32
    %lt3A_481 = arith.cmpi slt, %get3A_478, %select_n3A_459 : i32
    %and3A_482 = arith.andi %eq3A_480, %lt3A_481 : i1
    %or3A_483 = arith.ori %gt3A_479, %and3A_482 : i1
    %select_n3A_484 = arith.select %or3A_483, %get3A_475, %select_n3A_458 : f32
    %select_n3A_485 = arith.select %or3A_483, %get3A_478, %select_n3A_459 : i32
    %get3A_486 = arith.constant 19 : index
    %get3A_487 = arith.constant 1 : index
    %get3A_488 = memref.load %arg0[%get3A_486, %get3A_487] : memref<32x16xf32, #tpu.memory_space<smem>>
    %get3A_489 = arith.constant 19 : index
    %get3A_490 = arith.constant 1 : index
    %get3A_491 = memref.load %arg1[%get3A_489, %get3A_490] : memref<32x16xi32, #tpu.memory_space<smem>>
    %lt3A_492 = arith.cmpf olt, %get3A_488, %select_n3A_471 : f32
    %eq3A_493 = arith.cmpf oeq, %get3A_488, %select_n3A_471 : f32
    %lt3A_494 = arith.cmpi slt, %get3A_491, %select_n3A_472 : i32
    %and3A_495 = arith.andi %eq3A_493, %lt3A_494 : i1
    %or3A_496 = arith.ori %lt3A_492, %and3A_495 : i1
    %select_n3A_497 = arith.select %or3A_496, %get3A_488, %select_n3A_471 : f32
    %select_n3A_498 = arith.select %or3A_496, %get3A_491, %select_n3A_472 : i32
    %get3A_499 = arith.constant 20 : index
    %get3A_500 = arith.constant 0 : index
    %get3A_501 = memref.load %arg0[%get3A_499, %get3A_500] : memref<32x16xf32, #tpu.memory_space<smem>>
    %get3A_502 = arith.constant 20 : index
    %get3A_503 = arith.constant 0 : index
    %get3A_504 = memref.load %arg1[%get3A_502, %get3A_503] : memref<32x16xi32, #tpu.memory_space<smem>>
    %gt3A_505 = arith.cmpf ogt, %get3A_501, %select_n3A_484 : f32
    %eq3A_506 = arith.cmpf oeq, %get3A_501, %select_n3A_484 : f32
    %lt3A_507 = arith.cmpi slt, %get3A_504, %select_n3A_485 : i32
    %and3A_508 = arith.andi %eq3A_506, %lt3A_507 : i1
    %or3A_509 = arith.ori %gt3A_505, %and3A_508 : i1
    %select_n3A_510 = arith.select %or3A_509, %get3A_501, %select_n3A_484 : f32
    %select_n3A_511 = arith.select %or3A_509, %get3A_504, %select_n3A_485 : i32
    %get3A_512 = arith.constant 20 : index
    %get3A_513 = arith.constant 1 : index
    %get3A_514 = memref.load %arg0[%get3A_512, %get3A_513] : memref<32x16xf32, #tpu.memory_space<smem>>
    %get3A_515 = arith.constant 20 : index
    %get3A_516 = arith.constant 1 : index
    %get3A_517 = memref.load %arg1[%get3A_515, %get3A_516] : memref<32x16xi32, #tpu.memory_space<smem>>
    %lt3A_518 = arith.cmpf olt, %get3A_514, %select_n3A_497 : f32
    %eq3A_519 = arith.cmpf oeq, %get3A_514, %select_n3A_497 : f32
    %lt3A_520 = arith.cmpi slt, %get3A_517, %select_n3A_498 : i32
    %and3A_521 = arith.andi %eq3A_519, %lt3A_520 : i1
    %or3A_522 = arith.ori %lt3A_518, %and3A_521 : i1
    %select_n3A_523 = arith.select %or3A_522, %get3A_514, %select_n3A_497 : f32
    %select_n3A_524 = arith.select %or3A_522, %get3A_517, %select_n3A_498 : i32
    %get3A_525 = arith.constant 21 : index
    %get3A_526 = arith.constant 0 : index
    %get3A_527 = memref.load %arg0[%get3A_525, %get3A_526] : memref<32x16xf32, #tpu.memory_space<smem>>
    %get3A_528 = arith.constant 21 : index
    %get3A_529 = arith.constant 0 : index
    %get3A_530 = memref.load %arg1[%get3A_528, %get3A_529] : memref<32x16xi32, #tpu.memory_space<smem>>
    %gt3A_531 = arith.cmpf ogt, %get3A_527, %select_n3A_510 : f32
    %eq3A_532 = arith.cmpf oeq, %get3A_527, %select_n3A_510 : f32
    %lt3A_533 = arith.cmpi slt, %get3A_530, %select_n3A_511 : i32
    %and3A_534 = arith.andi %eq3A_532, %lt3A_533 : i1
    %or3A_535 = arith.ori %gt3A_531, %and3A_534 : i1
    %select_n3A_536 = arith.select %or3A_535, %get3A_527, %select_n3A_510 : f32
    %select_n3A_537 = arith.select %or3A_535, %get3A_530, %select_n3A_511 : i32
    %get3A_538 = arith.constant 21 : index
    %get3A_539 = arith.constant 1 : index
    %get3A_540 = memref.load %arg0[%get3A_538, %get3A_539] : memref<32x16xf32, #tpu.memory_space<smem>>
    %get3A_541 = arith.constant 21 : index
    %get3A_542 = arith.constant 1 : index
    %get3A_543 = memref.load %arg1[%get3A_541, %get3A_542] : memref<32x16xi32, #tpu.memory_space<smem>>
    %lt3A_544 = arith.cmpf olt, %get3A_540, %select_n3A_523 : f32
    %eq3A_545 = arith.cmpf oeq, %get3A_540, %select_n3A_523 : f32
    %lt3A_546 = arith.cmpi slt, %get3A_543, %select_n3A_524 : i32
    %and3A_547 = arith.andi %eq3A_545, %lt3A_546 : i1
    %or3A_548 = arith.ori %lt3A_544, %and3A_547 : i1
    %select_n3A_549 = arith.select %or3A_548, %get3A_540, %select_n3A_523 : f32
    %select_n3A_550 = arith.select %or3A_548, %get3A_543, %select_n3A_524 : i32
    %get3A_551 = arith.constant 22 : index
    %get3A_552 = arith.constant 0 : index
    %get3A_553 = memref.load %arg0[%get3A_551, %get3A_552] : memref<32x16xf32, #tpu.memory_space<smem>>
    %get3A_554 = arith.constant 22 : index
    %get3A_555 = arith.constant 0 : index
    %get3A_556 = memref.load %arg1[%get3A_554, %get3A_555] : memref<32x16xi32, #tpu.memory_space<smem>>
    %gt3A_557 = arith.cmpf ogt, %get3A_553, %select_n3A_536 : f32
    %eq3A_558 = arith.cmpf oeq, %get3A_553, %select_n3A_536 : f32
    %lt3A_559 = arith.cmpi slt, %get3A_556, %select_n3A_537 : i32
    %and3A_560 = arith.andi %eq3A_558, %lt3A_559 : i1
    %or3A_561 = arith.ori %gt3A_557, %and3A_560 : i1
    %select_n3A_562 = arith.select %or3A_561, %get3A_553, %select_n3A_536 : f32
    %select_n3A_563 = arith.select %or3A_561, %get3A_556, %select_n3A_537 : i32
    %get3A_564 = arith.constant 22 : index
    %get3A_565 = arith.constant 1 : index
    %get3A_566 = memref.load %arg0[%get3A_564, %get3A_565] : memref<32x16xf32, #tpu.memory_space<smem>>
    %get3A_567 = arith.constant 22 : index
    %get3A_568 = arith.constant 1 : index
    %get3A_569 = memref.load %arg1[%get3A_567, %get3A_568] : memref<32x16xi32, #tpu.memory_space<smem>>
    %lt3A_570 = arith.cmpf olt, %get3A_566, %select_n3A_549 : f32
    %eq3A_571 = arith.cmpf oeq, %get3A_566, %select_n3A_549 : f32
    %lt3A_572 = arith.cmpi slt, %get3A_569, %select_n3A_550 : i32
    %and3A_573 = arith.andi %eq3A_571, %lt3A_572 : i1
    %or3A_574 = arith.ori %lt3A_570, %and3A_573 : i1
    %select_n3A_575 = arith.select %or3A_574, %get3A_566, %select_n3A_549 : f32
    %select_n3A_576 = arith.select %or3A_574, %get3A_569, %select_n3A_550 : i32
    %get3A_577 = arith.constant 23 : index
    %get3A_578 = arith.constant 0 : index
    %get3A_579 = memref.load %arg0[%get3A_577, %get3A_578] : memref<32x16xf32, #tpu.memory_space<smem>>
    %get3A_580 = arith.constant 23 : index
    %get3A_581 = arith.constant 0 : index
    %get3A_582 = memref.load %arg1[%get3A_580, %get3A_581] : memref<32x16xi32, #tpu.memory_space<smem>>
    %gt3A_583 = arith.cmpf ogt, %get3A_579, %select_n3A_562 : f32
    %eq3A_584 = arith.cmpf oeq, %get3A_579, %select_n3A_562 : f32
    %lt3A_585 = arith.cmpi slt, %get3A_582, %select_n3A_563 : i32
    %and3A_586 = arith.andi %eq3A_584, %lt3A_585 : i1
    %or3A_587 = arith.ori %gt3A_583, %and3A_586 : i1
    %select_n3A_588 = arith.select %or3A_587, %get3A_579, %select_n3A_562 : f32
    %select_n3A_589 = arith.select %or3A_587, %get3A_582, %select_n3A_563 : i32
    %get3A_590 = arith.constant 23 : index
    %get3A_591 = arith.constant 1 : index
    %get3A_592 = memref.load %arg0[%get3A_590, %get3A_591] : memref<32x16xf32, #tpu.memory_space<smem>>
    %get3A_593 = arith.constant 23 : index
    %get3A_594 = arith.constant 1 : index
    %get3A_595 = memref.load %arg1[%get3A_593, %get3A_594] : memref<32x16xi32, #tpu.memory_space<smem>>
    %lt3A_596 = arith.cmpf olt, %get3A_592, %select_n3A_575 : f32
    %eq3A_597 = arith.cmpf oeq, %get3A_592, %select_n3A_575 : f32
    %lt3A_598 = arith.cmpi slt, %get3A_595, %select_n3A_576 : i32
    %and3A_599 = arith.andi %eq3A_597, %lt3A_598 : i1
    %or3A_600 = arith.ori %lt3A_596, %and3A_599 : i1
    %select_n3A_601 = arith.select %or3A_600, %get3A_592, %select_n3A_575 : f32
    %select_n3A_602 = arith.select %or3A_600, %get3A_595, %select_n3A_576 : i32
    %get3A_603 = arith.constant 24 : index
    %get3A_604 = arith.constant 0 : index
    %get3A_605 = memref.load %arg0[%get3A_603, %get3A_604] : memref<32x16xf32, #tpu.memory_space<smem>>
    %get3A_606 = arith.constant 24 : index
    %get3A_607 = arith.constant 0 : index
    %get3A_608 = memref.load %arg1[%get3A_606, %get3A_607] : memref<32x16xi32, #tpu.memory_space<smem>>
    %gt3A_609 = arith.cmpf ogt, %get3A_605, %select_n3A_588 : f32
    %eq3A_610 = arith.cmpf oeq, %get3A_605, %select_n3A_588 : f32
    %lt3A_611 = arith.cmpi slt, %get3A_608, %select_n3A_589 : i32
    %and3A_612 = arith.andi %eq3A_610, %lt3A_611 : i1
    %or3A_613 = arith.ori %gt3A_609, %and3A_612 : i1
    %select_n3A_614 = arith.select %or3A_613, %get3A_605, %select_n3A_588 : f32
    %select_n3A_615 = arith.select %or3A_613, %get3A_608, %select_n3A_589 : i32
    %get3A_616 = arith.constant 24 : index
    %get3A_617 = arith.constant 1 : index
    %get3A_618 = memref.load %arg0[%get3A_616, %get3A_617] : memref<32x16xf32, #tpu.memory_space<smem>>
    %get3A_619 = arith.constant 24 : index
    %get3A_620 = arith.constant 1 : index
    %get3A_621 = memref.load %arg1[%get3A_619, %get3A_620] : memref<32x16xi32, #tpu.memory_space<smem>>
    %lt3A_622 = arith.cmpf olt, %get3A_618, %select_n3A_601 : f32
    %eq3A_623 = arith.cmpf oeq, %get3A_618, %select_n3A_601 : f32
    %lt3A_624 = arith.cmpi slt, %get3A_621, %select_n3A_602 : i32
    %and3A_625 = arith.andi %eq3A_623, %lt3A_624 : i1
    %or3A_626 = arith.ori %lt3A_622, %and3A_625 : i1
    %select_n3A_627 = arith.select %or3A_626, %get3A_618, %select_n3A_601 : f32
    %select_n3A_628 = arith.select %or3A_626, %get3A_621, %select_n3A_602 : i32
    %get3A_629 = arith.constant 25 : index
    %get3A_630 = arith.constant 0 : index
    %get3A_631 = memref.load %arg0[%get3A_629, %get3A_630] : memref<32x16xf32, #tpu.memory_space<smem>>
    %get3A_632 = arith.constant 25 : index
    %get3A_633 = arith.constant 0 : index
    %get3A_634 = memref.load %arg1[%get3A_632, %get3A_633] : memref<32x16xi32, #tpu.memory_space<smem>>
    %gt3A_635 = arith.cmpf ogt, %get3A_631, %select_n3A_614 : f32
    %eq3A_636 = arith.cmpf oeq, %get3A_631, %select_n3A_614 : f32
    %lt3A_637 = arith.cmpi slt, %get3A_634, %select_n3A_615 : i32
    %and3A_638 = arith.andi %eq3A_636, %lt3A_637 : i1
    %or3A_639 = arith.ori %gt3A_635, %and3A_638 : i1
    %select_n3A_640 = arith.select %or3A_639, %get3A_631, %select_n3A_614 : f32
    %select_n3A_641 = arith.select %or3A_639, %get3A_634, %select_n3A_615 : i32
    %get3A_642 = arith.constant 25 : index
    %get3A_643 = arith.constant 1 : index
    %get3A_644 = memref.load %arg0[%get3A_642, %get3A_643] : memref<32x16xf32, #tpu.memory_space<smem>>
    %get3A_645 = arith.constant 25 : index
    %get3A_646 = arith.constant 1 : index
    %get3A_647 = memref.load %arg1[%get3A_645, %get3A_646] : memref<32x16xi32, #tpu.memory_space<smem>>
    %lt3A_648 = arith.cmpf olt, %get3A_644, %select_n3A_627 : f32
    %eq3A_649 = arith.cmpf oeq, %get3A_644, %select_n3A_627 : f32
    %lt3A_650 = arith.cmpi slt, %get3A_647, %select_n3A_628 : i32
    %and3A_651 = arith.andi %eq3A_649, %lt3A_650 : i1
    %or3A_652 = arith.ori %lt3A_648, %and3A_651 : i1
    %select_n3A_653 = arith.select %or3A_652, %get3A_644, %select_n3A_627 : f32
    %select_n3A_654 = arith.select %or3A_652, %get3A_647, %select_n3A_628 : i32
    %get3A_655 = arith.constant 26 : index
    %get3A_656 = arith.constant 0 : index
    %get3A_657 = memref.load %arg0[%get3A_655, %get3A_656] : memref<32x16xf32, #tpu.memory_space<smem>>
    %get3A_658 = arith.constant 26 : index
    %get3A_659 = arith.constant 0 : index
    %get3A_660 = memref.load %arg1[%get3A_658, %get3A_659] : memref<32x16xi32, #tpu.memory_space<smem>>
    %gt3A_661 = arith.cmpf ogt, %get3A_657, %select_n3A_640 : f32
    %eq3A_662 = arith.cmpf oeq, %get3A_657, %select_n3A_640 : f32
    %lt3A_663 = arith.cmpi slt, %get3A_660, %select_n3A_641 : i32
    %and3A_664 = arith.andi %eq3A_662, %lt3A_663 : i1
    %or3A_665 = arith.ori %gt3A_661, %and3A_664 : i1
    %select_n3A_666 = arith.select %or3A_665, %get3A_657, %select_n3A_640 : f32
    %select_n3A_667 = arith.select %or3A_665, %get3A_660, %select_n3A_641 : i32
    %get3A_668 = arith.constant 26 : index
    %get3A_669 = arith.constant 1 : index
    %get3A_670 = memref.load %arg0[%get3A_668, %get3A_669] : memref<32x16xf32, #tpu.memory_space<smem>>
    %get3A_671 = arith.constant 26 : index
    %get3A_672 = arith.constant 1 : index
    %get3A_673 = memref.load %arg1[%get3A_671, %get3A_672] : memref<32x16xi32, #tpu.memory_space<smem>>
    %lt3A_674 = arith.cmpf olt, %get3A_670, %select_n3A_653 : f32
    %eq3A_675 = arith.cmpf oeq, %get3A_670, %select_n3A_653 : f32
    %lt3A_676 = arith.cmpi slt, %get3A_673, %select_n3A_654 : i32
    %and3A_677 = arith.andi %eq3A_675, %lt3A_676 : i1
    %or3A_678 = arith.ori %lt3A_674, %and3A_677 : i1
    %select_n3A_679 = arith.select %or3A_678, %get3A_670, %select_n3A_653 : f32
    %select_n3A_680 = arith.select %or3A_678, %get3A_673, %select_n3A_654 : i32
    %get3A_681 = arith.constant 27 : index
    %get3A_682 = arith.constant 0 : index
    %get3A_683 = memref.load %arg0[%get3A_681, %get3A_682] : memref<32x16xf32, #tpu.memory_space<smem>>
    %get3A_684 = arith.constant 27 : index
    %get3A_685 = arith.constant 0 : index
    %get3A_686 = memref.load %arg1[%get3A_684, %get3A_685] : memref<32x16xi32, #tpu.memory_space<smem>>
    %gt3A_687 = arith.cmpf ogt, %get3A_683, %select_n3A_666 : f32
    %eq3A_688 = arith.cmpf oeq, %get3A_683, %select_n3A_666 : f32
    %lt3A_689 = arith.cmpi slt, %get3A_686, %select_n3A_667 : i32
    %and3A_690 = arith.andi %eq3A_688, %lt3A_689 : i1
    %or3A_691 = arith.ori %gt3A_687, %and3A_690 : i1
    %select_n3A_692 = arith.select %or3A_691, %get3A_683, %select_n3A_666 : f32
    %select_n3A_693 = arith.select %or3A_691, %get3A_686, %select_n3A_667 : i32
    %get3A_694 = arith.constant 27 : index
    %get3A_695 = arith.constant 1 : index
    %get3A_696 = memref.load %arg0[%get3A_694, %get3A_695] : memref<32x16xf32, #tpu.memory_space<smem>>
    %get3A_697 = arith.constant 27 : index
    %get3A_698 = arith.constant 1 : index
    %get3A_699 = memref.load %arg1[%get3A_697, %get3A_698] : memref<32x16xi32, #tpu.memory_space<smem>>
    %lt3A_700 = arith.cmpf olt, %get3A_696, %select_n3A_679 : f32
    %eq3A_701 = arith.cmpf oeq, %get3A_696, %select_n3A_679 : f32
    %lt3A_702 = arith.cmpi slt, %get3A_699, %select_n3A_680 : i32
    %and3A_703 = arith.andi %eq3A_701, %lt3A_702 : i1
    %or3A_704 = arith.ori %lt3A_700, %and3A_703 : i1
    %select_n3A_705 = arith.select %or3A_704, %get3A_696, %select_n3A_679 : f32
    %select_n3A_706 = arith.select %or3A_704, %get3A_699, %select_n3A_680 : i32
    %get3A_707 = arith.constant 28 : index
    %get3A_708 = arith.constant 0 : index
    %get3A_709 = memref.load %arg0[%get3A_707, %get3A_708] : memref<32x16xf32, #tpu.memory_space<smem>>
    %get3A_710 = arith.constant 28 : index
    %get3A_711 = arith.constant 0 : index
    %get3A_712 = memref.load %arg1[%get3A_710, %get3A_711] : memref<32x16xi32, #tpu.memory_space<smem>>
    %gt3A_713 = arith.cmpf ogt, %get3A_709, %select_n3A_692 : f32
    %eq3A_714 = arith.cmpf oeq, %get3A_709, %select_n3A_692 : f32
    %lt3A_715 = arith.cmpi slt, %get3A_712, %select_n3A_693 : i32
    %and3A_716 = arith.andi %eq3A_714, %lt3A_715 : i1
    %or3A_717 = arith.ori %gt3A_713, %and3A_716 : i1
    %select_n3A_718 = arith.select %or3A_717, %get3A_709, %select_n3A_692 : f32
    %select_n3A_719 = arith.select %or3A_717, %get3A_712, %select_n3A_693 : i32
    %get3A_720 = arith.constant 28 : index
    %get3A_721 = arith.constant 1 : index
    %get3A_722 = memref.load %arg0[%get3A_720, %get3A_721] : memref<32x16xf32, #tpu.memory_space<smem>>
    %get3A_723 = arith.constant 28 : index
    %get3A_724 = arith.constant 1 : index
    %get3A_725 = memref.load %arg1[%get3A_723, %get3A_724] : memref<32x16xi32, #tpu.memory_space<smem>>
    %lt3A_726 = arith.cmpf olt, %get3A_722, %select_n3A_705 : f32
    %eq3A_727 = arith.cmpf oeq, %get3A_722, %select_n3A_705 : f32
    %lt3A_728 = arith.cmpi slt, %get3A_725, %select_n3A_706 : i32
    %and3A_729 = arith.andi %eq3A_727, %lt3A_728 : i1
    %or3A_730 = arith.ori %lt3A_726, %and3A_729 : i1
    %select_n3A_731 = arith.select %or3A_730, %get3A_722, %select_n3A_705 : f32
    %select_n3A_732 = arith.select %or3A_730, %get3A_725, %select_n3A_706 : i32
    %get3A_733 = arith.constant 29 : index
    %get3A_734 = arith.constant 0 : index
    %get3A_735 = memref.load %arg0[%get3A_733, %get3A_734] : memref<32x16xf32, #tpu.memory_space<smem>>
    %get3A_736 = arith.constant 29 : index
    %get3A_737 = arith.constant 0 : index
    %get3A_738 = memref.load %arg1[%get3A_736, %get3A_737] : memref<32x16xi32, #tpu.memory_space<smem>>
    %gt3A_739 = arith.cmpf ogt, %get3A_735, %select_n3A_718 : f32
    %eq3A_740 = arith.cmpf oeq, %get3A_735, %select_n3A_718 : f32
    %lt3A_741 = arith.cmpi slt, %get3A_738, %select_n3A_719 : i32
    %and3A_742 = arith.andi %eq3A_740, %lt3A_741 : i1
    %or3A_743 = arith.ori %gt3A_739, %and3A_742 : i1
    %select_n3A_744 = arith.select %or3A_743, %get3A_735, %select_n3A_718 : f32
    %select_n3A_745 = arith.select %or3A_743, %get3A_738, %select_n3A_719 : i32
    %get3A_746 = arith.constant 29 : index
    %get3A_747 = arith.constant 1 : index
    %get3A_748 = memref.load %arg0[%get3A_746, %get3A_747] : memref<32x16xf32, #tpu.memory_space<smem>>
    %get3A_749 = arith.constant 29 : index
    %get3A_750 = arith.constant 1 : index
    %get3A_751 = memref.load %arg1[%get3A_749, %get3A_750] : memref<32x16xi32, #tpu.memory_space<smem>>
    %lt3A_752 = arith.cmpf olt, %get3A_748, %select_n3A_731 : f32
    %eq3A_753 = arith.cmpf oeq, %get3A_748, %select_n3A_731 : f32
    %lt3A_754 = arith.cmpi slt, %get3A_751, %select_n3A_732 : i32
    %and3A_755 = arith.andi %eq3A_753, %lt3A_754 : i1
    %or3A_756 = arith.ori %lt3A_752, %and3A_755 : i1
    %select_n3A_757 = arith.select %or3A_756, %get3A_748, %select_n3A_731 : f32
    %select_n3A_758 = arith.select %or3A_756, %get3A_751, %select_n3A_732 : i32
    %get3A_759 = arith.constant 30 : index
    %get3A_760 = arith.constant 0 : index
    %get3A_761 = memref.load %arg0[%get3A_759, %get3A_760] : memref<32x16xf32, #tpu.memory_space<smem>>
    %get3A_762 = arith.constant 30 : index
    %get3A_763 = arith.constant 0 : index
    %get3A_764 = memref.load %arg1[%get3A_762, %get3A_763] : memref<32x16xi32, #tpu.memory_space<smem>>
    %gt3A_765 = arith.cmpf ogt, %get3A_761, %select_n3A_744 : f32
    %eq3A_766 = arith.cmpf oeq, %get3A_761, %select_n3A_744 : f32
    %lt3A_767 = arith.cmpi slt, %get3A_764, %select_n3A_745 : i32
    %and3A_768 = arith.andi %eq3A_766, %lt3A_767 : i1
    %or3A_769 = arith.ori %gt3A_765, %and3A_768 : i1
    %select_n3A_770 = arith.select %or3A_769, %get3A_761, %select_n3A_744 : f32
    %select_n3A_771 = arith.select %or3A_769, %get3A_764, %select_n3A_745 : i32
    %get3A_772 = arith.constant 30 : index
    %get3A_773 = arith.constant 1 : index
    %get3A_774 = memref.load %arg0[%get3A_772, %get3A_773] : memref<32x16xf32, #tpu.memory_space<smem>>
    %get3A_775 = arith.constant 30 : index
    %get3A_776 = arith.constant 1 : index
    %get3A_777 = memref.load %arg1[%get3A_775, %get3A_776] : memref<32x16xi32, #tpu.memory_space<smem>>
    %lt3A_778 = arith.cmpf olt, %get3A_774, %select_n3A_757 : f32
    %eq3A_779 = arith.cmpf oeq, %get3A_774, %select_n3A_757 : f32
    %lt3A_780 = arith.cmpi slt, %get3A_777, %select_n3A_758 : i32
    %and3A_781 = arith.andi %eq3A_779, %lt3A_780 : i1
    %or3A_782 = arith.ori %lt3A_778, %and3A_781 : i1
    %select_n3A_783 = arith.select %or3A_782, %get3A_774, %select_n3A_757 : f32
    %select_n3A_784 = arith.select %or3A_782, %get3A_777, %select_n3A_758 : i32
    %get3A_785 = arith.constant 31 : index
    %get3A_786 = arith.constant 0 : index
    %get3A_787 = memref.load %arg0[%get3A_785, %get3A_786] : memref<32x16xf32, #tpu.memory_space<smem>>
    %get3A_788 = arith.constant 31 : index
    %get3A_789 = arith.constant 0 : index
    %get3A_790 = memref.load %arg1[%get3A_788, %get3A_789] : memref<32x16xi32, #tpu.memory_space<smem>>
    %gt3A_791 = arith.cmpf ogt, %get3A_787, %select_n3A_770 : f32
    %eq3A_792 = arith.cmpf oeq, %get3A_787, %select_n3A_770 : f32
    %lt3A_793 = arith.cmpi slt, %get3A_790, %select_n3A_771 : i32
    %and3A_794 = arith.andi %eq3A_792, %lt3A_793 : i1
    %or3A_795 = arith.ori %gt3A_791, %and3A_794 : i1
    %select_n3A_796 = arith.select %or3A_795, %get3A_790, %select_n3A_771 : i32
    %get3A_797 = arith.constant 31 : index
    %get3A_798 = arith.constant 1 : index
    %get3A_799 = memref.load %arg0[%get3A_797, %get3A_798] : memref<32x16xf32, #tpu.memory_space<smem>>
    %get3A_800 = arith.constant 31 : index
    %get3A_801 = arith.constant 1 : index
    %get3A_802 = memref.load %arg1[%get3A_800, %get3A_801] : memref<32x16xi32, #tpu.memory_space<smem>>
    %lt3A_803 = arith.cmpf olt, %get3A_799, %select_n3A_783 : f32
    %eq3A_804 = arith.cmpf oeq, %get3A_799, %select_n3A_783 : f32
    %lt3A_805 = arith.cmpi slt, %get3A_802, %select_n3A_784 : i32
    %and3A_806 = arith.andi %eq3A_804, %lt3A_805 : i1
    %or3A_807 = arith.ori %lt3A_803, %and3A_806 : i1
    %select_n3A_808 = arith.select %or3A_807, %get3A_802, %select_n3A_784 : i32
    %dma_start3A = arith.constant 0 : i32
    %dma_start3A_809 = arith.constant 0 : i32
    %dma_start3A_810 = tpu.memref_slice %arg3[%dma_start3A, %dma_start3A_809] : memref<2x512xf32, #tpu.memory_space<vmem>> -> memref<1x512xf32, #tpu.memory_space<vmem>>
    %dma_start3A_811 = arith.constant 0 : i32
    %dma_start3A_812 = tpu.memref_slice %arg2[%select_n3A_796, %dma_start3A_811] : memref<32768x512xf32, #tpu.memory_space<any>> -> memref<1x512xf32, #tpu.memory_space<any>>
    tpu.enqueue_dma source(%dma_start3A_812 : memref<1x512xf32, #tpu.memory_space<any>>) target(%dma_start3A_810 : memref<1x512xf32, #tpu.memory_space<vmem>>) target_semaphore(%arg4 : memref<!tpu.dma_semaphore, #tpu.memory_space<semaphore_mem>>)
    %dma_start3A_813 = arith.constant 1 : i32
    %dma_start3A_814 = arith.constant 0 : i32
    %dma_start3A_815 = tpu.memref_slice %arg3[%dma_start3A_813, %dma_start3A_814] : memref<2x512xf32, #tpu.memory_space<vmem>> -> memref<1x512xf32, #tpu.memory_space<vmem>>
    %dma_start3A_816 = arith.constant 0 : i32
    %dma_start3A_817 = tpu.memref_slice %arg2[%select_n3A_808, %dma_start3A_816] : memref<32768x512xf32, #tpu.memory_space<any>> -> memref<1x512xf32, #tpu.memory_space<any>>
    tpu.enqueue_dma source(%dma_start3A_817 : memref<1x512xf32, #tpu.memory_space<any>>) target(%dma_start3A_815 : memref<1x512xf32, #tpu.memory_space<vmem>>) target_semaphore(%arg5 : memref<!tpu.dma_semaphore, #tpu.memory_space<semaphore_mem>>)
    %dma_wait3A = arith.constant 0 : i32
    %dma_wait3A_818 = arith.constant 0 : i32
    %dma_wait3A_819 = tpu.memref_slice %arg3[%dma_wait3A, %dma_wait3A_818] : memref<2x512xf32, #tpu.memory_space<vmem>> -> memref<1x512xf32, #tpu.memory_space<vmem>>
    %dma_wait3A_820 = arith.constant 0 : i32
    %dma_wait3A_821 = tpu.memref_slice %arg2[%select_n3A_796, %dma_wait3A_820] : memref<32768x512xf32, #tpu.memory_space<any>> -> memref<1x512xf32, #tpu.memory_space<any>>
    tpu.wait_dma2 semaphore(%arg4 : memref<!tpu.dma_semaphore, #tpu.memory_space<semaphore_mem>>) src(%dma_wait3A_821 : memref<1x512xf32, #tpu.memory_space<any>>) dst(%dma_wait3A_819 : memref<1x512xf32, #tpu.memory_space<vmem>>)
    %dma_wait3A_822 = arith.constant 1 : i32
    %dma_wait3A_823 = arith.constant 0 : i32
    %dma_wait3A_824 = tpu.memref_slice %arg3[%dma_wait3A_822, %dma_wait3A_823] : memref<2x512xf32, #tpu.memory_space<vmem>> -> memref<1x512xf32, #tpu.memory_space<vmem>>
    %dma_wait3A_825 = arith.constant 0 : i32
    %dma_wait3A_826 = tpu.memref_slice %arg2[%select_n3A_808, %dma_wait3A_825] : memref<32768x512xf32, #tpu.memory_space<any>> -> memref<1x512xf32, #tpu.memory_space<any>>
    tpu.wait_dma2 semaphore(%arg5 : memref<!tpu.dma_semaphore, #tpu.memory_space<semaphore_mem>>) src(%dma_wait3A_826 : memref<1x512xf32, #tpu.memory_space<any>>) dst(%dma_wait3A_824 : memref<1x512xf32, #tpu.memory_space<vmem>>)
    return
  }
}

</mosaic_0001>

<sc_bundles>
// kernel: kernel.4.cloned.1.call-start
scs
__scs_entry_jumppad:
0x0: {  	(pc) =	sbr.rel $0x88, $3  }
0x1: {  	(tag) =	ssettag $0x0;
	lr =	simm.s32 $0x1  }
0x2: {  	[smem:$0x3F9F] =	sst lr;
	_ =	strace $0xD0000000  }
0x3: {  	_ = 	snop  }
0x4: {  	_ = 	snop  }
0x5: {  	_ = 	snop  }
0x6: {  	_ = 	snop  }
0x7: {  	_ = 	snop  }
__scs_overlays_trampoline_lowered:
0x8: {  	[smem:$0x3FAE] =	sst s0  }
0x9: {  	[smem:$0x3FAF] =	sst s1  }
0xa: {  	[smem:$0x3FB0] =	sst s2  }
0xb: {  	[smem:$0x3FB1] =	sst s3  }
0xc: {  	[smem:$0x3FB2] =	sst s4  }
0xd: {  	[smem:$0x3FB3] =	sst s5  }
0xe: {  	[smem:$0x3FB4] =	sst s6  }
0xf: {  	[smem:$0x3FB5] =	sst s7  }
0x10: {  	[smem:$0x3FB6] =	sst s8  }
0x11: {  	[smem:$0x3FB7] =	sst s9;
	s0 =	simm.s32 @!p0 $0x0  }
0x12: {  	s1 =	sld [smem:$0x3F9D];
	s0 =	simm.s32 @p0 $0x1  }
0x13: {  	[smem:$0x3FB8] =	sst s0;
	s0 =	simm.s32 @!p1 $0x0  }
0x14: {  	s2 =	sld [smem:$0x3F9C];
	s0 =	simm.s32 @p1 $0x1  }
0x15: {  	[smem:$0x3FB9] =	sst s0;
	s0 =	simm.s32 @!p2 $0x0  }
0x16: {  	s3 =	sld [smem:$0x3FDB];
	s0 =	simm.s32 @p2 $0x1  }
0x17: {  	s4 =	simm.s32 $0x1BF5;
	[smem:$0x3FBB] =	sst s0  }
0x18: {  	s0 =	sld [smem:$0x3F9E];
	_ =	swait.ge [sflag:s4], $0x0  }
0x19: {  	s7 =	sld [smem:$0x3F9F]  }
0x1a: {  	s8 =	sadd.s32 $0xFFFFE003, lr  }
0x1b: {  	s9 =	sadd.s32 $0xFFFFFEF7, lr;
	s5 =	simm.s32 $0xFFFFFFFF;
	p2 =	slt.u32 s8, $0xFFFFF086  }
0x1c: {  	p1 =	slt.u32 s9, $0xF7A;
	s5 =	simm.s32 @!p2 $0x0  }
0x1d: {  	s5 =	simm.s32 @p1 $0x1;
	p0 =	seq.s32 s7, s2  }
0x1e: {  	s7 =	smul.u32 @!p0 $0xF7A, s2;
	p2 =	seq.s32 @!p0 s5, $0x0  }
0x1f: {  	s9 =	smul.u32 $0xF7A, s1;
	s8 =	simm.s32 @!p0 $0x1BF5;
	p2 =	por !p2, p0  }
0x20: {  	[sflag:s8] =	ssyncset.s32 @!p0 $0xFFFFF086;
	s6 =	sadd.s32 @!p0 s3, s7;
	s7 =	simm.s32 @!p0 $0x108  }
0x21: {  	s3 =	sadd.s32 s3, s9;
	s6 =	sadd.s32 @!p0 $0x88, s6;
	s7 =	simm.s32 @p2 $0x1082  }
0x22: {  	[simem:s7], [sflag:s8] =	dma.local @!p0 [hbm:s6], $0xF7A  }
0x23: {  	s9 =	sor.u32 $0xD0000000, s2;
	s6 =	simm.s32 $0x108;
	_ =	swait.ge @!p0 [sflag:s8], $0x0  }
0x24: {  	s3 =	sadd.s32 $0x88, s3;
	s6 =	simm.s32 @!p1 $0x1082;
	[sflag:s4] =	ssyncset.s32 $0xFFFFF086  }
0x25: {  	[simem:s6], [sflag:s4] =	dma.local [hbm:s3], $0xF7A  }
0x26: {  	[smem:$0x3F9F] =	sst s1;
	(tag) =	ssettag s2;
	_ =	strace s9  }
0x27: {  	s1 =	sld [smem:$0x3FAF]  }
0x28: {  	s2 =	sld [smem:$0x3FB0]  }
0x29: {  	s4 =	sld [smem:$0x3FB2]  }
0x2a: {  	p0 =	seq.s32 s5, $0x0;
	s5 =	sld [smem:$0x3FB3]  }
0x2b: {  	s6 =	sld [smem:$0x3FB4]  }
0x2c: {  	s7 =	sld [smem:$0x3FB5]  }
0x2d: {  	s3 =	simm.s32 $0x108;
	s8 =	sld [smem:$0x3FB6]  }
0x2e: {  	s3 =	simm.s32 @!p0 $0x1082;
	s9 =	sld [smem:$0x3FB7]  }
0x2f: {  	lr =	sadd.s32 s0, s3;
	s0 =	sld [smem:$0x3FAE]  }
0x30: {  	s3 =	sld [smem:$0x3FB1]  }
0x31: {  	[smem:$0x3FBA] =	sst s10  }
0x32: {  	s10 =	sld [smem:$0x3FB8];
	_ =	sdelay $0x3  }
0x33: {  	p0 =	seq.s32 s10, $0x1;
	s10 =	sld [smem:$0x3FBA];
	_ =	sdelay $0x3  }
0x34: {  	[smem:$0x3FBA] =	sst s10  }
0x35: {  	s10 =	sld [smem:$0x3FB9];
	_ =	sdelay $0x3  }
0x36: {  	p1 =	seq.s32 s10, $0x1;
	s10 =	sld [smem:$0x3FBA];
	_ =	sdelay $0x3  }
0x37: {  	[smem:$0x3FBA] =	sst s10  }
0x38: {  	s10 =	sld [smem:$0x3FBB]  }
0x39: {  	_ = 	snop;
	(pc) =	sbr.ind lr, $3  }
0x3a: {  	_ = 	snop  }
0x3b: {  	_ = 	snop  }
0x3c: {  	p2 =	seq.s32 s10, $0x1;
	s10 =	sld [smem:$0x3FBA]  }
0x3d: {  	_ =	shalt  }
0x3e: {  	_ =	shalt  }
0x3f: {  	_ =	shalt  }
0x40: {  	_ =	shalt  }
0x41: {  	_ =	shalt  }
0x42: {  	_ =	shalt  }
0x43: {  	_ =	shalt  }
0x44: {  	_ =	shalt  }
0x45: {  	_ =	shalt  }
0x46: {  	_ =	shalt  }
0x47: {  	_ =	shalt  }
0x48: {  	_ =	shalt  }
0x49: {  	_ =	shalt  }
0x4a: {  	_ =	shalt  }
0x4b: {  	_ =	shalt  }
0x4c: {  	_ =	shalt  }
0x4d: {  	_ =	shalt  }
0x4e: {  	_ =	shalt  }
0x4f: {  	_ =	shalt  }
0x50: {  	_ =	shalt  }
0x51: {  	_ =	shalt  }
0x52: {  	_ =	shalt  }
0x53: {  	_ =	shalt  }
0x54: {  	_ =	shalt  }
0x55: {  	_ =	shalt  }
0x56: {  	_ =	shalt  }
0x57: {  	_ =	shalt  }
0x58: {  	_ =	shalt  }
0x59: {  	_ =	shalt  }
0x5a: {  	_ =	shalt  }
0x5b: {  	_ =	shalt  }
0x5c: {  	_ =	shalt  }
0x5d: {  	_ =	shalt  }
0x5e: {  	_ =	shalt  }
0x5f: {  	_ =	shalt  }
0x60: {  	_ =	shalt  }
0x61: {  	_ =	shalt  }
0x62: {  	_ =	shalt  }
0x63: {  	_ =	shalt  }
0x64: {  	_ =	shalt  }
0x65: {  	_ =	shalt  }
0x66: {  	_ =	shalt  }
0x67: {  	_ =	shalt  }
0x68: {  	_ =	shalt  }
0x69: {  	_ =	shalt  }
0x6a: {  	_ =	shalt  }
0x6b: {  	_ =	shalt  }
0x6c: {  	_ =	shalt  }
0x6d: {  	_ =	shalt  }
0x6e: {  	_ =	shalt  }
0x6f: {  	_ =	shalt  }
0x70: {  	_ =	shalt  }
0x71: {  	_ =	shalt  }
0x72: {  	_ =	shalt  }
0x73: {  	_ =	shalt  }
0x74: {  	_ =	shalt  }
0x75: {  	_ =	shalt  }
0x76: {  	_ =	shalt  }
0x77: {  	_ =	shalt  }
0x78: {  	_ =	shalt  }
0x79: {  	_ =	shalt  }
0x7a: {  	_ =	shalt  }
0x7b: {  	_ =	shalt  }
0x7c: {  	_ =	shalt  }
0x7d: {  	_ =	shalt  }
0x7e: {  	_ =	shalt  }
0x7f: {  	_ =	shalt  }
0x80: {  	_ =	shalt  }
0x81: {  	_ =	shalt  }
0x82: {  	_ =	shalt  }
0x83: {  	_ =	shalt  }
0x84: {  	_ =	shalt  }
0x85: {  	_ =	shalt  }
0x86: {  	_ =	shalt  }
0x87: {  	_ =	shalt  }
.Lfunc_end0:
.L_simem_size_0:
called_computation_lowered:
.L_overlay_start_0:
0x88: {  	s2 =	sld [smem:$0x3FD9]  }
0x89: {  	s3 =	sld [smem:$0x3FFE];
	_ =	sdelay $0x1  }
0x8a: {  	s1 =	srdreg.scid  }
0x8b: {  	s0 =	sand.u32 $0x1, s1  }
0x8c: {  	s17 =	sshll.u32 s0, $0xA;
	s2 =	sadd.s32 s3, s2  }
0x8d: {  	s2 =	sadd.s32 s2, s17  }
0x8e: {  	[smem:$0x3FC6] =	sst s2  }
0x8f: {  	_ = 	snop  }
0x90: {  	s2 =	sld [smem:$0x3FC9]  }
0x91: {  	s18 =	sld [smem:$0x3FC8];
	(tm) =	ssettm $0x1  }
0x92: {  	s4 =	sld [smem:$0x3FFB];
	_ =	sdelay $0x3  }
0x93: {  	_ =	strace s4  }
0x94: {  	s4 =	sld [smem:$0x3FFC];
	_ =	sdelay $0x3  }
0x95: {  	_ =	strace s4  }
0x96: {  	s4 =	sld [smem:$0x3FFD];
	_ =	sdelay $0x3  }
0x97: {  	_ =	strace s4  }
0x98: {  	_ =	strace $0x8FFFFFFF  }
0x99: {  	s19 =	sld [smem:$0x3FDB];
	_ =	sdelay $0x1  }
0x9a: {  	s5 =	simm.s32 $_scs_section_size  }
0x9b: {  	s6 =	simm.s32 $_size__tile_overlayer_lowered;
	s7 =	simm.s32 $_tile_overlayer_lowered  }
0x9c: {  	s22 =	simm.s32 $0x1BFF;
	s21 =	sshll.u32 s7, $0x1;
	s4 =	sadd.s32 s5, s19  }
0x9d: {  	s8 =	simm.s32 $0x0;
	s20 =	sshll.u32 s6, $0x1;
	s6 =	sadd.s32 s21, s4  }
0x9e: {  	[timem:s8], [sflag:s22] =	dma.local [hbm:s6], s20  }
0x9f: {  	_ =	swait.ge [sflag:s22], s20  }
0xa0: {  	s5 =	ssub.s32 $0x0, s20;
	[sflag:s22] =	ssyncset.done $0x0  }
0xa1: {  	[sflag:s22] =	ssyncadd.s32 s5;
	_ =	sdelay $0x1  }
0xa2: {  	s23 =	simm.s32 $0x1B8B  }
0xa3: {  	_ =	swait.ge [sflag:s23], $0x1  }
0xa4: {  	[sflag:s23] =	ssyncset.done $0x0  }
0xa5: {  	s25 =	simm.s32 $0x1B8E;
	s24 =	sld [smem:$0x3FFE];
	[sflag:s23] =	ssyncadd.s32 $0xFFFFFFFF  }
0xa6: {  	s26 =	simm.s32 $execute0_lowered;
	[smem:$0x3FD2] =	sst s25  }
0xa7: {  	s6 =	sshll.u32 s26, $0x1;
	_ =	strace $0x80000046;
	[dreg:$0x1] =	wrdreg $0xFFFFFFFF  }
0xa8: {  	s28 =	simm.s32 $_size_execute0_lowered;
	s4 =	sadd.s32 s4, s6;
	[dreg:$0x0] =	wrdreg $0x0  }
0xa9: {  	s6 =	sshll.u32 s28, $0x1;
	[dreg:$0x2] =	wrdreg s4  }
0xaa: {  	[dreg:$0x3] =	wrdreg s6  }
0xab: {  	[dreg:$0x4] =	wrdreg $0xC0  }
0xac: {  	_ =	task [dreg:s8], $0x5FFFF  }
0xad: {  	[dreg:$0x1] =	wrdreg $0xFFFFFFFF  }
0xae: {  	[dreg:$0x0] =	wrdreg $0x60  }
0xaf: {  	[dreg:$0x2] =	wrdreg s2  }
0xb0: {  	[dreg:$0x3] =	wrdreg s18  }
0xb1: {  	[dreg:$0x4] =	wrdreg s24  }
0xb2: {  	[dreg:$0x5] =	wrdreg $0x9  }
0xb3: {  	_ =	task.clear_ibuf [dreg:s8], $0x6FFFF;
	_ =	strace $0x90000046  }
0xb4: {  	s29 =	simm.s32 $0x9;
	_ =	strace $0x80000048  }
0xb5: {  	_ =	swait.ge [sflag:s29], $0x1  }
0xb6: {  	[sflag:s29] =	ssyncadd.s32 $0xFFFFFFFF  }
0xb7: {  	_ =	strace $0x90000048  }
0xb8: {  	_ =	sfence  }
0xb9: {  	s30 =	sld [smem:$0x0];
	_ =	sdelay $0x2  }
0xba: {  	s31 =	sshll.u32 s1, $0xD;
	s1 =	sshrl.u32 s1, $0x2  }
0xbb: {  	s3 =	sand.u32 $0x4000, s31;
	s1 =	sadd.s32 s1, s30  }
0xbc: {  	s0 =	sor.u32 s3, s0;
	s1 =	sshll.u32 s1, $0x11  }
0xbd: {  	s0 =	sor.u32 s1, s0  }
0xbe: {  	s0 =	sadd.s32 $0x8F2B, s0  }
0xbf: {  	[sflag:s0] =	ssyncadd.remote.s32 $0x1  }
0xc0: {  	_ =	sfence.sel $0xFFFF  }
0xc1: {  	[dreg:$0x0] =	wrdreg $0xFFFFFFFF;
	(pc) =	sbr.abs _section_cstart, $3  }
0xc2: {  	[dreg:$0x1] =	wrdreg $0xFFFFFFFF  }
0xc3: {  	_ =	task.clear_ibuf [dreg:s8], $0x2FFFF;
	_ =	strace $0x9FFFFFFF  }
0xc4: {  	(tm) =	ssettm $0x7FFFFFFF  }
0xc5: {  	_ =	shalt  }
tec
execute0_lowered:
.L_overlay_start_1:
0x0: {  	(tag) =	ssettag $0x1  }
0x1: {  	s0 =	rddreg [dreg:$0x0]  }
0x2: {  	s1 =	rddreg [dreg:$0x2]  }
0x3: {  	s3 =	simm.s32 $0x0;
	s2 =	srdreg.scid;
	s9 =	stileid.u32  }
0x4: {  	s2 =	sand.u32 $0x1, s2;
	s4 =	sshll.u32 s9, $0x1;
	s23 =	sshll.u32 s9, $0xB  }
0x5: {  	s5 =	sor.u32 s2, s4;
	s18 =	ssub.s32 $0x2, s2;
	s2 =	sshll.u32 s2, $0xA  }
0x6: {  	s17 =	simm.s32 $0x5;
	s29 =	simm.s32 $0x0;
	s25 =	sor.u32 s2, s23  }
0x7: {  	[smem:$0x7FF] =	sst s3;
	s9 =	sadd.s32 $0x2000, s0;
	s28 =	sor.u32 $0x1, s25  }
0x8: {  	_ =	strace $0x80000047;
	s30 =	sor.u32 $0x21, s25;
	[dreg:$0xa] =	wrdreg s28  }
0x9: {  	s8 =	sshll.u32 s5, $0x10;
	s31 =	sor.u32 $0x41, s25;
	[dreg:$0xb] =	wrdreg s30  }
0xa: {  	s4 =	sadd.s32 s0, s8;
	s0 =	sor.u32 $0x61, s25;
	[dreg:$0xc] =	wrdreg s31  }
0xb: {  	s6 =	sshll.u32 s5, $0x4;
	s20 =	sadd.s32 $0x800, s4;
	[dreg:$0xd] =	wrdreg s0  }
0xc: {  	s7 =	sshrl.u32 s18, $0x1;
	s21 =	sadd.s32 $0x1000, s4;
	[dreg:$0x4] =	wrdreg s20  }
0xd: {  	s1 =	sadd.s32 s6, s1;
	s22 =	sadd.s32 $0x1800, s4;
	[dreg:$0x5] =	wrdreg s21  }
.Ltmp0:
0xe: {  	s24 =	sadd.s32 $0xC00, s1;
	[dreg:$0x6] =	wrdreg s22;
	(pc) =	sbr.rel .LBB2_1-.Ltmp0, $4  }
0xf: {  	s19 =	ssub.s32 s18, s7;
	s1 =	sadd.s32 $0xE00, s1;
	[dreg:$0x7] =	wrdreg s24  }
0x10: {  	s5 =	sshll.u32 s5, $0xA;
	s26 =	smax.u32 s19, $0x1;
	[dreg:$0x8] =	wrdreg s1  }
0x11: {  	s23 =	simm.s32 $0x2;
	s25 =	simm.s32 $0x4;
	[dreg:$0x9] =	wrdreg s26  }
0x12: {  	vm0 =	vcmask $0x300;
	vm1 =	vcmask $0x704;
	s21 =	simm.s32 $0xC600;
	s22 =	simm.s32 $0x1;
	s24 =	simm.s32 $0x3  }
.LBB2_12:
0x13: {  	v0 =	vmov s31  }
0x14: {  	v1 =	vmov s18;
	v0 =	vnsel vm0, $0x0, v0  }
0x15: {  	v1 =	vnsel vm0, $0x0, v1;
	v0 =	vsel vm1, s30, v0  }
0x16: {  	v63 =	vsel vm1, s0, v1;
	[tilespmem:$0x10600] =	vst v0  }
0x17: {  	s26 =	rddreg [dreg:$0x7];
	s1 =	simm.s32 $0x10600;
	[tilespmem:$0x10680] =	vst v63  }
0x18: {  	[hbm4b:s26+s3] =	stream.linear.scatter [tilespmem:s1], [sflag:$0x5], $0x80, $0x38;
	[tilespmem:$0x10700] =	vst v63  }
0x19: {  	_ =	swait.ge [sflag:s17], $0x80  }
0x1a: {  	[sflag:s17] =	ssyncset.done $0x0  }
0x1b: {  	s30 =	simm.s32 $0x10680;
	s28 =	rddreg [dreg:$0x8];
	[sflag:s17] =	ssyncadd.s32 $0xFFFFFF80  }
0x1c: {  	[hbm4b:s28+s3] =	stream.linear.scatter [tilespmem:s30], [sflag:$0x5], $0x80, $0x38;
	[tilespmem:$0x10700] =	vst v63  }
0x1d: {  	_ =	swait.ge [sflag:s17], $0x80  }
0x1e: {  	s29 =	sadd.s32 $0x1, s29;
	s31 =	rddreg [dreg:$0x9]  }
0x1f: {  	p0 =	sne.s32 s29, s31  }
.Ltmp1:
0x20: {  	_ = 	snop;
	(pc) =	sbr.rel @!p0 .LBB2_13-.Ltmp1, $3  }
0x21: {  	_ =	sdelay $0x1  }
0x22: {  	[sflag:s17] =	ssyncset.done $0x0  }
0x23: {  	[sflag:s17] =	ssyncadd.s32 $0xFFFFFF80  }
.LBB2_1:
0x24: {  	s0 =	rddreg [dreg:$0x1]  }
0x25: {  	[tilespmem:s3], [sflag:$0x5] =	stream.linear.gather [hbm4b:s0+s3], $0x400, $0x38;
	[tilespmem:$0x10700] =	vst v63  }
0x26: {  	_ =	swait.ge [sflag:s17], $0x400  }
0x27: {  	[sflag:s17] =	ssyncset.done $0x0  }
0x28: {  	[sflag:s17] =	ssyncadd.s32 $0xFFFFFC00  }
0x29: {  	v0 =	vld [tilespmem:$0x0]  }
0x2a: {  	v1 =	vld [tilespmem:$0x80]  }
0x2b: {  	v2 =	vld [tilespmem:$0x10]  }
0x2c: {  	v3 =	vld [tilespmem:$0x90]  }
0x2d: {  	v4 =	vld [tilespmem:$0x20]  }
0x2e: {  	v5 =	vld [tilespmem:$0xA0]  }
0x2f: {  	v6 =	vld [tilespmem:$0x30]  }
0x30: {  	v7 =	vld [tilespmem:$0xB0]  }
0x31: {  	v8 =	vld [tilespmem:$0x40]  }
0x32: {  	v9 =	vld [tilespmem:$0xC0]  }
0x33: {  	v10 =	vld [tilespmem:$0x50]  }
0x34: {  	v11 =	vld [tilespmem:$0xD0]  }
0x35: {  	v12 =	vld [tilespmem:$0x60]  }
0x36: {  	v13 =	vld [tilespmem:$0xE0]  }
0x37: {  	v14 =	vld [tilespmem:$0x70]  }
0x38: {  	v15 =	vld [tilespmem:$0xF0]  }
0x39: {  	v16 =	vld [tilespmem:$0x100]  }
0x3a: {  	v17 =	vld [tilespmem:$0x180]  }
0x3b: {  	v18 =	vld [tilespmem:$0x110]  }
0x3c: {  	v19 =	vld [tilespmem:$0x190]  }
0x3d: {  	v20 =	vld [tilespmem:$0x120]  }
0x3e: {  	v21 =	vld [tilespmem:$0x1A0]  }
0x3f: {  	v22 =	vld [tilespmem:$0x130]  }
0x40: {  	v23 =	vld [tilespmem:$0x1B0]  }
0x41: {  	v24 =	vld [tilespmem:$0x140]  }
0x42: {  	v25 =	vld [tilespmem:$0x1C0]  }
0x43: {  	v26 =	vld [tilespmem:$0x150]  }
0x44: {  	v27 =	vld [tilespmem:$0x1D0]  }
0x45: {  	v28 =	vld [tilespmem:$0x160]  }
0x46: {  	v29 =	vld [tilespmem:$0x1E0]  }
0x47: {  	v30 =	vld [tilespmem:$0x170]  }
0x48: {  	v31 =	vld [tilespmem:$0x1F0]  }
0x49: {  	v32 =	vld [tilespmem:$0x200]  }
0x4a: {  	v33 =	vld [tilespmem:$0x280]  }
0x4b: {  	v34 =	vld [tilespmem:$0x210]  }
0x4c: {  	v35 =	vld [tilespmem:$0x290]  }
0x4d: {  	v36 =	vld [tilespmem:$0x220]  }
0x4e: {  	v0 =	vsub.f32 v0, v1;
	v1 =	vld [tilespmem:$0x2A0]  }
0x4f: {  	v2 =	vsub.f32 v2, v3;
	v3 =	vld [tilespmem:$0x230]  }
0x50: {  	[tilespmem:$0x400] =	vst v0;
	v0 =	vsub.f32 v4, v5;
	v4 =	vld [tilespmem:$0x2B0]  }
0x51: {  	[tilespmem:$0x410] =	vst v2;
	v2 =	vsub.f32 v6, v7;
	v5 =	vld [tilespmem:$0x240]  }
0x52: {  	v6 =	vld [tilespmem:$0x2C0];
	[tilespmem:$0x420] =	vst v0;
	v0 =	vsub.f32 v8, v9  }
0x53: {  	v7 =	vld [tilespmem:$0x250];
	[tilespmem:$0x430] =	vst v2;
	v2 =	vsub.f32 v10, v11  }
0x54: {  	v8 =	vld [tilespmem:$0x2D0];
	[tilespmem:$0x440] =	vst v0;
	v0 =	vsub.f32 v12, v13  }
0x55: {  	v9 =	vld [tilespmem:$0x260];
	[tilespmem:$0x450] =	vst v2;
	v2 =	vsub.f32 v14, v15  }
0x56: {  	v10 =	vld [tilespmem:$0x2E0];
	[tilespmem:$0x460] =	vst v0;
	v0 =	vsub.f32 v16, v17  }
0x57: {  	v11 =	vld [tilespmem:$0x270];
	[tilespmem:$0x470] =	vst v2;
	v2 =	vsub.f32 v18, v19  }
0x58: {  	v12 =	vld [tilespmem:$0x2F0];
	[tilespmem:$0x480] =	vst v0;
	v0 =	vsub.f32 v20, v21  }
0x59: {  	v13 =	vld [tilespmem:$0x300];
	[tilespmem:$0x490] =	vst v2;
	v2 =	vsub.f32 v22, v23  }
0x5a: {  	v14 =	vld [tilespmem:$0x380];
	[tilespmem:$0x4A0] =	vst v0;
	v0 =	vsub.f32 v24, v25  }
0x5b: {  	v15 =	vld [tilespmem:$0x310];
	[tilespmem:$0x4B0] =	vst v2;
	v2 =	vsub.f32 v26, v27  }
0x5c: {  	v16 =	vld [tilespmem:$0x390];
	[tilespmem:$0x4C0] =	vst v0;
	v0 =	vsub.f32 v28, v29  }
0x5d: {  	v17 =	vld [tilespmem:$0x320];
	[tilespmem:$0x4D0] =	vst v2;
	v2 =	vsub.f32 v30, v31  }
0x5e: {  	v18 =	vld [tilespmem:$0x3A0];
	[tilespmem:$0x4E0] =	vst v0;
	v0 =	vsub.f32 v32, v33  }
0x5f: {  	v19 =	vld [tilespmem:$0x330];
	[tilespmem:$0x4F0] =	vst v2;
	v2 =	vsub.f32 v34, v35  }
0x60: {  	[tilespmem:$0x500] =	vst v0;
	v0 =	vsub.f32 v36, v1;
	v1 =	vld [tilespmem:$0x3B0]  }
0x61: {  	[tilespmem:$0x510] =	vst v2;
	v2 =	vsub.f32 v3, v4;
	v3 =	vld [tilespmem:$0x340]  }
0x62: {  	v4 =	vld [tilespmem:$0x3C0];
	[tilespmem:$0x520] =	vst v0;
	v0 =	vsub.f32 v5, v6  }
0x63: {  	[tilespmem:$0x530] =	vst v2;
	v2 =	vsub.f32 v7, v8;
	v5 =	vld [tilespmem:$0x350]  }
0x64: {  	v6 =	vld [tilespmem:$0x3D0];
	[tilespmem:$0x540] =	vst v0;
	v0 =	vsub.f32 v9, v10  }
0x65: {  	v7 =	vld [tilespmem:$0x360];
	[tilespmem:$0x550] =	vst v2;
	v2 =	vsub.f32 v11, v12  }
0x66: {  	v9 =	vld [tilespmem:$0x370];
	v1 =	vsub.f32 v19, v1;
	[tilespmem:$0x560] =	vst v0  }
0x67: {  	v10 =	vld [tilespmem:$0x3F0];
	v0 =	vsub.f32 v13, v14;
	[tilespmem:$0x570] =	vst v2  }
0x68: {  	v8 =	vld [tilespmem:$0x3E0];
	v2 =	vsub.f32 v15, v16;
	[tilespmem:$0x5B0] =	vst v1  }
0x69: {  	[tilespmem:$0x580] =	vst v0;
	v0 =	vsub.f32 v17, v18  }
0x6a: {  	v1 =	vsub.f32 v5, v6;
	[tilespmem:$0x590] =	vst v2  }
0x6b: {  	[tilespmem:$0x5A0] =	vst v0;
	v0 =	vsub.f32 v3, v4  }
0x6c: {  	[tilespmem:$0x5D0] =	vst v1;
	v1 =	vsub.f32 v9, v10  }
0x6d: {  	[tilespmem:$0x5C0] =	vst v0;
	v0 =	vsub.f32 v7, v8  }
0x6e: {  	[tilespmem:$0x5F0] =	vst v1  }
0x6f: {  	s18 =	simm.s32 $0x600;
	[tilespmem:$0x5E0] =	vst v0  }
0x70: {  	[tilespmem:s18], [sflag:$0x1] =	stream.linear.gather [hbm4b:s4+s3], $0x4000, $0x38;
	[tilespmem:$0x10700] =	vst v63  }
0x71: {  	s1 =	simm.s32 $0x4600;
	s19 =	rddreg [dreg:$0x4]  }
0x72: {  	[tilespmem:s1], [sflag:$0x2] =	stream.linear.gather [hbm4b:s19+s3], $0x4000, $0x38;
	[tilespmem:$0x10700] =	vst v63  }
0x73: {  	s26 =	simm.s32 $0x8600;
	s20 =	rddreg [dreg:$0x5]  }
0x74: {  	[tilespmem:s26], [sflag:$0x3] =	stream.linear.gather [hbm4b:s20+s3], $0x4000, $0x38;
	[tilespmem:$0x10700] =	vst v63  }
0x75: {  	s28 =	rddreg [dreg:$0x6]  }
0x76: {  	[tilespmem:s21], [sflag:$0x4] =	stream.linear.gather [hbm4b:s28+s3], $0x4000, $0x38;
	[tilespmem:$0x10700] =	vst v63  }
0x77: {  	v14 =	vld [tilespmem:$0x400]  }
0x78: {  	v15 =	vld [tilespmem:$0x410]  }
0x79: {  	v16 =	vld [tilespmem:$0x420]  }
0x7a: {  	v17 =	vld [tilespmem:$0x430]  }
0x7b: {  	v18 =	vld [tilespmem:$0x440]  }
0x7c: {  	v19 =	vld [tilespmem:$0x450]  }
0x7d: {  	v20 =	vld [tilespmem:$0x460]  }
0x7e: {  	v21 =	vld [tilespmem:$0x470]  }
0x7f: {  	v22 =	vld [tilespmem:$0x480]  }
0x80: {  	v23 =	vld [tilespmem:$0x490]  }
0x81: {  	v24 =	vld [tilespmem:$0x4A0]  }
0x82: {  	v0 =	vld [tilespmem:$0x5E0]  }
0x83: {  	v2 =	vld [tilespmem:$0x540]  }
0x84: {  	v3 =	vld [tilespmem:$0x550]  }
0x85: {  	v11 =	vld [tilespmem:$0x5D0]  }
0x86: {  	v10 =	vld [tilespmem:$0x5C0]  }
0x87: {  	v9 =	vld [tilespmem:$0x5B0];
	[tilespmem:$0x1FF00] =	vst v0  }
0x88: {  	v8 =	vld [tilespmem:$0x5A0];
	[tilespmem:$0x1FF20] =	vst v2  }
0x89: {  	v7 =	vld [tilespmem:$0x590];
	[tilespmem:$0x1FF30] =	vst v3  }
0x8a: {  	v6 =	vld [tilespmem:$0x580];
	[tilespmem:$0x1FF40] =	vst v11  }
0x8b: {  	v5 =	vld [tilespmem:$0x570];
	[tilespmem:$0x1FF50] =	vst v10  }
0x8c: {  	v4 =	vld [tilespmem:$0x560];
	[tilespmem:$0x1FF60] =	vst v9  }
0x8d: {  	v12 =	vld [tilespmem:$0x530];
	[tilespmem:$0x1FF70] =	vst v8  }
0x8e: {  	v13 =	vld [tilespmem:$0x520];
	[tilespmem:$0x1FF80] =	vst v7  }
0x8f: {  	v29 =	vld [tilespmem:$0x4F0];
	[tilespmem:$0x1FF90] =	vst v6  }
0x90: {  	v31 =	vld [tilespmem:$0x510];
	[tilespmem:$0x1FFA0] =	vst v5  }
0x91: {  	v0 =	vld [tilespmem:$0x5F0];
	[tilespmem:$0x1FFB0] =	vst v4  }
0x92: {  	v25 =	vld [tilespmem:$0x4B0];
	[tilespmem:$0x1FFC0] =	vst v12  }
0x93: {  	s16 =	rddreg [dreg:$0xd];
	v26 =	vld [tilespmem:$0x4C0];
	[tilespmem:$0x1FFD0] =	vst v13  }
0x94: {  	s31 =	simm.f32 $-Inf;
	s15 =	rddreg [dreg:$0xc];
	v27 =	vld [tilespmem:$0x4D0];
	[tilespmem:$0x1FFE0] =	vst v29  }
0x95: {  	s30 =	simm.f32 $+Inf;
	s0 =	simm.s32 $0x0;
	s14 =	rddreg [dreg:$0xb];
	v28 =	vld [tilespmem:$0x4E0];
	[tilespmem:$0x1FFF0] =	vst v31  }
0x96: {  	s18 =	simm.s32 $0x0;
	s20 =	rddreg [dreg:$0xa];
	s26 =	simm.s32 $0x0;
	v30 =	vld [tilespmem:$0x500];
	[tilespmem:$0x1FF10] =	vst v0  }
.LBB2_2:
0x97: {  	_ =	swait.ge [sflag:s22], $0x4000;
	s7 =	simm.s32 $0x0  }
0x98: {  	[sflag:s22] =	ssyncset.done $0x0;
	s1 =	sand.u32 $0x3000, s7;
	s6 =	sand.u32 $0x300, s7  }
0x99: {  	[sflag:s22] =	ssyncadd.s32 $0xFFFFC000;
	s6 =	sor.u32 s6, s1  }
0x9a: {  	v32 =	vld [tilespmem:s6+$0xEC0]  }
0x9b: {  	v33 =	vld [tilespmem:s6+$0xED0]  }
0x9c: {  	v34 =	vld [tilespmem:s6+$0xEE0]  }
0x9d: {  	v36 =	vld [tilespmem:s6+$0xEF0]  }
0x9e: {  	v35 =	vld [tilespmem:s6+$0xE80]  }
0x9f: {  	v37 =	vld [tilespmem:s6+$0xE90]  }
0xa0: {  	v38 =	vld [tilespmem:s6+$0xEA0]  }
0xa1: {  	v40 =	vld [tilespmem:s6+$0xEB0]  }
0xa2: {  	v39 =	vld [tilespmem:s6+$0xE40]  }
0xa3: {  	v41 =	vld [tilespmem:s6+$0xE50]  }
0xa4: {  	v46 =	vld [tilespmem:s6+$0xE60]  }
0xa5: {  	v47 =	vld [tilespmem:s6+$0xE70]  }
0xa6: {  	v42 =	vld [tilespmem:s6+$0xAC0]  }
0xa7: {  	v43 =	vld [tilespmem:s6+$0xAD0]  }
0xa8: {  	v44 =	vld [tilespmem:s6+$0xAE0]  }
0xa9: {  	v45 =	vld [tilespmem:s6+$0xAF0]  }
0xaa: {  	v48 =	vld [tilespmem:s6+$0xE00]  }
0xab: {  	v0 =	vld [tilespmem:s6+$0xE10]  }
0xac: {  	v49 =	vld [tilespmem:s6+$0x680]  }
0xad: {  	v50 =	vld [tilespmem:s6+$0x690]  }
0xae: {  	v51 =	vld [tilespmem:s6+$0x6A0]  }
0xaf: {  	v52 =	vld [tilespmem:s6+$0x6B0]  }
0xb0: {  	v53 =	vld [tilespmem:s6+$0x6C0]  }
0xb1: {  	v54 =	vld [tilespmem:s6+$0x6D0]  }
0xb2: {  	v55 =	vld [tilespmem:s6+$0x6E0]  }
0xb3: {  	v56 =	vld [tilespmem:s6+$0x6F0]  }
0xb4: {  	v57 =	vld [tilespmem:s6+$0x600]  }
0xb5: {  	v58 =	vld [tilespmem:s6+$0x610]  }
0xb6: {  	v59 =	vld [tilespmem:s6+$0x620]  }
0xb7: {  	v60 =	vld [tilespmem:s6+$0x630]  }
0xb8: {  	v61 =	vld [tilespmem:s6+$0x640]  }
0xb9: {  	v62 =	vld [tilespmem:s6+$0x650]  }
0xba: {  	v63 =	vld [tilespmem:s6+$0x660]  }
0xbb: {  	v1 =	vld [tilespmem:s6+$0xA80];
	v49 =	vmul.f32 v49, v14;
	v53 =	vmul.f32 v53, v18  }
0xbc: {  	[tilespmem:$0x1FEE0] =	vst v0;
	v0 =	vld [tilespmem:s6+$0xE20];
	v50 =	vmul.f32 v50, v15;
	v54 =	vmul.f32 v54, v19  }
0xbd: {  	v51 =	vmul.f32 v51, v16;
	v55 =	vmul.f32 v55, v20;
	v49 =	vadd.f32 v53, v49;
	v53 =	vld [tilespmem:s6+$0xA90]  }
0xbe: {  	v52 =	vmul.f32 v52, v17;
	v56 =	vmul.f32 v56, v21;
	v50 =	vadd.f32 v54, v50;
	v54 =	vld [tilespmem:s6+$0xAA0]  }
0xbf: {  	v57 =	vmul.f32 v57, v14;
	v61 =	vmul.f32 v61, v18;
	v51 =	vadd.f32 v55, v51;
	v55 =	vld [tilespmem:s6+$0xAB0]  }
0xc0: {  	v58 =	vmul.f32 v58, v15;
	v62 =	vmul.f32 v62, v19;
	v52 =	vadd.f32 v56, v52;
	v56 =	vld [tilespmem:s6+$0xA00]  }
0xc1: {  	v1 =	vmul.f32 v1, v22;
	v57 =	vadd.f32 v61, v57;
	v61 =	vld [tilespmem:s6+$0xA10]  }
0xc2: {  	v58 =	vadd.f32 v62, v58;
	v62 =	vld [tilespmem:$0x1FEE0]  }
0xc3: {  	v59 =	vmul.f32 v59, v16;
	v63 =	vmul.f32 v63, v20;
	v1 =	vadd.f32 v1, v49;
	v49 =	vld [tilespmem:s6+$0xA30]  }
0xc4: {  	[tilespmem:$0x1FEF0] =	vst v0;
	v0 =	vld [tilespmem:s6+$0x670];
	v53 =	vmul.f32 v53, v23  }
0xc5: {  	v59 =	vadd.f32 v63, v59;
	v63 =	vld [tilespmem:$0x1FEF0];
	v54 =	vmul.f32 v54, v24  }
0xc6: {  	v55 =	vmul.f32 v55, v25;
	v50 =	vadd.f32 v53, v50;
	v53 =	vld [tilespmem:s6+$0xA40]  }
0xc7: {  	s19 =	sand.u32 $0x3, s7;
	v56 =	vmul.f32 v56, v22;
	v51 =	vadd.f32 v54, v51;
	v54 =	vld [tilespmem:s6+$0xA50]  }
0xc8: {  	s1 =	sshll.u32 s19, $0x8;
	v61 =	vmul.f32 v61, v23;
	v52 =	vadd.f32 v55, v52;
	v55 =	vld [tilespmem:s6+$0xA60]  }
0xc9: {  	s8 =	sadd.s32 $0x0, s1;
	v43 =	vmul.f32 v43, v27;
	v56 =	vadd.f32 v56, v57;
	v57 =	vld [tilespmem:s6+$0xA70]  }
0xca: {  	s7 =	sor.u32 $0xC20, s8;
	v44 =	vmul.f32 v44, v28;
	v58 =	vadd.f32 v61, v58;
	v61 =	vld [tilespmem:s6+$0xE30]  }
0xcb: {  	s10 =	sor.u32 $0xC30, s8;
	v60 =	vmul.f32 v60, v17;
	v0 =	vmul.f32 v0, v21;
	v43 =	vadd.f32 v43, v50;
	v50 =	vld [tilespmem:s7+$0x600]  }
0xcc: {  	v32 =	vmul.f32 v32, v2;
	v42 =	vmul.f32 v42, v26;
	v44 =	vadd.f32 v44, v51;
	v51 =	vld [tilespmem:s10+$0x600]  }
0xcd: {  	v33 =	vmul.f32 v33, v3;
	v49 =	vmul.f32 v49, v25;
	v0 =	vadd.f32 v0, v60;
	v60 =	vld [tilespmem:s6+$0xA20];
	s6 =	sor.u32 $0xC10, s8  }
0xce: {  	s2 =	sor.u32 $0xC00, s8;
	v34 =	vmul.f32 v34, v4;
	v45 =	vmul.f32 v45, v29;
	v1 =	vadd.f32 v42, v1;
	v42 =	vld [tilespmem:s6+$0x600];
	s6 =	sadd.s32 $0x80, s8  }
0xcf: {  	v35 =	vmul.f32 v35, v30;
	v36 =	vmul.f32 v36, v5;
	v0 =	vadd.f32 v49, v0;
	v49 =	vld [tilespmem:s2+$0x600];
	s11 =	sor.u32 $0xC00, s6  }
0xd0: {  	v37 =	vmul.f32 v37, v31;
	v38 =	vmul.f32 v38, v13;
	v45 =	vadd.f32 v45, v52;
	s2 =	sor.u32 $0xC40, s6;
	v52 =	vld [tilespmem:s11+$0x600]  }
0xd1: {  	v39 =	vmul.f32 v39, v2;
	v40 =	vmul.f32 v40, v12;
	v1 =	vadd.f32 v35, v1;
	s7 =	sor.u32 $0xC50, s6;
	v35 =	vld [tilespmem:s2+$0x600]  }
0xd2: {  	v41 =	vmul.f32 v41, v3;
	v37 =	vadd.f32 v37, v43;
	v53 =	vmul.f32 v53, v26;
	s10 =	sor.u32 $0xC60, s6;
	v43 =	vld [tilespmem:s7+$0x600]  }
0xd3: {  	v46 =	vmul.f32 v46, v4;
	v40 =	vadd.f32 v40, v45;
	v54 =	vmul.f32 v54, v27;
	s12 =	sor.u32 $0xC10, s6;
	v45 =	vld [tilespmem:s10+$0x600]  }
0xd4: {  	v48 =	vmul.f32 v48, v30;
	v62 =	vmul.f32 v62, v31;
	s13 =	sor.u32 $0xC20, s6;
	v53 =	vadd.f32 v53, v56;
	v56 =	vld [tilespmem:s12+$0x600]  }
0xd5: {  	v1 =	vadd.f32 v32, v1;
	v54 =	vadd.f32 v54, v58;
	v58 =	vld [tilespmem:s13+$0x600];
	s12 =	sor.u32 $0xC50, s8;
	v60 =	vmul.f32 v60, v24  }
0xd6: {  	v38 =	vadd.f32 v38, v44;
	v57 =	vmul.f32 v57, v29;
	s11 =	sor.u32 $0xC70, s6;
	v32 =	vld [tilespmem:s12+$0x600];
	v44 =	vadd.f32 v48, v53  }
0xd7: {  	s1 =	sor.u32 $0xC40, s8;
	v55 =	vmul.f32 v55, v28;
	s7 =	simm.s32 $0x100;
	s13 =	simm.s32 $0x400;
	v48 =	vadd.f32 v62, v54;
	v54 =	vld [tilespmem:s11+$0x600];
	v59 =	vadd.f32 v60, v59  }
0xd8: {  	v47 =	vmul.f32 v47, v5;
	s19 =	sor.u32 $0xC30, s6;
	v61 =	vmul.f32 v61, v12;
	v0 =	vadd.f32 v57, v0;
	s10 =	sand.u32 $0x300, s7;
	v60 =	vld [tilespmem:s1+$0x600];
	s1 =	sand.u32 $0x3000, s13  }
0xd9: {  	v63 =	vmul.f32 v63, v13;
	v33 =	vadd.f32 v33, v37;
	s2 =	sor.u32 s10, s1;
	v55 =	vadd.f32 v55, v59;
	v59 =	vld [tilespmem:s19+$0x600]  }
0xda: {  	v34 =	vadd.f32 v34, v38;
	v0 =	vadd.f32 v61, v0;
	v37 =	vmul.f32 v52, v6;
	v52 =	vld [tilespmem:s2+$0xEC0]  }
0xdb: {  	v36 =	vadd.f32 v36, v40;
	v50 =	vmul.f32 v50, v8;
	v51 =	vmul.f32 v51, v9;
	v40 =	vld [tilespmem:s2+$0xEE0]  }
0xdc: {  	v42 =	vmul.f32 v42, v7;
	v49 =	vmul.f32 v49, v6;
	v0 =	vadd.f32 v47, v0;
	v47 =	vld [tilespmem:s2+$0xEF0]  }
0xdd: {  	v39 =	vadd.f32 v39, v44;
	v41 =	vadd.f32 v41, v48;
	s19 =	sor.u32 $0xC60, s8;
	s8 =	sor.u32 $0xC70, s8;
	v61 =	vmul.f32 v56, v7;
	v7 =	vld [tilespmem:$0x1FF00]  }
0xde: {  	v35 =	vmul.f32 v35, v10;
	v43 =	vmul.f32 v43, v11;
	v62 =	vld [tilespmem:s8+$0x600];
	v1 =	vadd.f32 v37, v1  }
0xdf: {  	v39 =	vadd.f32 v49, v39;
	v41 =	vadd.f32 v42, v41;
	v57 =	vmul.f32 v60, v10;
	v10 =	vld [tilespmem:$0x1FF10]  }
0xe0: {  	v0 =	vadd.f32 v51, v0;
	v32 =	vmul.f32 v32, v11;
	v53 =	vadd.f32 v63, v55;
	v60 =	vld [tilespmem:s19+$0x600]  }
0xe1: {  	v38 =	vld [tilespmem:s2+$0xEA0];
	v63 =	vmul.f32 v58, v8;
	v33 =	vadd.f32 v61, v33;
	v1 =	vadd.f32 v35, v1  }
0xe2: {  	v44 =	vld [tilespmem:s2+$0xEB0];
	v32 =	vadd.f32 v32, v41;
	v46 =	vadd.f32 v46, v53;
	v6 =	vmul.f32 v59, v9  }
0xe3: {  	v48 =	vld [tilespmem:s2+$0xE40];
	v34 =	vadd.f32 v63, v34;
	v33 =	vadd.f32 v43, v33;
	v8 =	vmul.f32 v45, v7  }
0xe4: {  	v37 =	vld [tilespmem:s2+$0xED0];
	v39 =	vadd.f32 v57, v39;
	v36 =	vadd.f32 v6, v36;
	v54 =	vmul.f32 v54, v10  }
0xe5: {  	v49 =	vld [tilespmem:s2+$0xE90];
	v9 =	vadd.f32 v50, v46;
	v55 =	vmul.f32 v60, v7;
	v56 =	vmul.f32 v62, v10  }
0xe6: {  	v11 =	vld [tilespmem:s2+$0xAD0];
	v34 =	vadd.f32 v8, v34;
	v36 =	vadd.f32 v54, v36  }
0xe7: {  	v51 =	vld [tilespmem:s2+$0x680];
	v35 =	vadd.f32 v55, v9;
	v0 =	vadd.f32 v56, v0  }
0xe8: {  	v53 =	vld [tilespmem:s2+$0xAC0];
	v1 =	vadd.f32 v33, v1;
	v58 =	vadd.f32 v36, v34  }
0xe9: {  	v63 =	vld [tilespmem:s2+$0x6E0];
	v32 =	vadd.f32 v32, v39;
	v0 =	vadd.f32 v0, v35  }
0xea: {  	v45 =	vld [tilespmem:s2+$0xE50];
	v1 =	vadd.f32 v58, v1  }
0xeb: {  	v57 =	vld [tilespmem:s2+$0x6A0];
	v0 =	vadd.f32 v0, v32  }
0xec: {  	v59 =	vld [tilespmem:s2+$0x6C0];
	(xrf2) =	vadd.scan.msk.f32 $0xffff, v1  }
0xed: {  	v46 =	vld [tilespmem:s2+$0xE80];
	(xrf2) =	vadd.scan.msk.f32 $0xffff, v0  }
0xee: {  	v50 =	vld [tilespmem:s2+$0xE60]  }
0xef: {  	v33 =	vmul.f32 v52, v2;
	v52 =	vld [tilespmem:s2+$0x600]  }
0xf0: {  	v39 =	vld [tilespmem:s2+$0xE70]  }
0xf1: {  	v10 =	vld [tilespmem:s2+$0xAE0]  }
0xf2: {  	v7 =	vld [tilespmem:s2+$0xE20]  }
0xf3: {  	v62 =	vld [tilespmem:s2+$0x6D0]  }
0xf4: {  	v56 =	vld [tilespmem:s2+$0x690]  }
0xf5: {  	v41 =	vmul.f32 v46, v30;
	v46 =	vld [tilespmem:s2+$0x620]  }
0xf6: {  	v35 =	vmul.f32 v37, v3;
	v37 =	vld [tilespmem:s2+$0x610];
	v42, _, _ =	vpop (xrf2)  }
0xf7: {  	v36 =	vmul.f32 v48, v2;
	v48 =	vld [tilespmem:s2+$0x650];
	v43, _, _ =	vpop (xrf2)  }
0xf8: {  	v54 =	vmul.f32 v62, v19;
	v62 =	vld [tilespmem:s2+$0xA90];
	(v2sf) =	vpush v43, $0xF  }
0xf9: {  	v57 =	vmul.f32 v57, v16;
	v55 =	vmul.f32 v63, v20;
	v58 =	vld [tilespmem:s2+$0x6B0]  }
0xfa: {  	v32 =	vmul.f32 v40, v4;
	v40 =	vmul.f32 v38, v13;
	v38 =	vld [tilespmem:s2+$0x630]  }
0xfb: {  	v34 =	vmul.f32 v47, v5;
	v47 =	vmul.f32 v51, v14;
	v0 =	vld [tilespmem:s2+$0x6F0];
	(v2sf) =	vpush v42, $0xF  }
0xfc: {  	v51 =	vmul.f32 v56, v15;
	v56 =	vld [tilespmem:s2+$0x660];
	v37 =	vmul.f32 v37, v15  }
0xfd: {  	v48 =	vmul.f32 v48, v19;
	v42 =	vmul.f32 v44, v12;
	v44 =	vld [tilespmem:s2+$0x640]  }
0xfe: {  	v57 =	vadd.f32 v55, v57;
	v1 =	vld [tilespmem:s2+$0xA50];
	v60 =	vadd.f32 v54, v51  }
0xff: {  	v51 =	vld [tilespmem:s2+$0xA80];
	v58 =	vmul.f32 v58, v17;
	v55 =	vadd.f32 v48, v37;
	v37 =	vmul.f32 v50, v4  }
0x100: {  	v50 =	vmul.f32 v62, v23;
	v62 =	vld [tilespmem:s2+$0xA20];
	v0 =	vmul.f32 v0, v21  }
0x101: {  	v52 =	vmul.f32 v52, v14;
	v4 =	vld [tilespmem:s2+$0xA30];
	v43 =	vmul.f32 v49, v31  }
0x102: {  	v54 =	vadd.f32 v0, v58;
	v58 =	vld [tilespmem:s2+$0xAA0];
	v49 =	vmul.f32 v59, v18;
	v44 =	vmul.f32 v44, v18  }
0x103: {  	v39 =	vmul.f32 v39, v5;
	v46 =	vmul.f32 v46, v16;
	v0 =	vld [tilespmem:s2+$0xA40]  }
0x104: {  	v47 =	vadd.f32 v49, v47;
	v49 =	vld [tilespmem:s2+$0x670];
	v63 =	vadd.f32 v44, v52;
	v52 =	vmul.f32 v56, v20  }
0x105: {  	v61 =	vmul.f32 v38, v17;
	v38 =	vmul.f32 v45, v3;
	v44 =	vld [tilespmem:s2+$0xAB0]  }
0x106: {  	v48 =	vmul.f32 v11, v27;
	v1 =	vmul.f32 v1, v27;
	v59 =	vadd.f32 v52, v46;
	v46 =	vld [tilespmem:s2+$0xA10]  }
0x107: {  	s12 =	sshll.u32 s26, $0x7;
	v45 =	vmul.f32 v51, v22;
	v62 =	vmul.f32 v62, v24;
	v56 =	vld [tilespmem:s2+$0xA00];
	s1 =	spop (v2sf)  }
0x108: {  	s6 =	simm.s32 $0x800;
	s28 =	sor.u32 s5, s12;
	v8 =	vld [tilespmem:s2+$0xAF0];
	v11 =	vmul.f32 v4, v25;
	v58 =	vmul.f32 v58, v24;
	p1 =	sgt.f32 s1, s31  }
0x109: {  	s12 =	sadd.s32 $0xFFFFFFFF, s20;
	s8 =	simm.s32 $0x1;
	v9 =	vld [tilespmem:s2+$0xE00];
	v0 =	vmul.f32 v0, v26;
	v51 =	vadd.f32 v45, v47;
	v49 =	vmul.f32 v49, v21;
	p0 =	slt.f32 s1, s30  }
0x10a: {  	s13 =	sand.u32 $0x3, s8;
	v6 =	vld [tilespmem:s2+$0xE10];
	v47 =	vmul.f32 v53, v26;
	v53 =	vadd.f32 v58, v57;
	v45 =	vmul.f32 v7, v13;
	s10 =	spop (v2sf);
	s31 =	smov.u32 @p1 s1  }
0x10b: {  	v57 =	vld [tilespmem:s2+$0xA60];
	v61 =	vadd.f32 v49, v61;
	v49 =	vmul.f32 v10, v28;
	v46 =	vmul.f32 v46, v23;
	s30 =	smov.u32 @p0 s1;
	s1 =	sshll.u32 s13, $0x8;
	s18 =	smov.u32 @p1 s12  }
0x10c: {  	v44 =	vmul.f32 v44, v25;
	v5 =	vmul.f32 v56, v22;
	v56 =	vld [tilespmem:s2+$0xA70];
	p2 =	sgt.f32 s10, s31;
	p3 =	slt.f32 s10, s30;
	s11 =	sadd.s32 $0x400, s1  }
0x10d: {  	v52 =	vadd.f32 v50, v60;
	v50 =	vmul.f32 v8, v29;
	v60 =	vadd.f32 v46, v55;
	v55 =	vld [tilespmem:s2+$0xE30];
	s0 =	smov.u32 @p0 s12;
	s13 =	smov.u32 s20;
	s1 =	sor.u32 $0xC40, s11  }
0x10e: {  	v62 =	vadd.f32 v62, v59;
	v54 =	vadd.f32 v44, v54;
	v44 =	vmul.f32 v9, v30;
	s19 =	sor.u32 $0xC00, s11;
	s31 =	smov.u32 @p2 s10;
	s30 =	smov.u32 @p3 s10;
	v59 =	vld [tilespmem:s1+$0x600]  }
0x10f: {  	v58 =	vadd.f32 v5, v63;
	v63 =	vadd.f32 v11, v61;
	v46 =	vmul.f32 v6, v31;
	s18 =	smov.u32 @p2 s20;
	s0 =	smov.u32 @p3 s20;
	v61 =	vld [tilespmem:s19+$0x600];
	s1 =	sor.u32 $0xC10, s11  }
.LBB2_3:
0x110: {  	v2 =	vld [tilespmem:s1+$0x600]  }
0x111: {  	v3 =	vld [tilespmem:$0x1FF50]  }
0x112: {  	v7 =	vld [tilespmem:$0x1FF90]  }
0x113: {  	v6 =	vld [tilespmem:$0x1FF80]  }
0x114: {  	v5 =	vld [tilespmem:$0x1FF70]  }
0x115: {  	s12 =	sor.u32 $0xC20, s11;
	v4 =	vld [tilespmem:$0x1FF60]  }
0x116: {  	v48 =	vadd.f32 v48, v52;
	s19 =	sor.u32 $0xC30, s11;
	s10 =	sadd.s32 $0x80, s11;
	v52 =	vld [tilespmem:s12+$0x600]  }
0x117: {  	v9 =	vld [tilespmem:s19+$0x600];
	s2 =	sor.u32 $0xC00, s10  }
0x118: {  	v11 =	vld [tilespmem:s2+$0x600]  }
0x119: {  	v43 =	vadd.f32 v43, v48;
	s2 =	sor.u32 $0xC30, s10;
	v48 =	vld [tilespmem:$0x1FFB0]  }
0x11a: {  	v1 =	vadd.f32 v1, v60;
	s19 =	sor.u32 $0xC20, s10;
	v60 =	vld [tilespmem:s2+$0x600];
	v8 =	vmul.f32 v56, v29  }
0x11b: {  	s12 =	sor.u32 $0xC10, s10;
	v57 =	vmul.f32 v57, v28;
	v56 =	vmul.f32 v59, v3;
	v59 =	vld [tilespmem:s19+$0x600]  }
0x11c: {  	v47 =	vadd.f32 v47, v51;
	v51 =	vadd.f32 v8, v63;
	v63 =	vld [tilespmem:s12+$0x600];
	s12 =	sor.u32 $0xC40, s10  }
0x11d: {  	s2 =	sor.u32 $0xC60, s10;
	s19 =	sor.u32 $0xC50, s10;
	v10 =	vadd.f32 v57, v62;
	v62 =	vmul.f32 v9, v4;
	s10 =	sor.u32 $0xC70, s10;
	v9 =	vld [tilespmem:s12+$0x600]  }
0x11e: {  	v49 =	vadd.f32 v49, v53;
	v53 =	vmul.f32 v55, v12;
	v55 =	vld [tilespmem:s10+$0x600]  }
0x11f: {  	v45 =	vadd.f32 v45, v10;
	v10 =	vmul.f32 v11, v7;
	v11 =	vld [tilespmem:s19+$0x600]  }
0x120: {  	v0 =	vadd.f32 v0, v58;
	v58 =	vmul.f32 v61, v7;
	s12 =	sor.u32 $0xC50, s11;
	v61 =	vadd.f32 v53, v51;
	v53 =	vld [tilespmem:s2+$0x600]  }
0x121: {  	s7 =	sadd.s32 $0x100, s7;
	v50 =	vadd.f32 v50, v54;
	v57 =	vld [tilespmem:s12+$0x600];
	s19 =	sor.u32 $0xC60, s11;
	s11 =	sor.u32 $0xC70, s11  }
0x122: {  	s2 =	sand.u32 $0x3000, s6;
	s12 =	sand.u32 $0x300, s7;
	v8 =	vld [tilespmem:s11+$0x600]  }
0x123: {  	v41 =	vadd.f32 v41, v47;
	v42 =	vadd.f32 v42, v50;
	s10 =	sor.u32 s12, s2;
	v54 =	vmul.f32 v59, v5;
	v59 =	vld [tilespmem:s19+$0x600]  }
0x124: {  	v0 =	vadd.f32 v44, v0;
	v1 =	vadd.f32 v46, v1;
	v46 =	vmul.f32 v60, v4;
	v60 =	vld [tilespmem:s10+$0xED0]  }
0x125: {  	v34 =	vadd.f32 v34, v42;
	v39 =	vadd.f32 v39, v61;
	v61 =	vld [tilespmem:$0x1FF10]  }
0x126: {  	v40 =	vadd.f32 v40, v49;
	v0 =	vadd.f32 v36, v0;
	v36 =	vld [tilespmem:s10+$0xEF0]  }
0x127: {  	v35 =	vadd.f32 v35, v43;
	v2 =	vmul.f32 v2, v6;
	v34 =	vadd.f32 v46, v34;
	v46 =	vld [tilespmem:s10+$0xEA0]  }
0x128: {  	v33 =	vadd.f32 v33, v41;
	v1 =	vadd.f32 v38, v1;
	v44 =	vmul.f32 v52, v5;
	v47 =	vld [tilespmem:s10+$0xAC0]  }
0x129: {  	v0 =	vadd.f32 v58, v0;
	v52 =	vmul.f32 v63, v6;
	v63 =	vmul.f32 v9, v3;
	v9 =	vld [tilespmem:$0x1FF40]  }
0x12a: {  	v32 =	vadd.f32 v32, v40;
	v1 =	vadd.f32 v2, v1;
	v3 =	vld [tilespmem:$0x1FF00]  }
0x12b: {  	v0 =	vadd.f32 v56, v0;
	v37 =	vadd.f32 v37, v45;
	v49 =	vld [tilespmem:s10+$0xAE0]  }
0x12c: {  	v33 =	vadd.f32 v10, v33;
	v50 =	vld [tilespmem:s10+$0xAF0];
	v32 =	vadd.f32 v54, v32  }
0x12d: {  	v51 =	vld [tilespmem:s10+$0xE00];
	v37 =	vadd.f32 v44, v37;
	v39 =	vadd.f32 v62, v39;
	v38 =	vmul.f32 v55, v61  }
0x12e: {  	v56 =	vld [tilespmem:s10+$0xAA0];
	v35 =	vadd.f32 v52, v35;
	v6 =	vmul.f32 v8, v61;
	v10 =	vmul.f32 v11, v9  }
0x12f: {  	v58 =	vld [tilespmem:s10+$0x680];
	v33 =	vadd.f32 v63, v33;
	v2 =	vmul.f32 v53, v3;
	v45 =	vmul.f32 v57, v9  }
0x130: {  	v62 =	vld [tilespmem:s10+$0xEE0];
	v63 =	vmul.f32 v59, v3;
	v5 =	vadd.f32 v38, v34;
	v8 =	vadd.f32 v6, v39  }
0x131: {  	v54 =	vld [tilespmem:s10+$0xA80];
	v35 =	vadd.f32 v10, v35;
	v2 =	vadd.f32 v2, v32  }
0x132: {  	v52 =	vld [tilespmem:s10+$0xE10];
	v1 =	vadd.f32 v45, v1;
	v7 =	vadd.f32 v63, v37  }
0x133: {  	v55 =	vld [tilespmem:s10+$0xA90];
	v33 =	vadd.f32 v35, v33;
	v2 =	vadd.f32 v5, v2  }
0x134: {  	v61 =	vld [tilespmem:s10+$0x6B0];
	v0 =	vadd.f32 v1, v0;
	v1 =	vadd.f32 v8, v7  }
0x135: {  	v11 =	vld [tilespmem:s10+$0xEC0];
	v2 =	vadd.f32 v2, v33  }
0x136: {  	v34 =	vld [tilespmem:s10+$0xE80];
	v0 =	vadd.f32 v1, v0  }
0x137: {  	v38 =	vld [tilespmem:s10+$0xE40];
	(xrf2) =	vadd.scan.msk.f32 $0xffff, v2  }
0x138: {  	v39 =	vld [tilespmem:s10+$0xE50];
	(xrf2) =	vadd.scan.msk.f32 $0xffff, v0  }
0x139: {  	v53 =	vld [tilespmem:s10+$0xE20]  }
0x13a: {  	v57 =	vld [tilespmem:s10+$0xAB0]  }
0x13b: {  	v59 =	vld [tilespmem:s10+$0x690]  }
0x13c: {  	v3 =	vld [tilespmem:$0x1FFA0]  }
0x13d: {  	v6 =	vld [tilespmem:s10+$0x670]  }
0x13e: {  	v10 =	vld [tilespmem:$0x1FF20]  }
0x13f: {  	v45 =	vld [tilespmem:s10+$0xE90]  }
0x140: {  	v37 =	vld [tilespmem:s10+$0xEB0]  }
0x141: {  	v63 =	vld [tilespmem:s10+$0x6F0];
	v40, _, _ =	vpop (xrf2)  }
0x142: {  	v47 =	vmul.f32 v47, v26;
	v49 =	vmul.f32 v49, v28;
	v8 =	vld [tilespmem:s10+$0x6C0];
	v9, _, _ =	vpop (xrf2)  }
0x143: {  	v44 =	vmul.f32 v51, v30;
	v33 =	vmul.f32 v11, v10;
	v11 =	vld [tilespmem:$0x1FF30];
	(v2sf) =	vpush v9, $0xF  }
0x144: {  	v32 =	vmul.f32 v62, v48;
	v61 =	vmul.f32 v61, v17;
	v1 =	vld [tilespmem:s10+$0xE70]  }
0x145: {  	v5 =	vld [tilespmem:s10+$0x660];
	v41 =	vmul.f32 v34, v30;
	v34 =	vmul.f32 v36, v3;
	(v2sf) =	vpush v40, $0xF  }
0x146: {  	v4 =	vmul.f32 v57, v25;
	v57 =	vmul.f32 v58, v14;
	v2 =	vld [tilespmem:s10+$0xE60]  }
0x147: {  	v58 =	vmul.f32 v59, v15;
	v6 =	vmul.f32 v6, v21;
	v0 =	vld [tilespmem:s10+$0xAD0]  }
0x148: {  	v36 =	vmul.f32 v38, v10;
	v35 =	vmul.f32 v60, v11;
	v60 =	vld [tilespmem:s10+$0x6A0]  }
0x149: {  	v38 =	vmul.f32 v39, v11;
	v39 =	vmul.f32 v1, v3;
	v1 =	vld [tilespmem:s10+$0x6E0]  }
0x14a: {  	v43 =	vmul.f32 v45, v31;
	v42 =	vmul.f32 v37, v12;
	v11 =	vld [tilespmem:s10+$0x630]  }
0x14b: {  	v45 =	vmul.f32 v53, v13;
	v3 =	vmul.f32 v56, v24;
	v56 =	vld [tilespmem:s10+$0x640]  }
0x14c: {  	v53 =	vmul.f32 v54, v22;
	v37 =	vmul.f32 v2, v48;
	v2 =	vld [tilespmem:s10+$0x6D0]  }
0x14d: {  	v54 =	vmul.f32 v55, v23;
	v48 =	vmul.f32 v0, v27;
	v0 =	vld [tilespmem:s10+$0x600]  }
0x14e: {  	v10 =	vld [tilespmem:s10+$0x620];
	v63 =	vmul.f32 v63, v21;
	v62 =	vmul.f32 v8, v18  }
0x14f: {  	v5 =	vmul.f32 v5, v20;
	v60 =	vmul.f32 v60, v16;
	v9 =	vld [tilespmem:s10+$0x610]  }
0x150: {  	v7 =	vld [tilespmem:s10+$0xA00];
	v1 =	vmul.f32 v1, v20;
	v55 =	vmul.f32 v11, v17  }
0x151: {  	v59 =	vld [tilespmem:s10+$0x650];
	v56 =	vmul.f32 v56, v18;
	v2 =	vmul.f32 v2, v19  }
0x152: {  	p0 =	sne.s32 s6, $0x3C00;
	v8 =	vld [tilespmem:s10+$0xA10];
	v0 =	vmul.f32 v0, v14;
	v40 =	vmul.f32 v46, v13;
	s1 =	spop (v2sf)  }
0x153: {  	s8 =	sadd.s32 $0x1, s8;
	v62 =	vadd.f32 v62, v57;
	v46 =	vmul.f32 v52, v31;
	v52 =	vmul.f32 v10, v16;
	v10 =	vld [tilespmem:s10+$0xA30];
	p1 =	sgt.f32 s1, s31;
	p2 =	slt.f32 s1, s30  }
0x154: {  	s13 =	sadd.s32 $0x2, s13;
	s12 =	sand.u32 $0x3, s8;
	v1 =	vadd.f32 v1, v60;
	v6 =	vadd.f32 v6, v55;
	v51 =	vmul.f32 v9, v15;
	v9 =	vld [tilespmem:s10+$0xA20];
	s11 =	spop (v2sf)  }
0x155: {  	v7 =	vmul.f32 v7, v22;
	v11 =	vld [tilespmem:s10+$0xA40];
	v2 =	vadd.f32 v2, v58;
	v58 =	vadd.f32 v63, v61;
	s31 =	smov.u32 @p1 s1;
	s30 =	smov.u32 @p2 s1;
	s1 =	sadd.s32 $0xFFFFFFFF, s13  }
0x156: {  	v59 =	vmul.f32 v59, v19;
	v61 =	vld [tilespmem:s10+$0xA50];
	v0 =	vadd.f32 v56, v0;
	v5 =	vadd.f32 v5, v52;
	p3 =	sgt.f32 s11, s31;
	p4 =	slt.f32 s11, s30;
	s18 =	smov.u32 @p1 s1  }
.Ltmp2:
0x157: {  	v50 =	vmul.f32 v50, v29;
	v57 =	vld [tilespmem:s10+$0xA60];
	v52 =	vadd.f32 v54, v2;
	v54 =	vadd.f32 v4, v58;
	s0 =	smov.u32 @p2 s1;
	s1 =	sshll.u32 s12, $0x8;
	(pc) =	sbr.rel @p0 .LBB2_3-.Ltmp2, $4  }
0x158: {  	v8 =	vmul.f32 v8, v23;
	v55 =	vld [tilespmem:s10+$0xE30];
	v58 =	vadd.f32 v7, v0;
	v59 =	vadd.f32 v59, v51;
	s31 =	smov.u32 @p3 s11;
	s30 =	smov.u32 @p4 s11;
	s11 =	sadd.s32 s1, s6  }
0x159: {  	v56 =	vld [tilespmem:s10+$0xA70];
	v2 =	vmul.f32 v10, v25;
	v51 =	vadd.f32 v53, v62;
	v9 =	vmul.f32 v9, v24;
	s1 =	sor.u32 $0xC40, s11  }
0x15a: {  	v0 =	vmul.f32 v11, v26;
	v53 =	vadd.f32 v3, v1;
	v60 =	vadd.f32 v8, v59;
	s18 =	smov.u32 @p3 s13;
	s19 =	sor.u32 $0xC00, s11;
	v59 =	vld [tilespmem:s1+$0x600]  }
0x15b: {  	v1 =	vmul.f32 v61, v27;
	v63 =	vadd.f32 v2, v6;
	v62 =	vadd.f32 v9, v5;
	s0 =	smov.u32 @p4 s13;
	s6 =	sadd.s32 $0x400, s6;
	v61 =	vld [tilespmem:s19+$0x600];
	s1 =	sor.u32 $0xC10, s11  }
0x15c: {  	v2 =	vld [tilespmem:s1+$0x600]  }
0x15d: {  	s19 =	sor.u32 $0xC20, s11;
	v4 =	vmul.f32 v57, v28;
	v57 =	vld [tilespmem:$0x1FF80]  }
0x15e: {  	s2 =	sor.u32 $0xC30, s11;
	v6 =	vld [tilespmem:s19+$0x600]  }
0x15f: {  	s6 =	sadd.s32 $0x80, s11;
	v10 =	vld [tilespmem:s2+$0x600]  }
0x160: {  	s7 =	sor.u32 $0xC00, s6;
	v11 =	vmul.f32 v55, v12;
	v55 =	vld [tilespmem:$0x1FF90]  }
0x161: {  	v3 =	vadd.f32 v47, v51;
	v47 =	vld [tilespmem:s7+$0x600]  }
0x162: {  	s8 =	sor.u32 $0xC10, s6;
	v8 =	vmul.f32 v56, v29;
	v56 =	vld [tilespmem:$0x1FF50]  }
0x163: {  	v9 =	vadd.f32 v50, v54;
	s12 =	sor.u32 $0xC30, s6;
	v54 =	vld [tilespmem:s8+$0x600]  }
0x164: {  	v0 =	vadd.f32 v0, v58;
	v1 =	vadd.f32 v1, v60;
	v58 =	vld [tilespmem:s12+$0x600]  }
0x165: {  	v5 =	vadd.f32 v48, v52;
	s2 =	sor.u32 $0xC50, s6;
	v4 =	vadd.f32 v4, v62;
	v62 =	vld [tilespmem:$0x1FF70]  }
0x166: {  	v7 =	vadd.f32 v49, v53;
	s7 =	sor.u32 $0xC60, s6;
	v1 =	vadd.f32 v46, v1;
	v46 =	vld [tilespmem:s2+$0x600]  }
0x167: {  	v3 =	vadd.f32 v41, v3;
	v5 =	vadd.f32 v43, v5;
	s12 =	sor.u32 $0xC60, s11;
	v53 =	vld [tilespmem:s7+$0x600]  }
0x168: {  	s10 =	sor.u32 $0xC20, s6;
	v7 =	vadd.f32 v40, v7;
	v9 =	vadd.f32 v42, v9;
	v42 =	vld [tilespmem:s12+$0x600]  }
0x169: {  	v0 =	vadd.f32 v44, v0;
	v8 =	vadd.f32 v8, v63;
	v48 =	vmul.f32 v59, v56;
	v59 =	vld [tilespmem:s10+$0x600]  }
0x16a: {  	s19 =	sor.u32 $0xC40, s6;
	v4 =	vadd.f32 v45, v4;
	v63 =	vld [tilespmem:$0x1FF60];
	v3 =	vadd.f32 v33, v3  }
0x16b: {  	s8 =	sor.u32 $0xC70, s6;
	v45 =	vld [tilespmem:s19+$0x600];
	v5 =	vadd.f32 v35, v5;
	v7 =	vadd.f32 v32, v7  }
0x16c: {  	v9 =	vadd.f32 v34, v9;
	v49 =	vmul.f32 v61, v55;
	v52 =	vmul.f32 v47, v55;
	v55 =	vld [tilespmem:s8+$0x600]  }
0x16d: {  	v2 =	vmul.f32 v2, v57;
	v1 =	vadd.f32 v38, v1;
	v54 =	vmul.f32 v54, v57;
	s10 =	sor.u32 $0xC50, s11;
	v57 =	vld [tilespmem:$0x1FF00]  }
0x16e: {  	v0 =	vadd.f32 v36, v0;
	v8 =	vadd.f32 v11, v8;
	v60 =	vld [tilespmem:s10+$0x600];
	v59 =	vmul.f32 v59, v62  }
0x16f: {  	v4 =	vadd.f32 v37, v4;
	v1 =	vadd.f32 v2, v1;
	v61 =	vmul.f32 v58, v63;
	v58 =	vld [tilespmem:$0x1FF40]  }
0x170: {  	s19 =	sor.u32 $0xC70, s11;
	v6 =	vmul.f32 v6, v62;
	v8 =	vadd.f32 v39, v8;
	v7 =	vadd.f32 v59, v7;
	v59 =	vld [tilespmem:$0x1FF10]  }
0x171: {  	v0 =	vadd.f32 v49, v0;
	v3 =	vadd.f32 v52, v3;
	v44 =	vmul.f32 v45, v56;
	v45 =	vld [tilespmem:s19+$0x600]  }
0x172: {  	v10 =	vmul.f32 v10, v63;
	v5 =	vadd.f32 v54, v5;
	v4 =	vadd.f32 v6, v4  }
0x173: {  	v0 =	vadd.f32 v48, v0;
	v9 =	vadd.f32 v61, v9;
	v2 =	vmul.f32 v53, v57  }
0x174: {  	v3 =	vadd.f32 v44, v3;
	v50 =	vmul.f32 v42, v57;
	v11 =	vmul.f32 v46, v58  }
0x175: {  	v46 =	vadd.f32 v10, v8;
	v49 =	vmul.f32 v60, v58;
	v47 =	vmul.f32 v55, v59  }
0x176: {  	v4 =	vadd.f32 v50, v4;
	v5 =	vadd.f32 v11, v5;
	v52 =	vmul.f32 v45, v59  }
0x177: {  	v2 =	vadd.f32 v2, v7;
	v51 =	vadd.f32 v47, v9  }
0x178: {  	v1 =	vadd.f32 v49, v1;
	v6 =	vadd.f32 v52, v46  }
0x179: {  	v3 =	vadd.f32 v5, v3;
	v2 =	vadd.f32 v51, v2  }
0x17a: {  	v0 =	vadd.f32 v1, v0;
	v1 =	vadd.f32 v6, v4  }
0x17b: {  	v2 =	vadd.f32 v2, v3  }
0x17c: {  	v0 =	vadd.f32 v1, v0  }
0x17d: {  	(xrf2) =	vadd.scan.msk.f32 $0xffff, v2  }
0x17e: {  	(xrf2) =	vadd.scan.msk.f32 $0xffff, v0;
	_ =	sdelay $0x8  }
0x17f: {  	v0, _, _ =	vpop (xrf2)  }
0x180: {  	v1, _, _ =	vpop (xrf2)  }
0x181: {  	(v2sf) =	vpush v1, $0xF  }
0x182: {  	(v2sf) =	vpush v0, $0xF;
	_ =	sdelay $0x9  }
0x183: {  	p0 =	seq.s32 s26, $0x7  }
0x184: {  	s1 =	sshll.u32 @!p0 s28, $0x6  }
0x185: {  	s1 =	sadd.s32 @!p0 s1, s9;
	s7 =	simm.s32 @!p0 $0x0;
	s8 =	simm.s32 @!p0 $0x600  }
0x186: {  	[tilespmem:s8], [sflag:$0x1] =	stream.linear.gather @!p0 [hbm4b:s1+s7], $0x4000, $0x38;
	[tilespmem:$0x10700] =	vst v63  }
0x187: {  	s12 =	spop (v2sf)  }
0x188: {  	s6 =	spop (v2sf)  }
0x189: {  	s2 =	simm.s32 $0x0;
	_ =	swait.ge [sflag:s23], $0x4000  }
0x18a: {  	s11 =	sor.u32 s2, s2;
	s10 =	sand.u32 $0x300, s2;
	[sflag:s23] =	ssyncset.done $0x0  }
0x18b: {  	s11 =	sor.u32 $0x4C00, s11;
	s19 =	sand.u32 $0x3000, s2;
	[sflag:s23] =	ssyncadd.s32 $0xFFFFC000  }
0x18c: {  	s7 =	sor.u32 s10, s19;
	v0 =	vld [tilespmem:s11+$0x640]  }
0x18d: {  	v1 =	vld [tilespmem:s7+$0x4EC0]  }
0x18e: {  	v2 =	vld [tilespmem:s7+$0x4ED0]  }
0x18f: {  	v3 =	vld [tilespmem:s7+$0x4EE0]  }
0x190: {  	v4 =	vld [tilespmem:s7+$0x4EF0]  }
0x191: {  	v6 =	vld [tilespmem:s11+$0x600]  }
0x192: {  	v7 =	vld [tilespmem:s11+$0x610]  }
0x193: {  	v8 =	vld [tilespmem:s11+$0x620]  }
0x194: {  	v9 =	vld [tilespmem:s11+$0x630]  }
0x195: {  	v10 =	vld [tilespmem:s7+$0x4E80]  }
0x196: {  	v11 =	vld [tilespmem:s7+$0x4E90]  }
0x197: {  	v33 =	vld [tilespmem:s7+$0x4EA0]  }
0x198: {  	v34 =	vld [tilespmem:s7+$0x4EB0]  }
0x199: {  	v35 =	vld [tilespmem:s7+$0x4E40]  }
0x19a: {  	v53 =	vld [tilespmem:s7+$0x4E50]  }
0x19b: {  	v36 =	vld [tilespmem:s7+$0x4AC0]  }
0x19c: {  	v37 =	vld [tilespmem:s7+$0x4AD0]  }
0x19d: {  	v38 =	vld [tilespmem:s7+$0x4AE0]  }
0x19e: {  	v39 =	vld [tilespmem:s7+$0x4AF0]  }
0x19f: {  	v54 =	vld [tilespmem:s7+$0x4680]  }
0x1a0: {  	v55 =	vld [tilespmem:s7+$0x4690]  }
0x1a1: {  	v41 =	vld [tilespmem:s7+$0x46A0]  }
0x1a2: {  	v42 =	vld [tilespmem:s7+$0x46B0]  }
0x1a3: {  	v43 =	vld [tilespmem:s7+$0x46C0]  }
0x1a4: {  	v61 =	vld [tilespmem:s7+$0x46D0]  }
0x1a5: {  	v45 =	vld [tilespmem:s7+$0x46E0]  }
0x1a6: {  	v5 =	vld [tilespmem:s7+$0x46F0]  }
0x1a7: {  	v47 =	vld [tilespmem:s7+$0x4600]  }
0x1a8: {  	v60 =	vld [tilespmem:s7+$0x4610]  }
0x1a9: {  	v49 =	vld [tilespmem:s7+$0x4620]  }
0x1aa: {  	v50 =	vld [tilespmem:s7+$0x4630]  }
0x1ab: {  	v51 =	vld [tilespmem:s7+$0x4640]  }
0x1ac: {  	v52 =	vld [tilespmem:s7+$0x4650]  }
0x1ad: {  	[tilespmem:$0x1FEB0] =	vst v53;
	v53 =	vld [tilespmem:s7+$0x4660]  }
0x1ae: {  	v32 =	vmul.f32 v54, v14;
	v54 =	vld [tilespmem:s7+$0x4670]  }
0x1af: {  	v44 =	vmul.f32 v61, v19;
	v61 =	vld [tilespmem:s7+$0x4A80]  }
0x1b0: {  	v46 =	vmul.f32 v5, v21;
	v5 =	vld [tilespmem:s7+$0x4A90]  }
0x1b1: {  	v41 =	vmul.f32 v41, v16;
	v48 =	vmul.f32 v60, v15;
	v60 =	vld [tilespmem:s7+$0x4AA0]  }
0x1b2: {  	v45 =	vmul.f32 v45, v20;
	v0 =	vmul.f32 v0, v56;
	v56 =	vld [tilespmem:$0x1FFB0]  }
0x1b3: {  	v40 =	vmul.f32 v55, v15;
	v42 =	vmul.f32 v42, v17;
	v55 =	vld [tilespmem:$0x1FFA0]  }
0x1b4: {  	v52 =	vmul.f32 v52, v19;
	v41 =	vadd.f32 v45, v41;
	v45 =	vld [tilespmem:s7+$0x4AB0]  }
0x1b5: {  	v43 =	vmul.f32 v43, v18;
	v42 =	vadd.f32 v46, v42;
	v46 =	vld [tilespmem:s7+$0x4A00]  }
0x1b6: {  	v48 =	vadd.f32 v52, v48;
	v52 =	vld [tilespmem:s7+$0x4A10]  }
0x1b7: {  	v47 =	vmul.f32 v47, v14;
	v51 =	vmul.f32 v51, v18;
	v43 =	vadd.f32 v43, v32;
	v32 =	vld [tilespmem:s7+$0x4A20]  }
0x1b8: {  	v40 =	vadd.f32 v44, v40;
	v44 =	vld [tilespmem:s7+$0x4A30]  }
0x1b9: {  	v47 =	vadd.f32 v51, v47;
	v51 =	vld [tilespmem:s7+$0x4A40];
	v61 =	vmul.f32 v61, v22  }
0x1ba: {  	[tilespmem:$0x1FEC0] =	vst v0;
	v0 =	vmul.f32 v60, v24;
	v60 =	vld [tilespmem:$0x1FF20]  }
0x1bb: {  	v50 =	vmul.f32 v50, v17;
	v54 =	vmul.f32 v54, v21;
	v43 =	vadd.f32 v61, v43;
	v61 =	vld [tilespmem:$0x1FF30]  }
0x1bc: {  	v49 =	vmul.f32 v49, v16;
	v5 =	vmul.f32 v5, v23;
	v0 =	vadd.f32 v0, v41;
	v41 =	vld [tilespmem:s7+$0x4A50]  }
0x1bd: {  	v53 =	vmul.f32 v53, v20;
	v50 =	vadd.f32 v54, v50;
	v45 =	vmul.f32 v45, v25;
	v54 =	vld [tilespmem:$0x1FF90]  }
0x1be: {  	v40 =	vadd.f32 v5, v40;
	v46 =	vmul.f32 v46, v22;
	v5 =	vmul.f32 v3, v56;
	v3 =	vld [tilespmem:$0x1FF80]  }
0x1bf: {  	v52 =	vmul.f32 v52, v23;
	v42 =	vadd.f32 v45, v42;
	v45 =	vld [tilespmem:s7+$0x4A60]  }
0x1c0: {  	v49 =	vadd.f32 v53, v49;
	v53 =	vmul.f32 v32, v24;
	v46 =	vadd.f32 v46, v47;
	v47 =	vld [tilespmem:s7+$0x4A70]  }
0x1c1: {  	v44 =	vmul.f32 v44, v25;
	v48 =	vadd.f32 v52, v48;
	v52 =	vld [tilespmem:s7+$0x4E00]  }
0x1c2: {  	s2 =	sand.u32 $0x3, s2;
	v36 =	vmul.f32 v36, v26;
	v49 =	vadd.f32 v53, v49;
	v53 =	vld [tilespmem:s7+$0x4E10]  }
0x1c3: {  	s1 =	sshll.u32 s2, $0x8;
	v37 =	vmul.f32 v37, v27;
	v38 =	vmul.f32 v38, v28;
	v44 =	vadd.f32 v44, v50;
	v50 =	vld [tilespmem:s7+$0x4E20]  }
0x1c4: {  	s1 =	sadd.s32 $0x0, s1;
	v39 =	vmul.f32 v39, v29;
	v51 =	vmul.f32 v51, v26;
	v36 =	vadd.f32 v36, v43;
	v43 =	vld [tilespmem:s7+$0x4E30]  }
0x1c5: {  	s1 =	sadd.s32 $0x80, s1;
	v37 =	vadd.f32 v37, v40;
	v40 =	vld [tilespmem:s7+$0x4E60];
	v32 =	vmul.f32 v6, v54;
	v6 =	vmul.f32 v7, v3  }
0x1c6: {  	s1 =	sor.u32 $0x4C00, s1;
	v0 =	vadd.f32 v38, v0;
	v38 =	vld [tilespmem:s7+$0x4E70];
	v7 =	vmul.f32 v8, v62;
	v8 =	vmul.f32 v9, v63  }
0x1c7: {  	v39 =	vadd.f32 v39, v42;
	v42 =	vld [tilespmem:s1+$0x600];
	v9 =	vmul.f32 v10, v30;
	v10 =	vmul.f32 v11, v31  }
0x1c8: {  	v46 =	vadd.f32 v51, v46;
	v51 =	vld [tilespmem:s1+$0x610];
	v11 =	vmul.f32 v33, v13;
	v41 =	vmul.f32 v41, v27  }
0x1c9: {  	v33 =	vmul.f32 v34, v12;
	v34 =	vmul.f32 v35, v60;
	v35 =	vld [tilespmem:$0x1FEB0]  }
0x1ca: {  	v41 =	vadd.f32 v41, v48;
	v48 =	vld [tilespmem:s1+$0x620]  }
0x1cb: {  	v45 =	vmul.f32 v45, v28;
	v9 =	vadd.f32 v9, v36;
	v36 =	vld [tilespmem:s1+$0x640]  }
0x1cc: {  	v1 =	vmul.f32 v1, v60;
	v47 =	vmul.f32 v47, v29;
	v0 =	vadd.f32 v11, v0;
	v11 =	vld [tilespmem:s1+$0x650]  }
0x1cd: {  	v52 =	vmul.f32 v52, v30;
	v10 =	vadd.f32 v10, v37;
	v45 =	vadd.f32 v45, v49;
	v49 =	vld [tilespmem:s1+$0x630]  }
0x1ce: {  	v44 =	vadd.f32 v47, v44;
	v47 =	vmul.f32 v53, v31;
	v53 =	vmul.f32 v43, v12;
	v43 =	vld [tilespmem:s1+$0x660]  }
0x1cf: {  	v2 =	vmul.f32 v2, v61;
	v33 =	vadd.f32 v33, v39;
	v39 =	vadd.f32 v52, v46;
	v46 =	vld [tilespmem:s1+$0x670]  }
0x1d0: {  	v1 =	vadd.f32 v1, v9;
	v9 =	vld [tilespmem:s11+$0x650]  }
0x1d1: {  	s8 =	simm.s32 $0x400;
	s10 =	simm.s32 $0x100;
	v2 =	vadd.f32 v2, v10;
	v10 =	vld [tilespmem:$0x1FF50]  }
0x1d2: {  	s7 =	sor.u32 s10, s8;
	v50 =	vmul.f32 v50, v13;
	v37 =	vadd.f32 v53, v44;
	v44 =	vld [tilespmem:s11+$0x660]  }
0x1d3: {  	s19 =	sand.u32 $0x3000, s8;
	s2 =	sand.u32 $0x300, s10;
	s7 =	sor.u32 $0x4C00, s7;
	v35 =	vmul.f32 v35, v61;
	v34 =	vadd.f32 v34, v39;
	v39 =	vld [tilespmem:s11+$0x670]  }
0x1d4: {  	v41 =	vadd.f32 v47, v41;
	v45 =	vadd.f32 v50, v45;
	v50 =	vmul.f32 v42, v54;
	s11 =	sor.u32 s2, s19;
	v42 =	vld [tilespmem:s7+$0x640]  }
0x1d5: {  	v4 =	vmul.f32 v4, v55;
	v40 =	vmul.f32 v40, v56;
	v53 =	vadd.f32 v32, v34;
	v34 =	vld [tilespmem:s11+$0x4EE0]  }
0x1d6: {  	v35 =	vadd.f32 v35, v41;
	v41 =	vld [tilespmem:s11+$0x4EF0]  }
0x1d7: {  	v4 =	vadd.f32 v4, v33;
	v33 =	vmul.f32 v51, v3;
	v40 =	vadd.f32 v40, v45;
	v45 =	vld [tilespmem:s11+$0x4680]  }
0x1d8: {  	v38 =	vmul.f32 v38, v55;
	v0 =	vadd.f32 v5, v0;
	v47 =	vmul.f32 v49, v63;
	v49 =	vld [tilespmem:s11+$0x4EC0]  }
0x1d9: {  	v2 =	vadd.f32 v33, v2;
	v11 =	vmul.f32 v11, v58;
	v52 =	vmul.f32 v36, v10;
	v36 =	vld [tilespmem:s11+$0x4ED0]  }
0x1da: {  	v5 =	vmul.f32 v48, v62;
	v1 =	vadd.f32 v50, v1;
	v48 =	vmul.f32 v43, v57;
	v43 =	vld [tilespmem:s7+$0x600]  }
0x1db: {  	v37 =	vadd.f32 v38, v37;
	v2 =	vadd.f32 v11, v2;
	v11 =	vld [tilespmem:s7+$0x610]  }
0x1dc: {  	v0 =	vadd.f32 v5, v0;
	v50 =	vmul.f32 v46, v59;
	v1 =	vadd.f32 v52, v1;
	v52 =	vld [tilespmem:$0x1FEC0]  }
0x1dd: {  	v9 =	vmul.f32 v9, v58;
	v58 =	vld [tilespmem:s11+$0x4AF0];
	v6 =	vadd.f32 v6, v35;
	v7 =	vadd.f32 v7, v40  }
0x1de: {  	v54 =	vmovc v3;
	v46 =	vld [tilespmem:s11+$0x4690];
	v8 =	vadd.f32 v8, v37;
	v4 =	vadd.f32 v47, v4;
	v3 =	vmul.f32 v44, v57  }
0x1df: {  	v0 =	vadd.f32 v48, v0;
	v51 =	vmul.f32 v39, v59;
	v44 =	vld [tilespmem:s7+$0x620];
	v6 =	vadd.f32 v9, v6  }
0x1e0: {  	v47 =	vld [tilespmem:s11+$0x46A0];
	v4 =	vadd.f32 v50, v4;
	v3 =	vadd.f32 v3, v7  }
0x1e1: {  	v48 =	vld [tilespmem:s11+$0x46B0];
	v5 =	vadd.f32 v52, v53;
	v53 =	vadd.f32 v51, v8  }
0x1e2: {  	v32 =	vmul.f32 v42, v10;
	v42 =	vld [tilespmem:s11+$0x4600];
	v1 =	vadd.f32 v2, v1;
	v0 =	vadd.f32 v4, v0  }
0x1e3: {  	v10 =	vld [tilespmem:s11+$0x4610];
	v57 =	vadd.f32 v6, v5;
	v3 =	vadd.f32 v53, v3  }
0x1e4: {  	v9 =	vld [tilespmem:s7+$0x630];
	v0 =	vadd.f32 v0, v1  }
0x1e5: {  	v2 =	vld [tilespmem:s11+$0x4E90];
	v3 =	vadd.f32 v3, v57  }
0x1e6: {  	v7 =	vld [tilespmem:s11+$0x4AE0];
	(xrf2) =	vadd.scan.msk.f32 $0xffff, v0  }
0x1e7: {  	v50 =	vld [tilespmem:s11+$0x46C0];
	(xrf2) =	vadd.scan.msk.f32 $0xffff, v3  }
0x1e8: {  	v37 =	vmul.f32 v41, v55;
	v41 =	vld [tilespmem:s11+$0x4620]  }
0x1e9: {  	v38 =	vmul.f32 v34, v56;
	v56 =	vld [tilespmem:s11+$0x4670]  }
0x1ea: {  	v55 =	vld [tilespmem:s11+$0x4A20]  }
0x1eb: {  	[tilespmem:$0x1FED0] =	vst v58;
	v58 =	vld [tilespmem:$0x1FF90]  }
0x1ec: {  	v39 =	vmul.f32 v36, v61;
	v36 =	vmul.f32 v11, v54;
	v11 =	vld [tilespmem:s11+$0x4630]  }
0x1ed: {  	v4 =	vld [tilespmem:s11+$0x4E40]  }
0x1ee: {  	v8 =	vld [tilespmem:s11+$0x4E80]  }
0x1ef: {  	v51 =	vld [tilespmem:s11+$0x46D0]  }
0x1f0: {  	v33 =	vmul.f32 v44, v62;
	v44 =	vld [tilespmem:s11+$0x4650];
	v59, _, _ =	vpop (xrf2)  }
0x1f1: {  	v1 =	vld [tilespmem:s11+$0x4EB0];
	v40, _, _ =	vpop (xrf2)  }
0x1f2: {  	v34 =	vmul.f32 v9, v63;
	v9 =	vld [tilespmem:s11+$0x4640];
	(v2sf) =	vpush v40, $0xF  }
0x1f3: {  	v57 =	vld [tilespmem:s11+$0x46E0]  }
0x1f4: {  	v46 =	vmul.f32 v46, v15;
	v63 =	vld [tilespmem:s11+$0x4660]  }
0x1f5: {  	v47 =	vmul.f32 v47, v16;
	v48 =	vmul.f32 v48, v17;
	v5 =	vld [tilespmem:s11+$0x4EA0];
	(v2sf) =	vpush v59, $0xF  }
0x1f6: {  	v42 =	vmul.f32 v42, v14;
	v10 =	vmul.f32 v10, v15;
	v53 =	vld [tilespmem:s11+$0x46F0]  }
0x1f7: {  	v62 =	vmul.f32 v50, v18;
	v0 =	vld [tilespmem:s11+$0x4E50];
	v9 =	vmul.f32 v9, v18  }
0x1f8: {  	v35 =	vmul.f32 v43, v58;
	v58 =	vld [tilespmem:s11+$0x4A80];
	v57 =	vmul.f32 v57, v20  }
0x1f9: {  	v41 =	vmul.f32 v41, v16;
	v51 =	vmul.f32 v51, v19;
	v9 =	vadd.f32 v9, v42;
	v42 =	vld [tilespmem:s11+$0x4AB0]  }
0x1fa: {  	v11 =	vmul.f32 v11, v17;
	v44 =	vmul.f32 v44, v19;
	v47 =	vadd.f32 v57, v47;
	v57 =	vld [tilespmem:s11+$0x4A10]  }
0x1fb: {  	p1 =	sgt.f32 s12, s31;
	p2 =	slt.f32 s12, s30;
	v6 =	vld [tilespmem:s11+$0x4AD0];
	v50 =	vmul.f32 v63, v20;
	v52 =	vadd.f32 v51, v46;
	v59 =	vmul.f32 v45, v14  }
0x1fc: {  	v10 =	vadd.f32 v44, v10;
	v44 =	vmul.f32 v2, v31;
	v46 =	vmul.f32 v1, v12;
	v45 =	vld [tilespmem:s11+$0x4A90]  }
0x1fd: {  	s31 =	smov.u32 @p1 s12;
	s30 =	smov.u32 @p2 s12;
	v3 =	vld [tilespmem:s11+$0x4AC0];
	v63 =	vmul.f32 v58, v22;
	v54 =	vadd.f32 v62, v59;
	v59 =	vmul.f32 v53, v21  }
0x1fe: {  	p4 =	sgt.f32 s6, s31;
	p3 =	slt.f32 s6, s30;
	v51 =	vld [tilespmem:s11+$0x4AA0];
	v1 =	vmul.f32 v42, v25;
	v62 =	vmul.f32 v56, v21  }
0x1ff: {  	s12 =	sor.u32 $0x20, s28;
	s1 =	sadd.s32 $0x2, s13;
	v42 =	vmul.f32 v0, v61;
	v0 =	vmul.f32 v57, v23;
	v53 =	vld [tilespmem:s11+$0x4A00];
	v48 =	vadd.f32 v59, v48  }
0x200: {  	s31 =	smov.u32 @p4 s6;
	s30 =	smov.u32 @p3 s6;
	s2 =	sadd.s32 $0xFFFFFFFF, s1;
	v40 =	vmul.f32 v49, v60;
	v59 =	vadd.f32 v50, v41;
	v11 =	vadd.f32 v62, v11;
	v62 =	vld [tilespmem:s11+$0x4A30]  }
0x201: {  	s18 =	smov.u32 @p1 s2;
	s0 =	smov.u32 @p2 s2;
	v41 =	vmul.f32 v4, v60;
	v60 =	vadd.f32 v0, v10;
	v0 =	vld [tilespmem:$0x1FED0];
	v2 =	vmul.f32 v45, v23;
	s2 =	spop (v2sf)  }
0x202: {  	s6 =	simm.s32 $0x1;
	v43 =	vmul.f32 v8, v30;
	v45 =	vmul.f32 v5, v13;
	v5 =	vld [tilespmem:s11+$0x4A50];
	p1 =	sgt.f32 s2, s31;
	p2 =	slt.f32 s2, s30  }
0x203: {  	s13 =	smov.u32 s14;
	s18 =	smov.u32 @p4 s1;
	s0 =	smov.u32 @p3 s1;
	v58 =	vmul.f32 v51, v24;
	v51 =	vadd.f32 v63, v54;
	v52 =	vadd.f32 v2, v52;
	v2 =	vld [tilespmem:s11+$0x4A40]  }
0x204: {  	v61 =	vld [tilespmem:s11+$0x4E20];
	v50 =	vmul.f32 v7, v28;
	v54 =	vadd.f32 v1, v48;
	v1 =	vmul.f32 v55, v24;
	s1 =	spop (v2sf);
	s31 =	smov.u32 @p1 s2;
	s30 =	smov.u32 @p2 s2  }
0x205: {  	v57 =	vld [tilespmem:s11+$0x4A70];
	v48 =	vmul.f32 v6, v27;
	v63 =	vmul.f32 v53, v22;
	s2 =	sadd.s32 $0xFFFFFFFF, s14;
	p3 =	sgt.f32 s1, s31;
	p4 =	slt.f32 s1, s30  }
0x206: {  	s19 =	sand.u32 $0x3, s6;
	v56 =	vld [tilespmem:s11+$0x4A60];
	v53 =	vadd.f32 v58, v47;
	v47 =	vmul.f32 v3, v26;
	v3 =	vmul.f32 v62, v25;
	s18 =	smov.u32 @p1 s2;
	s0 =	smov.u32 @p2 s2  }
0x207: {  	v55 =	vld [tilespmem:s11+$0x4E00];
	v58 =	vadd.f32 v63, v9;
	v49 =	vmul.f32 v0, v29;
	v62 =	vadd.f32 v1, v59;
	s31 =	smov.u32 @p3 s1;
	s30 =	smov.u32 @p4 s1;
	s18 =	smov.u32 @p3 s14  }
0x208: {  	v59 =	vld [tilespmem:s11+$0x4E10];
	v1 =	vmul.f32 v5, v27;
	v63 =	vadd.f32 v3, v11;
	v0 =	vmul.f32 v2, v26;
	s0 =	smov.u32 @p4 s14;
	s1 =	sshll.u32 s19, $0x8;
	s19 =	simm.s32 $0x800  }
.LBB2_5:
0x209: {  	v3 =	vld [tilespmem:s11+$0x4E30]  }
0x20a: {  	v7 =	vld [tilespmem:s11+$0x4E60]  }
0x20b: {  	v11 =	vld [tilespmem:s11+$0x4E70]  }
0x20c: {  	v12 =	vld [tilespmem:$0x1FF00]  }
0x20d: {  	s1 =	sadd.s32 s8, s1;
	v1 =	vadd.f32 v1, v60;
	v60 =	vld [tilespmem:$0x1FFC0]  }
0x20e: {  	v8 =	vadd.f32 v50, v53;
	s1 =	sadd.s32 $0x80, s1;
	v50 =	vld [tilespmem:$0x1FFA0]  }
0x20f: {  	v4 =	vadd.f32 v47, v51;
	v47 =	vld [tilespmem:$0x1FF90];
	s1 =	sor.u32 $0x4C00, s1  }
0x210: {  	v5 =	vadd.f32 v48, v52;
	v52 =	vld [tilespmem:s1+$0x600]  }
0x211: {  	v9 =	vadd.f32 v49, v54;
	v54 =	vld [tilespmem:s1+$0x610]  }
0x212: {  	v0 =	vadd.f32 v0, v58;
	v58 =	vld [tilespmem:s1+$0x630]  }
0x213: {  	v48 =	vld [tilespmem:s1+$0x650]  }
0x214: {  	v9 =	vadd.f32 v46, v9;
	v46 =	vld [tilespmem:$0x1FF80]  }
0x215: {  	v51 =	vld [tilespmem:s1+$0x660]  }
0x216: {  	v8 =	vadd.f32 v45, v8;
	v45 =	vld [tilespmem:$0x1FF70]  }
0x217: {  	v5 =	vadd.f32 v44, v5;
	v44 =	vld [tilespmem:$0x1FF60]  }
0x218: {  	s10 =	sadd.s32 $0x100, s10;
	v4 =	vadd.f32 v43, v4;
	v43 =	vld [tilespmem:$0x1FF50]  }
0x219: {  	s2 =	sand.u32 $0x3000, s19;
	s11 =	sand.u32 $0x300, s10;
	v2 =	vmul.f32 v56, v28;
	v10 =	vmul.f32 v55, v30;
	v55 =	vld [tilespmem:s1+$0x620]  }
0x21a: {  	s11 =	sor.u32 s11, s2;
	v6 =	vmul.f32 v57, v29;
	v59 =	vmul.f32 v59, v31;
	v57 =	vld [tilespmem:s7+$0x660]  }
0x21b: {  	v4 =	vadd.f32 v40, v4;
	v40 =	vld [tilespmem:s11+$0x4EC0]  }
0x21c: {  	v53 =	vmul.f32 v61, v13;
	v2 =	vadd.f32 v2, v62;
	v1 =	vadd.f32 v59, v1;
	v59 =	vld [tilespmem:$0x1FFB0]  }
0x21d: {  	v62 =	vld [tilespmem:s1+$0x640]  }
0x21e: {  	v6 =	vadd.f32 v6, v63;
	v3 =	vmul.f32 v3, v60;
	v2 =	vadd.f32 v53, v2;
	v53 =	vld [tilespmem:s1+$0x670]  }
0x21f: {  	v49 =	vmul.f32 v54, v46;
	v54 =	vld [tilespmem:s7+$0x650]  }
0x220: {  	v61 =	vmul.f32 v11, v50;
	v3 =	vadd.f32 v3, v6;
	v56 =	vmul.f32 v58, v44;
	v58 =	vld [tilespmem:s7+$0x670]  }
0x221: {  	v63 =	vmul.f32 v52, v47;
	s1 =	sor.u32 s10, s19;
	v52 =	vmul.f32 v55, v45;
	v55 =	vld [tilespmem:$0x1FF10]  }
0x222: {  	v5 =	vadd.f32 v39, v5;
	s7 =	sor.u32 $0x4C00, s1;
	v3 =	vadd.f32 v61, v3;
	v61 =	vld [tilespmem:$0x1FF40]  }
0x223: {  	v0 =	vadd.f32 v10, v0;
	v39 =	vld [tilespmem:s7+$0x640]  }
0x224: {  	v8 =	vadd.f32 v38, v8;
	v5 =	vadd.f32 v49, v5;
	v49 =	vld [tilespmem:s11+$0x4AE0]  }
0x225: {  	v0 =	vadd.f32 v41, v0;
	v4 =	vadd.f32 v63, v4;
	v63 =	vmul.f32 v51, v12;
	v51 =	vld [tilespmem:s11+$0x4AF0]  }
0x226: {  	v9 =	vadd.f32 v37, v9;
	v1 =	vadd.f32 v42, v1;
	v10 =	vmul.f32 v57, v12;
	v12 =	vld [tilespmem:$0x1FF20]  }
0x227: {  	v0 =	vadd.f32 v35, v0;
	v7 =	vmul.f32 v7, v59;
	v8 =	vadd.f32 v52, v8;
	v52 =	vld [tilespmem:s11+$0x4A80]  }
0x228: {  	v1 =	vadd.f32 v36, v1;
	v11 =	vmul.f32 v62, v43;
	v3 =	vadd.f32 v34, v3;
	v34 =	vld [tilespmem:s11+$0x4ED0]  }
0x229: {  	v2 =	vadd.f32 v7, v2;
	v7 =	vadd.f32 v56, v9;
	v9 =	vld [tilespmem:s11+$0x4EE0]  }
0x22a: {  	v0 =	vadd.f32 v32, v0;
	v4 =	vadd.f32 v11, v4;
	v11 =	vld [tilespmem:s11+$0x4EF0];
	v56 =	vmul.f32 v53, v55  }
0x22b: {  	v8 =	vadd.f32 v63, v8;
	v63 =	vld [tilespmem:$0x1FF30];
	v57 =	vmul.f32 v58, v55;
	v62 =	vmul.f32 v48, v61  }
0x22c: {  	v53 =	vld [tilespmem:s11+$0x4A90];
	v2 =	vadd.f32 v33, v2;
	v6 =	vmul.f32 v54, v61;
	v7 =	vadd.f32 v56, v7  }
0x22d: {  	v55 =	vld [tilespmem:s11+$0x4AB0];
	v3 =	vadd.f32 v57, v3;
	v5 =	vadd.f32 v62, v5  }
0x22e: {  	v33 =	vld [tilespmem:s7+$0x600];
	v1 =	vadd.f32 v6, v1;
	v2 =	vadd.f32 v10, v2  }
0x22f: {  	v54 =	vld [tilespmem:s11+$0x4AA0];
	v58 =	vadd.f32 v7, v8;
	v4 =	vadd.f32 v5, v4  }
0x230: {  	v56 =	vld [tilespmem:s11+$0x4680];
	v0 =	vadd.f32 v1, v0;
	v1 =	vadd.f32 v3, v2  }
0x231: {  	v57 =	vld [tilespmem:s11+$0x4690];
	v4 =	vadd.f32 v58, v4  }
0x232: {  	v6 =	vld [tilespmem:s7+$0x620];
	v0 =	vadd.f32 v1, v0  }
0x233: {  	v10 =	vld [tilespmem:s11+$0x4AC0];
	(xrf2) =	vadd.scan.msk.f32 $0xffff, v4  }
0x234: {  	v7 =	vld [tilespmem:s7+$0x610];
	(xrf2) =	vadd.scan.msk.f32 $0xffff, v0  }
0x235: {  	v8 =	vld [tilespmem:s11+$0x4E50];
	v37 =	vmul.f32 v11, v50  }
0x236: {  	v50 =	vmul.f32 v49, v28;
	v49 =	vmul.f32 v51, v29;
	v51 =	vld [tilespmem:s11+$0x4640]  }
0x237: {  	v38 =	vmul.f32 v9, v59;
	v59 =	vld [tilespmem:s11+$0x4A00]  }
0x238: {  	v5 =	vld [tilespmem:s7+$0x630]  }
0x239: {  	v2 =	vld [tilespmem:s11+$0x4E80]  }
0x23a: {  	v3 =	vld [tilespmem:s11+$0x4E90]  }
0x23b: {  	v11 =	vmul.f32 v54, v24;
	v54 =	vmul.f32 v55, v25;
	v55 =	vld [tilespmem:s11+$0x4650]  }
0x23c: {  	v1 =	vld [tilespmem:s11+$0x4EA0]  }
0x23d: {  	v58 =	vld [tilespmem:s11+$0x46A0];
	v61, _, _ =	vpop (xrf2)  }
0x23e: {  	v4 =	vld [tilespmem:s11+$0x4EB0];
	v62, _, _ =	vpop (xrf2)  }
0x23f: {  	v32 =	vmul.f32 v39, v43;
	v36 =	vmul.f32 v7, v46;
	v7 =	vld [tilespmem:s11+$0x46B0];
	(v2sf) =	vpush v62, $0xF  }
0x240: {  	v39 =	vmul.f32 v34, v63;
	v42 =	vmul.f32 v8, v63;
	v63 =	vld [tilespmem:s11+$0x4630]  }
0x241: {  	v40 =	vmul.f32 v40, v12;
	v9 =	vmul.f32 v53, v23;
	v0 =	vld [tilespmem:s11+$0x4E40];
	(v2sf) =	vpush v61, $0xF  }
0x242: {  	v35 =	vmul.f32 v33, v47;
	v34 =	vmul.f32 v5, v44;
	v5 =	vld [tilespmem:s11+$0x46C0]  }
0x243: {  	v53 =	vmul.f32 v57, v15;
	v43 =	vmul.f32 v2, v30;
	v2 =	vld [tilespmem:s11+$0x46E0]  }
0x244: {  	v33 =	vmul.f32 v6, v45;
	v44 =	vmul.f32 v3, v31;
	v3 =	vld [tilespmem:s11+$0x4610]  }
0x245: {  	v8 =	vmul.f32 v52, v22;
	v45 =	vmul.f32 v1, v13;
	v1 =	vld [tilespmem:s11+$0x4600]  }
0x246: {  	v52 =	vmul.f32 v56, v14;
	v56 =	vmul.f32 v58, v16;
	v58 =	vld [tilespmem:s11+$0x4670]  }
0x247: {  	v47 =	vmul.f32 v10, v26;
	v41 =	vmul.f32 v0, v12;
	v0 =	vld [tilespmem:s11+$0x46F0]  }
0x248: {  	v51 =	vmul.f32 v51, v18;
	v55 =	vmul.f32 v55, v19;
	v62 =	vld [tilespmem:s11+$0x4620]  }
0x249: {  	v46 =	vmul.f32 v4, v60;
	v7 =	vmul.f32 v7, v17;
	v61 =	vld [tilespmem:s11+$0x46D0]  }
0x24a: {  	v57 =	vld [tilespmem:s11+$0x4660];
	v10 =	vmul.f32 v63, v17;
	v5 =	vmul.f32 v5, v18  }
0x24b: {  	v60 =	vld [tilespmem:s11+$0x4A10];
	v2 =	vmul.f32 v2, v20;
	v3 =	vmul.f32 v3, v15  }
0x24c: {  	v48 =	vld [tilespmem:s11+$0x4AD0];
	v1 =	vmul.f32 v1, v14;
	v5 =	vadd.f32 v5, v52;
	v58 =	vmul.f32 v58, v21  }
0x24d: {  	v2 =	vadd.f32 v2, v56;
	v0 =	vmul.f32 v0, v21;
	v4 =	vmul.f32 v62, v16;
	v62 =	vld [tilespmem:s11+$0x4A30]  }
0x24e: {  	p1 =	sne.s32 s19, $0x3C00;
	v3 =	vadd.f32 v55, v3;
	v1 =	vadd.f32 v51, v1;
	v6 =	vmul.f32 v61, v19;
	v61 =	vld [tilespmem:s11+$0x4A20];
	s1 =	spop (v2sf)  }
0x24f: {  	s8 =	smov.u32 s19;
	v57 =	vmul.f32 v57, v20;
	v63 =	vld [tilespmem:s11+$0x4A40];
	v10 =	vadd.f32 v58, v10;
	v0 =	vadd.f32 v0, v7;
	p2 =	sgt.f32 s1, s31;
	p3 =	slt.f32 s1, s30  }
0x250: {  	s13 =	sadd.s32 $0x2, s13;
	s6 =	sadd.s32 $0x1, s6;
	v12 =	vld [tilespmem:s11+$0x4A50];
	v51 =	vadd.f32 v8, v5;
	v7 =	vmul.f32 v59, v22;
	v59 =	vmul.f32 v60, v23;
	s2 =	spop (v2sf)  }
.Ltmp3:
0x251: {  	v56 =	vld [tilespmem:s11+$0x4A60];
	v54 =	vadd.f32 v54, v0;
	v6 =	vadd.f32 v6, v53;
	s31 =	smov.u32 @p2 s1;
	s30 =	smov.u32 @p3 s1;
	(pc) =	sbr.rel @p1 .LBB2_5-.Ltmp3, $4  }
0x252: {  	v48 =	vmul.f32 v48, v27;
	v55 =	vld [tilespmem:s11+$0x4E00];
	v60 =	vadd.f32 v59, v3;
	v4 =	vadd.f32 v57, v4;
	s1 =	sadd.s32 $0xFFFFFFFF, s13;
	p4 =	sgt.f32 s2, s31;
	p5 =	slt.f32 s2, s30  }
0x253: {  	s19 =	sadd.s32 $0x400, s19;
	v59 =	vld [tilespmem:s11+$0x4E10];
	v52 =	vadd.f32 v9, v6;
	v9 =	vmul.f32 v62, v25;
	v61 =	vmul.f32 v61, v24;
	s18 =	smov.u32 @p2 s1;
	s0 =	smov.u32 @p3 s1  }
0x254: {  	v58 =	vadd.f32 v7, v1;
	v0 =	vmul.f32 v63, v26;
	v57 =	vld [tilespmem:s11+$0x4A70];
	v53 =	vadd.f32 v11, v2;
	s31 =	smov.u32 @p4 s2;
	s30 =	smov.u32 @p5 s2;
	s2 =	sand.u32 $0x3, s6  }
0x255: {  	v1 =	vmul.f32 v12, v27;
	v63 =	vadd.f32 v9, v10;
	v62 =	vadd.f32 v61, v4;
	v61 =	vld [tilespmem:s11+$0x4E20];
	s18 =	smov.u32 @p4 s13;
	s0 =	smov.u32 @p5 s13;
	s1 =	sshll.u32 s2, $0x8  }
0x256: {  	v2 =	vld [tilespmem:s11+$0x4E30]  }
0x257: {  	v6 =	vld [tilespmem:s11+$0x4E60]  }
0x258: {  	v10 =	vld [tilespmem:s11+$0x4E70]  }
0x259: {  	v5 =	vadd.f32 v48, v52;
	v52 =	vld [tilespmem:$0x1FFB0]  }
0x25a: {  	v9 =	vadd.f32 v49, v54;
	v54 =	vld [tilespmem:$0x1FFA0]  }
0x25b: {  	v4 =	vmul.f32 v56, v28;
	v48 =	vld [tilespmem:$0x1FF80]  }
0x25c: {  	v3 =	vadd.f32 v47, v51;
	v51 =	vld [tilespmem:s7+$0x650]  }
0x25d: {  	s1 =	sadd.s32 s8, s1;
	v4 =	vadd.f32 v4, v62;
	v62 =	vld [tilespmem:$0x1FFC0]  }
0x25e: {  	s1 =	sadd.s32 $0x80, s1;
	v9 =	vadd.f32 v46, v9;
	v46 =	vld [tilespmem:$0x1FF90]  }
0x25f: {  	s1 =	sor.u32 $0x4C00, s1;
	v3 =	vadd.f32 v43, v3;
	v43 =	vld [tilespmem:s7+$0x670]  }
0x260: {  	v12 =	vld [tilespmem:s1+$0x600]  }
0x261: {  	v56 =	vld [tilespmem:s1+$0x610]  }
0x262: {  	v0 =	vadd.f32 v0, v58;
	v58 =	vld [tilespmem:s1+$0x620]  }
0x263: {  	v7 =	vadd.f32 v50, v53;
	v11 =	vmul.f32 v55, v30;
	v55 =	vmul.f32 v59, v31;
	v59 =	vld [tilespmem:s1+$0x630]  }
0x264: {  	v1 =	vadd.f32 v1, v60;
	v5 =	vadd.f32 v44, v5;
	v53 =	vld [tilespmem:s1+$0x640]  }
0x265: {  	v7 =	vadd.f32 v45, v7;
	v8 =	vmul.f32 v57, v29;
	v0 =	vadd.f32 v11, v0;
	v47 =	vld [tilespmem:s1+$0x660]  }
0x266: {  	v57 =	vmul.f32 v61, v13;
	v1 =	vadd.f32 v55, v1;
	v3 =	vadd.f32 v40, v3;
	v55 =	vld [tilespmem:s1+$0x650]  }
0x267: {  	v5 =	vadd.f32 v39, v5;
	v8 =	vadd.f32 v8, v63;
	v63 =	vld [tilespmem:$0x1FF70]  }
0x268: {  	v0 =	vadd.f32 v41, v0;
	v4 =	vadd.f32 v57, v4;
	v57 =	vld [tilespmem:$0x1FF40]  }
0x269: {  	v7 =	vadd.f32 v38, v7;
	v9 =	vadd.f32 v37, v9;
	v61 =	vld [tilespmem:$0x1FF60];
	v6 =	vmul.f32 v6, v52  }
0x26a: {  	v49 =	vld [tilespmem:s1+$0x670];
	v1 =	vadd.f32 v42, v1;
	v2 =	vmul.f32 v2, v62;
	v0 =	vadd.f32 v35, v0  }
0x26b: {  	v12 =	vmul.f32 v12, v46;
	v37 =	vmul.f32 v56, v48;
	v4 =	vadd.f32 v6, v4;
	v56 =	vld [tilespmem:$0x1FF10]  }
0x26c: {  	v1 =	vadd.f32 v36, v1;
	v2 =	vadd.f32 v2, v8;
	v50 =	vmul.f32 v58, v63;
	v58 =	vld [tilespmem:$0x1FF50]  }
0x26d: {  	v8 =	vmul.f32 v10, v54;
	v0 =	vadd.f32 v32, v0;
	v44 =	vmul.f32 v55, v57;
	v55 =	vld [tilespmem:$0x1FF00]  }
0x26e: {  	v42 =	vld [tilespmem:s7+$0x660];
	v41 =	vmul.f32 v59, v61;
	v3 =	vadd.f32 v12, v3;
	v5 =	vadd.f32 v37, v5  }
0x26f: {  	v4 =	vadd.f32 v33, v4;
	v2 =	vadd.f32 v8, v2  }
0x270: {  	v8 =	vadd.f32 v41, v9;
	v6 =	vmul.f32 v51, v57;
	v7 =	vadd.f32 v50, v7  }
0x271: {  	v2 =	vadd.f32 v34, v2;
	v46 =	vmul.f32 v49, v56;
	v48 =	vmul.f32 v43, v56  }
0x272: {  	v5 =	vadd.f32 v44, v5;
	v12 =	vmul.f32 v53, v58;
	v45 =	vmul.f32 v47, v55  }
0x273: {  	v1 =	vadd.f32 v6, v1;
	v8 =	vadd.f32 v46, v8;
	v47 =	vmul.f32 v42, v55  }
0x274: {  	v3 =	vadd.f32 v12, v3;
	v7 =	vadd.f32 v45, v7  }
0x275: {  	v2 =	vadd.f32 v48, v2;
	v4 =	vadd.f32 v47, v4  }
0x276: {  	v3 =	vadd.f32 v5, v3;
	v49 =	vadd.f32 v8, v7  }
0x277: {  	v0 =	vadd.f32 v1, v0;
	v1 =	vadd.f32 v2, v4  }
0x278: {  	v2 =	vadd.f32 v49, v3  }
0x279: {  	v0 =	vadd.f32 v1, v0  }
0x27a: {  	(xrf2) =	vadd.scan.msk.f32 $0xffff, v2  }
0x27b: {  	(xrf2) =	vadd.scan.msk.f32 $0xffff, v0;
	_ =	sdelay $0x8  }
0x27c: {  	v0, _, _ =	vpop (xrf2)  }
0x27d: {  	v1, _, _ =	vpop (xrf2)  }
0x27e: {  	(v2sf) =	vpush v1, $0xF  }
0x27f: {  	(v2sf) =	vpush v0, $0xF;
	_ =	sdelay $0xa  }
0x280: {  	s1 =	sshll.u32 @!p0 s12, $0x6  }
0x281: {  	s2 =	simm.s32 @!p0 $0x0;
	s1 =	sadd.s32 @!p0 s1, s9;
	s7 =	simm.s32 @!p0 $0x4600  }
0x282: {  	[tilespmem:s7], [sflag:$0x2] =	stream.linear.gather @!p0 [hbm4b:s1+s2], $0x4000, $0x38;
	[tilespmem:$0x10700] =	vst v63  }
0x283: {  	s19 =	spop (v2sf)  }
0x284: {  	s6 =	spop (v2sf)  }
0x285: {  	s8 =	simm.s32 $0x0;
	_ =	swait.ge [sflag:s24], $0x4000  }
0x286: {  	s10 =	sand.u32 $0x3000, s8;
	s7 =	sor.u32 s8, s8;
	[sflag:s24] =	ssyncset.done $0x0  }
0x287: {  	s12 =	sand.u32 $0x300, s8;
	s11 =	sor.u32 $0x8C00, s7;
	[sflag:s24] =	ssyncadd.s32 $0xFFFFC000  }
0x288: {  	s7 =	sor.u32 s12, s10;
	v0 =	vld [tilespmem:s11+$0x640]  }
0x289: {  	v1 =	vld [tilespmem:s7+$0x8EC0]  }
0x28a: {  	v2 =	vld [tilespmem:s7+$0x8ED0]  }
0x28b: {  	v3 =	vld [tilespmem:s7+$0x8EE0]  }
0x28c: {  	v4 =	vld [tilespmem:s7+$0x8EF0]  }
0x28d: {  	v5 =	vld [tilespmem:s11+$0x600]  }
0x28e: {  	v59 =	vld [tilespmem:s11+$0x610]  }
0x28f: {  	v9 =	vld [tilespmem:s11+$0x620]  }
0x290: {  	v10 =	vld [tilespmem:s11+$0x630]  }
0x291: {  	v11 =	vld [tilespmem:s7+$0x8E80]  }
0x292: {  	v12 =	vld [tilespmem:s7+$0x8E90]  }
0x293: {  	v33 =	vld [tilespmem:s7+$0x8EA0]  }
0x294: {  	v34 =	vld [tilespmem:s7+$0x8EB0]  }
0x295: {  	v50 =	vld [tilespmem:s7+$0x8E40]  }
0x296: {  	v51 =	vld [tilespmem:s7+$0x8E50]  }
0x297: {  	v35 =	vld [tilespmem:s7+$0x8AC0]  }
0x298: {  	v36 =	vld [tilespmem:s7+$0x8AD0]  }
0x299: {  	v37 =	vld [tilespmem:s7+$0x8AE0]  }
0x29a: {  	v38 =	vld [tilespmem:s7+$0x8AF0]  }
0x29b: {  	v52 =	vld [tilespmem:s7+$0x8680]  }
0x29c: {  	v53 =	vld [tilespmem:s7+$0x8690]  }
0x29d: {  	v40 =	vld [tilespmem:s7+$0x86A0]  }
0x29e: {  	v54 =	vld [tilespmem:s7+$0x86B0]  }
0x29f: {  	v8 =	vld [tilespmem:s7+$0x86C0]  }
0x2a0: {  	v60 =	vld [tilespmem:s7+$0x86D0]  }
0x2a1: {  	v44 =	vld [tilespmem:s7+$0x86E0]  }
0x2a2: {  	v6 =	vld [tilespmem:s7+$0x86F0]  }
0x2a3: {  	v46 =	vld [tilespmem:s7+$0x8600]  }
0x2a4: {  	v7 =	vld [tilespmem:s7+$0x8610]  }
0x2a5: {  	v48 =	vld [tilespmem:s7+$0x8620]  }
0x2a6: {  	v49 =	vld [tilespmem:s7+$0x8630]  }
0x2a7: {  	[tilespmem:$0x1FE60] =	vst v50;
	v50 =	vld [tilespmem:s7+$0x8640]  }
0x2a8: {  	[tilespmem:$0x1FE70] =	vst v51;
	v51 =	vld [tilespmem:s7+$0x8650]  }
0x2a9: {  	v32 =	vmul.f32 v52, v14;
	v52 =	vld [tilespmem:s7+$0x8660]  }
0x2aa: {  	v42 =	vmul.f32 v8, v18;
	v8 =	vld [tilespmem:s7+$0x8670]  }
0x2ab: {  	v43 =	vmul.f32 v60, v19;
	v60 =	vld [tilespmem:s7+$0x8A80]  }
0x2ac: {  	v45 =	vmul.f32 v6, v21;
	v6 =	vld [tilespmem:s7+$0x8A90]  }
0x2ad: {  	v40 =	vmul.f32 v40, v16;
	v47 =	vmul.f32 v7, v15;
	v7 =	vld [tilespmem:s7+$0x8AA0]  }
0x2ae: {  	v44 =	vmul.f32 v44, v20;
	v0 =	vmul.f32 v0, v58;
	v58 =	vld [tilespmem:$0x1FF20]  }
0x2af: {  	v41 =	vmul.f32 v54, v17;
	v54 =	vld [tilespmem:$0x1FFB0]  }
0x2b0: {  	v39 =	vmul.f32 v53, v15;
	v40 =	vadd.f32 v44, v40;
	v44 =	vld [tilespmem:s7+$0x8AB0]  }
0x2b1: {  	v46 =	vmul.f32 v46, v14;
	v41 =	vadd.f32 v45, v41;
	v45 =	vld [tilespmem:s7+$0x8A00];
	v51 =	vmul.f32 v51, v19  }
0x2b2: {  	v49 =	vmul.f32 v49, v17;
	v42 =	vadd.f32 v42, v32;
	v32 =	vld [tilespmem:s7+$0x8A30];
	v53 =	vmul.f32 v8, v21  }
0x2b3: {  	v39 =	vadd.f32 v43, v39;
	v50 =	vmul.f32 v50, v18;
	v47 =	vadd.f32 v51, v47;
	v51 =	vld [tilespmem:s7+$0x8A10]  }
0x2b4: {  	v8 =	vmul.f32 v60, v22;
	v60 =	vmul.f32 v6, v23;
	v49 =	vadd.f32 v53, v49;
	v53 =	vld [tilespmem:s7+$0x8A20]  }
0x2b5: {  	[tilespmem:$0x1FEA0] =	vst v0;
	v0 =	vmul.f32 v7, v24;
	v46 =	vadd.f32 v50, v46;
	v50 =	vld [tilespmem:s7+$0x8A40]  }
0x2b6: {  	v39 =	vadd.f32 v60, v39;
	v60 =	vld [tilespmem:$0x1FF30]  }
0x2b7: {  	v44 =	vmul.f32 v44, v25;
	v0 =	vadd.f32 v0, v40;
	v40 =	vld [tilespmem:s7+$0x8A50]  }
0x2b8: {  	v42 =	vadd.f32 v8, v42;
	v8 =	vmul.f32 v1, v58;
	v45 =	vmul.f32 v45, v22;
	v1 =	vld [tilespmem:$0x1FFA0]  }
0x2b9: {  	v43 =	vmul.f32 v32, v25;
	v41 =	vadd.f32 v44, v41;
	v44 =	vld [tilespmem:s7+$0x8A60]  }
0x2ba: {  	s2 =	sand.u32 $0x3, s8;
	v35 =	vmul.f32 v35, v26;
	v45 =	vadd.f32 v45, v46;
	v46 =	vld [tilespmem:s7+$0x8A70]  }
0x2bb: {  	s1 =	sshll.u32 s2, $0x8;
	v36 =	vmul.f32 v36, v27;
	v43 =	vadd.f32 v43, v49;
	v49 =	vld [tilespmem:s7+$0x8E20]  }
0x2bc: {  	s1 =	sadd.s32 $0x0, s1;
	v37 =	vmul.f32 v37, v28;
	v35 =	vadd.f32 v35, v42;
	v42 =	vld [tilespmem:s7+$0x8E30]  }
0x2bd: {  	s1 =	sadd.s32 $0x80, s1;
	v38 =	vmul.f32 v38, v29;
	v36 =	vadd.f32 v36, v39;
	v39 =	vld [tilespmem:s7+$0x8E60]  }
0x2be: {  	s1 =	sor.u32 $0x8C00, s1;
	v0 =	vadd.f32 v37, v0;
	v37 =	vld [tilespmem:s7+$0x8E70]  }
0x2bf: {  	v48 =	vmul.f32 v48, v16;
	v52 =	vmul.f32 v52, v20;
	v38 =	vadd.f32 v38, v41;
	v41 =	vld [tilespmem:s1+$0x600]  }
0x2c0: {  	v51 =	vmul.f32 v51, v23;
	v6 =	vmul.f32 v4, v1;
	v4 =	vld [tilespmem:$0x1FF90]  }
0x2c1: {  	v48 =	vadd.f32 v52, v48;
	v32 =	vmul.f32 v10, v61;
	v52 =	vmul.f32 v53, v24;
	v53 =	vld [tilespmem:$0x1FF80]  }
0x2c2: {  	v10 =	vmul.f32 v12, v31;
	v50 =	vmul.f32 v50, v26;
	v47 =	vadd.f32 v51, v47;
	v51 =	vld [tilespmem:s7+$0x8E00]  }
0x2c3: {  	v7 =	vmul.f32 v3, v54;
	v48 =	vadd.f32 v52, v48;
	v52 =	vld [tilespmem:s7+$0x8E10]  }
0x2c4: {  	v10 =	vadd.f32 v10, v36;
	v2 =	vmul.f32 v2, v60;
	v45 =	vadd.f32 v50, v45;
	v50 =	vld [tilespmem:s1+$0x610]  }
0x2c5: {  	v40 =	vmul.f32 v40, v27;
	v3 =	vmul.f32 v5, v4;
	v5 =	vld [tilespmem:$0x1FE70]  }
0x2c6: {  	v12 =	vmul.f32 v34, v62;
	v44 =	vmul.f32 v44, v28;
	v2 =	vadd.f32 v2, v10;
	v10 =	vld [tilespmem:$0x1FF50]  }
0x2c7: {  	v46 =	vmul.f32 v46, v29;
	v40 =	vadd.f32 v40, v47;
	v47 =	vld [tilespmem:s1+$0x620];
	[tilespmem:$0x1FE80] =	vst v3;
	v3 =	vmul.f32 v59, v53  }
0x2c8: {  	s8 =	simm.s32 $0x400;
	s10 =	simm.s32 $0x100;
	v44 =	vadd.f32 v44, v48;
	v48 =	vld [tilespmem:s1+$0x630];
	v51 =	vmul.f32 v51, v30  }
0x2c9: {  	v12 =	vadd.f32 v12, v38;
	s7 =	sor.u32 s10, s8;
	v43 =	vadd.f32 v46, v43;
	v59 =	vld [tilespmem:$0x1FE60]  }
0x2ca: {  	s7 =	sor.u32 $0x8C00, s7;
	v38 =	vadd.f32 v51, v45;
	v45 =	vld [tilespmem:s1+$0x670];
	v51 =	vmul.f32 v41, v4;
	v34 =	vmul.f32 v5, v60  }
0x2cb: {  	[tilespmem:$0x1FE90] =	vst v3;
	v41 =	vld [tilespmem:s7+$0x640];
	v5 =	vmul.f32 v42, v62;
	v3 =	vmov v63;
	v63 =	vmul.f32 v9, v63  }
0x2cc: {  	v42 =	vld [tilespmem:s1+$0x660];
	v9 =	vmul.f32 v11, v30;
	v11 =	vmul.f32 v33, v13  }
0x2cd: {  	v36 =	vadd.f32 v5, v43;
	v43 =	vld [tilespmem:s11+$0x660]  }
0x2ce: {  	v39 =	vmul.f32 v39, v54;
	v9 =	vadd.f32 v9, v35;
	v35 =	vld [tilespmem:s1+$0x640];
	v0 =	vadd.f32 v11, v0  }
0x2cf: {  	v33 =	vmul.f32 v59, v58;
	v59 =	vmul.f32 v52, v31;
	v11 =	vld [tilespmem:s1+$0x650]  }
0x2d0: {  	v62 =	vmovc v54;
	v54 =	vmov v3;
	v0 =	vadd.f32 v7, v0;
	v7 =	vmul.f32 v47, v3;
	v3 =	vld [tilespmem:$0x1FE80]  }
0x2d1: {  	v49 =	vmul.f32 v49, v13;
	v33 =	vadd.f32 v33, v38;
	v38 =	vld [tilespmem:s11+$0x670]  }
0x2d2: {  	s2 =	sand.u32 $0x3000, s8;
	s12 =	sand.u32 $0x300, s10;
	v37 =	vmul.f32 v37, v1;
	v47 =	vmul.f32 v42, v55;
	v42 =	vld [tilespmem:s7+$0x600]  }
0x2d3: {  	v40 =	vadd.f32 v59, v40;
	v59 =	vmov v1;
	v1 =	vadd.f32 v8, v9;
	v9 =	vld [tilespmem:s11+$0x650];
	s11 =	sor.u32 s12, s2  }
0x2d4: {  	v44 =	vadd.f32 v49, v44;
	v36 =	vadd.f32 v37, v36;
	v37 =	vld [tilespmem:s11+$0x8EF0]  }
0x2d5: {  	v46 =	vadd.f32 v6, v12;
	v12 =	vmul.f32 v50, v53;
	v5 =	vadd.f32 v3, v33;
	v3 =	vld [tilespmem:$0x1FE90]  }
0x2d6: {  	v39 =	vadd.f32 v39, v44;
	v8 =	vld [tilespmem:s11+$0x8E80]  }
0x2d7: {  	v44 =	vmul.f32 v48, v61;
	v2 =	vadd.f32 v12, v2;
	v0 =	vadd.f32 v7, v0;
	v7 =	vld [tilespmem:s11+$0x8AE0]  }
0x2d8: {  	v48 =	vadd.f32 v63, v39;
	v34 =	vadd.f32 v34, v40;
	v63 =	vld [tilespmem:s11+$0x8680]  }
0x2d9: {  	v52 =	vmovc v4;
	v4 =	vadd.f32 v44, v46;
	v50 =	vmul.f32 v45, v56;
	v44 =	vld [tilespmem:s11+$0x8690];
	v1 =	vadd.f32 v51, v1  }
0x2da: {  	v12 =	vmul.f32 v35, v10;
	v46 =	vadd.f32 v3, v34;
	v3 =	vmul.f32 v43, v55;
	v55 =	vld [tilespmem:$0x1FEA0]  }
0x2db: {  	v49 =	vadd.f32 v32, v36;
	v4 =	vadd.f32 v50, v4;
	v45 =	vld [tilespmem:s11+$0x86A0];
	v11 =	vmul.f32 v11, v57  }
0x2dc: {  	v50 =	vld [tilespmem:s11+$0x86F0];
	v1 =	vadd.f32 v12, v1;
	v12 =	vmul.f32 v38, v56;
	v9 =	vmul.f32 v9, v57  }
0x2dd: {  	v32 =	vmul.f32 v41, v10;
	v41 =	vld [tilespmem:s11+$0x8600];
	v0 =	vadd.f32 v47, v0;
	v2 =	vadd.f32 v11, v2  }
0x2de: {  	v51 =	vld [tilespmem:s11+$0x8EC0];
	v56 =	vadd.f32 v12, v49;
	v6 =	vadd.f32 v9, v46  }
0x2df: {  	v35 =	vld [tilespmem:s11+$0x8ED0];
	v3 =	vadd.f32 v3, v48;
	v5 =	vadd.f32 v55, v5  }
0x2e0: {  	v10 =	vld [tilespmem:s11+$0x8610];
	v0 =	vadd.f32 v4, v0;
	v1 =	vadd.f32 v2, v1  }
0x2e1: {  	v33 =	vld [tilespmem:s11+$0x8EE0];
	v3 =	vadd.f32 v56, v3;
	v57 =	vadd.f32 v6, v5  }
0x2e2: {  	v11 =	vld [tilespmem:s7+$0x610];
	v0 =	vadd.f32 v0, v1  }
0x2e3: {  	v4 =	vld [tilespmem:s11+$0x8E40];
	v3 =	vadd.f32 v3, v57  }
0x2e4: {  	v2 =	vld [tilespmem:s11+$0x8E90];
	(xrf2) =	vadd.scan.msk.f32 $0xffff, v0  }
0x2e5: {  	v49 =	vld [tilespmem:s11+$0x86E0];
	(xrf2) =	vadd.scan.msk.f32 $0xffff, v3  }
0x2e6: {  	v37 =	vmul.f32 v37, v59;
	v59 =	vld [tilespmem:s11+$0x8A80]  }
0x2e7: {  	v40 =	vmul.f32 v51, v58;
	v51 =	vld [tilespmem:s11+$0x8620]  }
0x2e8: {  	v1 =	vld [tilespmem:s11+$0x8EB0]  }
0x2e9: {  	v34 =	vld [tilespmem:s7+$0x620]  }
0x2ea: {  	v36 =	vmul.f32 v11, v53;
	v11 =	vld [tilespmem:s11+$0x8630]  }
0x2eb: {  	v38 =	vmul.f32 v33, v62;
	v62 =	vmul.f32 v63, v14;
	v63 =	vld [tilespmem:s11+$0x8650]  }
0x2ec: {  	v53 =	vld [tilespmem:s11+$0x8A00]  }
0x2ed: {  	v0 =	vld [tilespmem:s11+$0x8E50]  }
0x2ee: {  	v9 =	vld [tilespmem:s7+$0x630];
	v56, _, _ =	vpop (xrf2)  }
0x2ef: {  	v55 =	vld [tilespmem:s11+$0x86C0];
	v57, _, _ =	vpop (xrf2)  }
0x2f0: {  	v46 =	vld [tilespmem:s11+$0x86B0];
	(v2sf) =	vpush v57, $0xF  }
0x2f1: {  	v48 =	vld [tilespmem:s11+$0x86D0]  }
0x2f2: {  	v33 =	vmul.f32 v34, v54;
	v54 =	vld [tilespmem:s11+$0x8A10]  }
0x2f3: {  	v44 =	vmul.f32 v44, v15;
	v45 =	vmul.f32 v45, v16;
	v5 =	vld [tilespmem:s11+$0x8EA0];
	(v2sf) =	vpush v56, $0xF  }
0x2f4: {  	v34 =	vmul.f32 v9, v61;
	v9 =	vld [tilespmem:s11+$0x8640];
	v47 =	vmul.f32 v55, v18  }
0x2f5: {  	v50 =	vmul.f32 v50, v21;
	v41 =	vmul.f32 v41, v14;
	v61 =	vld [tilespmem:s11+$0x8A90]  }
0x2f6: {  	v39 =	vmul.f32 v35, v60;
	v35 =	vmul.f32 v42, v52;
	v42 =	vadd.f32 v47, v62;
	v62 =	vld [tilespmem:s11+$0x8AA0]  }
0x2f7: {  	v10 =	vmul.f32 v10, v15;
	v48 =	vmul.f32 v48, v19;
	v57 =	vld [tilespmem:s11+$0x8670]  }
0x2f8: {  	p1 =	sgt.f32 s19, s31;
	v49 =	vmul.f32 v49, v20;
	v51 =	vmul.f32 v51, v16;
	v56 =	vld [tilespmem:s11+$0x8660]  }
0x2f9: {  	p2 =	slt.f32 s19, s30;
	v43 =	vmul.f32 v63, v19;
	v48 =	vadd.f32 v48, v44;
	v44 =	vmul.f32 v2, v31;
	v3 =	vld [tilespmem:s11+$0x8AC0]  }
0x2fa: {  	s31 =	smov.u32 @p1 s19;
	v9 =	vmul.f32 v9, v18;
	v2 =	vmul.f32 v61, v23;
	v61 =	vld [tilespmem:s11+$0x8A30]  }
0x2fb: {  	s30 =	smov.u32 @p2 s19;
	p4 =	sgt.f32 s6, s31;
	v49 =	vadd.f32 v49, v45;
	v11 =	vmul.f32 v11, v17;
	v63 =	vmul.f32 v59, v22;
	v6 =	vld [tilespmem:s11+$0x8AD0]  }
0x2fc: {  	p3 =	slt.f32 s6, s30;
	v46 =	vmul.f32 v46, v17;
	v9 =	vadd.f32 v9, v41;
	v41 =	vld [tilespmem:s11+$0x8AB0];
	v47 =	vmul.f32 v57, v21  }
0x2fd: {  	s31 =	smov.u32 @p4 s6;
	s1 =	sadd.s32 $0x2, s13;
	v10 =	vadd.f32 v43, v10;
	v57 =	vmul.f32 v62, v24;
	v62 =	vld [tilespmem:$0x1FFC0];
	v52 =	vmul.f32 v56, v20  }
0x2fe: {  	s30 =	smov.u32 @p3 s6;
	s6 =	simm.s32 $0x1;
	s2 =	sadd.s32 $0xFFFFFFFF, s1;
	v12 =	vld [tilespmem:s11+$0x8AF0];
	v43 =	vmul.f32 v8, v30;
	v45 =	vmul.f32 v5, v13;
	v11 =	vadd.f32 v47, v11  }
0x2ff: {  	s18 =	smov.u32 @p1 s2;
	s0 =	smov.u32 @p2 s2;
	v55 =	vld [tilespmem:s11+$0x8A20];
	v47 =	vmul.f32 v3, v26;
	v3 =	vmul.f32 v61, v25;
	v59 =	vadd.f32 v52, v51;
	s2 =	spop (v2sf)  }
0x300: {  	s19 =	sand.u32 $0x3, s6;
	v5 =	vld [tilespmem:s11+$0x8A50];
	v51 =	vadd.f32 v63, v42;
	v63 =	vmul.f32 v53, v22;
	v42 =	vmul.f32 v0, v60;
	p1 =	sgt.f32 s2, s31;
	p2 =	slt.f32 s2, s30  }
0x301: {  	s13 =	smov.u32 s15;
	s18 =	smov.u32 @p4 s1;
	s0 =	smov.u32 @p3 s1;
	v52 =	vadd.f32 v2, v48;
	v2 =	vld [tilespmem:s11+$0x8A40];
	v0 =	vmul.f32 v54, v23;
	v48 =	vmul.f32 v6, v27  }
0x302: {  	v50 =	vadd.f32 v50, v46;
	v56 =	vld [tilespmem:s11+$0x8A60];
	v46 =	vmul.f32 v1, v62;
	v1 =	vmul.f32 v41, v25;
	s1 =	spop (v2sf);
	s31 =	smov.u32 @p1 s2;
	s30 =	smov.u32 @p2 s2  }
0x303: {  	v61 =	vld [tilespmem:s11+$0x8E20];
	v53 =	vadd.f32 v57, v49;
	v49 =	vmul.f32 v12, v29;
	v41 =	vmul.f32 v4, v58;
	s2 =	sadd.s32 $0xFFFFFFFF, s15;
	p3 =	sgt.f32 s1, s31;
	p4 =	slt.f32 s1, s30  }
0x304: {  	s12 =	sor.u32 $0x40, s28;
	v57 =	vld [tilespmem:s11+$0x8A70];
	v58 =	vadd.f32 v63, v9;
	v54 =	vadd.f32 v1, v50;
	v1 =	vmul.f32 v55, v24;
	s18 =	smov.u32 @p1 s2;
	s0 =	smov.u32 @p2 s2  }
0x305: {  	v60 =	vadd.f32 v0, v10;
	v63 =	vadd.f32 v3, v11;
	v55 =	vld [tilespmem:s11+$0x8E00];
	v50 =	vmul.f32 v7, v28;
	s31 =	smov.u32 @p3 s1;
	s30 =	smov.u32 @p4 s1;
	s18 =	smov.u32 @p3 s15  }
0x306: {  	v0 =	vmul.f32 v2, v26;
	v62 =	vadd.f32 v1, v59;
	v59 =	vld [tilespmem:s11+$0x8E10];
	v1 =	vmul.f32 v5, v27;
	s0 =	smov.u32 @p4 s15;
	s1 =	sshll.u32 s19, $0x8;
	s19 =	simm.s32 $0x800  }
.LBB2_7:
0x307: {  	v3 =	vld [tilespmem:s11+$0x8E30]  }
0x308: {  	v7 =	vld [tilespmem:s11+$0x8E60]  }
0x309: {  	v11 =	vld [tilespmem:s11+$0x8E70]  }
0x30a: {  	s1 =	sadd.s32 s8, s1;
	v13 =	vld [tilespmem:$0x1FF00]  }
0x30b: {  	s1 =	sadd.s32 $0x80, s1;
	v1 =	vadd.f32 v1, v60;
	v60 =	vld [tilespmem:$0x1FFB0]  }
0x30c: {  	v8 =	vadd.f32 v50, v53;
	v50 =	vld [tilespmem:$0x1FF90];
	s1 =	sor.u32 $0x8C00, s1  }
0x30d: {  	v4 =	vadd.f32 v47, v51;
	v47 =	vld [tilespmem:s1+$0x600]  }
0x30e: {  	v53 =	vld [tilespmem:s1+$0x610]  }
0x30f: {  	v9 =	vadd.f32 v49, v54;
	v54 =	vld [tilespmem:s1+$0x620]  }
0x310: {  	v0 =	vadd.f32 v0, v58;
	v58 =	vld [tilespmem:s1+$0x650]  }
0x311: {  	v9 =	vadd.f32 v46, v9;
	v46 =	vld [tilespmem:$0x1FF80]  }
0x312: {  	v5 =	vadd.f32 v48, v52;
	v48 =	vld [tilespmem:s1+$0x660]  }
0x313: {  	v8 =	vadd.f32 v45, v8;
	v45 =	vld [tilespmem:$0x1FF70]  }
0x314: {  	v51 =	vld [tilespmem:s1+$0x670]  }
0x315: {  	v4 =	vadd.f32 v43, v4;
	v43 =	vld [tilespmem:$0x1FF60]  }
0x316: {  	v10 =	vmul.f32 v55, v30;
	v55 =	vld [tilespmem:s1+$0x630]  }
0x317: {  	v2 =	vmul.f32 v56, v28;
	v12 =	vmul.f32 v59, v31;
	v59 =	vld [tilespmem:$0x1FFA0]  }
0x318: {  	v6 =	vmul.f32 v57, v29;
	v57 =	vld [tilespmem:s1+$0x640]  }
0x319: {  	v2 =	vadd.f32 v2, v62;
	v62 =	vld [tilespmem:$0x1FFD0];
	v1 =	vadd.f32 v12, v1  }
0x31a: {  	v5 =	vadd.f32 v44, v5;
	v49 =	vmul.f32 v54, v45;
	v54 =	vld [tilespmem:s7+$0x660]  }
0x31b: {  	s10 =	sadd.s32 $0x100, s10;
	v4 =	vadd.f32 v40, v4;
	v12 =	vmul.f32 v47, v50;
	v1 =	vadd.f32 v42, v1;
	v42 =	vld [tilespmem:$0x1FF50]  }
0x31c: {  	s2 =	sand.u32 $0x3000, s19;
	s11 =	sand.u32 $0x300, s10;
	v6 =	vadd.f32 v6, v63;
	v63 =	vmul.f32 v53, v46;
	v53 =	vmul.f32 v55, v43;
	v55 =	vld [tilespmem:$0x1FF40]  }
0x31d: {  	s11 =	sor.u32 s11, s2;
	v5 =	vadd.f32 v39, v5;
	v4 =	vadd.f32 v12, v4;
	v12 =	vld [tilespmem:s7+$0x670]  }
0x31e: {  	v1 =	vadd.f32 v36, v1;
	v36 =	vld [tilespmem:s11+$0x8EC0]  }
0x31f: {  	v8 =	vadd.f32 v38, v8;
	v5 =	vadd.f32 v63, v5;
	v63 =	vld [tilespmem:$0x1FF10]  }
0x320: {  	v52 =	vmul.f32 v61, v62;
	v61 =	vld [tilespmem:$0x1FFC0]  }
0x321: {  	v8 =	vadd.f32 v49, v8;
	v49 =	vld [tilespmem:s11+$0x8AE0]  }
0x322: {  	s1 =	sor.u32 s10, s19;
	v0 =	vadd.f32 v10, v0;
	v2 =	vadd.f32 v52, v2;
	v52 =	vld [tilespmem:s7+$0x650]  }
0x323: {  	v9 =	vadd.f32 v37, v9;
	v7 =	vmul.f32 v7, v60;
	s7 =	sor.u32 $0x8C00, s1;
	v10 =	vmul.f32 v54, v13;
	v54 =	vld [tilespmem:s11+$0x8AA0]  }
0x324: {  	v0 =	vadd.f32 v41, v0;
	v56 =	vmul.f32 v11, v59;
	v11 =	vmul.f32 v57, v42;
	v57 =	vld [tilespmem:s7+$0x640]  }
0x325: {  	v2 =	vadd.f32 v7, v2;
	v7 =	vadd.f32 v53, v9;
	v9 =	vld [tilespmem:s11+$0x8EE0];
	v3 =	vmul.f32 v3, v61  }
0x326: {  	v0 =	vadd.f32 v35, v0;
	v4 =	vadd.f32 v11, v4;
	v11 =	vld [tilespmem:s11+$0x8EF0]  }
0x327: {  	v41 =	vmul.f32 v12, v63;
	v12 =	vld [tilespmem:s7+$0x600];
	v3 =	vadd.f32 v3, v6  }
0x328: {  	v0 =	vadd.f32 v32, v0;
	v39 =	vmul.f32 v51, v63;
	v51 =	vld [tilespmem:s11+$0x8AF0]  }
0x329: {  	v53 =	vld [tilespmem:s11+$0x8A90];
	v2 =	vadd.f32 v33, v2;
	v3 =	vadd.f32 v56, v3  }
0x32a: {  	v63 =	vld [tilespmem:$0x1FF30];
	v7 =	vadd.f32 v39, v7;
	v56 =	vmul.f32 v58, v55;
	v58 =	vmul.f32 v48, v13  }
0x32b: {  	v6 =	vmul.f32 v52, v55;
	v52 =	vld [tilespmem:s11+$0x8A80];
	v2 =	vadd.f32 v10, v2;
	v3 =	vadd.f32 v34, v3  }
0x32c: {  	v10 =	vld [tilespmem:s11+$0x8AC0];
	v5 =	vadd.f32 v56, v5;
	v8 =	vadd.f32 v58, v8  }
0x32d: {  	v32 =	vmul.f32 v57, v42;
	v57 =	vld [tilespmem:s11+$0x8690];
	v1 =	vadd.f32 v6, v1;
	v3 =	vadd.f32 v41, v3  }
0x32e: {  	v6 =	vld [tilespmem:s7+$0x620];
	v4 =	vadd.f32 v5, v4;
	v44 =	vadd.f32 v7, v8  }
0x32f: {  	v55 =	vld [tilespmem:s11+$0x8AB0];
	v0 =	vadd.f32 v1, v0;
	v1 =	vadd.f32 v3, v2  }
0x330: {  	v13 =	vld [tilespmem:$0x1FF20];
	v4 =	vadd.f32 v44, v4  }
0x331: {  	v37 =	vmul.f32 v11, v59;
	v59 =	vld [tilespmem:s11+$0x86B0];
	v0 =	vadd.f32 v1, v0  }
0x332: {  	v38 =	vmul.f32 v9, v60;
	v60 =	vld [tilespmem:s11+$0x8620];
	(xrf2) =	vadd.scan.msk.f32 $0xffff, v4  }
0x333: {  	v34 =	vld [tilespmem:s11+$0x8ED0];
	(xrf2) =	vadd.scan.msk.f32 $0xffff, v0  }
0x334: {  	v56 =	vld [tilespmem:s11+$0x8680]  }
0x335: {  	v58 =	vld [tilespmem:s11+$0x86A0]  }
0x336: {  	v7 =	vld [tilespmem:s7+$0x610]  }
0x337: {  	v5 =	vld [tilespmem:s7+$0x630]  }
0x338: {  	v8 =	vld [tilespmem:s11+$0x8E50]  }
0x339: {  	v9 =	vmul.f32 v53, v23;
	v53 =	vmul.f32 v57, v15;
	v57 =	vld [tilespmem:s11+$0x8670]  }
0x33a: {  	v2 =	vld [tilespmem:s11+$0x8E80]  }
0x33b: {  	v3 =	vld [tilespmem:s11+$0x8E90]  }
0x33c: {  	v1 =	vld [tilespmem:s11+$0x8EA0];
	v33, _, _ =	vpop (xrf2)  }
0x33d: {  	v4 =	vld [tilespmem:s11+$0x8EB0];
	v47, _, _ =	vpop (xrf2)  }
0x33e: {  	v39 =	vmul.f32 v34, v63;
	v34 =	vmul.f32 v5, v43;
	v5 =	vld [tilespmem:s11+$0x86C0];
	(v2sf) =	vpush v47, $0xF  }
0x33f: {  	v40 =	vmul.f32 v36, v13;
	v42 =	vmul.f32 v8, v63;
	v63 =	vld [tilespmem:s11+$0x8650]  }
0x340: {  	v8 =	vmul.f32 v52, v22;
	v52 =	vmul.f32 v56, v14;
	v56 =	vld [tilespmem:s11+$0x8660];
	(v2sf) =	vpush v33, $0xF  }
0x341: {  	v36 =	vmul.f32 v7, v46;
	v7 =	vmul.f32 v59, v17;
	v59 =	vld [tilespmem:s11+$0x8A10]  }
0x342: {  	v35 =	vmul.f32 v12, v50;
	v50 =	vmul.f32 v49, v28;
	v0 =	vld [tilespmem:s11+$0x8E40]  }
0x343: {  	v49 =	vmul.f32 v51, v29;
	v43 =	vmul.f32 v2, v30;
	v2 =	vld [tilespmem:s11+$0x86E0]  }
0x344: {  	v11 =	vmul.f32 v54, v24;
	v44 =	vmul.f32 v3, v31;
	v3 =	vld [tilespmem:s11+$0x8610]  }
0x345: {  	v12 =	vmul.f32 v55, v25;
	v46 =	vmul.f32 v4, v61;
	v61 =	vld [tilespmem:s11+$0x8630]  }
0x346: {  	v55 =	vmul.f32 v58, v16;
	v4 =	vmul.f32 v60, v16;
	v60 =	vld [tilespmem:s11+$0x8A20]  }
0x347: {  	v57 =	vmul.f32 v57, v21;
	v41 =	vmul.f32 v0, v13;
	v0 =	vld [tilespmem:s11+$0x86F0]  }
0x348: {  	v5 =	vmul.f32 v5, v18;
	v33 =	vmul.f32 v6, v45;
	v6 =	vld [tilespmem:s11+$0x86D0]  }
0x349: {  	v54 =	vmul.f32 v63, v19;
	v45 =	vmul.f32 v1, v62;
	v1 =	vld [tilespmem:s11+$0x8600]  }
0x34a: {  	v56 =	vmul.f32 v56, v20;
	v3 =	vmul.f32 v3, v15;
	v62 =	vld [tilespmem:s11+$0x8640]  }
0x34b: {  	v48 =	vld [tilespmem:s11+$0x8AD0];
	v59 =	vmul.f32 v59, v23;
	v2 =	vmul.f32 v2, v20;
	v5 =	vadd.f32 v5, v52  }
0x34c: {  	v58 =	vld [tilespmem:s11+$0x8A00];
	v4 =	vadd.f32 v56, v4;
	v3 =	vadd.f32 v54, v3;
	v0 =	vmul.f32 v0, v21  }
0x34d: {  	p1 =	sne.s32 s19, $0x3C00;
	v2 =	vadd.f32 v2, v55;
	v47 =	vmul.f32 v10, v26;
	v10 =	vmul.f32 v61, v17;
	v61 =	vld [tilespmem:s11+$0x8A30];
	s1 =	spop (v2sf)  }
0x34e: {  	s8 =	smov.u32 s19;
	v13 =	vld [tilespmem:s11+$0x8A50];
	v63 =	vmul.f32 v60, v24;
	v60 =	vadd.f32 v59, v3;
	v6 =	vmul.f32 v6, v19;
	p2 =	sgt.f32 s1, s31;
	p3 =	slt.f32 s1, s30  }
0x34f: {  	s13 =	sadd.s32 $0x2, s13;
	s6 =	sadd.s32 $0x1, s6;
	v0 =	vadd.f32 v0, v7;
	v1 =	vmul.f32 v1, v14;
	v51 =	vmul.f32 v62, v18;
	v62 =	vld [tilespmem:s11+$0x8A40];
	s2 =	spop (v2sf)  }
.Ltmp4:
0x350: {  	v48 =	vmul.f32 v48, v27;
	v56 =	vld [tilespmem:s11+$0x8A60];
	v10 =	vadd.f32 v57, v10;
	v6 =	vadd.f32 v6, v53;
	s31 =	smov.u32 @p2 s1;
	s30 =	smov.u32 @p3 s1;
	(pc) =	sbr.rel @p1 .LBB2_7-.Ltmp4, $4  }
0x351: {  	v55 =	vld [tilespmem:s11+$0x8E00];
	v7 =	vmul.f32 v58, v22;
	v54 =	vadd.f32 v12, v0;
	v1 =	vadd.f32 v51, v1;
	s1 =	sadd.s32 $0xFFFFFFFF, s13;
	p4 =	sgt.f32 s2, s31;
	p5 =	slt.f32 s2, s30  }
0x352: {  	s19 =	sadd.s32 $0x400, s19;
	v59 =	vld [tilespmem:s11+$0x8E10];
	v51 =	vadd.f32 v8, v5;
	v52 =	vadd.f32 v9, v6;
	v9 =	vmul.f32 v61, v25;
	s18 =	smov.u32 @p2 s1;
	s0 =	smov.u32 @p3 s1  }
0x353: {  	v57 =	vld [tilespmem:s11+$0x8A70];
	v53 =	vadd.f32 v11, v2;
	v58 =	vadd.f32 v7, v1;
	v1 =	vmul.f32 v13, v27;
	s31 =	smov.u32 @p4 s2;
	s30 =	smov.u32 @p5 s2;
	s2 =	sand.u32 $0x3, s6  }
0x354: {  	v61 =	vld [tilespmem:s11+$0x8E20];
	v0 =	vmul.f32 v62, v26;
	v62 =	vadd.f32 v63, v4;
	v63 =	vadd.f32 v9, v10;
	s18 =	smov.u32 @p4 s13;
	s0 =	smov.u32 @p5 s13;
	s1 =	sshll.u32 s2, $0x8  }
0x355: {  	v2 =	vld [tilespmem:s11+$0x8E30]  }
0x356: {  	v6 =	vld [tilespmem:s11+$0x8E60]  }
0x357: {  	v10 =	vld [tilespmem:s11+$0x8E70]  }
0x358: {  	v9 =	vadd.f32 v49, v54;
	v54 =	vld [tilespmem:$0x1FFD0]  }
0x359: {  	v4 =	vmul.f32 v56, v28;
	v7 =	vadd.f32 v50, v53;
	v50 =	vld [tilespmem:$0x1FF80]  }
0x35a: {  	v56 =	vld [tilespmem:$0x1FF40]  }
0x35b: {  	s1 =	sadd.s32 s8, s1;
	v3 =	vadd.f32 v47, v51;
	v4 =	vadd.f32 v4, v62;
	v62 =	vld [tilespmem:$0x1FFC0]  }
0x35c: {  	s1 =	sadd.s32 $0x80, s1;
	v13 =	vmul.f32 v59, v31;
	v59 =	vld [tilespmem:$0x1FF90]  }
0x35d: {  	s1 =	sor.u32 $0x8C00, s1;
	v3 =	vadd.f32 v43, v3;
	v43 =	vld [tilespmem:s7+$0x660]  }
0x35e: {  	v12 =	vld [tilespmem:s1+$0x600]  }
0x35f: {  	v53 =	vld [tilespmem:s1+$0x610]  }
0x360: {  	v11 =	vmul.f32 v55, v30;
	v55 =	vld [tilespmem:s1+$0x620]  }
0x361: {  	v9 =	vadd.f32 v46, v9;
	v46 =	vld [tilespmem:s1+$0x630]  }
0x362: {  	v5 =	vadd.f32 v48, v52;
	v48 =	vld [tilespmem:s1+$0x650]  }
0x363: {  	v1 =	vadd.f32 v1, v60;
	v49 =	vld [tilespmem:s1+$0x660]  }
0x364: {  	v0 =	vadd.f32 v0, v58;
	v5 =	vadd.f32 v44, v5;
	v8 =	vmul.f32 v57, v29;
	v57 =	vld [tilespmem:$0x1FF50]  }
0x365: {  	v7 =	vadd.f32 v45, v7;
	v1 =	vadd.f32 v13, v1;
	v13 =	vld [tilespmem:s1+$0x640]  }
0x366: {  	v0 =	vadd.f32 v11, v0;
	v3 =	vadd.f32 v40, v3;
	v47 =	vmul.f32 v61, v54;
	v61 =	vld [tilespmem:$0x1FF70]  }
0x367: {  	v5 =	vadd.f32 v39, v5;
	v8 =	vadd.f32 v8, v63;
	v63 =	vld [tilespmem:$0x1FFB0]  }
0x368: {  	v7 =	vadd.f32 v38, v7;
	v0 =	vadd.f32 v41, v0;
	v41 =	vld [tilespmem:s7+$0x650]  }
0x369: {  	v9 =	vadd.f32 v37, v9;
	v54 =	vld [tilespmem:$0x1FF00];
	v1 =	vadd.f32 v42, v1  }
0x36a: {  	v2 =	vmul.f32 v2, v62;
	v4 =	vadd.f32 v47, v4;
	v47 =	vld [tilespmem:$0x1FFA0];
	v12 =	vmul.f32 v12, v59  }
0x36b: {  	v0 =	vadd.f32 v35, v0;
	v37 =	vmul.f32 v53, v50;
	v40 =	vmul.f32 v55, v61;
	v61 =	vld [tilespmem:$0x1FF60]  }
0x36c: {  	v51 =	vld [tilespmem:s1+$0x670];
	v44 =	vmul.f32 v48, v56;
	v1 =	vadd.f32 v36, v1;
	v2 =	vadd.f32 v2, v8  }
0x36d: {  	v0 =	vadd.f32 v32, v0;
	v6 =	vmul.f32 v6, v63;
	v3 =	vadd.f32 v12, v3;
	v55 =	vld [tilespmem:$0x1FF10]  }
0x36e: {  	v5 =	vadd.f32 v37, v5;
	v12 =	vmul.f32 v13, v57;
	v13 =	vld [tilespmem:s7+$0x670];
	v45 =	vmul.f32 v49, v54  }
0x36f: {  	v8 =	vmul.f32 v10, v47;
	v4 =	vadd.f32 v6, v4;
	v7 =	vadd.f32 v40, v7  }
0x370: {  	v6 =	vmul.f32 v41, v56;
	v3 =	vadd.f32 v12, v3;
	v42 =	vmul.f32 v46, v61  }
0x371: {  	v5 =	vadd.f32 v44, v5;
	v47 =	vmul.f32 v43, v54;
	v2 =	vadd.f32 v8, v2  }
0x372: {  	v4 =	vadd.f32 v33, v4;
	v46 =	vmul.f32 v51, v55;
	v8 =	vadd.f32 v42, v9  }
0x373: {  	v7 =	vadd.f32 v45, v7;
	v48 =	vmul.f32 v13, v55;
	v2 =	vadd.f32 v34, v2  }
0x374: {  	v1 =	vadd.f32 v6, v1;
	v8 =	vadd.f32 v46, v8  }
0x375: {  	v4 =	vadd.f32 v47, v4;
	v2 =	vadd.f32 v48, v2  }
0x376: {  	v3 =	vadd.f32 v5, v3;
	v49 =	vadd.f32 v8, v7  }
0x377: {  	v0 =	vadd.f32 v1, v0;
	v1 =	vadd.f32 v2, v4  }
0x378: {  	v2 =	vadd.f32 v49, v3  }
0x379: {  	v0 =	vadd.f32 v1, v0  }
0x37a: {  	(xrf2) =	vadd.scan.msk.f32 $0xffff, v2  }
0x37b: {  	(xrf2) =	vadd.scan.msk.f32 $0xffff, v0;
	_ =	sdelay $0x8  }
0x37c: {  	v0, _, _ =	vpop (xrf2)  }
0x37d: {  	v1, _, _ =	vpop (xrf2)  }
0x37e: {  	(v2sf) =	vpush v1, $0xF  }
0x37f: {  	(v2sf) =	vpush v0, $0xF;
	_ =	sdelay $0xa  }
0x380: {  	s1 =	sshll.u32 @!p0 s12, $0x6  }
0x381: {  	s2 =	simm.s32 @!p0 $0x0;
	s1 =	sadd.s32 @!p0 s1, s9;
	s7 =	simm.s32 @!p0 $0x8600  }
0x382: {  	[tilespmem:s7], [sflag:$0x3] =	stream.linear.gather @!p0 [hbm4b:s1+s2], $0x4000, $0x38;
	[tilespmem:$0x10700] =	vst v63  }
0x383: {  	s19 =	spop (v2sf)  }
0x384: {  	s6 =	spop (v2sf)  }
0x385: {  	s10 =	simm.s32 $0x0;
	_ =	swait.ge [sflag:s25], $0x4000  }
0x386: {  	s8 =	sand.u32 $0x3000, s10;
	s7 =	sor.u32 s10, s10;
	[sflag:s25] =	ssyncset.done $0x0  }
0x387: {  	s11 =	sand.u32 $0x300, s10;
	s7 =	sor.u32 $0xCC00, s7;
	[sflag:s25] =	ssyncadd.s32 $0xFFFFC000  }
0x388: {  	s8 =	sor.u32 s11, s8;
	v0 =	vld [tilespmem:s7+$0x640]  }
0x389: {  	v1 =	vld [tilespmem:s8+$0xCEC0]  }
0x38a: {  	v2 =	vld [tilespmem:s8+$0xCED0]  }
0x38b: {  	v3 =	vld [tilespmem:s8+$0xCEE0]  }
0x38c: {  	v4 =	vld [tilespmem:s8+$0xCEF0]  }
0x38d: {  	v5 =	vld [tilespmem:s7+$0x600]  }
0x38e: {  	v60 =	vld [tilespmem:s7+$0x610]  }
0x38f: {  	v9 =	vld [tilespmem:s7+$0x620]  }
0x390: {  	v10 =	vld [tilespmem:s7+$0x630]  }
0x391: {  	v11 =	vld [tilespmem:s8+$0xCE80]  }
0x392: {  	v12 =	vld [tilespmem:s8+$0xCE90]  }
0x393: {  	v13 =	vld [tilespmem:s8+$0xCEA0]  }
0x394: {  	v33 =	vld [tilespmem:s8+$0xCEB0]  }
0x395: {  	v50 =	vld [tilespmem:s8+$0xCE40]  }
0x396: {  	v51 =	vld [tilespmem:s8+$0xCE50]  }
0x397: {  	v34 =	vld [tilespmem:s8+$0xCAC0]  }
0x398: {  	v35 =	vld [tilespmem:s8+$0xCAD0]  }
0x399: {  	v36 =	vld [tilespmem:s8+$0xCAE0]  }
0x39a: {  	v37 =	vld [tilespmem:s8+$0xCAF0]  }
0x39b: {  	v32 =	vld [tilespmem:s8+$0xC680]  }
0x39c: {  	v38 =	vld [tilespmem:s8+$0xC690]  }
0x39d: {  	v52 =	vld [tilespmem:s8+$0xC6A0]  }
0x39e: {  	v53 =	vld [tilespmem:s8+$0xC6B0]  }
0x39f: {  	v8 =	vld [tilespmem:s8+$0xC6C0]  }
0x3a0: {  	v58 =	vld [tilespmem:s8+$0xC6D0]  }
0x3a1: {  	v43 =	vld [tilespmem:s8+$0xC6E0]  }
0x3a2: {  	v6 =	vld [tilespmem:s8+$0xC6F0]  }
0x3a3: {  	v45 =	vld [tilespmem:s8+$0xC600]  }
0x3a4: {  	v7 =	vld [tilespmem:s8+$0xC610]  }
0x3a5: {  	v47 =	vld [tilespmem:s8+$0xC620]  }
0x3a6: {  	v48 =	vld [tilespmem:s8+$0xC630]  }
0x3a7: {  	v49 =	vld [tilespmem:s8+$0xC640]  }
0x3a8: {  	[tilespmem:$0x1FE20] =	vst v50;
	v50 =	vld [tilespmem:s8+$0xC650]  }
0x3a9: {  	[tilespmem:$0x1FE30] =	vst v51;
	v51 =	vld [tilespmem:s8+$0xC660]  }
0x3aa: {  	v41 =	vmul.f32 v8, v18;
	v8 =	vld [tilespmem:s8+$0xC670]  }
0x3ab: {  	v42 =	vmul.f32 v58, v19;
	v58 =	vld [tilespmem:s8+$0xCA80]  }
0x3ac: {  	v44 =	vmul.f32 v6, v21;
	v6 =	vld [tilespmem:s8+$0xCA90]  }
0x3ad: {  	v39 =	vmul.f32 v52, v16;
	v46 =	vmul.f32 v7, v15;
	v7 =	vld [tilespmem:s8+$0xCAA0]  }
0x3ae: {  	v43 =	vmul.f32 v43, v20;
	v0 =	vmul.f32 v0, v57;
	v57 =	vld [tilespmem:$0x1FF20]  }
0x3af: {  	v40 =	vmul.f32 v53, v17;
	v53 =	vld [tilespmem:$0x1FE30]  }
0x3b0: {  	v32 =	vmul.f32 v32, v14;
	v39 =	vadd.f32 v43, v39;
	v43 =	vld [tilespmem:s8+$0xCAB0]  }
0x3b1: {  	v45 =	vmul.f32 v45, v14;
	v49 =	vmul.f32 v49, v18;
	v40 =	vadd.f32 v44, v40;
	v44 =	vld [tilespmem:s8+$0xCA00]  }
0x3b2: {  	v47 =	vmul.f32 v47, v16;
	v48 =	vmul.f32 v48, v17;
	v41 =	vadd.f32 v41, v32;
	v32 =	vld [tilespmem:s8+$0xCA30]  }
0x3b3: {  	v45 =	vadd.f32 v49, v45;
	v49 =	vld [tilespmem:s8+$0xCA40];
	v50 =	vmul.f32 v50, v19;
	v51 =	vmul.f32 v51, v20  }
0x3b4: {  	v52 =	vmul.f32 v8, v21;
	v8 =	vmul.f32 v58, v22;
	v58 =	vld [tilespmem:$0x1FF30]  }
0x3b5: {  	v38 =	vmul.f32 v38, v15;
	[tilespmem:$0x1FE50] =	vst v0;
	v0 =	vmul.f32 v7, v24;
	v46 =	vadd.f32 v50, v46;
	v50 =	vld [tilespmem:s8+$0xCA10]  }
0x3b6: {  	v47 =	vadd.f32 v51, v47;
	v51 =	vmul.f32 v6, v23;
	v48 =	vadd.f32 v52, v48;
	v52 =	vld [tilespmem:s8+$0xCA20]  }
0x3b7: {  	v43 =	vmul.f32 v43, v25;
	v44 =	vmul.f32 v44, v22;
	v0 =	vadd.f32 v0, v39;
	v39 =	vld [tilespmem:s8+$0xCA50]  }
0x3b8: {  	v6 =	vmul.f32 v3, v63;
	v3 =	vmul.f32 v5, v59;
	v5 =	vld [tilespmem:$0x1FF80]  }
0x3b9: {  	v40 =	vadd.f32 v43, v40;
	v43 =	vld [tilespmem:s8+$0xCA60]  }
0x3ba: {  	v38 =	vadd.f32 v42, v38;
	v42 =	vmul.f32 v32, v25;
	v44 =	vadd.f32 v44, v45;
	v45 =	vld [tilespmem:s8+$0xCA70]  }
0x3bb: {  	v34 =	vmul.f32 v34, v26;
	v41 =	vadd.f32 v8, v41;
	[tilespmem:$0x1FE40] =	vst v3;
	v3 =	vld [tilespmem:$0x1FF70]  }
0x3bc: {  	s12 =	sand.u32 $0x3, s10;
	v36 =	vmul.f32 v36, v28;
	v42 =	vadd.f32 v42, v48;
	v48 =	vld [tilespmem:s8+$0xCE20]  }
0x3bd: {  	s1 =	sshll.u32 s12, $0x8;
	v34 =	vadd.f32 v34, v41;
	v41 =	vld [tilespmem:s8+$0xCE30]  }
0x3be: {  	s1 =	sadd.s32 $0x0, s1;
	v35 =	vmul.f32 v35, v27;
	v38 =	vadd.f32 v51, v38;
	v0 =	vadd.f32 v36, v0;
	v36 =	vld [tilespmem:s8+$0xCE70]  }
0x3bf: {  	s1 =	sadd.s32 $0x80, s1;
	v37 =	vmul.f32 v37, v29;
	v7 =	vmul.f32 v2, v58;
	v2 =	vld [tilespmem:$0x1FFA0]  }
0x3c0: {  	s1 =	sor.u32 $0xCC00, s1;
	v49 =	vmul.f32 v49, v26;
	v35 =	vadd.f32 v35, v38;
	v38 =	vld [tilespmem:s8+$0xCE60]  }
0x3c1: {  	v32 =	vmul.f32 v10, v61;
	v37 =	vadd.f32 v37, v40;
	v40 =	vld [tilespmem:s1+$0x600]  }
0x3c2: {  	v10 =	vmul.f32 v12, v31;
	v12 =	vmul.f32 v33, v62;
	v44 =	vadd.f32 v49, v44;
	v49 =	vld [tilespmem:s1+$0x610]  }
0x3c3: {  	v50 =	vmul.f32 v50, v23;
	v51 =	vmul.f32 v52, v24;
	v52 =	vld [tilespmem:$0x1FFD0]  }
0x3c4: {  	v12 =	vadd.f32 v12, v37;
	v37 =	vld [tilespmem:s7+$0x670]  }
0x3c5: {  	v8 =	vmul.f32 v1, v57;
	v33 =	vmul.f32 v53, v58;
	v46 =	vadd.f32 v50, v46;
	v50 =	vld [tilespmem:s8+$0xCE00]  }
0x3c6: {  	v1 =	vmovc v63;
	v63 =	vmul.f32 v60, v5;
	v39 =	vmul.f32 v39, v27;
	v47 =	vadd.f32 v51, v47;
	v51 =	vld [tilespmem:s8+$0xCE10]  }
0x3c7: {  	v43 =	vmul.f32 v43, v28;
	v53 =	vmul.f32 v41, v62;
	v41 =	vld [tilespmem:s1+$0x660]  }
0x3c8: {  	v60 =	vmul.f32 v9, v3;
	v9 =	vmul.f32 v11, v30;
	v39 =	vadd.f32 v39, v46;
	v46 =	vld [tilespmem:s1+$0x620]  }
0x3c9: {  	s10 =	simm.s32 $0x100;
	v10 =	vadd.f32 v10, v35;
	s8 =	simm.s32 $0x400;
	v43 =	vadd.f32 v43, v47;
	v47 =	vld [tilespmem:s1+$0x630]  }
0x3ca: {  	s12 =	sand.u32 $0x300, s10;
	v45 =	vmul.f32 v45, v29;
	v4 =	vmul.f32 v4, v2;
	s11 =	sand.u32 $0x3000, s8;
	v9 =	vadd.f32 v9, v34;
	v34 =	vld [tilespmem:s1+$0x640]  }
0x3cb: {  	v36 =	vmul.f32 v36, v2;
	s11 =	sor.u32 s12, s11;
	v11 =	vmul.f32 v13, v52;
	v13 =	vld [tilespmem:$0x1FE20]  }
0x3cc: {  	v42 =	vadd.f32 v45, v42;
	v48 =	vmul.f32 v48, v52;
	v52 =	vmovc v2;
	v2 =	vadd.f32 v7, v10;
	v10 =	vld [tilespmem:s11+$0xCEC0]  }
0x3cd: {  	v62 =	vmov v1;
	v38 =	vmul.f32 v38, v1;
	v1 =	vadd.f32 v8, v9;
	v9 =	vld [tilespmem:s7+$0x650]  }
0x3ce: {  	v35 =	vadd.f32 v53, v42;
	v42 =	vld [tilespmem:s7+$0x660]  }
0x3cf: {  	v8 =	vld [tilespmem:s11+$0xCE80]  }
0x3d0: {  	v50 =	vmul.f32 v50, v30;
	v0 =	vadd.f32 v11, v0;
	v11 =	vld [tilespmem:s1+$0x650]  }
0x3d1: {  	s2 =	sor.u32 s10, s8;
	v45 =	vmul.f32 v51, v31;
	v35 =	vadd.f32 v36, v35;
	v36 =	vld [tilespmem:s11+$0xCEF0]  }
0x3d2: {  	s7 =	sor.u32 $0xCC00, s2;
	v50 =	vadd.f32 v50, v44;
	v44 =	vld [tilespmem:s1+$0x670]  }
0x3d3: {  	v43 =	vadd.f32 v48, v43;
	v39 =	vadd.f32 v45, v39;
	v45 =	vmul.f32 v40, v59;
	v40 =	vld [tilespmem:s7+$0x640]  }
0x3d4: {  	v4 =	vadd.f32 v4, v12;
	v51 =	vmovc v3;
	v0 =	vadd.f32 v6, v0;
	v7 =	vmul.f32 v46, v3;
	v3 =	vld [tilespmem:$0x1FE40]  }
0x3d5: {  	v38 =	vadd.f32 v38, v43;
	v43 =	vmul.f32 v47, v61;
	v46 =	vmul.f32 v41, v54;
	v41 =	vld [tilespmem:s7+$0x600]  }
0x3d6: {  	v13 =	vmul.f32 v13, v57;
	v0 =	vadd.f32 v7, v0;
	v7 =	vld [tilespmem:s11+$0xCAE0]  }
0x3d7: {  	v33 =	vadd.f32 v33, v39;
	v4 =	vadd.f32 v43, v4;
	v43 =	vld [tilespmem:s11+$0xC690]  }
0x3d8: {  	v13 =	vadd.f32 v13, v50;
	v50 =	vld [tilespmem:$0x1FF50]  }
0x3d9: {  	v12 =	vmul.f32 v49, v5;
	v1 =	vadd.f32 v45, v1;
	v45 =	vadd.f32 v63, v33;
	v33 =	vld [tilespmem:s7+$0x620]  }
0x3da: {  	v0 =	vadd.f32 v46, v0;
	v46 =	vld [tilespmem:s11+$0xC6C0]  }
0x3db: {  	v53 =	vmov v59;
	v2 =	vadd.f32 v12, v2;
	v63 =	vld [tilespmem:s11+$0xC6D0]  }
0x3dc: {  	v59 =	vmovc v5;
	v11 =	vmul.f32 v11, v56;
	v5 =	vadd.f32 v3, v13;
	v3 =	vmul.f32 v42, v54;
	v54 =	vld [tilespmem:$0x1FE50]  }
0x3dd: {  	v48 =	vadd.f32 v32, v35;
	v9 =	vmul.f32 v9, v56;
	v13 =	vld [tilespmem:s11+$0xCEE0];
	v12 =	vmul.f32 v34, v50  }
0x3de: {  	v47 =	vadd.f32 v60, v38;
	v49 =	vmul.f32 v44, v55;
	v2 =	vadd.f32 v11, v2;
	v11 =	vld [tilespmem:s7+$0x610]  }
0x3df: {  	v42 =	vld [tilespmem:s11+$0xC680];
	v6 =	vadd.f32 v9, v45;
	v1 =	vadd.f32 v12, v1;
	v12 =	vmul.f32 v37, v55  }
0x3e0: {  	v44 =	vld [tilespmem:s11+$0xC6A0];
	v4 =	vadd.f32 v49, v4;
	v3 =	vadd.f32 v3, v47  }
0x3e1: {  	v9 =	vld [tilespmem:s7+$0x630];
	v5 =	vadd.f32 v54, v5;
	v55 =	vadd.f32 v12, v48  }
0x3e2: {  	v45 =	vld [tilespmem:s11+$0xC6B0];
	v0 =	vadd.f32 v4, v0;
	v1 =	vadd.f32 v2, v1  }
0x3e3: {  	v49 =	vld [tilespmem:s11+$0xCA90];
	v56 =	vadd.f32 v6, v5;
	v3 =	vadd.f32 v55, v3  }
0x3e4: {  	v34 =	vld [tilespmem:s11+$0xCED0];
	v0 =	vadd.f32 v0, v1  }
0x3e5: {  	v32 =	vmul.f32 v40, v50;
	v50 =	vld [tilespmem:s11+$0xC600];
	v3 =	vadd.f32 v3, v56  }
0x3e6: {  	v40 =	vmul.f32 v10, v57;
	v10 =	vld [tilespmem:s11+$0xC610];
	(xrf2) =	vadd.scan.msk.f32 $0xffff, v0  }
0x3e7: {  	v4 =	vld [tilespmem:s11+$0xCE40];
	(xrf2) =	vadd.scan.msk.f32 $0xffff, v3  }
0x3e8: {  	v47 =	vmul.f32 v63, v19;
	v63 =	vld [tilespmem:s11+$0xCA80]  }
0x3e9: {  	v38 =	vmul.f32 v13, v62;
	v13 =	vld [tilespmem:s11+$0xC620]  }
0x3ea: {  	v37 =	vmul.f32 v36, v52;
	v36 =	vmul.f32 v11, v59;
	v11 =	vld [tilespmem:s11+$0xC630]  }
0x3eb: {  	v62 =	vld [tilespmem:s11+$0xC670]  }
0x3ec: {  	v2 =	vld [tilespmem:s11+$0xCE90]  }
0x3ed: {  	v5 =	vld [tilespmem:s11+$0xCEA0]  }
0x3ee: {  	v12 =	vld [tilespmem:s11+$0xCAF0]  }
0x3ef: {  	v39 =	vmul.f32 v34, v58;
	v34 =	vmul.f32 v9, v61;
	v9 =	vld [tilespmem:s11+$0xC640]  }
0x3f0: {  	v61 =	vld [tilespmem:s11+$0xC660];
	v60, _, _ =	vpop (xrf2)  }
0x3f1: {  	v35 =	vmul.f32 v41, v53;
	v1 =	vld [tilespmem:s11+$0xCEB0];
	v54, _, _ =	vpop (xrf2)  }
0x3f2: {  	v43 =	vmul.f32 v43, v15;
	v33 =	vmul.f32 v33, v51;
	v55 =	vld [tilespmem:s11+$0xC6E0];
	(v2sf) =	vpush v54, $0xF  }
0x3f3: {  	v11 =	vmul.f32 v11, v17;
	v62 =	vmul.f32 v62, v21;
	v0 =	vld [tilespmem:s11+$0xCE50]  }
0x3f4: {  	v46 =	vmul.f32 v46, v18;
	v44 =	vmul.f32 v44, v16;
	v56 =	vld [tilespmem:s11+$0xC6F0]  }
0x3f5: {  	v59 =	vmul.f32 v50, v14;
	v11 =	vadd.f32 v62, v11;
	v62 =	vld [tilespmem:$0x1FFC0];
	(v2sf) =	vpush v60, $0xF  }
0x3f6: {  	v9 =	vmul.f32 v9, v18;
	v60 =	vmul.f32 v42, v14;
	v42 =	vld [tilespmem:s11+$0xC650]  }
0x3f7: {  	v47 =	vadd.f32 v47, v43;
	v43 =	vmul.f32 v8, v30;
	v13 =	vmul.f32 v13, v16;
	v3 =	vld [tilespmem:s11+$0xCAC0]  }
0x3f8: {  	v61 =	vmul.f32 v61, v20;
	v48 =	vmul.f32 v55, v20;
	v9 =	vadd.f32 v9, v59;
	v59 =	vld [tilespmem:$0x1FFD0]  }
0x3f9: {  	v10 =	vmul.f32 v10, v15;
	v63 =	vmul.f32 v63, v22;
	v54 =	vld [tilespmem:s11+$0xCAB0]  }
0x3fa: {  	v13 =	vadd.f32 v61, v13;
	v61 =	vld [tilespmem:s11+$0xCA30];
	v48 =	vadd.f32 v48, v44;
	v44 =	vmul.f32 v2, v31  }
0x3fb: {  	p1 =	sgt.f32 s19, s31;
	p2 =	slt.f32 s19, s30;
	v2 =	vmul.f32 v49, v23;
	v49 =	vld [tilespmem:s11+$0xCA20];
	v42 =	vmul.f32 v42, v19  }
0x3fc: {  	v55 =	vmul.f32 v45, v17;
	v56 =	vmul.f32 v56, v21;
	v41 =	vadd.f32 v46, v60;
	v60 =	vld [tilespmem:s11+$0xCAA0]  }
0x3fd: {  	s31 =	smov.u32 @p1 s19;
	s30 =	smov.u32 @p2 s19;
	v52 =	vadd.f32 v2, v47;
	v47 =	vmul.f32 v3, v26;
	v10 =	vadd.f32 v42, v10;
	v42 =	vld [tilespmem:s11+$0xCA00]  }
0x3fe: {  	p4 =	sgt.f32 s6, s31;
	p3 =	slt.f32 s6, s30;
	v50 =	vadd.f32 v56, v55;
	v55 =	vld [tilespmem:s11+$0xCA10];
	v46 =	vmul.f32 v1, v62;
	v1 =	vmul.f32 v54, v25  }
0x3ff: {  	s19 =	simm.s32 $0x800;
	s1 =	sadd.s32 $0x2, s13;
	v45 =	vmul.f32 v5, v59;
	v5 =	vld [tilespmem:s11+$0xCA50];
	v3 =	vmul.f32 v61, v25;
	v51 =	vadd.f32 v63, v41  }
0x400: {  	s31 =	smov.u32 @p4 s6;
	s30 =	smov.u32 @p3 s6;
	s2 =	sadd.s32 $0xFFFFFFFF, s1;
	v6 =	vld [tilespmem:s11+$0xCAD0];
	v41 =	vmul.f32 v4, v57;
	v54 =	vadd.f32 v1, v50;
	v1 =	vmul.f32 v49, v24  }
0x401: {  	s18 =	smov.u32 @p1 s2;
	s0 =	smov.u32 @p2 s2;
	v2 =	vld [tilespmem:s11+$0xCA40];
	v50 =	vmul.f32 v7, v28;
	v49 =	vmul.f32 v12, v29;
	s2 =	spop (v2sf)  }
0x402: {  	s6 =	simm.s32 $0x1;
	v60 =	vmul.f32 v60, v24;
	v63 =	vmul.f32 v42, v22;
	p1 =	sgt.f32 s2, s31;
	p2 =	slt.f32 s2, s30  }
0x403: {  	s12 =	smov.u32 s16;
	s18 =	smov.u32 @p4 s1;
	s0 =	smov.u32 @p3 s1;
	v42 =	vmul.f32 v0, v58;
	v0 =	vmul.f32 v55, v23  }
0x404: {  	v56 =	vld [tilespmem:s11+$0xCA60];
	v29 =	vmovc v28;
	v62 =	vadd.f32 v1, v13;
	v1 =	vmul.f32 v5, v27;
	v53 =	vadd.f32 v60, v48;
	s1 =	spop (v2sf);
	s31 =	smov.u32 @p1 s2;
	s30 =	smov.u32 @p2 s2  }
0x405: {  	v59 =	vld [tilespmem:s11+$0xCE10];
	v28 =	vmovc v27;
	v48 =	vmul.f32 v6, v27;
	v58 =	vadd.f32 v63, v9;
	v60 =	vadd.f32 v0, v10;
	s2 =	sadd.s32 $0xFFFFFFFF, s16;
	p3 =	sgt.f32 s1, s31;
	p4 =	slt.f32 s1, s30  }
0x406: {  	s13 =	sor.u32 $0x60, s28;
	s28 =	sand.u32 $0x3, s6;
	v61 =	vld [tilespmem:s11+$0xCE20];
	v27 =	vmovc v26;
	v0 =	vmul.f32 v2, v26;
	v63 =	vadd.f32 v3, v11;
	v26 =	vmovc v25;
	v25 =	vmov v24;
	s18 =	smov.u32 @p1 s2  }
0x407: {  	v57 =	vld [tilespmem:s11+$0xCA70];
	v24 =	vmovc v23;
	v23 =	vmovc v22;
	v22 =	vmov v21;
	v21 =	vmov v20;
	v20 =	vmov v19;
	s0 =	smov.u32 @p2 s2;
	s31 =	smov.u32 @p3 s1;
	s30 =	smov.u32 @p4 s1  }
0x408: {  	v55 =	vld [tilespmem:s11+$0xCE00];
	v19 =	vmovc v18;
	v18 =	vmovc v17;
	v17 =	vmov v16;
	v16 =	vmov v15;
	v15 =	vmov v14;
	s18 =	smov.u32 @p3 s16;
	s0 =	smov.u32 @p4 s16;
	s1 =	sshll.u32 s28, $0x8  }
.LBB2_9:
0x409: {  	v3 =	vld [tilespmem:s11+$0xCE30]  }
0x40a: {  	v31 =	vld [tilespmem:$0x1FFE0]  }
0x40b: {  	v7 =	vld [tilespmem:s11+$0xCE60]  }
0x40c: {  	v11 =	vld [tilespmem:s11+$0xCE70]  }
0x40d: {  	v14 =	vld [tilespmem:$0x1FF00]  }
0x40e: {  	v1 =	vadd.f32 v1, v60;
	v60 =	vld [tilespmem:$0x1FFD0]  }
0x40f: {  	s1 =	sadd.s32 s8, s1;
	v8 =	vadd.f32 v50, v53;
	v50 =	vld [tilespmem:$0x1FFB0]  }
0x410: {  	v4 =	vadd.f32 v47, v51;
	s1 =	sadd.s32 $0x80, s1;
	v47 =	vld [tilespmem:$0x1FFA0]  }
0x411: {  	v53 =	vld [tilespmem:s7+$0x650];
	s1 =	sor.u32 $0xCC00, s1  }
0x412: {  	v9 =	vadd.f32 v49, v54;
	v13 =	vld [tilespmem:s1+$0x600]  }
0x413: {  	v0 =	vadd.f32 v0, v58;
	v58 =	vld [tilespmem:s1+$0x630]  }
0x414: {  	v9 =	vadd.f32 v46, v9;
	v46 =	vld [tilespmem:$0x1FF90]  }
0x415: {  	v8 =	vadd.f32 v45, v8;
	v45 =	vld [tilespmem:$0x1FF80]  }
0x416: {  	v49 =	vld [tilespmem:s1+$0x660]  }
0x417: {  	v4 =	vadd.f32 v43, v4;
	v43 =	vld [tilespmem:$0x1FF70];
	v2 =	vmul.f32 v56, v29  }
0x418: {  	v10 =	vmul.f32 v55, v30;
	v55 =	vld [tilespmem:s1+$0x610]  }
0x419: {  	v2 =	vadd.f32 v2, v62;
	v62 =	vld [tilespmem:$0x1FFF0]  }
0x41a: {  	v5 =	vadd.f32 v48, v52;
	v52 =	vld [tilespmem:s1+$0x670]  }
0x41b: {  	v56 =	vld [tilespmem:$0x1FF40];
	v6 =	vmul.f32 v57, v31  }
0x41c: {  	v57 =	vld [tilespmem:s1+$0x620]  }
0x41d: {  	v54 =	vmul.f32 v61, v60;
	v0 =	vadd.f32 v10, v0;
	v6 =	vadd.f32 v6, v63;
	v63 =	vld [tilespmem:s1+$0x640]  }
0x41e: {  	v48 =	vmul.f32 v55, v45;
	v55 =	vld [tilespmem:s7+$0x660];
	v12 =	vmul.f32 v59, v62  }
0x41f: {  	v7 =	vmul.f32 v7, v50;
	v2 =	vadd.f32 v54, v2;
	v0 =	vadd.f32 v41, v0;
	v41 =	vld [tilespmem:$0x1FF50]  }
0x420: {  	v59 =	vld [tilespmem:$0x1FFC0];
	v1 =	vadd.f32 v12, v1  }
0x421: {  	s10 =	sadd.s32 $0x100, s10;
	v4 =	vadd.f32 v40, v4;
	v2 =	vadd.f32 v7, v2;
	v12 =	vmul.f32 v13, v46;
	v13 =	vld [tilespmem:s1+$0x650]  }
0x422: {  	s2 =	sand.u32 $0x3000, s19;
	s11 =	sor.u32 s10, s19;
	s28 =	sand.u32 $0x300, s10;
	v5 =	vadd.f32 v44, v5;
	v1 =	vadd.f32 v42, v1;
	v42 =	vld [tilespmem:$0x1FF60]  }
0x423: {  	v2 =	vadd.f32 v33, v2;
	v10 =	vmul.f32 v55, v14;
	v4 =	vadd.f32 v12, v4;
	v12 =	vld [tilespmem:s7+$0x670];
	s7 =	sor.u32 $0xCC00, s11;
	s11 =	sor.u32 s28, s2  }
0x424: {  	v5 =	vadd.f32 v39, v5;
	v8 =	vadd.f32 v38, v8;
	v38 =	vld [tilespmem:s11+$0xCED0]  }
0x425: {  	v51 =	vmul.f32 v57, v43;
	v3 =	vmul.f32 v3, v59;
	v2 =	vadd.f32 v10, v2;
	v10 =	vld [tilespmem:s11+$0xCAC0]  }
0x426: {  	v5 =	vadd.f32 v48, v5;
	v48 =	vld [tilespmem:s11+$0xCAD0]  }
0x427: {  	v61 =	vmul.f32 v11, v47;
	v8 =	vadd.f32 v51, v8;
	v51 =	vld [tilespmem:s11+$0xCAF0];
	v3 =	vadd.f32 v3, v6  }
0x428: {  	v55 =	vld [tilespmem:s11+$0xCAB0]  }
0x429: {  	v11 =	vmul.f32 v63, v41;
	v3 =	vadd.f32 v61, v3;
	v61 =	vld [tilespmem:$0x1FF10]  }
0x42a: {  	v1 =	vadd.f32 v36, v1;
	v36 =	vld [tilespmem:s11+$0xCEC0]  }
0x42b: {  	v4 =	vadd.f32 v11, v4;
	v11 =	vld [tilespmem:s11+$0xCEF0];
	v57 =	vmul.f32 v13, v56  }
0x42c: {  	v9 =	vadd.f32 v37, v9;
	v13 =	vld [tilespmem:s7+$0x640];
	v6 =	vmul.f32 v53, v56;
	v54 =	vmul.f32 v58, v42  }
0x42d: {  	v0 =	vadd.f32 v35, v0;
	v53 =	vld [tilespmem:s11+$0xCA90];
	v58 =	vmul.f32 v49, v14  }
0x42e: {  	v56 =	vld [tilespmem:s11+$0xC690];
	v1 =	vadd.f32 v6, v1;
	v7 =	vadd.f32 v54, v9;
	v63 =	vmul.f32 v52, v61  }
0x42f: {  	v6 =	vld [tilespmem:s7+$0x620];
	v3 =	vadd.f32 v34, v3;
	v8 =	vadd.f32 v58, v8;
	v58 =	vmul.f32 v12, v61  }
0x430: {  	v5 =	vadd.f32 v57, v5;
	v49 =	vld [tilespmem:s11+$0xCAE0];
	v7 =	vadd.f32 v63, v7  }
0x431: {  	v0 =	vadd.f32 v32, v0;
	v14 =	vld [tilespmem:$0x1FF20];
	v3 =	vadd.f32 v58, v3  }
0x432: {  	v57 =	vld [tilespmem:s11+$0xC6A0];
	v4 =	vadd.f32 v5, v4;
	v61 =	vadd.f32 v7, v8  }
0x433: {  	v9 =	vld [tilespmem:s11+$0xCEE0];
	v0 =	vadd.f32 v1, v0;
	v1 =	vadd.f32 v3, v2  }
0x434: {  	v5 =	vld [tilespmem:s7+$0x630];
	v4 =	vadd.f32 v61, v4  }
0x435: {  	v54 =	vld [tilespmem:s11+$0xCAA0];
	v0 =	vadd.f32 v1, v0  }
0x436: {  	v32 =	vmul.f32 v13, v41;
	v13 =	vld [tilespmem:s11+$0xC680];
	(xrf2) =	vadd.scan.msk.f32 $0xffff, v4  }
0x437: {  	v12 =	vld [tilespmem:s7+$0x600];
	(xrf2) =	vadd.scan.msk.f32 $0xffff, v0  }
0x438: {  	v52 =	vld [tilespmem:s11+$0xCA80]  }
0x439: {  	v33 =	vmul.f32 v6, v43;
	v6 =	vld [tilespmem:s11+$0xC6D0]  }
0x43a: {  	v63 =	vld [tilespmem:s7+$0x610]  }
0x43b: {  	v37 =	vmul.f32 v11, v47;
	v34 =	vmul.f32 v5, v42;
	v5 =	vld [tilespmem:s11+$0xC6C0]  }
0x43c: {  	v11 =	vmul.f32 v54, v25;
	v54 =	vmul.f32 v57, v17;
	v57 =	vld [tilespmem:s11+$0xCA00]  }
0x43d: {  	v2 =	vld [tilespmem:s11+$0xCE80]  }
0x43e: {  	v3 =	vld [tilespmem:s11+$0xCE90]  }
0x43f: {  	v8 =	vld [tilespmem:s11+$0xCE50]  }
0x440: {  	v1 =	vld [tilespmem:s11+$0xCEA0];
	v44, _, _ =	vpop (xrf2)  }
0x441: {  	v61 =	vld [tilespmem:$0x1FF30];
	v58, _, _ =	vpop (xrf2)  }
0x442: {  	v40 =	vmul.f32 v36, v14;
	v36 =	vmul.f32 v63, v45;
	v63 =	vld [tilespmem:s11+$0xC6B0];
	(v2sf) =	vpush v58, $0xF  }
0x443: {  	v4 =	vld [tilespmem:s11+$0xCEB0]  }
0x444: {  	v48 =	vmul.f32 v48, v28;
	v47 =	vmul.f32 v10, v27;
	v0 =	vld [tilespmem:s11+$0xCE40]  }
0x445: {  	v13 =	vmul.f32 v13, v15;
	v43 =	vmul.f32 v2, v30;
	v2 =	vld [tilespmem:s11+$0xC6E0];
	(v2sf) =	vpush v44, $0xF  }
0x446: {  	v35 =	vmul.f32 v12, v46;
	v45 =	vmul.f32 v1, v60;
	v1 =	vld [tilespmem:s11+$0xC600]  }
0x447: {  	v12 =	vmul.f32 v55, v26;
	v6 =	vmul.f32 v6, v20;
	v60 =	vld [tilespmem:s11+$0xC630]  }
0x448: {  	v39 =	vmul.f32 v38, v61;
	v42 =	vmul.f32 v8, v61;
	v61 =	vld [tilespmem:s11+$0xC640]  }
0x449: {  	v8 =	vmul.f32 v52, v23;
	v52 =	vmul.f32 v56, v16;
	v56 =	vld [tilespmem:s11+$0xC670]  }
0x44a: {  	v5 =	vmul.f32 v5, v19;
	v7 =	vmul.f32 v63, v18;
	v63 =	vld [tilespmem:s11+$0xC660]  }
0x44b: {  	v38 =	vmul.f32 v9, v50;
	v46 =	vmul.f32 v4, v59;
	v4 =	vld [tilespmem:s11+$0xC620]  }
0x44c: {  	v50 =	vmul.f32 v49, v29;
	v41 =	vmul.f32 v0, v14;
	v0 =	vld [tilespmem:s11+$0xC6F0]  }
0x44d: {  	v49 =	vmul.f32 v51, v31;
	v10 =	vmul.f32 v60, v18;
	v60 =	vld [tilespmem:s11+$0xCA30]  }
0x44e: {  	v9 =	vmul.f32 v53, v24;
	v6 =	vadd.f32 v6, v52;
	v44 =	vmul.f32 v3, v62;
	v3 =	vld [tilespmem:s11+$0xC610]  }
0x44f: {  	v5 =	vadd.f32 v5, v13;
	v2 =	vmul.f32 v2, v21;
	v1 =	vmul.f32 v1, v15;
	v62 =	vld [tilespmem:s11+$0xC650]  }
0x450: {  	v59 =	vld [tilespmem:s11+$0xCA20];
	v52 =	vadd.f32 v9, v6;
	v51 =	vmul.f32 v61, v19;
	v13 =	vmul.f32 v56, v22  }
0x451: {  	p1 =	sne.s32 s19, $0x3C00;
	v2 =	vadd.f32 v2, v54;
	v55 =	vmul.f32 v63, v21;
	v0 =	vmul.f32 v0, v22;
	v58 =	vld [tilespmem:s11+$0xCA10];
	s1 =	spop (v2sf)  }
0x452: {  	s8 =	smov.u32 s19;
	s12 =	sadd.s32 $0x2, s12;
	v61 =	vld [tilespmem:s11+$0xCA40];
	v4 =	vmul.f32 v4, v17;
	v1 =	vadd.f32 v51, v1;
	v10 =	vadd.f32 v13, v10;
	p2 =	sgt.f32 s1, s31  }
0x453: {  	s6 =	sadd.s32 $0x1, s6;
	s19 =	sadd.s32 $0x400, s19;
	v14 =	vld [tilespmem:s11+$0xCA50];
	v51 =	vadd.f32 v8, v5;
	v0 =	vadd.f32 v0, v7;
	v9 =	vmul.f32 v60, v26;
	p3 =	slt.f32 s1, s30  }
.Ltmp5:
0x454: {  	v56 =	vld [tilespmem:s11+$0xCA60];
	v4 =	vadd.f32 v55, v4;
	v3 =	vmul.f32 v3, v16;
	v53 =	vmul.f32 v62, v20;
	s2 =	spop (v2sf);
	s31 =	smov.u32 @p2 s1;
	(pc) =	sbr.rel @p1 .LBB2_9-.Ltmp5, $4  }
0x455: {  	v55 =	vld [tilespmem:s11+$0xCE00];
	v7 =	vmul.f32 v57, v23;
	v54 =	vadd.f32 v12, v0;
	v63 =	vadd.f32 v9, v10;
	s30 =	smov.u32 @p3 s1;
	s1 =	sadd.s32 $0xFFFFFFFF, s12;
	p4 =	sgt.f32 s2, s31  }
0x456: {  	s28 =	sand.u32 $0x3, s6;
	v57 =	vld [tilespmem:s11+$0xCA70];
	v13 =	vmul.f32 v58, v24;
	v62 =	vmul.f32 v59, v25;
	v3 =	vadd.f32 v53, v3;
	p5 =	slt.f32 s2, s30;
	s18 =	smov.u32 @p2 s1  }
0x457: {  	v0 =	vmul.f32 v61, v27;
	v61 =	vld [tilespmem:s11+$0xCE20];
	v58 =	vadd.f32 v7, v1;
	v53 =	vadd.f32 v11, v2;
	s0 =	smov.u32 @p3 s1;
	s1 =	sshll.u32 s28, $0x8;
	s31 =	smov.u32 @p4 s2  }
0x458: {  	v1 =	vmul.f32 v14, v28;
	v59 =	vld [tilespmem:s11+$0xCE10];
	v62 =	vadd.f32 v62, v4;
	v60 =	vadd.f32 v13, v3;
	s30 =	smov.u32 @p5 s2;
	s18 =	smov.u32 @p4 s12;
	s0 =	smov.u32 @p5 s12  }
0x459: {  	v2 =	vld [tilespmem:s11+$0xCE30]  }
0x45a: {  	v3 =	vadd.f32 v47, v51;
	v47 =	vmov v29;
	v4 =	vmul.f32 v56, v29;
	v29 =	vld [tilespmem:$0x1FFD0]  }
0x45b: {  	v6 =	vld [tilespmem:s11+$0xCE60]  }
0x45c: {  	v5 =	vadd.f32 v48, v52;
	v52 =	vld [tilespmem:$0x1FFE0]  }
0x45d: {  	v10 =	vld [tilespmem:s11+$0xCE70]  }
0x45e: {  	v13 =	vld [tilespmem:$0x1FFF0]  }
0x45f: {  	v7 =	vadd.f32 v50, v53;
	v11 =	vmul.f32 v55, v30;
	v50 =	vmovc v29;
	v55 =	vmul.f32 v61, v29;
	v29 =	vld [tilespmem:$0x1FFC0]  }
0x460: {  	s1 =	sadd.s32 s8, s1;
	v0 =	vadd.f32 v0, v58;
	v58 =	vld [tilespmem:$0x1FFA0]  }
0x461: {  	v53 =	vld [tilespmem:$0x1FF60];
	s1 =	sadd.s32 $0x80, s1  }
0x462: {  	v9 =	vadd.f32 v49, v54;
	v54 =	vld [tilespmem:s7+$0x660];
	s1 =	sor.u32 $0xCC00, s1  }
0x463: {  	v12 =	vld [tilespmem:s1+$0x600]  }
0x464: {  	v7 =	vadd.f32 v45, v7;
	v45 =	vmov v29;
	v2 =	vmul.f32 v2, v29;
	v29 =	vld [tilespmem:$0x1FF90]  }
0x465: {  	v31 =	vld [tilespmem:$0x1FF40]  }
0x466: {  	v48 =	vmovc v30;
	v1 =	vadd.f32 v1, v60;
	v30 =	vld [tilespmem:$0x1FF10];
	v49 =	vmov v13;
	v13 =	vmul.f32 v59, v13  }
0x467: {  	v3 =	vadd.f32 v43, v3;
	v14 =	vld [tilespmem:s1+$0x610]  }
0x468: {  	v1 =	vadd.f32 v13, v1;
	v13 =	vld [tilespmem:$0x1FFB0]  }
0x469: {  	v3 =	vadd.f32 v40, v3;
	v40 =	vmov v29;
	v12 =	vmul.f32 v12, v29;
	v29 =	vld [tilespmem:$0x1FF80]  }
0x46a: {  	v56 =	vld [tilespmem:s1+$0x620]  }
0x46b: {  	v60 =	vld [tilespmem:s1+$0x660]  }
0x46c: {  	v4 =	vadd.f32 v4, v62;
	v5 =	vadd.f32 v44, v5;
	v8 =	vmul.f32 v57, v52;
	v57 =	vld [tilespmem:s1+$0x630]  }
0x46d: {  	v9 =	vadd.f32 v46, v9;
	v0 =	vadd.f32 v11, v0;
	v46 =	vmovc v13;
	v6 =	vmul.f32 v6, v13;
	v13 =	vld [tilespmem:s1+$0x640]  }
0x46e: {  	v5 =	vadd.f32 v39, v5;
	v7 =	vadd.f32 v38, v7;
	v51 =	vmovc v29;
	v14 =	vmul.f32 v14, v29;
	v29 =	vld [tilespmem:$0x1FF70]  }
0x46f: {  	v8 =	vadd.f32 v8, v63;
	v3 =	vadd.f32 v12, v3;
	v12 =	vld [tilespmem:$0x1FF50]  }
0x470: {  	v9 =	vadd.f32 v37, v9;
	v0 =	vadd.f32 v41, v0;
	v63 =	vld [tilespmem:s7+$0x650]  }
0x471: {  	v59 =	vld [tilespmem:s1+$0x650];
	v4 =	vadd.f32 v55, v4;
	v2 =	vadd.f32 v2, v8;
	v8 =	vmul.f32 v10, v58  }
0x472: {  	v61 =	vld [tilespmem:s1+$0x670];
	v0 =	vadd.f32 v35, v0;
	v1 =	vadd.f32 v42, v1  }
0x473: {  	v2 =	vadd.f32 v8, v2;
	v8 =	vmul.f32 v57, v53;
	v41 =	vmovc v29;
	v62 =	vmul.f32 v56, v29;
	v29 =	vld [tilespmem:$0x1FF00]  }
0x474: {  	v0 =	vadd.f32 v32, v0;
	v4 =	vadd.f32 v6, v4;
	v44 =	vmovc v12;
	v12 =	vmul.f32 v13, v12;
	v13 =	vld [tilespmem:s7+$0x670]  }
0x475: {  	v1 =	vadd.f32 v36, v1;
	v6 =	vmul.f32 v63, v31;
	v8 =	vadd.f32 v8, v9  }
0x476: {  	v55 =	vmul.f32 v59, v31;
	v4 =	vadd.f32 v33, v4;
	v2 =	vadd.f32 v34, v2  }
0x477: {  	v1 =	vadd.f32 v6, v1;
	v5 =	vadd.f32 v14, v5;
	v14 =	vmul.f32 v61, v30  }
0x478: {  	v3 =	vadd.f32 v12, v3;
	v7 =	vadd.f32 v62, v7;
	v56 =	vmul.f32 v60, v29  }
0x479: {  	v43 =	vmovc v58;
	v5 =	vadd.f32 v55, v5;
	v58 =	vmul.f32 v13, v30;
	v57 =	vmul.f32 v54, v29  }
0x47a: {  	v8 =	vadd.f32 v14, v8;
	v7 =	vadd.f32 v56, v7  }
0x47b: {  	v2 =	vadd.f32 v58, v2;
	v4 =	vadd.f32 v57, v4  }
0x47c: {  	v3 =	vadd.f32 v5, v3;
	v59 =	vadd.f32 v8, v7  }
0x47d: {  	v0 =	vadd.f32 v1, v0;
	v60 =	vadd.f32 v2, v4  }
0x47e: {  	v61 =	vadd.f32 v59, v3  }
0x47f: {  	v0 =	vadd.f32 v60, v0  }
0x480: {  	(xrf2) =	vadd.scan.msk.f32 $0xffff, v61  }
0x481: {  	(xrf2) =	vadd.scan.msk.f32 $0xffff, v0;
	_ =	sdelay $0x8  }
0x482: {  	v62, _, _ =	vpop (xrf2)  }
0x483: {  	v63, _, _ =	vpop (xrf2)  }
0x484: {  	(v2sf) =	vpush v63, $0xF;
	_ =	sdelay $0x2  }
0x485: {  	(v2sf) =	vpush v62, $0xF;
	_ =	sdelay $0xb  }
0x486: {  	s1 =	spop (v2sf)  }
0x487: {  	p1 =	sgt.f32 s1, s31  }
0x488: {  	p2 =	slt.f32 s1, s30  }
.Ltmp6:
0x489: {  	s2 =	spop (v2sf);
	s31 =	smov.u32 @p1 s1;
	(pc) =	sbr.rel @p0 .LBB2_12-.Ltmp6, $4  }
0x48a: {  	s30 =	smov.u32 @p2 s1;
	s1 =	sadd.s32 $0x2, s12;
	p3 =	sgt.f32 s2, s31  }
0x48b: {  	s6 =	sadd.s32 $0xFFFFFFFF, s1;
	p4 =	slt.f32 s2, s30  }
0x48c: {  	s18 =	smov.u32 @p1 s6;
	s0 =	smov.u32 @p2 s6;
	s31 =	smov.u32 @p3 s2  }
0x48d: {  	v42 =	vmov v53;
	s30 =	smov.u32 @p4 s2;
	s18 =	smov.u32 @p3 s1;
	s0 =	smov.u32 @p4 s1  }
0x48e: {  	v33 =	vmovc v31;
	v29 =	vmov v52;
	v14 =	vmov v15;
	v15 =	vmov v16  }
.Ltmp7:
0x48f: {  	v16 =	vmovc v17;
	v17 =	vmovc v18;
	v18 =	vmov v19;
	v19 =	vmov v20;
	v20 =	vmov v21;
	(pc) =	sbr.rel .LBB2_2-.Ltmp7, $4  }
0x490: {  	s1 =	sshll.u32 s13, $0x6;
	v21 =	vmovc v22;
	v22 =	vmovc v23;
	v23 =	vmov v24;
	v24 =	vmov v25;
	v25 =	vmov v26  }
0x491: {  	s26 =	sadd.s32 $0x1, s26;
	s20 =	sadd.s32 $0x80, s20;
	s14 =	sadd.s32 $0x80, s14;
	v26 =	vmovc v27;
	v27 =	vmovc v28;
	v28 =	vmov v47;
	v30 =	vmov v48;
	v31 =	vmov v49  }
0x492: {  	s15 =	sadd.s32 $0x80, s15;
	s16 =	sadd.s32 $0x80, s16;
	v13 =	vmovc v50;
	v12 =	vmovc v45;
	v2 =	vld [tilespmem:$0x1FF20];
	v4 =	vmov v46;
	v5 =	vmov v43;
	v6 =	vmov v40;
	s1 =	sadd.s32 s1, s9  }
0x493: {  	v3 =	vld [tilespmem:$0x1FF30];
	v7 =	vmovc v51;
	v8 =	vmovc v41;
	v9 =	vmov v42;
	v10 =	vmov v44;
	v11 =	vmov v33;
	[tilespmem:s21], [sflag:$0x4] =	stream.linear.gather [hbm4b:s1+s3], $0x4000, $0x38  }
.LBB2_13:
0x494: {  	_ =	sfence.sel $0x180000  }
0x495: {  	[bflag:$0x0] =	sbarrier.arrive $0xFFFF  }
0x496: {  	_ =	strace $0x90000047  }
0x497: {  	s0 =	stileid.u32;
	[bflag:$0x2] =	sbarrier.arrive $0xFFFF  }
0x498: {  	p0 =	sne.s32 s0, $0x0;
	s0 =	rddreg [dreg:$0x3]  }
0x499: {  	s0 =	sadd.s32 @!p0 $0x100000, s0  }
0x49a: {  	[sflag:s0] =	ssyncadd.tile.s32 @!p0 $0x1;
	_ =	shalt  }
.Lfunc_end2:
_tile_overlayer_lowered:
.L_overlay_start_2:
0x49b: {  	(tag) =	ssettag $0x2  }
0x49c: {  	s0 =	rddreg [dreg:$0x0];
	s2 =	stileid.u32  }
0x49d: {  	s1 =	rddreg [dreg:$0x1];
	p0 =	sne.s32 s2, $0x0  }
0x49e: {  	s3 =	rddreg [dreg:$0x2];
	[bflag:$0x3] =	sbarrier.arrive $0xFFFF;
	s2 =	simm.s32 @!p0 $0x1C05  }
0x49f: {  	[timem:s3], [sflag:s2] =	dma.local @!p0 [hbm:s0], s1  }
0x4a0: {  	s0 =	simm.s32 @!p0 $0x5  }
0x4a1: {  	_ =	swait.ge @!p0 [sflag:s0], s1  }
0x4a2: {  	s1 =	ssub.s32 @!p0 $0x0, s1;
	[sflag:s0] =	ssyncset.done @!p0 $0x0  }
0x4a3: {  	[sflag:s0] =	ssyncadd.s32 @!p0 s1  }
0x4a4: {  	[bflag:$0x3] =	sbarrier.arrive $0xFFFF  }
0x4a5: {  	_ =	shalt  }

</sc_bundles>
